<compile_context>
chip_gen: v7x
topology: tpu7x:2x2x1
jax: 0.10.2.dev20260603
libtpu: 0.0.44.dev20260713+nightly
codegen_flags: <defaults>
</compile_context>

<pallas_src>
import functools

import jax
import jax.numpy as jnp
from jax import lax
from jax.experimental import pallas as pl
from jax.experimental.pallas import tpu as pltpu
from jax.experimental.pallas import tpu_sc as plsc

VOCAB = 1000000
D = 64
NB = 16384
H = 50
NC, NS = 2, 16
NW = NC * NS
BPW = NB // NW
NBLK = BPW // 128
NCHUNK = NBLK * H
NSLOT = 4


def _gather_body(idx_hbm, table_hbm, out_hbm, xv, idxv, rows, tr,
                 sg0, sg1, sg2, sg3, sw0, sw1, sw2, sw3):
    wid = lax.axis_index("s") * NC + lax.axis_index("c")

    pltpu.sync_copy(idx_hbm.at[wid], xv)

    sem_g = (sg0, sg1, sg2, sg3)
    sem_w = (sw0, sw1, sw2, sw3)
    iota = lax.iota(jnp.int32, 16)

    def stage_idx(c, slot):
        bblk = c // H
        h = c % H
        base = bblk * (128 * H) + h
        for g in range(8):
            src = (iota + (g * 16)) * H + base
            idxv.at[slot][pl.ds(g * 16, 16)] = plsc.load_gather(xv, [src])

    def fire_gather(c, slot):
        pltpu.async_copy(table_hbm.at[idxv.at[slot]], rows.at[slot],
                         sem_g[slot])

    def wait_gather(slot):
        pltpu.make_async_copy(table_hbm.at[idxv.at[slot]], rows.at[slot],
                              sem_g[slot]).wait()

    dhi_c = [(iota + g * 16) // 8 for g in range(4)]
    dlo_c = [(iota + g * 16) % 8 for g in range(4)]

    def transpose(slot):
        src = rows.at[slot]
        dst = tr.at[slot]

        def ld(j):
            row = src.at[j]
            return [row[pl.ds(g * 16, 16)] for g in range(4)]

        def st(js, vals):
            for g in range(4):
                plsc.store_scatter(dst, [dhi_c[g], dlo_c[g], js], vals[g])

        @pl.loop(0, 128, step=8, init_carry=iota * 0)
        def _(j0, jvec):
            vals = ld(j0)
            for jo in range(1, 8):
                nxt = ld(j0 + jo)
                st(jvec + (jo - 1), vals)
                vals = nxt
            st(jvec + 7, vals)
            return jvec + 8

    def fire_write(c, slot):
        bblk = c // H
        h = c % H
        gbblk = wid * NBLK + bblk
        pltpu.async_copy(tr.at[slot, :, :, pl.ds(0, 128)],
                         out_hbm.at[h, :, gbblk], sem_w[slot])

    def drain_write(slot):
        pltpu.make_async_copy(tr.at[slot, :, :, pl.ds(0, 128)],
                              out_hbm.at[0, :, 0], sem_w[slot]).wait()

    for c in (0, 1, 2):
        stage_idx(c, c)
        fire_gather(c, c)

    @pl.loop(0, NCHUNK, step=NSLOT)
    def _(j):
        for s in range(NSLOT):
            c = j + s

            @pl.when(c + 3 < NCHUNK)
            def _():
                s3 = (s + 3) % NSLOT
                stage_idx(c + 3, s3)
                fire_gather(c + 3, s3)

            @pl.when(c >= NSLOT)
            def _():
                drain_write(s)

            wait_gather(s)
            transpose(s)
            fire_write(c, s)

    for s in range(NSLOT):
        drain_write(s)


@jax.jit
def _lookup(idx, table):
    mesh = plsc.VectorSubcoreMesh(core_axis_name="c", subcore_axis_name="s")
    f = functools.partial(
        pl.kernel,
        mesh=mesh,
        out_type=jax.ShapeDtypeStruct((H, 8, NB // 128, 8, 128),
                                      jnp.float32),
        scratch_types=[
            pltpu.VMEM((BPW * H,), jnp.int32),
            pltpu.VMEM((NSLOT, 128), jnp.int32),
            pltpu.VMEM((NSLOT, 128, D), jnp.float32),
            pltpu.VMEM((NSLOT, 8, 8, 133), jnp.float32),
            pltpu.SemaphoreType.DMA,
            pltpu.SemaphoreType.DMA,
            pltpu.SemaphoreType.DMA,
            pltpu.SemaphoreType.DMA,
            pltpu.SemaphoreType.DMA,
            pltpu.SemaphoreType.DMA,
            pltpu.SemaphoreType.DMA,
            pltpu.SemaphoreType.DMA,
        ],
        compiler_params=pltpu.CompilerParams(use_tc_tiling_on_sc=False,
                                             needs_layout_passes=False),
    )(_gather_body)
    return f(idx, table)


def kernel(x, embedding_table):
    idx = x.astype(jnp.int32).reshape(NW, BPW * H)
    p = _lookup(idx, embedding_table)
    return p.transpose(2, 4, 0, 1, 3).reshape(NB, H, D)

# --- scband reference (transcript-rebuilt; emitter-appended) ---
"""Pipeline reference for scband-word2vec-22239340659181 (READ-ONLY COPY).

The authoritative reference and input builder live on the scoring server;
editing this copy changes nothing except your own understanding.
"""

import jax, jax.numpy as jnp
import numpy as np

VOCAB_SIZE = 1000000
EMBED_DIM = 64
BATCH = 16384
HIST = 50

def setup_inputs(seed: int = 0) -> dict:
    key = jax.random.key(seed)
    k_idx, k_tab = jax.random.split(key)
    x = jax.random.randint(k_idx, (BATCH, HIST), 0, VOCAB_SIZE, dtype=jnp.int64 if jax.config.jax_enable_x64 else jnp.int32)
    embedding_table = jax.random.normal(k_tab, (VOCAB_SIZE, EMBED_DIM), dtype=jnp.float32)
    return {"x": x, "embedding_table": embedding_table}

def reference(x, embedding_table):
    # torch.nn.Embedding forward == row gather from the table
    return jnp.take(embedding_table, x, axis=0)

if __name__ == "__main__":
    import jax
    _d = setup_inputs()
    print(jax.jit(kernel)(*tuple(_d.values())))

</pallas_src>

<mosaic_0001>
#map = affine_map<(d0, d1) -> (0, 0)>
#map1 = affine_map<(d0, d1) -> (0, 0, 0, 0, 0)>
module attributes {stable_mosaic.version = 14 : i64} {
  func.func @_gather_body(%arg0: i32, %arg1: i32, %arg2: memref<32x25600xi32, #tpu.memory_space<hbm>>, %arg3: memref<1000000x64xf32, #tpu.memory_space<hbm>>, %arg4: memref<50x8x128x8x128xf32, #tpu.memory_space<hbm>>, %arg5: memref<25600xi32, #tpu.memory_space<vmem>>, %arg6: memref<4x128xi32, #tpu.memory_space<vmem>>, %arg7: memref<4x128x64xf32, #tpu.memory_space<vmem>>, %arg8: memref<4x8x8x133xf32, #tpu.memory_space<vmem>>, %arg9: memref<!tpu.dma_semaphore, #tpu.memory_space<semaphore_mem>>, %arg10: memref<!tpu.dma_semaphore, #tpu.memory_space<semaphore_mem>>, %arg11: memref<!tpu.dma_semaphore, #tpu.memory_space<semaphore_mem>>, %arg12: memref<!tpu.dma_semaphore, #tpu.memory_space<semaphore_mem>>, %arg13: memref<!tpu.dma_semaphore, #tpu.memory_space<semaphore_mem>>, %arg14: memref<!tpu.dma_semaphore, #tpu.memory_space<semaphore_mem>>, %arg15: memref<!tpu.dma_semaphore, #tpu.memory_space<semaphore_mem>>, %arg16: memref<!tpu.dma_semaphore, #tpu.memory_space<semaphore_mem>>) attributes {dimension_semantics = [#tpu.dimension_semantics<core_parallel>, #tpu.dimension_semantics<subcore_parallel>], iteration_bounds = array<i64: 2, 16>, scalar_prefetch = 0 : i64, scratch_operands = 12 : i64, tpu.core_type = #tpu.core_type<sc_vector_subcore>, window_params = [{transform_indices = #map}, {transform_indices = #map}, {transform_indices = #map1}]} {
    %mul3A = arith.constant 2 : i32
    %mul3A_0 = arith.muli %arg1, %mul3A : i32
    %add3A = arith.addi %mul3A_0, %arg0 : i32
    "tpu.region"() ({
      %run_scoped3A = tpu.sem_alloc : memref<!tpu.dma_semaphore, #tpu.memory_space<semaphore_mem>>
      %dma_start3A_739 = arith.constant 0 : i32
      %dma_start3A_740 = tpu.memref_slice %arg2[%add3A, %dma_start3A_739] : memref<32x25600xi32, #tpu.memory_space<hbm>> -> memref<1x25600xi32, #tpu.memory_space<hbm>>
      %dma_start3A_741 = tpu.memref_squeeze %dma_start3A_740 : memref<1x25600xi32, #tpu.memory_space<hbm>> -> memref<25600xi32, #tpu.memory_space<hbm>>
      %dma_start3A_742 = arith.constant 0 : i32
      %dma_start3A_743 = tpu.memref_slice %arg2[%add3A, %dma_start3A_742] : memref<32x25600xi32, #tpu.memory_space<hbm>> -> memref<1x25600xi32, #tpu.memory_space<hbm>>
      %dma_start3A_744 = tpu.memref_squeeze %dma_start3A_743 : memref<1x25600xi32, #tpu.memory_space<hbm>> -> memref<25600xi32, #tpu.memory_space<hbm>>
      tpu.enqueue_dma source(%dma_start3A_744 : memref<25600xi32, #tpu.memory_space<hbm>>) target(%arg5 : memref<25600xi32, #tpu.memory_space<vmem>>) target_semaphore(%run_scoped3A : memref<!tpu.dma_semaphore, #tpu.memory_space<semaphore_mem>>)
      %dma_wait3A_745 = arith.constant 0 : i32
      %dma_wait3A_746 = tpu.memref_slice %arg2[%add3A, %dma_wait3A_745] : memref<32x25600xi32, #tpu.memory_space<hbm>> -> memref<1x25600xi32, #tpu.memory_space<hbm>>
      %dma_wait3A_747 = tpu.memref_squeeze %dma_wait3A_746 : memref<1x25600xi32, #tpu.memory_space<hbm>> -> memref<25600xi32, #tpu.memory_space<hbm>>
      %dma_wait3A_748 = arith.constant 0 : i32
      %dma_wait3A_749 = tpu.memref_slice %arg2[%add3A, %dma_wait3A_748] : memref<32x25600xi32, #tpu.memory_space<hbm>> -> memref<1x25600xi32, #tpu.memory_space<hbm>>
      %dma_wait3A_750 = tpu.memref_squeeze %dma_wait3A_749 : memref<1x25600xi32, #tpu.memory_space<hbm>> -> memref<25600xi32, #tpu.memory_space<hbm>>
      tpu.wait_dma2 semaphore(%run_scoped3A : memref<!tpu.dma_semaphore, #tpu.memory_space<semaphore_mem>>) src(%dma_wait3A_750 : memref<25600xi32, #tpu.memory_space<hbm>>) dst(%arg5 : memref<25600xi32, #tpu.memory_space<vmem>>)
      tpu.yield
    }) : () -> ()
    %iota3A = tpu.iota {dimensions = array<i32: 0>} : vector<16xi32>
    %add3A_1 = arith.constant 0 : i32
    %add3A_2 = vector.broadcast %add3A_1 : i32 to vector<16xi32>
    %add3A_3 = arith.addi %iota3A, %add3A_2 : vector<16xi32>
    %jit3A = arith.constant 8 : i32
    %div3A = vector.broadcast %jit3A : i32 to vector<16xi32>
    %div3A_4 = arith.divsi %add3A_3, %div3A : vector<16xi32>
    %sign3A = arith.constant 0 : i32
    %sign3A_5 = vector.broadcast %sign3A : i32 to vector<16xi32>
    %sign3A_6 = arith.cmpi sgt, %add3A_3, %sign3A_5 : vector<16xi32>
    %sign3A_7 = arith.extui %sign3A_6 : vector<16xi1> to vector<16xi32>
    %sign3A_8 = arith.constant 0 : i32
    %sign3A_9 = vector.broadcast %sign3A_8 : i32 to vector<16xi32>
    %sign3A_10 = arith.cmpi slt, %add3A_3, %sign3A_9 : vector<16xi32>
    %sign3A_11 = arith.extui %sign3A_10 : vector<16xi1> to vector<16xi32>
    %sign3A_12 = arith.subi %sign3A_7, %sign3A_11 : vector<16xi32>
    %sign3A_13 = arith.constant 0 : i32
    %sign3A_14 = arith.cmpi sgt, %jit3A, %sign3A_13 : i32
    %sign3A_15 = arith.extui %sign3A_14 : i1 to i32
    %sign3A_16 = arith.constant 0 : i32
    %sign3A_17 = arith.cmpi slt, %jit3A, %sign3A_16 : i32
    %sign3A_18 = arith.extui %sign3A_17 : i1 to i32
    %sign3A_19 = arith.subi %sign3A_15, %sign3A_18 : i32
    %ne3A = vector.broadcast %sign3A_19 : i32 to vector<16xi32>
    %ne3A_20 = arith.cmpi ne, %sign3A_12, %ne3A : vector<16xi32>
    %rem3A = vector.broadcast %jit3A : i32 to vector<16xi32>
    %rem3A_21 = arith.remsi %add3A_3, %rem3A : vector<16xi32>
    %ne3A_22 = arith.constant 0 : i32
    %ne3A_23 = vector.broadcast %ne3A_22 : i32 to vector<16xi32>
    %ne3A_24 = arith.cmpi ne, %rem3A_21, %ne3A_23 : vector<16xi32>
    %and3A = arith.andi %ne3A_20, %ne3A_24 : vector<16xi1>
    %sub3A = arith.constant 1 : i32
    %sub3A_25 = vector.broadcast %sub3A : i32 to vector<16xi32>
    %sub3A_26 = arith.subi %div3A_4, %sub3A_25 : vector<16xi32>
    %select_n3A = arith.select %and3A, %sub3A_26, %div3A_4 : vector<16xi1>, vector<16xi32>
    %add3A_27 = arith.constant 16 : i32
    %add3A_28 = vector.broadcast %add3A_27 : i32 to vector<16xi32>
    %add3A_29 = arith.addi %iota3A, %add3A_28 : vector<16xi32>
    %jit3A_30 = arith.constant 8 : i32
    %div3A_31 = vector.broadcast %jit3A_30 : i32 to vector<16xi32>
    %div3A_32 = arith.divsi %add3A_29, %div3A_31 : vector<16xi32>
    %sign3A_33 = arith.constant 0 : i32
    %sign3A_34 = vector.broadcast %sign3A_33 : i32 to vector<16xi32>
    %sign3A_35 = arith.cmpi sgt, %add3A_29, %sign3A_34 : vector<16xi32>
    %sign3A_36 = arith.extui %sign3A_35 : vector<16xi1> to vector<16xi32>
    %sign3A_37 = arith.constant 0 : i32
    %sign3A_38 = vector.broadcast %sign3A_37 : i32 to vector<16xi32>
    %sign3A_39 = arith.cmpi slt, %add3A_29, %sign3A_38 : vector<16xi32>
    %sign3A_40 = arith.extui %sign3A_39 : vector<16xi1> to vector<16xi32>
    %sign3A_41 = arith.subi %sign3A_36, %sign3A_40 : vector<16xi32>
    %sign3A_42 = arith.constant 0 : i32
    %sign3A_43 = arith.cmpi sgt, %jit3A_30, %sign3A_42 : i32
    %sign3A_44 = arith.extui %sign3A_43 : i1 to i32
    %sign3A_45 = arith.constant 0 : i32
    %sign3A_46 = arith.cmpi slt, %jit3A_30, %sign3A_45 : i32
    %sign3A_47 = arith.extui %sign3A_46 : i1 to i32
    %sign3A_48 = arith.subi %sign3A_44, %sign3A_47 : i32
    %ne3A_49 = vector.broadcast %sign3A_48 : i32 to vector<16xi32>
    %ne3A_50 = arith.cmpi ne, %sign3A_41, %ne3A_49 : vector<16xi32>
    %rem3A_51 = vector.broadcast %jit3A_30 : i32 to vector<16xi32>
    %rem3A_52 = arith.remsi %add3A_29, %rem3A_51 : vector<16xi32>
    %ne3A_53 = arith.constant 0 : i32
    %ne3A_54 = vector.broadcast %ne3A_53 : i32 to vector<16xi32>
    %ne3A_55 = arith.cmpi ne, %rem3A_52, %ne3A_54 : vector<16xi32>
    %and3A_56 = arith.andi %ne3A_50, %ne3A_55 : vector<16xi1>
    %sub3A_57 = arith.constant 1 : i32
    %sub3A_58 = vector.broadcast %sub3A_57 : i32 to vector<16xi32>
    %sub3A_59 = arith.subi %div3A_32, %sub3A_58 : vector<16xi32>
    %select_n3A_60 = arith.select %and3A_56, %sub3A_59, %div3A_32 : vector<16xi1>, vector<16xi32>
    %add3A_61 = arith.constant 32 : i32
    %add3A_62 = vector.broadcast %add3A_61 : i32 to vector<16xi32>
    %add3A_63 = arith.addi %iota3A, %add3A_62 : vector<16xi32>
    %jit3A_64 = arith.constant 8 : i32
    %div3A_65 = vector.broadcast %jit3A_64 : i32 to vector<16xi32>
    %div3A_66 = arith.divsi %add3A_63, %div3A_65 : vector<16xi32>
    %sign3A_67 = arith.constant 0 : i32
    %sign3A_68 = vector.broadcast %sign3A_67 : i32 to vector<16xi32>
    %sign3A_69 = arith.cmpi sgt, %add3A_63, %sign3A_68 : vector<16xi32>
    %sign3A_70 = arith.extui %sign3A_69 : vector<16xi1> to vector<16xi32>
    %sign3A_71 = arith.constant 0 : i32
    %sign3A_72 = vector.broadcast %sign3A_71 : i32 to vector<16xi32>
    %sign3A_73 = arith.cmpi slt, %add3A_63, %sign3A_72 : vector<16xi32>
    %sign3A_74 = arith.extui %sign3A_73 : vector<16xi1> to vector<16xi32>
    %sign3A_75 = arith.subi %sign3A_70, %sign3A_74 : vector<16xi32>
    %sign3A_76 = arith.constant 0 : i32
    %sign3A_77 = arith.cmpi sgt, %jit3A_64, %sign3A_76 : i32
    %sign3A_78 = arith.extui %sign3A_77 : i1 to i32
    %sign3A_79 = arith.constant 0 : i32
    %sign3A_80 = arith.cmpi slt, %jit3A_64, %sign3A_79 : i32
    %sign3A_81 = arith.extui %sign3A_80 : i1 to i32
    %sign3A_82 = arith.subi %sign3A_78, %sign3A_81 : i32
    %ne3A_83 = vector.broadcast %sign3A_82 : i32 to vector<16xi32>
    %ne3A_84 = arith.cmpi ne, %sign3A_75, %ne3A_83 : vector<16xi32>
    %rem3A_85 = vector.broadcast %jit3A_64 : i32 to vector<16xi32>
    %rem3A_86 = arith.remsi %add3A_63, %rem3A_85 : vector<16xi32>
    %ne3A_87 = arith.constant 0 : i32
    %ne3A_88 = vector.broadcast %ne3A_87 : i32 to vector<16xi32>
    %ne3A_89 = arith.cmpi ne, %rem3A_86, %ne3A_88 : vector<16xi32>
    %and3A_90 = arith.andi %ne3A_84, %ne3A_89 : vector<16xi1>
    %sub3A_91 = arith.constant 1 : i32
    %sub3A_92 = vector.broadcast %sub3A_91 : i32 to vector<16xi32>
    %sub3A_93 = arith.subi %div3A_66, %sub3A_92 : vector<16xi32>
    %select_n3A_94 = arith.select %and3A_90, %sub3A_93, %div3A_66 : vector<16xi1>, vector<16xi32>
    %add3A_95 = arith.constant 48 : i32
    %add3A_96 = vector.broadcast %add3A_95 : i32 to vector<16xi32>
    %add3A_97 = arith.addi %iota3A, %add3A_96 : vector<16xi32>
    %jit3A_98 = arith.constant 8 : i32
    %div3A_99 = vector.broadcast %jit3A_98 : i32 to vector<16xi32>
    %div3A_100 = arith.divsi %add3A_97, %div3A_99 : vector<16xi32>
    %sign3A_101 = arith.constant 0 : i32
    %sign3A_102 = vector.broadcast %sign3A_101 : i32 to vector<16xi32>
    %sign3A_103 = arith.cmpi sgt, %add3A_97, %sign3A_102 : vector<16xi32>
    %sign3A_104 = arith.extui %sign3A_103 : vector<16xi1> to vector<16xi32>
    %sign3A_105 = arith.constant 0 : i32
    %sign3A_106 = vector.broadcast %sign3A_105 : i32 to vector<16xi32>
    %sign3A_107 = arith.cmpi slt, %add3A_97, %sign3A_106 : vector<16xi32>
    %sign3A_108 = arith.extui %sign3A_107 : vector<16xi1> to vector<16xi32>
    %sign3A_109 = arith.subi %sign3A_104, %sign3A_108 : vector<16xi32>
    %sign3A_110 = arith.constant 0 : i32
    %sign3A_111 = arith.cmpi sgt, %jit3A_98, %sign3A_110 : i32
    %sign3A_112 = arith.extui %sign3A_111 : i1 to i32
    %sign3A_113 = arith.constant 0 : i32
    %sign3A_114 = arith.cmpi slt, %jit3A_98, %sign3A_113 : i32
    %sign3A_115 = arith.extui %sign3A_114 : i1 to i32
    %sign3A_116 = arith.subi %sign3A_112, %sign3A_115 : i32
    %ne3A_117 = vector.broadcast %sign3A_116 : i32 to vector<16xi32>
    %ne3A_118 = arith.cmpi ne, %sign3A_109, %ne3A_117 : vector<16xi32>
    %rem3A_119 = vector.broadcast %jit3A_98 : i32 to vector<16xi32>
    %rem3A_120 = arith.remsi %add3A_97, %rem3A_119 : vector<16xi32>
    %ne3A_121 = arith.constant 0 : i32
    %ne3A_122 = vector.broadcast %ne3A_121 : i32 to vector<16xi32>
    %ne3A_123 = arith.cmpi ne, %rem3A_120, %ne3A_122 : vector<16xi32>
    %and3A_124 = arith.andi %ne3A_118, %ne3A_123 : vector<16xi1>
    %sub3A_125 = arith.constant 1 : i32
    %sub3A_126 = vector.broadcast %sub3A_125 : i32 to vector<16xi32>
    %sub3A_127 = arith.subi %div3A_100, %sub3A_126 : vector<16xi32>
    %select_n3A_128 = arith.select %and3A_124, %sub3A_127, %div3A_100 : vector<16xi1>, vector<16xi32>
    %add3A_129 = arith.constant 0 : i32
    %add3A_130 = vector.broadcast %add3A_129 : i32 to vector<16xi32>
    %add3A_131 = arith.addi %iota3A, %add3A_130 : vector<16xi32>
    %jit3A_132 = arith.constant 8 : i32
    %eq3A = arith.constant 0 : i32
    %eq3A_133 = arith.cmpi eq, %jit3A_132, %eq3A : i32
    %jit3A_134 = arith.constant 1 : i32
    %select_n3A_135 = arith.select %eq3A_133, %jit3A_134, %jit3A_132 : i32
    %rem3A_136 = vector.broadcast %select_n3A_135 : i32 to vector<16xi32>
    %rem3A_137 = arith.remsi %add3A_131, %rem3A_136 : vector<16xi32>
    %ne3A_138 = arith.constant 0 : i32
    %ne3A_139 = vector.broadcast %ne3A_138 : i32 to vector<16xi32>
    %ne3A_140 = arith.cmpi ne, %rem3A_137, %ne3A_139 : vector<16xi32>
    %lt3A = arith.constant 0 : i32
    %lt3A_141 = vector.broadcast %lt3A : i32 to vector<16xi32>
    %lt3A_142 = arith.cmpi slt, %rem3A_137, %lt3A_141 : vector<16xi32>
    %lt3A_143 = arith.constant 0 : i32
    %lt3A_144 = arith.cmpi slt, %select_n3A_135, %lt3A_143 : i32
    %ne3A_145 = vector.broadcast %lt3A_144 : i1 to vector<16xi1>
    %ne3A_146 = vector.broadcast %ne3A_145 : vector<16xi1> to vector<16xi1>
    %ne3A_147 = arith.xori %lt3A_142, %ne3A_146 : vector<16xi1>
    %and3A_148 = arith.andi %ne3A_147, %ne3A_140 : vector<16xi1>
    %add3A_149 = vector.broadcast %select_n3A_135 : i32 to vector<16xi32>
    %add3A_150 = arith.addi %rem3A_137, %add3A_149 : vector<16xi32>
    %select_n3A_151 = arith.select %and3A_148, %add3A_150, %rem3A_137 : vector<16xi1>, vector<16xi32>
    %add3A_152 = arith.constant 16 : i32
    %add3A_153 = vector.broadcast %add3A_152 : i32 to vector<16xi32>
    %add3A_154 = arith.addi %iota3A, %add3A_153 : vector<16xi32>
    %jit3A_155 = arith.constant 8 : i32
    %eq3A_156 = arith.constant 0 : i32
    %eq3A_157 = arith.cmpi eq, %jit3A_155, %eq3A_156 : i32
    %jit3A_158 = arith.constant 1 : i32
    %select_n3A_159 = arith.select %eq3A_157, %jit3A_158, %jit3A_155 : i32
    %rem3A_160 = vector.broadcast %select_n3A_159 : i32 to vector<16xi32>
    %rem3A_161 = arith.remsi %add3A_154, %rem3A_160 : vector<16xi32>
    %ne3A_162 = arith.constant 0 : i32
    %ne3A_163 = vector.broadcast %ne3A_162 : i32 to vector<16xi32>
    %ne3A_164 = arith.cmpi ne, %rem3A_161, %ne3A_163 : vector<16xi32>
    %lt3A_165 = arith.constant 0 : i32
    %lt3A_166 = vector.broadcast %lt3A_165 : i32 to vector<16xi32>
    %lt3A_167 = arith.cmpi slt, %rem3A_161, %lt3A_166 : vector<16xi32>
    %lt3A_168 = arith.constant 0 : i32
    %lt3A_169 = arith.cmpi slt, %select_n3A_159, %lt3A_168 : i32
    %ne3A_170 = vector.broadcast %lt3A_169 : i1 to vector<16xi1>
    %ne3A_171 = vector.broadcast %ne3A_170 : vector<16xi1> to vector<16xi1>
    %ne3A_172 = arith.xori %lt3A_167, %ne3A_171 : vector<16xi1>
    %and3A_173 = arith.andi %ne3A_172, %ne3A_164 : vector<16xi1>
    %add3A_174 = vector.broadcast %select_n3A_159 : i32 to vector<16xi32>
    %add3A_175 = arith.addi %rem3A_161, %add3A_174 : vector<16xi32>
    %select_n3A_176 = arith.select %and3A_173, %add3A_175, %rem3A_161 : vector<16xi1>, vector<16xi32>
    %add3A_177 = arith.constant 32 : i32
    %add3A_178 = vector.broadcast %add3A_177 : i32 to vector<16xi32>
    %add3A_179 = arith.addi %iota3A, %add3A_178 : vector<16xi32>
    %jit3A_180 = arith.constant 8 : i32
    %eq3A_181 = arith.constant 0 : i32
    %eq3A_182 = arith.cmpi eq, %jit3A_180, %eq3A_181 : i32
    %jit3A_183 = arith.constant 1 : i32
    %select_n3A_184 = arith.select %eq3A_182, %jit3A_183, %jit3A_180 : i32
    %rem3A_185 = vector.broadcast %select_n3A_184 : i32 to vector<16xi32>
    %rem3A_186 = arith.remsi %add3A_179, %rem3A_185 : vector<16xi32>
    %ne3A_187 = arith.constant 0 : i32
    %ne3A_188 = vector.broadcast %ne3A_187 : i32 to vector<16xi32>
    %ne3A_189 = arith.cmpi ne, %rem3A_186, %ne3A_188 : vector<16xi32>
    %lt3A_190 = arith.constant 0 : i32
    %lt3A_191 = vector.broadcast %lt3A_190 : i32 to vector<16xi32>
    %lt3A_192 = arith.cmpi slt, %rem3A_186, %lt3A_191 : vector<16xi32>
    %lt3A_193 = arith.constant 0 : i32
    %lt3A_194 = arith.cmpi slt, %select_n3A_184, %lt3A_193 : i32
    %ne3A_195 = vector.broadcast %lt3A_194 : i1 to vector<16xi1>
    %ne3A_196 = vector.broadcast %ne3A_195 : vector<16xi1> to vector<16xi1>
    %ne3A_197 = arith.xori %lt3A_192, %ne3A_196 : vector<16xi1>
    %and3A_198 = arith.andi %ne3A_197, %ne3A_189 : vector<16xi1>
    %add3A_199 = vector.broadcast %select_n3A_184 : i32 to vector<16xi32>
    %add3A_200 = arith.addi %rem3A_186, %add3A_199 : vector<16xi32>
    %select_n3A_201 = arith.select %and3A_198, %add3A_200, %rem3A_186 : vector<16xi1>, vector<16xi32>
    %add3A_202 = arith.constant 48 : i32
    %add3A_203 = vector.broadcast %add3A_202 : i32 to vector<16xi32>
    %add3A_204 = arith.addi %iota3A, %add3A_203 : vector<16xi32>
    %jit3A_205 = arith.constant 8 : i32
    %eq3A_206 = arith.constant 0 : i32
    %eq3A_207 = arith.cmpi eq, %jit3A_205, %eq3A_206 : i32
    %jit3A_208 = arith.constant 1 : i32
    %select_n3A_209 = arith.select %eq3A_207, %jit3A_208, %jit3A_205 : i32
    %rem3A_210 = vector.broadcast %select_n3A_209 : i32 to vector<16xi32>
    %rem3A_211 = arith.remsi %add3A_204, %rem3A_210 : vector<16xi32>
    %ne3A_212 = arith.constant 0 : i32
    %ne3A_213 = vector.broadcast %ne3A_212 : i32 to vector<16xi32>
    %ne3A_214 = arith.cmpi ne, %rem3A_211, %ne3A_213 : vector<16xi32>
    %lt3A_215 = arith.constant 0 : i32
    %lt3A_216 = vector.broadcast %lt3A_215 : i32 to vector<16xi32>
    %lt3A_217 = arith.cmpi slt, %rem3A_211, %lt3A_216 : vector<16xi32>
    %lt3A_218 = arith.constant 0 : i32
    %lt3A_219 = arith.cmpi slt, %select_n3A_209, %lt3A_218 : i32
    %ne3A_220 = vector.broadcast %lt3A_219 : i1 to vector<16xi1>
    %ne3A_221 = vector.broadcast %ne3A_220 : vector<16xi1> to vector<16xi1>
    %ne3A_222 = arith.xori %lt3A_217, %ne3A_221 : vector<16xi1>
    %and3A_223 = arith.andi %ne3A_222, %ne3A_214 : vector<16xi1>
    %add3A_224 = vector.broadcast %select_n3A_209 : i32 to vector<16xi32>
    %add3A_225 = arith.addi %rem3A_211, %add3A_224 : vector<16xi32>
    %select_n3A_226 = arith.select %and3A_223, %add3A_225, %rem3A_211 : vector<16xi1>, vector<16xi32>
    %add3A_227 = arith.constant 0 : i32
    %add3A_228 = vector.broadcast %add3A_227 : i32 to vector<16xi32>
    %add3A_229 = arith.addi %iota3A, %add3A_228 : vector<16xi32>
    %mul3A_230 = arith.constant 50 : i32
    %mul3A_231 = vector.broadcast %mul3A_230 : i32 to vector<16xi32>
    %mul3A_232 = arith.muli %add3A_229, %mul3A_231 : vector<16xi32>
    %add3A_233 = arith.constant 0 : i32
    %add3A_234 = vector.broadcast %add3A_233 : i32 to vector<16xi32>
    %add3A_235 = arith.addi %mul3A_232, %add3A_234 : vector<16xi32>
    %gather3A = tpu.vector_load_idx %arg5[%add3A_235] : memref<25600xi32, #tpu.memory_space<vmem>>[vector<16xi32>], vector<16xi32>,
    %swap3A = arith.constant 0 : i32
    %swap3A_236 = arith.constant 0 : i32
    %swap3A_237 = tpu.memref_slice %arg6[%swap3A, %swap3A_236] : memref<4x128xi32, #tpu.memory_space<vmem>> -> memref<1x128xi32, #tpu.memory_space<vmem>>
    %swap3A_238 = tpu.memref_squeeze %swap3A_237 : memref<1x128xi32, #tpu.memory_space<vmem>> -> memref<128xi32, #tpu.memory_space<vmem>>
    %swap3A_239 = arith.constant 0 : index
    %swap3A_240 = tpu.vector_load %swap3A_238[%swap3A_239] {strides = array<i32>} : memref<128xi32, #tpu.memory_space<vmem>>, vector<16xi32>,
    tpu.vector_store %swap3A_238[%swap3A_239], %gather3A {strides = array<i32>} : memref<128xi32, #tpu.memory_space<vmem>>, vector<16xi32>,
    %add3A_241 = arith.constant 16 : i32
    %add3A_242 = vector.broadcast %add3A_241 : i32 to vector<16xi32>
    %add3A_243 = arith.addi %iota3A, %add3A_242 : vector<16xi32>
    %mul3A_244 = arith.constant 50 : i32
    %mul3A_245 = vector.broadcast %mul3A_244 : i32 to vector<16xi32>
    %mul3A_246 = arith.muli %add3A_243, %mul3A_245 : vector<16xi32>
    %add3A_247 = arith.constant 0 : i32
    %add3A_248 = vector.broadcast %add3A_247 : i32 to vector<16xi32>
    %add3A_249 = arith.addi %mul3A_246, %add3A_248 : vector<16xi32>
    %gather3A_250 = tpu.vector_load_idx %arg5[%add3A_249] : memref<25600xi32, #tpu.memory_space<vmem>>[vector<16xi32>], vector<16xi32>,
    %swap3A_251 = arith.constant 0 : i32
    %swap3A_252 = arith.constant 0 : i32
    %swap3A_253 = tpu.memref_slice %arg6[%swap3A_251, %swap3A_252] : memref<4x128xi32, #tpu.memory_space<vmem>> -> memref<1x128xi32, #tpu.memory_space<vmem>>
    %swap3A_254 = tpu.memref_squeeze %swap3A_253 : memref<1x128xi32, #tpu.memory_space<vmem>> -> memref<128xi32, #tpu.memory_space<vmem>>
    %swap3A_255 = arith.constant 16 : index
    %swap3A_256 = tpu.vector_load %swap3A_254[%swap3A_255] {strides = array<i32>} : memref<128xi32, #tpu.memory_space<vmem>>, vector<16xi32>,
    tpu.vector_store %swap3A_254[%swap3A_255], %gather3A_250 {strides = array<i32>} : memref<128xi32, #tpu.memory_space<vmem>>, vector<16xi32>,
    %add3A_257 = arith.constant 32 : i32
    %add3A_258 = vector.broadcast %add3A_257 : i32 to vector<16xi32>
    %add3A_259 = arith.addi %iota3A, %add3A_258 : vector<16xi32>
    %mul3A_260 = arith.constant 50 : i32
    %mul3A_261 = vector.broadcast %mul3A_260 : i32 to vector<16xi32>
    %mul3A_262 = arith.muli %add3A_259, %mul3A_261 : vector<16xi32>
    %add3A_263 = arith.constant 0 : i32
    %add3A_264 = vector.broadcast %add3A_263 : i32 to vector<16xi32>
    %add3A_265 = arith.addi %mul3A_262, %add3A_264 : vector<16xi32>
    %gather3A_266 = tpu.vector_load_idx %arg5[%add3A_265] : memref<25600xi32, #tpu.memory_space<vmem>>[vector<16xi32>], vector<16xi32>,
    %swap3A_267 = arith.constant 0 : i32
    %swap3A_268 = arith.constant 0 : i32
    %swap3A_269 = tpu.memref_slice %arg6[%swap3A_267, %swap3A_268] : memref<4x128xi32, #tpu.memory_space<vmem>> -> memref<1x128xi32, #tpu.memory_space<vmem>>
    %swap3A_270 = tpu.memref_squeeze %swap3A_269 : memref<1x128xi32, #tpu.memory_space<vmem>> -> memref<128xi32, #tpu.memory_space<vmem>>
    %swap3A_271 = arith.constant 32 : index
    %swap3A_272 = tpu.vector_load %swap3A_270[%swap3A_271] {strides = array<i32>} : memref<128xi32, #tpu.memory_space<vmem>>, vector<16xi32>,
    tpu.vector_store %swap3A_270[%swap3A_271], %gather3A_266 {strides = array<i32>} : memref<128xi32, #tpu.memory_space<vmem>>, vector<16xi32>,
    %add3A_273 = arith.constant 48 : i32
    %add3A_274 = vector.broadcast %add3A_273 : i32 to vector<16xi32>
    %add3A_275 = arith.addi %iota3A, %add3A_274 : vector<16xi32>
    %mul3A_276 = arith.constant 50 : i32
    %mul3A_277 = vector.broadcast %mul3A_276 : i32 to vector<16xi32>
    %mul3A_278 = arith.muli %add3A_275, %mul3A_277 : vector<16xi32>
    %add3A_279 = arith.constant 0 : i32
    %add3A_280 = vector.broadcast %add3A_279 : i32 to vector<16xi32>
    %add3A_281 = arith.addi %mul3A_278, %add3A_280 : vector<16xi32>
    %gather3A_282 = tpu.vector_load_idx %arg5[%add3A_281] : memref<25600xi32, #tpu.memory_space<vmem>>[vector<16xi32>], vector<16xi32>,
    %swap3A_283 = arith.constant 0 : i32
    %swap3A_284 = arith.constant 0 : i32
    %swap3A_285 = tpu.memref_slice %arg6[%swap3A_283, %swap3A_284] : memref<4x128xi32, #tpu.memory_space<vmem>> -> memref<1x128xi32, #tpu.memory_space<vmem>>
    %swap3A_286 = tpu.memref_squeeze %swap3A_285 : memref<1x128xi32, #tpu.memory_space<vmem>> -> memref<128xi32, #tpu.memory_space<vmem>>
    %swap3A_287 = arith.constant 48 : index
    %swap3A_288 = tpu.vector_load %swap3A_286[%swap3A_287] {strides = array<i32>} : memref<128xi32, #tpu.memory_space<vmem>>, vector<16xi32>,
    tpu.vector_store %swap3A_286[%swap3A_287], %gather3A_282 {strides = array<i32>} : memref<128xi32, #tpu.memory_space<vmem>>, vector<16xi32>,
    %add3A_289 = arith.constant 64 : i32
    %add3A_290 = vector.broadcast %add3A_289 : i32 to vector<16xi32>
    %add3A_291 = arith.addi %iota3A, %add3A_290 : vector<16xi32>
    %mul3A_292 = arith.constant 50 : i32
    %mul3A_293 = vector.broadcast %mul3A_292 : i32 to vector<16xi32>
    %mul3A_294 = arith.muli %add3A_291, %mul3A_293 : vector<16xi32>
    %add3A_295 = arith.constant 0 : i32
    %add3A_296 = vector.broadcast %add3A_295 : i32 to vector<16xi32>
    %add3A_297 = arith.addi %mul3A_294, %add3A_296 : vector<16xi32>
    %gather3A_298 = tpu.vector_load_idx %arg5[%add3A_297] : memref<25600xi32, #tpu.memory_space<vmem>>[vector<16xi32>], vector<16xi32>,
    %swap3A_299 = arith.constant 0 : i32
    %swap3A_300 = arith.constant 0 : i32
    %swap3A_301 = tpu.memref_slice %arg6[%swap3A_299, %swap3A_300] : memref<4x128xi32, #tpu.memory_space<vmem>> -> memref<1x128xi32, #tpu.memory_space<vmem>>
    %swap3A_302 = tpu.memref_squeeze %swap3A_301 : memref<1x128xi32, #tpu.memory_space<vmem>> -> memref<128xi32, #tpu.memory_space<vmem>>
    %swap3A_303 = arith.constant 64 : index
    %swap3A_304 = tpu.vector_load %swap3A_302[%swap3A_303] {strides = array<i32>} : memref<128xi32, #tpu.memory_space<vmem>>, vector<16xi32>,
    tpu.vector_store %swap3A_302[%swap3A_303], %gather3A_298 {strides = array<i32>} : memref<128xi32, #tpu.memory_space<vmem>>, vector<16xi32>,
    %add3A_305 = arith.constant 80 : i32
    %add3A_306 = vector.broadcast %add3A_305 : i32 to vector<16xi32>
    %add3A_307 = arith.addi %iota3A, %add3A_306 : vector<16xi32>
    %mul3A_308 = arith.constant 50 : i32
    %mul3A_309 = vector.broadcast %mul3A_308 : i32 to vector<16xi32>
    %mul3A_310 = arith.muli %add3A_307, %mul3A_309 : vector<16xi32>
    %add3A_311 = arith.constant 0 : i32
    %add3A_312 = vector.broadcast %add3A_311 : i32 to vector<16xi32>
    %add3A_313 = arith.addi %mul3A_310, %add3A_312 : vector<16xi32>
    %gather3A_314 = tpu.vector_load_idx %arg5[%add3A_313] : memref<25600xi32, #tpu.memory_space<vmem>>[vector<16xi32>], vector<16xi32>,
    %swap3A_315 = arith.constant 0 : i32
    %swap3A_316 = arith.constant 0 : i32
    %swap3A_317 = tpu.memref_slice %arg6[%swap3A_315, %swap3A_316] : memref<4x128xi32, #tpu.memory_space<vmem>> -> memref<1x128xi32, #tpu.memory_space<vmem>>
    %swap3A_318 = tpu.memref_squeeze %swap3A_317 : memref<1x128xi32, #tpu.memory_space<vmem>> -> memref<128xi32, #tpu.memory_space<vmem>>
    %swap3A_319 = arith.constant 80 : index
    %swap3A_320 = tpu.vector_load %swap3A_318[%swap3A_319] {strides = array<i32>} : memref<128xi32, #tpu.memory_space<vmem>>, vector<16xi32>,
    tpu.vector_store %swap3A_318[%swap3A_319], %gather3A_314 {strides = array<i32>} : memref<128xi32, #tpu.memory_space<vmem>>, vector<16xi32>,
    %add3A_321 = arith.constant 96 : i32
    %add3A_322 = vector.broadcast %add3A_321 : i32 to vector<16xi32>
    %add3A_323 = arith.addi %iota3A, %add3A_322 : vector<16xi32>
    %mul3A_324 = arith.constant 50 : i32
    %mul3A_325 = vector.broadcast %mul3A_324 : i32 to vector<16xi32>
    %mul3A_326 = arith.muli %add3A_323, %mul3A_325 : vector<16xi32>
    %add3A_327 = arith.constant 0 : i32
    %add3A_328 = vector.broadcast %add3A_327 : i32 to vector<16xi32>
    %add3A_329 = arith.addi %mul3A_326, %add3A_328 : vector<16xi32>
    %gather3A_330 = tpu.vector_load_idx %arg5[%add3A_329] : memref<25600xi32, #tpu.memory_space<vmem>>[vector<16xi32>], vector<16xi32>,
    %swap3A_331 = arith.constant 0 : i32
    %swap3A_332 = arith.constant 0 : i32
    %swap3A_333 = tpu.memref_slice %arg6[%swap3A_331, %swap3A_332] : memref<4x128xi32, #tpu.memory_space<vmem>> -> memref<1x128xi32, #tpu.memory_space<vmem>>
    %swap3A_334 = tpu.memref_squeeze %swap3A_333 : memref<1x128xi32, #tpu.memory_space<vmem>> -> memref<128xi32, #tpu.memory_space<vmem>>
    %swap3A_335 = arith.constant 96 : index
    %swap3A_336 = tpu.vector_load %swap3A_334[%swap3A_335] {strides = array<i32>} : memref<128xi32, #tpu.memory_space<vmem>>, vector<16xi32>,
    tpu.vector_store %swap3A_334[%swap3A_335], %gather3A_330 {strides = array<i32>} : memref<128xi32, #tpu.memory_space<vmem>>, vector<16xi32>,
    %add3A_337 = arith.constant 112 : i32
    %add3A_338 = vector.broadcast %add3A_337 : i32 to vector<16xi32>
    %add3A_339 = arith.addi %iota3A, %add3A_338 : vector<16xi32>
    %mul3A_340 = arith.constant 50 : i32
    %mul3A_341 = vector.broadcast %mul3A_340 : i32 to vector<16xi32>
    %mul3A_342 = arith.muli %add3A_339, %mul3A_341 : vector<16xi32>
    %add3A_343 = arith.constant 0 : i32
    %add3A_344 = vector.broadcast %add3A_343 : i32 to vector<16xi32>
    %add3A_345 = arith.addi %mul3A_342, %add3A_344 : vector<16xi32>
    %gather3A_346 = tpu.vector_load_idx %arg5[%add3A_345] : memref<25600xi32, #tpu.memory_space<vmem>>[vector<16xi32>], vector<16xi32>,
    %swap3A_347 = arith.constant 0 : i32
    %swap3A_348 = arith.constant 0 : i32
    %swap3A_349 = tpu.memref_slice %arg6[%swap3A_347, %swap3A_348] : memref<4x128xi32, #tpu.memory_space<vmem>> -> memref<1x128xi32, #tpu.memory_space<vmem>>
    %swap3A_350 = tpu.memref_squeeze %swap3A_349 : memref<1x128xi32, #tpu.memory_space<vmem>> -> memref<128xi32, #tpu.memory_space<vmem>>
    %swap3A_351 = arith.constant 112 : index
    %swap3A_352 = tpu.vector_load %swap3A_350[%swap3A_351] {strides = array<i32>} : memref<128xi32, #tpu.memory_space<vmem>>, vector<16xi32>,
    tpu.vector_store %swap3A_350[%swap3A_351], %gather3A_346 {strides = array<i32>} : memref<128xi32, #tpu.memory_space<vmem>>, vector<16xi32>,
    %dma_start3A = arith.constant 0 : i32
    %dma_start3A_353 = arith.constant 0 : i32
    %dma_start3A_354 = arith.constant 0 : i32
    %dma_start3A_355 = arith.constant 0 : i32
    %dma_start3A_356 = tpu.memref_slice %arg7[%dma_start3A_353, %dma_start3A_354, %dma_start3A_355] : memref<4x128x64xf32, #tpu.memory_space<vmem>> -> memref<1x128x64xf32, #tpu.memory_space<vmem>>
    %dma_start3A_357 = tpu.memref_squeeze %dma_start3A_356 : memref<1x128x64xf32, #tpu.memory_space<vmem>> -> memref<128x64xf32, #tpu.memory_space<vmem>>
    %dma_start3A_358 = arith.constant 0 : i32
    %dma_start3A_359 = tpu.memref_slice %arg6[%dma_start3A, %dma_start3A_358] : memref<4x128xi32, #tpu.memory_space<vmem>> -> memref<1x128xi32, #tpu.memory_space<vmem>>
    %dma_start3A_360 = tpu.memref_squeeze %dma_start3A_359 : memref<1x128xi32, #tpu.memory_space<vmem>> -> memref<128xi32, #tpu.memory_space<vmem>>
    %dma_start3A_361 = arith.constant 0 : i32
    %dma_start3A_362 = arith.constant 0 : i32
    %dma_start3A_363 = tpu.memref_slice %arg3[%dma_start3A_361, %dma_start3A_362] : memref<1000000x64xf32, #tpu.memory_space<hbm>> -> memref<1000000x64xf32, #tpu.memory_space<hbm>>
    tpu.enqueue_indirect_dma source(%dma_start3A_363 : memref<1000000x64xf32, #tpu.memory_space<hbm>>) target(%dma_start3A_357 : memref<128x64xf32, #tpu.memory_space<vmem>>) offsets(%dma_start3A_360 : memref<128xi32, #tpu.memory_space<vmem>>) semaphore(%arg9 : memref<!tpu.dma_semaphore, #tpu.memory_space<semaphore_mem>>)
    %add3A_364 = arith.constant 0 : i32
    %add3A_365 = vector.broadcast %add3A_364 : i32 to vector<16xi32>
    %add3A_366 = arith.addi %iota3A, %add3A_365 : vector<16xi32>
    %mul3A_367 = arith.constant 50 : i32
    %mul3A_368 = vector.broadcast %mul3A_367 : i32 to vector<16xi32>
    %mul3A_369 = arith.muli %add3A_366, %mul3A_368 : vector<16xi32>
    %add3A_370 = arith.constant 1 : i32
    %add3A_371 = vector.broadcast %add3A_370 : i32 to vector<16xi32>
    %add3A_372 = arith.addi %mul3A_369, %add3A_371 : vector<16xi32>
    %gather3A_373 = tpu.vector_load_idx %arg5[%add3A_372] : memref<25600xi32, #tpu.memory_space<vmem>>[vector<16xi32>], vector<16xi32>,
    %swap3A_374 = arith.constant 1 : i32
    %swap3A_375 = arith.constant 0 : i32
    %swap3A_376 = tpu.memref_slice %arg6[%swap3A_374, %swap3A_375] : memref<4x128xi32, #tpu.memory_space<vmem>> -> memref<1x128xi32, #tpu.memory_space<vmem>>
    %swap3A_377 = tpu.memref_squeeze %swap3A_376 : memref<1x128xi32, #tpu.memory_space<vmem>> -> memref<128xi32, #tpu.memory_space<vmem>>
    %swap3A_378 = arith.constant 0 : index
    %swap3A_379 = tpu.vector_load %swap3A_377[%swap3A_378] {strides = array<i32>} : memref<128xi32, #tpu.memory_space<vmem>>, vector<16xi32>,
    tpu.vector_store %swap3A_377[%swap3A_378], %gather3A_373 {strides = array<i32>} : memref<128xi32, #tpu.memory_space<vmem>>, vector<16xi32>,
    %add3A_380 = arith.constant 16 : i32
    %add3A_381 = vector.broadcast %add3A_380 : i32 to vector<16xi32>
    %add3A_382 = arith.addi %iota3A, %add3A_381 : vector<16xi32>
    %mul3A_383 = arith.constant 50 : i32
    %mul3A_384 = vector.broadcast %mul3A_383 : i32 to vector<16xi32>
    %mul3A_385 = arith.muli %add3A_382, %mul3A_384 : vector<16xi32>
    %add3A_386 = arith.constant 1 : i32
    %add3A_387 = vector.broadcast %add3A_386 : i32 to vector<16xi32>
    %add3A_388 = arith.addi %mul3A_385, %add3A_387 : vector<16xi32>
    %gather3A_389 = tpu.vector_load_idx %arg5[%add3A_388] : memref<25600xi32, #tpu.memory_space<vmem>>[vector<16xi32>], vector<16xi32>,
    %swap3A_390 = arith.constant 1 : i32
    %swap3A_391 = arith.constant 0 : i32
    %swap3A_392 = tpu.memref_slice %arg6[%swap3A_390, %swap3A_391] : memref<4x128xi32, #tpu.memory_space<vmem>> -> memref<1x128xi32, #tpu.memory_space<vmem>>
    %swap3A_393 = tpu.memref_squeeze %swap3A_392 : memref<1x128xi32, #tpu.memory_space<vmem>> -> memref<128xi32, #tpu.memory_space<vmem>>
    %swap3A_394 = arith.constant 16 : index
    %swap3A_395 = tpu.vector_load %swap3A_393[%swap3A_394] {strides = array<i32>} : memref<128xi32, #tpu.memory_space<vmem>>, vector<16xi32>,
    tpu.vector_store %swap3A_393[%swap3A_394], %gather3A_389 {strides = array<i32>} : memref<128xi32, #tpu.memory_space<vmem>>, vector<16xi32>,
    %add3A_396 = arith.constant 32 : i32
    %add3A_397 = vector.broadcast %add3A_396 : i32 to vector<16xi32>
    %add3A_398 = arith.addi %iota3A, %add3A_397 : vector<16xi32>
    %mul3A_399 = arith.constant 50 : i32
    %mul3A_400 = vector.broadcast %mul3A_399 : i32 to vector<16xi32>
    %mul3A_401 = arith.muli %add3A_398, %mul3A_400 : vector<16xi32>
    %add3A_402 = arith.constant 1 : i32
    %add3A_403 = vector.broadcast %add3A_402 : i32 to vector<16xi32>
    %add3A_404 = arith.addi %mul3A_401, %add3A_403 : vector<16xi32>
    %gather3A_405 = tpu.vector_load_idx %arg5[%add3A_404] : memref<25600xi32, #tpu.memory_space<vmem>>[vector<16xi32>], vector<16xi32>,
    %swap3A_406 = arith.constant 1 : i32
    %swap3A_407 = arith.constant 0 : i32
    %swap3A_408 = tpu.memref_slice %arg6[%swap3A_406, %swap3A_407] : memref<4x128xi32, #tpu.memory_space<vmem>> -> memref<1x128xi32, #tpu.memory_space<vmem>>
    %swap3A_409 = tpu.memref_squeeze %swap3A_408 : memref<1x128xi32, #tpu.memory_space<vmem>> -> memref<128xi32, #tpu.memory_space<vmem>>
    %swap3A_410 = arith.constant 32 : index
    %swap3A_411 = tpu.vector_load %swap3A_409[%swap3A_410] {strides = array<i32>} : memref<128xi32, #tpu.memory_space<vmem>>, vector<16xi32>,
    tpu.vector_store %swap3A_409[%swap3A_410], %gather3A_405 {strides = array<i32>} : memref<128xi32, #tpu.memory_space<vmem>>, vector<16xi32>,
    %add3A_412 = arith.constant 48 : i32
    %add3A_413 = vector.broadcast %add3A_412 : i32 to vector<16xi32>
    %add3A_414 = arith.addi %iota3A, %add3A_413 : vector<16xi32>
    %mul3A_415 = arith.constant 50 : i32
    %mul3A_416 = vector.broadcast %mul3A_415 : i32 to vector<16xi32>
    %mul3A_417 = arith.muli %add3A_414, %mul3A_416 : vector<16xi32>
    %add3A_418 = arith.constant 1 : i32
    %add3A_419 = vector.broadcast %add3A_418 : i32 to vector<16xi32>
    %add3A_420 = arith.addi %mul3A_417, %add3A_419 : vector<16xi32>
    %gather3A_421 = tpu.vector_load_idx %arg5[%add3A_420] : memref<25600xi32, #tpu.memory_space<vmem>>[vector<16xi32>], vector<16xi32>,
    %swap3A_422 = arith.constant 1 : i32
    %swap3A_423 = arith.constant 0 : i32
    %swap3A_424 = tpu.memref_slice %arg6[%swap3A_422, %swap3A_423] : memref<4x128xi32, #tpu.memory_space<vmem>> -> memref<1x128xi32, #tpu.memory_space<vmem>>
    %swap3A_425 = tpu.memref_squeeze %swap3A_424 : memref<1x128xi32, #tpu.memory_space<vmem>> -> memref<128xi32, #tpu.memory_space<vmem>>
    %swap3A_426 = arith.constant 48 : index
    %swap3A_427 = tpu.vector_load %swap3A_425[%swap3A_426] {strides = array<i32>} : memref<128xi32, #tpu.memory_space<vmem>>, vector<16xi32>,
    tpu.vector_store %swap3A_425[%swap3A_426], %gather3A_421 {strides = array<i32>} : memref<128xi32, #tpu.memory_space<vmem>>, vector<16xi32>,
    %add3A_428 = arith.constant 64 : i32
    %add3A_429 = vector.broadcast %add3A_428 : i32 to vector<16xi32>
    %add3A_430 = arith.addi %iota3A, %add3A_429 : vector<16xi32>
    %mul3A_431 = arith.constant 50 : i32
    %mul3A_432 = vector.broadcast %mul3A_431 : i32 to vector<16xi32>
    %mul3A_433 = arith.muli %add3A_430, %mul3A_432 : vector<16xi32>
    %add3A_434 = arith.constant 1 : i32
    %add3A_435 = vector.broadcast %add3A_434 : i32 to vector<16xi32>
    %add3A_436 = arith.addi %mul3A_433, %add3A_435 : vector<16xi32>
    %gather3A_437 = tpu.vector_load_idx %arg5[%add3A_436] : memref<25600xi32, #tpu.memory_space<vmem>>[vector<16xi32>], vector<16xi32>,
    %swap3A_438 = arith.constant 1 : i32
    %swap3A_439 = arith.constant 0 : i32
    %swap3A_440 = tpu.memref_slice %arg6[%swap3A_438, %swap3A_439] : memref<4x128xi32, #tpu.memory_space<vmem>> -> memref<1x128xi32, #tpu.memory_space<vmem>>
    %swap3A_441 = tpu.memref_squeeze %swap3A_440 : memref<1x128xi32, #tpu.memory_space<vmem>> -> memref<128xi32, #tpu.memory_space<vmem>>
    %swap3A_442 = arith.constant 64 : index
    %swap3A_443 = tpu.vector_load %swap3A_441[%swap3A_442] {strides = array<i32>} : memref<128xi32, #tpu.memory_space<vmem>>, vector<16xi32>,
    tpu.vector_store %swap3A_441[%swap3A_442], %gather3A_437 {strides = array<i32>} : memref<128xi32, #tpu.memory_space<vmem>>, vector<16xi32>,
    %add3A_444 = arith.constant 80 : i32
    %add3A_445 = vector.broadcast %add3A_444 : i32 to vector<16xi32>
    %add3A_446 = arith.addi %iota3A, %add3A_445 : vector<16xi32>
    %mul3A_447 = arith.constant 50 : i32
    %mul3A_448 = vector.broadcast %mul3A_447 : i32 to vector<16xi32>
    %mul3A_449 = arith.muli %add3A_446, %mul3A_448 : vector<16xi32>
    %add3A_450 = arith.constant 1 : i32
    %add3A_451 = vector.broadcast %add3A_450 : i32 to vector<16xi32>
    %add3A_452 = arith.addi %mul3A_449, %add3A_451 : vector<16xi32>
    %gather3A_453 = tpu.vector_load_idx %arg5[%add3A_452] : memref<25600xi32, #tpu.memory_space<vmem>>[vector<16xi32>], vector<16xi32>,
    %swap3A_454 = arith.constant 1 : i32
    %swap3A_455 = arith.constant 0 : i32
    %swap3A_456 = tpu.memref_slice %arg6[%swap3A_454, %swap3A_455] : memref<4x128xi32, #tpu.memory_space<vmem>> -> memref<1x128xi32, #tpu.memory_space<vmem>>
    %swap3A_457 = tpu.memref_squeeze %swap3A_456 : memref<1x128xi32, #tpu.memory_space<vmem>> -> memref<128xi32, #tpu.memory_space<vmem>>
    %swap3A_458 = arith.constant 80 : index
    %swap3A_459 = tpu.vector_load %swap3A_457[%swap3A_458] {strides = array<i32>} : memref<128xi32, #tpu.memory_space<vmem>>, vector<16xi32>,
    tpu.vector_store %swap3A_457[%swap3A_458], %gather3A_453 {strides = array<i32>} : memref<128xi32, #tpu.memory_space<vmem>>, vector<16xi32>,
    %add3A_460 = arith.constant 96 : i32
    %add3A_461 = vector.broadcast %add3A_460 : i32 to vector<16xi32>
    %add3A_462 = arith.addi %iota3A, %add3A_461 : vector<16xi32>
    %mul3A_463 = arith.constant 50 : i32
    %mul3A_464 = vector.broadcast %mul3A_463 : i32 to vector<16xi32>
    %mul3A_465 = arith.muli %add3A_462, %mul3A_464 : vector<16xi32>
    %add3A_466 = arith.constant 1 : i32
    %add3A_467 = vector.broadcast %add3A_466 : i32 to vector<16xi32>
    %add3A_468 = arith.addi %mul3A_465, %add3A_467 : vector<16xi32>
    %gather3A_469 = tpu.vector_load_idx %arg5[%add3A_468] : memref<25600xi32, #tpu.memory_space<vmem>>[vector<16xi32>], vector<16xi32>,
    %swap3A_470 = arith.constant 1 : i32
    %swap3A_471 = arith.constant 0 : i32
    %swap3A_472 = tpu.memref_slice %arg6[%swap3A_470, %swap3A_471] : memref<4x128xi32, #tpu.memory_space<vmem>> -> memref<1x128xi32, #tpu.memory_space<vmem>>
    %swap3A_473 = tpu.memref_squeeze %swap3A_472 : memref<1x128xi32, #tpu.memory_space<vmem>> -> memref<128xi32, #tpu.memory_space<vmem>>
    %swap3A_474 = arith.constant 96 : index
    %swap3A_475 = tpu.vector_load %swap3A_473[%swap3A_474] {strides = array<i32>} : memref<128xi32, #tpu.memory_space<vmem>>, vector<16xi32>,
    tpu.vector_store %swap3A_473[%swap3A_474], %gather3A_469 {strides = array<i32>} : memref<128xi32, #tpu.memory_space<vmem>>, vector<16xi32>,
    %add3A_476 = arith.constant 112 : i32
    %add3A_477 = vector.broadcast %add3A_476 : i32 to vector<16xi32>
    %add3A_478 = arith.addi %iota3A, %add3A_477 : vector<16xi32>
    %mul3A_479 = arith.constant 50 : i32
    %mul3A_480 = vector.broadcast %mul3A_479 : i32 to vector<16xi32>
    %mul3A_481 = arith.muli %add3A_478, %mul3A_480 : vector<16xi32>
    %add3A_482 = arith.constant 1 : i32
    %add3A_483 = vector.broadcast %add3A_482 : i32 to vector<16xi32>
    %add3A_484 = arith.addi %mul3A_481, %add3A_483 : vector<16xi32>
    %gather3A_485 = tpu.vector_load_idx %arg5[%add3A_484] : memref<25600xi32, #tpu.memory_space<vmem>>[vector<16xi32>], vector<16xi32>,
    %swap3A_486 = arith.constant 1 : i32
    %swap3A_487 = arith.constant 0 : i32
    %swap3A_488 = tpu.memref_slice %arg6[%swap3A_486, %swap3A_487] : memref<4x128xi32, #tpu.memory_space<vmem>> -> memref<1x128xi32, #tpu.memory_space<vmem>>
    %swap3A_489 = tpu.memref_squeeze %swap3A_488 : memref<1x128xi32, #tpu.memory_space<vmem>> -> memref<128xi32, #tpu.memory_space<vmem>>
    %swap3A_490 = arith.constant 112 : index
    %swap3A_491 = tpu.vector_load %swap3A_489[%swap3A_490] {strides = array<i32>} : memref<128xi32, #tpu.memory_space<vmem>>, vector<16xi32>,
    tpu.vector_store %swap3A_489[%swap3A_490], %gather3A_485 {strides = array<i32>} : memref<128xi32, #tpu.memory_space<vmem>>, vector<16xi32>,
    %dma_start3A_492 = arith.constant 1 : i32
    %dma_start3A_493 = arith.constant 1 : i32
    %dma_start3A_494 = arith.constant 0 : i32
    %dma_start3A_495 = arith.constant 0 : i32
    %dma_start3A_496 = tpu.memref_slice %arg7[%dma_start3A_493, %dma_start3A_494, %dma_start3A_495] : memref<4x128x64xf32, #tpu.memory_space<vmem>> -> memref<1x128x64xf32, #tpu.memory_space<vmem>>
    %dma_start3A_497 = tpu.memref_squeeze %dma_start3A_496 : memref<1x128x64xf32, #tpu.memory_space<vmem>> -> memref<128x64xf32, #tpu.memory_space<vmem>>
    %dma_start3A_498 = arith.constant 0 : i32
    %dma_start3A_499 = tpu.memref_slice %arg6[%dma_start3A_492, %dma_start3A_498] : memref<4x128xi32, #tpu.memory_space<vmem>> -> memref<1x128xi32, #tpu.memory_space<vmem>>
    %dma_start3A_500 = tpu.memref_squeeze %dma_start3A_499 : memref<1x128xi32, #tpu.memory_space<vmem>> -> memref<128xi32, #tpu.memory_space<vmem>>
    %dma_start3A_501 = arith.constant 0 : i32
    %dma_start3A_502 = arith.constant 0 : i32
    %dma_start3A_503 = tpu.memref_slice %arg3[%dma_start3A_501, %dma_start3A_502] : memref<1000000x64xf32, #tpu.memory_space<hbm>> -> memref<1000000x64xf32, #tpu.memory_space<hbm>>
    tpu.enqueue_indirect_dma source(%dma_start3A_503 : memref<1000000x64xf32, #tpu.memory_space<hbm>>) target(%dma_start3A_497 : memref<128x64xf32, #tpu.memory_space<vmem>>) offsets(%dma_start3A_500 : memref<128xi32, #tpu.memory_space<vmem>>) semaphore(%arg10 : memref<!tpu.dma_semaphore, #tpu.memory_space<semaphore_mem>>)
    %add3A_504 = arith.constant 0 : i32
    %add3A_505 = vector.broadcast %add3A_504 : i32 to vector<16xi32>
    %add3A_506 = arith.addi %iota3A, %add3A_505 : vector<16xi32>
    %mul3A_507 = arith.constant 50 : i32
    %mul3A_508 = vector.broadcast %mul3A_507 : i32 to vector<16xi32>
    %mul3A_509 = arith.muli %add3A_506, %mul3A_508 : vector<16xi32>
    %add3A_510 = arith.constant 2 : i32
    %add3A_511 = vector.broadcast %add3A_510 : i32 to vector<16xi32>
    %add3A_512 = arith.addi %mul3A_509, %add3A_511 : vector<16xi32>
    %gather3A_513 = tpu.vector_load_idx %arg5[%add3A_512] : memref<25600xi32, #tpu.memory_space<vmem>>[vector<16xi32>], vector<16xi32>,
    %swap3A_514 = arith.constant 2 : i32
    %swap3A_515 = arith.constant 0 : i32
    %swap3A_516 = tpu.memref_slice %arg6[%swap3A_514, %swap3A_515] : memref<4x128xi32, #tpu.memory_space<vmem>> -> memref<1x128xi32, #tpu.memory_space<vmem>>
    %swap3A_517 = tpu.memref_squeeze %swap3A_516 : memref<1x128xi32, #tpu.memory_space<vmem>> -> memref<128xi32, #tpu.memory_space<vmem>>
    %swap3A_518 = arith.constant 0 : index
    %swap3A_519 = tpu.vector_load %swap3A_517[%swap3A_518] {strides = array<i32>} : memref<128xi32, #tpu.memory_space<vmem>>, vector<16xi32>,
    tpu.vector_store %swap3A_517[%swap3A_518], %gather3A_513 {strides = array<i32>} : memref<128xi32, #tpu.memory_space<vmem>>, vector<16xi32>,
    %add3A_520 = arith.constant 16 : i32
    %add3A_521 = vector.broadcast %add3A_520 : i32 to vector<16xi32>
    %add3A_522 = arith.addi %iota3A, %add3A_521 : vector<16xi32>
    %mul3A_523 = arith.constant 50 : i32
    %mul3A_524 = vector.broadcast %mul3A_523 : i32 to vector<16xi32>
    %mul3A_525 = arith.muli %add3A_522, %mul3A_524 : vector<16xi32>
    %add3A_526 = arith.constant 2 : i32
    %add3A_527 = vector.broadcast %add3A_526 : i32 to vector<16xi32>
    %add3A_528 = arith.addi %mul3A_525, %add3A_527 : vector<16xi32>
    %gather3A_529 = tpu.vector_load_idx %arg5[%add3A_528] : memref<25600xi32, #tpu.memory_space<vmem>>[vector<16xi32>], vector<16xi32>,
    %swap3A_530 = arith.constant 2 : i32
    %swap3A_531 = arith.constant 0 : i32
    %swap3A_532 = tpu.memref_slice %arg6[%swap3A_530, %swap3A_531] : memref<4x128xi32, #tpu.memory_space<vmem>> -> memref<1x128xi32, #tpu.memory_space<vmem>>
    %swap3A_533 = tpu.memref_squeeze %swap3A_532 : memref<1x128xi32, #tpu.memory_space<vmem>> -> memref<128xi32, #tpu.memory_space<vmem>>
    %swap3A_534 = arith.constant 16 : index
    %swap3A_535 = tpu.vector_load %swap3A_533[%swap3A_534] {strides = array<i32>} : memref<128xi32, #tpu.memory_space<vmem>>, vector<16xi32>,
    tpu.vector_store %swap3A_533[%swap3A_534], %gather3A_529 {strides = array<i32>} : memref<128xi32, #tpu.memory_space<vmem>>, vector<16xi32>,
    %add3A_536 = arith.constant 32 : i32
    %add3A_537 = vector.broadcast %add3A_536 : i32 to vector<16xi32>
    %add3A_538 = arith.addi %iota3A, %add3A_537 : vector<16xi32>
    %mul3A_539 = arith.constant 50 : i32
    %mul3A_540 = vector.broadcast %mul3A_539 : i32 to vector<16xi32>
    %mul3A_541 = arith.muli %add3A_538, %mul3A_540 : vector<16xi32>
    %add3A_542 = arith.constant 2 : i32
    %add3A_543 = vector.broadcast %add3A_542 : i32 to vector<16xi32>
    %add3A_544 = arith.addi %mul3A_541, %add3A_543 : vector<16xi32>
    %gather3A_545 = tpu.vector_load_idx %arg5[%add3A_544] : memref<25600xi32, #tpu.memory_space<vmem>>[vector<16xi32>], vector<16xi32>,
    %swap3A_546 = arith.constant 2 : i32
    %swap3A_547 = arith.constant 0 : i32
    %swap3A_548 = tpu.memref_slice %arg6[%swap3A_546, %swap3A_547] : memref<4x128xi32, #tpu.memory_space<vmem>> -> memref<1x128xi32, #tpu.memory_space<vmem>>
    %swap3A_549 = tpu.memref_squeeze %swap3A_548 : memref<1x128xi32, #tpu.memory_space<vmem>> -> memref<128xi32, #tpu.memory_space<vmem>>
    %swap3A_550 = arith.constant 32 : index
    %swap3A_551 = tpu.vector_load %swap3A_549[%swap3A_550] {strides = array<i32>} : memref<128xi32, #tpu.memory_space<vmem>>, vector<16xi32>,
    tpu.vector_store %swap3A_549[%swap3A_550], %gather3A_545 {strides = array<i32>} : memref<128xi32, #tpu.memory_space<vmem>>, vector<16xi32>,
    %add3A_552 = arith.constant 48 : i32
    %add3A_553 = vector.broadcast %add3A_552 : i32 to vector<16xi32>
    %add3A_554 = arith.addi %iota3A, %add3A_553 : vector<16xi32>
    %mul3A_555 = arith.constant 50 : i32
    %mul3A_556 = vector.broadcast %mul3A_555 : i32 to vector<16xi32>
    %mul3A_557 = arith.muli %add3A_554, %mul3A_556 : vector<16xi32>
    %add3A_558 = arith.constant 2 : i32
    %add3A_559 = vector.broadcast %add3A_558 : i32 to vector<16xi32>
    %add3A_560 = arith.addi %mul3A_557, %add3A_559 : vector<16xi32>
    %gather3A_561 = tpu.vector_load_idx %arg5[%add3A_560] : memref<25600xi32, #tpu.memory_space<vmem>>[vector<16xi32>], vector<16xi32>,
    %swap3A_562 = arith.constant 2 : i32
    %swap3A_563 = arith.constant 0 : i32
    %swap3A_564 = tpu.memref_slice %arg6[%swap3A_562, %swap3A_563] : memref<4x128xi32, #tpu.memory_space<vmem>> -> memref<1x128xi32, #tpu.memory_space<vmem>>
    %swap3A_565 = tpu.memref_squeeze %swap3A_564 : memref<1x128xi32, #tpu.memory_space<vmem>> -> memref<128xi32, #tpu.memory_space<vmem>>
    %swap3A_566 = arith.constant 48 : index
    %swap3A_567 = tpu.vector_load %swap3A_565[%swap3A_566] {strides = array<i32>} : memref<128xi32, #tpu.memory_space<vmem>>, vector<16xi32>,
    tpu.vector_store %swap3A_565[%swap3A_566], %gather3A_561 {strides = array<i32>} : memref<128xi32, #tpu.memory_space<vmem>>, vector<16xi32>,
    %add3A_568 = arith.constant 64 : i32
    %add3A_569 = vector.broadcast %add3A_568 : i32 to vector<16xi32>
    %add3A_570 = arith.addi %iota3A, %add3A_569 : vector<16xi32>
    %mul3A_571 = arith.constant 50 : i32
    %mul3A_572 = vector.broadcast %mul3A_571 : i32 to vector<16xi32>
    %mul3A_573 = arith.muli %add3A_570, %mul3A_572 : vector<16xi32>
    %add3A_574 = arith.constant 2 : i32
    %add3A_575 = vector.broadcast %add3A_574 : i32 to vector<16xi32>
    %add3A_576 = arith.addi %mul3A_573, %add3A_575 : vector<16xi32>
    %gather3A_577 = tpu.vector_load_idx %arg5[%add3A_576] : memref<25600xi32, #tpu.memory_space<vmem>>[vector<16xi32>], vector<16xi32>,
    %swap3A_578 = arith.constant 2 : i32
    %swap3A_579 = arith.constant 0 : i32
    %swap3A_580 = tpu.memref_slice %arg6[%swap3A_578, %swap3A_579] : memref<4x128xi32, #tpu.memory_space<vmem>> -> memref<1x128xi32, #tpu.memory_space<vmem>>
    %swap3A_581 = tpu.memref_squeeze %swap3A_580 : memref<1x128xi32, #tpu.memory_space<vmem>> -> memref<128xi32, #tpu.memory_space<vmem>>
    %swap3A_582 = arith.constant 64 : index
    %swap3A_583 = tpu.vector_load %swap3A_581[%swap3A_582] {strides = array<i32>} : memref<128xi32, #tpu.memory_space<vmem>>, vector<16xi32>,
    tpu.vector_store %swap3A_581[%swap3A_582], %gather3A_577 {strides = array<i32>} : memref<128xi32, #tpu.memory_space<vmem>>, vector<16xi32>,
    %add3A_584 = arith.constant 80 : i32
    %add3A_585 = vector.broadcast %add3A_584 : i32 to vector<16xi32>
    %add3A_586 = arith.addi %iota3A, %add3A_585 : vector<16xi32>
    %mul3A_587 = arith.constant 50 : i32
    %mul3A_588 = vector.broadcast %mul3A_587 : i32 to vector<16xi32>
    %mul3A_589 = arith.muli %add3A_586, %mul3A_588 : vector<16xi32>
    %add3A_590 = arith.constant 2 : i32
    %add3A_591 = vector.broadcast %add3A_590 : i32 to vector<16xi32>
    %add3A_592 = arith.addi %mul3A_589, %add3A_591 : vector<16xi32>
    %gather3A_593 = tpu.vector_load_idx %arg5[%add3A_592] : memref<25600xi32, #tpu.memory_space<vmem>>[vector<16xi32>], vector<16xi32>,
    %swap3A_594 = arith.constant 2 : i32
    %swap3A_595 = arith.constant 0 : i32
    %swap3A_596 = tpu.memref_slice %arg6[%swap3A_594, %swap3A_595] : memref<4x128xi32, #tpu.memory_space<vmem>> -> memref<1x128xi32, #tpu.memory_space<vmem>>
    %swap3A_597 = tpu.memref_squeeze %swap3A_596 : memref<1x128xi32, #tpu.memory_space<vmem>> -> memref<128xi32, #tpu.memory_space<vmem>>
    %swap3A_598 = arith.constant 80 : index
    %swap3A_599 = tpu.vector_load %swap3A_597[%swap3A_598] {strides = array<i32>} : memref<128xi32, #tpu.memory_space<vmem>>, vector<16xi32>,
    tpu.vector_store %swap3A_597[%swap3A_598], %gather3A_593 {strides = array<i32>} : memref<128xi32, #tpu.memory_space<vmem>>, vector<16xi32>,
    %add3A_600 = arith.constant 96 : i32
    %add3A_601 = vector.broadcast %add3A_600 : i32 to vector<16xi32>
    %add3A_602 = arith.addi %iota3A, %add3A_601 : vector<16xi32>
    %mul3A_603 = arith.constant 50 : i32
    %mul3A_604 = vector.broadcast %mul3A_603 : i32 to vector<16xi32>
    %mul3A_605 = arith.muli %add3A_602, %mul3A_604 : vector<16xi32>
    %add3A_606 = arith.constant 2 : i32
    %add3A_607 = vector.broadcast %add3A_606 : i32 to vector<16xi32>
    %add3A_608 = arith.addi %mul3A_605, %add3A_607 : vector<16xi32>
    %gather3A_609 = tpu.vector_load_idx %arg5[%add3A_608] : memref<25600xi32, #tpu.memory_space<vmem>>[vector<16xi32>], vector<16xi32>,
    %swap3A_610 = arith.constant 2 : i32
    %swap3A_611 = arith.constant 0 : i32
    %swap3A_612 = tpu.memref_slice %arg6[%swap3A_610, %swap3A_611] : memref<4x128xi32, #tpu.memory_space<vmem>> -> memref<1x128xi32, #tpu.memory_space<vmem>>
    %swap3A_613 = tpu.memref_squeeze %swap3A_612 : memref<1x128xi32, #tpu.memory_space<vmem>> -> memref<128xi32, #tpu.memory_space<vmem>>
    %swap3A_614 = arith.constant 96 : index
    %swap3A_615 = tpu.vector_load %swap3A_613[%swap3A_614] {strides = array<i32>} : memref<128xi32, #tpu.memory_space<vmem>>, vector<16xi32>,
    tpu.vector_store %swap3A_613[%swap3A_614], %gather3A_609 {strides = array<i32>} : memref<128xi32, #tpu.memory_space<vmem>>, vector<16xi32>,
    %add3A_616 = arith.constant 112 : i32
    %add3A_617 = vector.broadcast %add3A_616 : i32 to vector<16xi32>
    %add3A_618 = arith.addi %iota3A, %add3A_617 : vector<16xi32>
    %mul3A_619 = arith.constant 50 : i32
    %mul3A_620 = vector.broadcast %mul3A_619 : i32 to vector<16xi32>
    %mul3A_621 = arith.muli %add3A_618, %mul3A_620 : vector<16xi32>
    %add3A_622 = arith.constant 2 : i32
    %add3A_623 = vector.broadcast %add3A_622 : i32 to vector<16xi32>
    %add3A_624 = arith.addi %mul3A_621, %add3A_623 : vector<16xi32>
    %gather3A_625 = tpu.vector_load_idx %arg5[%add3A_624] : memref<25600xi32, #tpu.memory_space<vmem>>[vector<16xi32>], vector<16xi32>,
    %swap3A_626 = arith.constant 2 : i32
    %swap3A_627 = arith.constant 0 : i32
    %swap3A_628 = tpu.memref_slice %arg6[%swap3A_626, %swap3A_627] : memref<4x128xi32, #tpu.memory_space<vmem>> -> memref<1x128xi32, #tpu.memory_space<vmem>>
    %swap3A_629 = tpu.memref_squeeze %swap3A_628 : memref<1x128xi32, #tpu.memory_space<vmem>> -> memref<128xi32, #tpu.memory_space<vmem>>
    %swap3A_630 = arith.constant 112 : index
    %swap3A_631 = tpu.vector_load %swap3A_629[%swap3A_630] {strides = array<i32>} : memref<128xi32, #tpu.memory_space<vmem>>, vector<16xi32>,
    tpu.vector_store %swap3A_629[%swap3A_630], %gather3A_625 {strides = array<i32>} : memref<128xi32, #tpu.memory_space<vmem>>, vector<16xi32>,
    %dma_start3A_632 = arith.constant 2 : i32
    %dma_start3A_633 = arith.constant 2 : i32
    %dma_start3A_634 = arith.constant 0 : i32
    %dma_start3A_635 = arith.constant 0 : i32
    %dma_start3A_636 = tpu.memref_slice %arg7[%dma_start3A_633, %dma_start3A_634, %dma_start3A_635] : memref<4x128x64xf32, #tpu.memory_space<vmem>> -> memref<1x128x64xf32, #tpu.memory_space<vmem>>
    %dma_start3A_637 = tpu.memref_squeeze %dma_start3A_636 : memref<1x128x64xf32, #tpu.memory_space<vmem>> -> memref<128x64xf32, #tpu.memory_space<vmem>>
    %dma_start3A_638 = arith.constant 0 : i32
    %dma_start3A_639 = tpu.memref_slice %arg6[%dma_start3A_632, %dma_start3A_638] : memref<4x128xi32, #tpu.memory_space<vmem>> -> memref<1x128xi32, #tpu.memory_space<vmem>>
    %dma_start3A_640 = tpu.memref_squeeze %dma_start3A_639 : memref<1x128xi32, #tpu.memory_space<vmem>> -> memref<128xi32, #tpu.memory_space<vmem>>
    %dma_start3A_641 = arith.constant 0 : i32
    %dma_start3A_642 = arith.constant 0 : i32
    %dma_start3A_643 = tpu.memref_slice %arg3[%dma_start3A_641, %dma_start3A_642] : memref<1000000x64xf32, #tpu.memory_space<hbm>> -> memref<1000000x64xf32, #tpu.memory_space<hbm>>
    tpu.enqueue_indirect_dma source(%dma_start3A_643 : memref<1000000x64xf32, #tpu.memory_space<hbm>>) target(%dma_start3A_637 : memref<128x64xf32, #tpu.memory_space<vmem>>) offsets(%dma_start3A_640 : memref<128xi32, #tpu.memory_space<vmem>>) semaphore(%arg11 : memref<!tpu.dma_semaphore, #tpu.memory_space<semaphore_mem>>)
    %scan3A = arith.constant 0 : i32
    %scan3A_644 = arith.constant 50 : i32
    %scan3A_645 = arith.addi %scan3A, %scan3A_644 : i32
    %scan3A_646 = arith.constant 1 : i32
    scf.for %scan3A_739 = %scan3A to %scan3A_645 step %scan3A_646  : i32 {
      %mul3A_740 = arith.constant 4 : i32
      %mul3A_741 = arith.muli %scan3A_739, %mul3A_740 : i32
      %add3A_742 = arith.constant 0 : i32
      %add3A_743 = arith.addi %add3A_742, %mul3A_741 : i32
      %add3A_744 = arith.constant 0 : i32
      %add3A_745 = arith.addi %add3A_743, %add3A_744 : i32
      %add3A_746 = arith.constant 3 : i32
      %add3A_747 = arith.addi %add3A_745, %add3A_746 : i32
      %lt3A_748 = arith.constant 200 : i32
      %lt3A_749 = arith.cmpi slt, %add3A_747, %lt3A_748 : i32
      %convert_element_type3A = arith.extui %lt3A_749 : i1 to i32
      %cond3A = arith.constant 0 : i32
      %cond3A_750 = arith.cmpi ne, %convert_element_type3A, %cond3A : i32
      scf.if %cond3A_750 {
        %add3A_1145 = arith.constant 3 : i32
        %add3A_1146 = arith.addi %add3A_745, %add3A_1145 : i32
        %jit3A_1147 = arith.constant 50 : i32
        %div3A_1148 = arith.divsi %add3A_1146, %jit3A_1147 : i32
        %sign3A_1149 = arith.constant 0 : i32
        %sign3A_1150 = arith.cmpi sgt, %add3A_1146, %sign3A_1149 : i32
        %sign3A_1151 = arith.extui %sign3A_1150 : i1 to i32
        %sign3A_1152 = arith.constant 0 : i32
        %sign3A_1153 = arith.cmpi slt, %add3A_1146, %sign3A_1152 : i32
        %sign3A_1154 = arith.extui %sign3A_1153 : i1 to i32
        %sign3A_1155 = arith.subi %sign3A_1151, %sign3A_1154 : i32
        %sign3A_1156 = arith.constant 0 : i32
        %sign3A_1157 = arith.cmpi sgt, %jit3A_1147, %sign3A_1156 : i32
        %sign3A_1158 = arith.extui %sign3A_1157 : i1 to i32
        %sign3A_1159 = arith.constant 0 : i32
        %sign3A_1160 = arith.cmpi slt, %jit3A_1147, %sign3A_1159 : i32
        %sign3A_1161 = arith.extui %sign3A_1160 : i1 to i32
        %sign3A_1162 = arith.subi %sign3A_1158, %sign3A_1161 : i32
        %ne3A_1163 = arith.cmpi ne, %sign3A_1155, %sign3A_1162 : i32
        %rem3A_1164 = arith.remsi %add3A_1146, %jit3A_1147 : i32
        %ne3A_1165 = arith.constant 0 : i32
        %ne3A_1166 = arith.cmpi ne, %rem3A_1164, %ne3A_1165 : i32
        %and3A_1167 = arith.andi %ne3A_1163, %ne3A_1166 : i1
        %sub3A_1168 = arith.constant 1 : i32
        %sub3A_1169 = arith.subi %div3A_1148, %sub3A_1168 : i32
        %select_n3A_1170 = arith.select %and3A_1167, %sub3A_1169, %div3A_1148 : i32
        %jit3A_1171 = arith.constant 50 : i32
        %eq3A_1172 = arith.constant 0 : i32
        %eq3A_1173 = arith.cmpi eq, %jit3A_1171, %eq3A_1172 : i32
        %jit3A_1174 = arith.constant 1 : i32
        %select_n3A_1175 = arith.select %eq3A_1173, %jit3A_1174, %jit3A_1171 : i32
        %rem3A_1176 = arith.remsi %add3A_1146, %select_n3A_1175 : i32
        %ne3A_1177 = arith.constant 0 : i32
        %ne3A_1178 = arith.cmpi ne, %rem3A_1176, %ne3A_1177 : i32
        %lt3A_1179 = arith.constant 0 : i32
        %lt3A_1180 = arith.cmpi slt, %rem3A_1176, %lt3A_1179 : i32
        %lt3A_1181 = arith.constant 0 : i32
        %lt3A_1182 = arith.cmpi slt, %select_n3A_1175, %lt3A_1181 : i32
        %ne3A_1183 = arith.xori %lt3A_1180, %lt3A_1182 : i1
        %and3A_1184 = arith.andi %ne3A_1183, %ne3A_1178 : i1
        %add3A_1185 = arith.addi %rem3A_1176, %select_n3A_1175 : i32
        %select_n3A_1186 = arith.select %and3A_1184, %add3A_1185, %rem3A_1176 : i32
        %mul3A_1187 = arith.constant 6400 : i32
        %mul3A_1188 = arith.muli %select_n3A_1170, %mul3A_1187 : i32
        %add3A_1189 = arith.addi %mul3A_1188, %select_n3A_1186 : i32
        %add3A_1190 = arith.constant 0 : i32
        %add3A_1191 = vector.broadcast %add3A_1190 : i32 to vector<16xi32>
        %add3A_1192 = arith.addi %iota3A, %add3A_1191 : vector<16xi32>
        %mul3A_1193 = arith.constant 50 : i32
        %mul3A_1194 = vector.broadcast %mul3A_1193 : i32 to vector<16xi32>
        %mul3A_1195 = arith.muli %add3A_1192, %mul3A_1194 : vector<16xi32>
        %add3A_1196 = vector.broadcast %add3A_1189 : i32 to vector<16xi32>
        %add3A_1197 = arith.addi %mul3A_1195, %add3A_1196 : vector<16xi32>
        %gather3A_1198 = tpu.vector_load_idx %arg5[%add3A_1197] : memref<25600xi32, #tpu.memory_space<vmem>>[vector<16xi32>], vector<16xi32>,
        %swap3A_1199 = arith.constant 3 : i32
        %swap3A_1200 = arith.constant 0 : i32
        %swap3A_1201 = tpu.memref_slice %arg6[%swap3A_1199, %swap3A_1200] : memref<4x128xi32, #tpu.memory_space<vmem>> -> memref<1x128xi32, #tpu.memory_space<vmem>>
        %swap3A_1202 = tpu.memref_squeeze %swap3A_1201 : memref<1x128xi32, #tpu.memory_space<vmem>> -> memref<128xi32, #tpu.memory_space<vmem>>
        %swap3A_1203 = arith.constant 0 : index
        %swap3A_1204 = tpu.vector_load %swap3A_1202[%swap3A_1203] {strides = array<i32>} : memref<128xi32, #tpu.memory_space<vmem>>, vector<16xi32>,
        tpu.vector_store %swap3A_1202[%swap3A_1203], %gather3A_1198 {strides = array<i32>} : memref<128xi32, #tpu.memory_space<vmem>>, vector<16xi32>,
        %add3A_1205 = arith.constant 16 : i32
        %add3A_1206 = vector.broadcast %add3A_1205 : i32 to vector<16xi32>
        %add3A_1207 = arith.addi %iota3A, %add3A_1206 : vector<16xi32>
        %mul3A_1208 = arith.constant 50 : i32
        %mul3A_1209 = vector.broadcast %mul3A_1208 : i32 to vector<16xi32>
        %mul3A_1210 = arith.muli %add3A_1207, %mul3A_1209 : vector<16xi32>
        %add3A_1211 = vector.broadcast %add3A_1189 : i32 to vector<16xi32>
        %add3A_1212 = arith.addi %mul3A_1210, %add3A_1211 : vector<16xi32>
        %gather3A_1213 = tpu.vector_load_idx %arg5[%add3A_1212] : memref<25600xi32, #tpu.memory_space<vmem>>[vector<16xi32>], vector<16xi32>,
        %swap3A_1214 = arith.constant 3 : i32
        %swap3A_1215 = arith.constant 0 : i32
        %swap3A_1216 = tpu.memref_slice %arg6[%swap3A_1214, %swap3A_1215] : memref<4x128xi32, #tpu.memory_space<vmem>> -> memref<1x128xi32, #tpu.memory_space<vmem>>
        %swap3A_1217 = tpu.memref_squeeze %swap3A_1216 : memref<1x128xi32, #tpu.memory_space<vmem>> -> memref<128xi32, #tpu.memory_space<vmem>>
        %swap3A_1218 = arith.constant 16 : index
        %swap3A_1219 = tpu.vector_load %swap3A_1217[%swap3A_1218] {strides = array<i32>} : memref<128xi32, #tpu.memory_space<vmem>>, vector<16xi32>,
        tpu.vector_store %swap3A_1217[%swap3A_1218], %gather3A_1213 {strides = array<i32>} : memref<128xi32, #tpu.memory_space<vmem>>, vector<16xi32>,
        %add3A_1220 = arith.constant 32 : i32
        %add3A_1221 = vector.broadcast %add3A_1220 : i32 to vector<16xi32>
        %add3A_1222 = arith.addi %iota3A, %add3A_1221 : vector<16xi32>
        %mul3A_1223 = arith.constant 50 : i32
        %mul3A_1224 = vector.broadcast %mul3A_1223 : i32 to vector<16xi32>
        %mul3A_1225 = arith.muli %add3A_1222, %mul3A_1224 : vector<16xi32>
        %add3A_1226 = vector.broadcast %add3A_1189 : i32 to vector<16xi32>
        %add3A_1227 = arith.addi %mul3A_1225, %add3A_1226 : vector<16xi32>
        %gather3A_1228 = tpu.vector_load_idx %arg5[%add3A_1227] : memref<25600xi32, #tpu.memory_space<vmem>>[vector<16xi32>], vector<16xi32>,
        %swap3A_1229 = arith.constant 3 : i32
        %swap3A_1230 = arith.constant 0 : i32
        %swap3A_1231 = tpu.memref_slice %arg6[%swap3A_1229, %swap3A_1230] : memref<4x128xi32, #tpu.memory_space<vmem>> -> memref<1x128xi32, #tpu.memory_space<vmem>>
        %swap3A_1232 = tpu.memref_squeeze %swap3A_1231 : memref<1x128xi32, #tpu.memory_space<vmem>> -> memref<128xi32, #tpu.memory_space<vmem>>
        %swap3A_1233 = arith.constant 32 : index
        %swap3A_1234 = tpu.vector_load %swap3A_1232[%swap3A_1233] {strides = array<i32>} : memref<128xi32, #tpu.memory_space<vmem>>, vector<16xi32>,
        tpu.vector_store %swap3A_1232[%swap3A_1233], %gather3A_1228 {strides = array<i32>} : memref<128xi32, #tpu.memory_space<vmem>>, vector<16xi32>,
        %add3A_1235 = arith.constant 48 : i32
        %add3A_1236 = vector.broadcast %add3A_1235 : i32 to vector<16xi32>
        %add3A_1237 = arith.addi %iota3A, %add3A_1236 : vector<16xi32>
        %mul3A_1238 = arith.constant 50 : i32
        %mul3A_1239 = vector.broadcast %mul3A_1238 : i32 to vector<16xi32>
        %mul3A_1240 = arith.muli %add3A_1237, %mul3A_1239 : vector<16xi32>
        %add3A_1241 = vector.broadcast %add3A_1189 : i32 to vector<16xi32>
        %add3A_1242 = arith.addi %mul3A_1240, %add3A_1241 : vector<16xi32>
        %gather3A_1243 = tpu.vector_load_idx %arg5[%add3A_1242] : memref<25600xi32, #tpu.memory_space<vmem>>[vector<16xi32>], vector<16xi32>,
        %swap3A_1244 = arith.constant 3 : i32
        %swap3A_1245 = arith.constant 0 : i32
        %swap3A_1246 = tpu.memref_slice %arg6[%swap3A_1244, %swap3A_1245] : memref<4x128xi32, #tpu.memory_space<vmem>> -> memref<1x128xi32, #tpu.memory_space<vmem>>
        %swap3A_1247 = tpu.memref_squeeze %swap3A_1246 : memref<1x128xi32, #tpu.memory_space<vmem>> -> memref<128xi32, #tpu.memory_space<vmem>>
        %swap3A_1248 = arith.constant 48 : index
        %swap3A_1249 = tpu.vector_load %swap3A_1247[%swap3A_1248] {strides = array<i32>} : memref<128xi32, #tpu.memory_space<vmem>>, vector<16xi32>,
        tpu.vector_store %swap3A_1247[%swap3A_1248], %gather3A_1243 {strides = array<i32>} : memref<128xi32, #tpu.memory_space<vmem>>, vector<16xi32>,
        %add3A_1250 = arith.constant 64 : i32
        %add3A_1251 = vector.broadcast %add3A_1250 : i32 to vector<16xi32>
        %add3A_1252 = arith.addi %iota3A, %add3A_1251 : vector<16xi32>
        %mul3A_1253 = arith.constant 50 : i32
        %mul3A_1254 = vector.broadcast %mul3A_1253 : i32 to vector<16xi32>
        %mul3A_1255 = arith.muli %add3A_1252, %mul3A_1254 : vector<16xi32>
        %add3A_1256 = vector.broadcast %add3A_1189 : i32 to vector<16xi32>
        %add3A_1257 = arith.addi %mul3A_1255, %add3A_1256 : vector<16xi32>
        %gather3A_1258 = tpu.vector_load_idx %arg5[%add3A_1257] : memref<25600xi32, #tpu.memory_space<vmem>>[vector<16xi32>], vector<16xi32>,
        %swap3A_1259 = arith.constant 3 : i32
        %swap3A_1260 = arith.constant 0 : i32
        %swap3A_1261 = tpu.memref_slice %arg6[%swap3A_1259, %swap3A_1260] : memref<4x128xi32, #tpu.memory_space<vmem>> -> memref<1x128xi32, #tpu.memory_space<vmem>>
        %swap3A_1262 = tpu.memref_squeeze %swap3A_1261 : memref<1x128xi32, #tpu.memory_space<vmem>> -> memref<128xi32, #tpu.memory_space<vmem>>
        %swap3A_1263 = arith.constant 64 : index
        %swap3A_1264 = tpu.vector_load %swap3A_1262[%swap3A_1263] {strides = array<i32>} : memref<128xi32, #tpu.memory_space<vmem>>, vector<16xi32>,
        tpu.vector_store %swap3A_1262[%swap3A_1263], %gather3A_1258 {strides = array<i32>} : memref<128xi32, #tpu.memory_space<vmem>>, vector<16xi32>,
        %add3A_1265 = arith.constant 80 : i32
        %add3A_1266 = vector.broadcast %add3A_1265 : i32 to vector<16xi32>
        %add3A_1267 = arith.addi %iota3A, %add3A_1266 : vector<16xi32>
        %mul3A_1268 = arith.constant 50 : i32
        %mul3A_1269 = vector.broadcast %mul3A_1268 : i32 to vector<16xi32>
        %mul3A_1270 = arith.muli %add3A_1267, %mul3A_1269 : vector<16xi32>
        %add3A_1271 = vector.broadcast %add3A_1189 : i32 to vector<16xi32>
        %add3A_1272 = arith.addi %mul3A_1270, %add3A_1271 : vector<16xi32>
        %gather3A_1273 = tpu.vector_load_idx %arg5[%add3A_1272] : memref<25600xi32, #tpu.memory_space<vmem>>[vector<16xi32>], vector<16xi32>,
        %swap3A_1274 = arith.constant 3 : i32
        %swap3A_1275 = arith.constant 0 : i32
        %swap3A_1276 = tpu.memref_slice %arg6[%swap3A_1274, %swap3A_1275] : memref<4x128xi32, #tpu.memory_space<vmem>> -> memref<1x128xi32, #tpu.memory_space<vmem>>
        %swap3A_1277 = tpu.memref_squeeze %swap3A_1276 : memref<1x128xi32, #tpu.memory_space<vmem>> -> memref<128xi32, #tpu.memory_space<vmem>>
        %swap3A_1278 = arith.constant 80 : index
        %swap3A_1279 = tpu.vector_load %swap3A_1277[%swap3A_1278] {strides = array<i32>} : memref<128xi32, #tpu.memory_space<vmem>>, vector<16xi32>,
        tpu.vector_store %swap3A_1277[%swap3A_1278], %gather3A_1273 {strides = array<i32>} : memref<128xi32, #tpu.memory_space<vmem>>, vector<16xi32>,
        %add3A_1280 = arith.constant 96 : i32
        %add3A_1281 = vector.broadcast %add3A_1280 : i32 to vector<16xi32>
        %add3A_1282 = arith.addi %iota3A, %add3A_1281 : vector<16xi32>
        %mul3A_1283 = arith.constant 50 : i32
        %mul3A_1284 = vector.broadcast %mul3A_1283 : i32 to vector<16xi32>
        %mul3A_1285 = arith.muli %add3A_1282, %mul3A_1284 : vector<16xi32>
        %add3A_1286 = vector.broadcast %add3A_1189 : i32 to vector<16xi32>
        %add3A_1287 = arith.addi %mul3A_1285, %add3A_1286 : vector<16xi32>
        %gather3A_1288 = tpu.vector_load_idx %arg5[%add3A_1287] : memref<25600xi32, #tpu.memory_space<vmem>>[vector<16xi32>], vector<16xi32>,
        %swap3A_1289 = arith.constant 3 : i32
        %swap3A_1290 = arith.constant 0 : i32
        %swap3A_1291 = tpu.memref_slice %arg6[%swap3A_1289, %swap3A_1290] : memref<4x128xi32, #tpu.memory_space<vmem>> -> memref<1x128xi32, #tpu.memory_space<vmem>>
        %swap3A_1292 = tpu.memref_squeeze %swap3A_1291 : memref<1x128xi32, #tpu.memory_space<vmem>> -> memref<128xi32, #tpu.memory_space<vmem>>
        %swap3A_1293 = arith.constant 96 : index
        %swap3A_1294 = tpu.vector_load %swap3A_1292[%swap3A_1293] {strides = array<i32>} : memref<128xi32, #tpu.memory_space<vmem>>, vector<16xi32>,
        tpu.vector_store %swap3A_1292[%swap3A_1293], %gather3A_1288 {strides = array<i32>} : memref<128xi32, #tpu.memory_space<vmem>>, vector<16xi32>,
        %add3A_1295 = arith.constant 112 : i32
        %add3A_1296 = vector.broadcast %add3A_1295 : i32 to vector<16xi32>
        %add3A_1297 = arith.addi %iota3A, %add3A_1296 : vector<16xi32>
        %mul3A_1298 = arith.constant 50 : i32
        %mul3A_1299 = vector.broadcast %mul3A_1298 : i32 to vector<16xi32>
        %mul3A_1300 = arith.muli %add3A_1297, %mul3A_1299 : vector<16xi32>
        %add3A_1301 = vector.broadcast %add3A_1189 : i32 to vector<16xi32>
        %add3A_1302 = arith.addi %mul3A_1300, %add3A_1301 : vector<16xi32>
        %gather3A_1303 = tpu.vector_load_idx %arg5[%add3A_1302] : memref<25600xi32, #tpu.memory_space<vmem>>[vector<16xi32>], vector<16xi32>,
        %swap3A_1304 = arith.constant 3 : i32
        %swap3A_1305 = arith.constant 0 : i32
        %swap3A_1306 = tpu.memref_slice %arg6[%swap3A_1304, %swap3A_1305] : memref<4x128xi32, #tpu.memory_space<vmem>> -> memref<1x128xi32, #tpu.memory_space<vmem>>
        %swap3A_1307 = tpu.memref_squeeze %swap3A_1306 : memref<1x128xi32, #tpu.memory_space<vmem>> -> memref<128xi32, #tpu.memory_space<vmem>>
        %swap3A_1308 = arith.constant 112 : index
        %swap3A_1309 = tpu.vector_load %swap3A_1307[%swap3A_1308] {strides = array<i32>} : memref<128xi32, #tpu.memory_space<vmem>>, vector<16xi32>,
        tpu.vector_store %swap3A_1307[%swap3A_1308], %gather3A_1303 {strides = array<i32>} : memref<128xi32, #tpu.memory_space<vmem>>, vector<16xi32>,
        %add3A_1310 = arith.constant 3 : i32
        %add3A_1311 = arith.addi %add3A_745, %add3A_1310 : i32
        %dma_start3A_1312 = arith.constant 3 : i32
        %dma_start3A_1313 = arith.constant 3 : i32
        %dma_start3A_1314 = arith.constant 0 : i32
        %dma_start3A_1315 = arith.constant 0 : i32
        %dma_start3A_1316 = tpu.memref_slice %arg7[%dma_start3A_1313, %dma_start3A_1314, %dma_start3A_1315] : memref<4x128x64xf32, #tpu.memory_space<vmem>> -> memref<1x128x64xf32, #tpu.memory_space<vmem>>
        %dma_start3A_1317 = tpu.memref_squeeze %dma_start3A_1316 : memref<1x128x64xf32, #tpu.memory_space<vmem>> -> memref<128x64xf32, #tpu.memory_space<vmem>>
        %dma_start3A_1318 = arith.constant 0 : i32
        %dma_start3A_1319 = tpu.memref_slice %arg6[%dma_start3A_1312, %dma_start3A_1318] : memref<4x128xi32, #tpu.memory_space<vmem>> -> memref<1x128xi32, #tpu.memory_space<vmem>>
        %dma_start3A_1320 = tpu.memref_squeeze %dma_start3A_1319 : memref<1x128xi32, #tpu.memory_space<vmem>> -> memref<128xi32, #tpu.memory_space<vmem>>
        %dma_start3A_1321 = arith.constant 0 : i32
        %dma_start3A_1322 = arith.constant 0 : i32
        %dma_start3A_1323 = tpu.memref_slice %arg3[%dma_start3A_1321, %dma_start3A_1322] : memref<1000000x64xf32, #tpu.memory_space<hbm>> -> memref<1000000x64xf32, #tpu.memory_space<hbm>>
        tpu.enqueue_indirect_dma source(%dma_start3A_1323 : memref<1000000x64xf32, #tpu.memory_space<hbm>>) target(%dma_start3A_1317 : memref<128x64xf32, #tpu.memory_space<vmem>>) offsets(%dma_start3A_1320 : memref<128xi32, #tpu.memory_space<vmem>>) semaphore(%arg12 : memref<!tpu.dma_semaphore, #tpu.memory_space<semaphore_mem>>)
      } else {
      }
      %ge3A = arith.constant 4 : i32
      %ge3A_751 = arith.cmpi sge, %add3A_745, %ge3A : i32
      %convert_element_type3A_752 = arith.extui %ge3A_751 : i1 to i32
      %cond3A_753 = arith.constant 0 : i32
      %cond3A_754 = arith.cmpi ne, %convert_element_type3A_752, %cond3A_753 : i32
      scf.if %cond3A_754 {
        %dma_wait3A_1145 = arith.constant 0 : i32
        %dma_wait3A_1146 = arith.constant 0 : i32
        %dma_wait3A_1147 = arith.constant 0 : i32
        %dma_wait3A_1148 = arith.constant 0 : i32
        %dma_wait3A_1149 = arith.constant 0 : i32
        %dma_wait3A_1150 = arith.constant 0 : i32
        %dma_wait3A_1151 = tpu.memref_slice %arg8[%dma_wait3A_1145, %dma_wait3A_1148, %dma_wait3A_1149, %dma_wait3A_1150] : memref<4x8x8x133xf32, #tpu.memory_space<vmem>> -> memref<1x8x8x128xf32, #tpu.memory_space<vmem>>
        %dma_wait3A_1152 = tpu.memref_squeeze %dma_wait3A_1151 : memref<1x8x8x128xf32, #tpu.memory_space<vmem>> -> memref<8x8x128xf32, #tpu.memory_space<vmem>>
        %dma_wait3A_1153 = arith.constant 0 : i32
        %dma_wait3A_1154 = arith.constant 0 : i32
        %dma_wait3A_1155 = arith.constant 0 : i32
        %dma_wait3A_1156 = tpu.memref_slice %arg4[%dma_wait3A_1146, %dma_wait3A_1153, %dma_wait3A_1147, %dma_wait3A_1154, %dma_wait3A_1155] : memref<50x8x128x8x128xf32, #tpu.memory_space<hbm>> -> memref<1x8x1x8x128xf32, #tpu.memory_space<hbm>>
        %dma_wait3A_1157 = tpu.memref_squeeze %dma_wait3A_1156 : memref<1x8x1x8x128xf32, #tpu.memory_space<hbm>> -> memref<8x8x128xf32, #tpu.memory_space<hbm>>
        %dma_wait3A_1158 = arith.constant 0 : i32
        %dma_wait3A_1159 = arith.constant 0 : i32
        %dma_wait3A_1160 = arith.constant 0 : i32
        %dma_wait3A_1161 = tpu.memref_slice %arg4[%dma_wait3A_1146, %dma_wait3A_1158, %dma_wait3A_1147, %dma_wait3A_1159, %dma_wait3A_1160] : memref<50x8x128x8x128xf32, #tpu.memory_space<hbm>> -> memref<1x8x1x8x128xf32, #tpu.memory_space<hbm>>
        %dma_wait3A_1162 = tpu.memref_squeeze %dma_wait3A_1161 : memref<1x8x1x8x128xf32, #tpu.memory_space<hbm>> -> memref<8x8x128xf32, #tpu.memory_space<hbm>>
        %dma_wait3A_1163 = arith.constant 0 : i32
        %dma_wait3A_1164 = arith.constant 0 : i32
        %dma_wait3A_1165 = arith.constant 0 : i32
        %dma_wait3A_1166 = tpu.memref_slice %arg8[%dma_wait3A_1145, %dma_wait3A_1163, %dma_wait3A_1164, %dma_wait3A_1165] : memref<4x8x8x133xf32, #tpu.memory_space<vmem>> -> memref<1x8x8x128xf32, #tpu.memory_space<vmem>>
        %dma_wait3A_1167 = tpu.memref_squeeze %dma_wait3A_1166 : memref<1x8x8x128xf32, #tpu.memory_space<vmem>> -> memref<8x8x128xf32, #tpu.memory_space<vmem>>
        tpu.wait_dma2 semaphore(%arg13 : memref<!tpu.dma_semaphore, #tpu.memory_space<semaphore_mem>>) src(%dma_wait3A_1167 : memref<8x8x128xf32, #tpu.memory_space<vmem>>) dst(%dma_wait3A_1162 : memref<8x8x128xf32, #tpu.memory_space<hbm>>)
      } else {
      }
      %dma_wait3A_755 = arith.constant 0 : i32
      %dma_wait3A_756 = arith.constant 0 : i32
      %dma_wait3A_757 = arith.constant 0 : i32
      %dma_wait3A_758 = arith.constant 0 : i32
      %dma_wait3A_759 = tpu.memref_slice %arg7[%dma_wait3A_756, %dma_wait3A_757, %dma_wait3A_758] : memref<4x128x64xf32, #tpu.memory_space<vmem>> -> memref<1x128x64xf32, #tpu.memory_space<vmem>>
      %dma_wait3A_760 = tpu.memref_squeeze %dma_wait3A_759 : memref<1x128x64xf32, #tpu.memory_space<vmem>> -> memref<128x64xf32, #tpu.memory_space<vmem>>
      %dma_wait3A_761 = arith.constant 0 : i32
      %dma_wait3A_762 = tpu.memref_slice %arg6[%dma_wait3A_755, %dma_wait3A_761] : memref<4x128xi32, #tpu.memory_space<vmem>> -> memref<1x128xi32, #tpu.memory_space<vmem>>
      %dma_wait3A_763 = tpu.memref_squeeze %dma_wait3A_762 : memref<1x128xi32, #tpu.memory_space<vmem>> -> memref<128xi32, #tpu.memory_space<vmem>>
      %dma_wait3A_764 = arith.constant 0 : i32
      %dma_wait3A_765 = arith.constant 0 : i32
      %dma_wait3A_766 = tpu.memref_slice %arg3[%dma_wait3A_764, %dma_wait3A_765] : memref<1000000x64xf32, #tpu.memory_space<hbm>> -> memref<1000000x64xf32, #tpu.memory_space<hbm>>
      tpu.wait_indirect_dma semaphore(%arg9 : memref<!tpu.dma_semaphore, #tpu.memory_space<semaphore_mem>>) src(%dma_wait3A_766 : memref<1000000x64xf32, #tpu.memory_space<hbm>>) dst(%dma_wait3A_760 : memref<128x64xf32, #tpu.memory_space<vmem>>)
      %mul3A_767 = arith.constant 0 : i32
      %mul3A_768 = vector.broadcast %mul3A_767 : i32 to vector<16xi32>
      %mul3A_769 = arith.muli %iota3A, %mul3A_768 : vector<16xi32>
      %scan3A_770 = arith.constant 0 : i32
      %scan3A_771 = arith.constant 0 : i32
      %scan3A_772 = arith.constant 0 : i32
      %scan3A_773 = arith.constant 16 : i32
      %scan3A_774 = arith.addi %scan3A_772, %scan3A_773 : i32
      %scan3A_775 = arith.constant 1 : i32
      %scan3A_776 = scf.for %scan3A_1145 = %scan3A_772 to %scan3A_774 step %scan3A_775 iter_args(%scan3A_1146 = %mul3A_769) -> (vector<16xi32>)  : i32 {
        %mul3A_1147 = arith.constant 8 : i32
        %mul3A_1148 = arith.muli %scan3A_1145, %mul3A_1147 : i32
        %add3A_1149 = arith.constant 0 : i32
        %add3A_1150 = arith.addi %add3A_1149, %mul3A_1148 : i32
        %get3A = arith.constant 0 : i32
        %get3A_1151 = arith.constant 0 : i32
        %get3A_1152 = tpu.memref_slice %arg7[%scan3A_770, %get3A, %get3A_1151] : memref<4x128x64xf32, #tpu.memory_space<vmem>> -> memref<1x128x64xf32, #tpu.memory_space<vmem>>
        %get3A_1153 = tpu.memref_squeeze %get3A_1152 : memref<1x128x64xf32, #tpu.memory_space<vmem>> -> memref<128x64xf32, #tpu.memory_space<vmem>>
        %get3A_1154 = arith.constant 0 : i32
        %get3A_1155 = tpu.memref_slice %get3A_1153[%add3A_1150, %get3A_1154] : memref<128x64xf32, #tpu.memory_space<vmem>> -> memref<1x64xf32, #tpu.memory_space<vmem>>
        %get3A_1156 = tpu.memref_squeeze %get3A_1155 : memref<1x64xf32, #tpu.memory_space<vmem>> -> memref<64xf32, #tpu.memory_space<vmem>>
        %get3A_1157 = arith.constant 0 : index
        %get3A_1158 = tpu.vector_load %get3A_1156[%get3A_1157] {strides = array<i32>} : memref<64xf32, #tpu.memory_space<vmem>>, vector<16xf32>,
        %get3A_1159 = arith.constant 0 : i32
        %get3A_1160 = arith.constant 0 : i32
        %get3A_1161 = tpu.memref_slice %arg7[%scan3A_770, %get3A_1159, %get3A_1160] : memref<4x128x64xf32, #tpu.memory_space<vmem>> -> memref<1x128x64xf32, #tpu.memory_space<vmem>>
        %get3A_1162 = tpu.memref_squeeze %get3A_1161 : memref<1x128x64xf32, #tpu.memory_space<vmem>> -> memref<128x64xf32, #tpu.memory_space<vmem>>
        %get3A_1163 = arith.constant 0 : i32
        %get3A_1164 = tpu.memref_slice %get3A_1162[%add3A_1150, %get3A_1163] : memref<128x64xf32, #tpu.memory_space<vmem>> -> memref<1x64xf32, #tpu.memory_space<vmem>>
        %get3A_1165 = tpu.memref_squeeze %get3A_1164 : memref<1x64xf32, #tpu.memory_space<vmem>> -> memref<64xf32, #tpu.memory_space<vmem>>
        %get3A_1166 = arith.constant 16 : index
        %get3A_1167 = tpu.vector_load %get3A_1165[%get3A_1166] {strides = array<i32>} : memref<64xf32, #tpu.memory_space<vmem>>, vector<16xf32>,
        %get3A_1168 = arith.constant 0 : i32
        %get3A_1169 = arith.constant 0 : i32
        %get3A_1170 = tpu.memref_slice %arg7[%scan3A_770, %get3A_1168, %get3A_1169] : memref<4x128x64xf32, #tpu.memory_space<vmem>> -> memref<1x128x64xf32, #tpu.memory_space<vmem>>
        %get3A_1171 = tpu.memref_squeeze %get3A_1170 : memref<1x128x64xf32, #tpu.memory_space<vmem>> -> memref<128x64xf32, #tpu.memory_space<vmem>>
        %get3A_1172 = arith.constant 0 : i32
        %get3A_1173 = tpu.memref_slice %get3A_1171[%add3A_1150, %get3A_1172] : memref<128x64xf32, #tpu.memory_space<vmem>> -> memref<1x64xf32, #tpu.memory_space<vmem>>
        %get3A_1174 = tpu.memref_squeeze %get3A_1173 : memref<1x64xf32, #tpu.memory_space<vmem>> -> memref<64xf32, #tpu.memory_space<vmem>>
        %get3A_1175 = arith.constant 32 : index
        %get3A_1176 = tpu.vector_load %get3A_1174[%get3A_1175] {strides = array<i32>} : memref<64xf32, #tpu.memory_space<vmem>>, vector<16xf32>,
        %get3A_1177 = arith.constant 0 : i32
        %get3A_1178 = arith.constant 0 : i32
        %get3A_1179 = tpu.memref_slice %arg7[%scan3A_770, %get3A_1177, %get3A_1178] : memref<4x128x64xf32, #tpu.memory_space<vmem>> -> memref<1x128x64xf32, #tpu.memory_space<vmem>>
        %get3A_1180 = tpu.memref_squeeze %get3A_1179 : memref<1x128x64xf32, #tpu.memory_space<vmem>> -> memref<128x64xf32, #tpu.memory_space<vmem>>
        %get3A_1181 = arith.constant 0 : i32
        %get3A_1182 = tpu.memref_slice %get3A_1180[%add3A_1150, %get3A_1181] : memref<128x64xf32, #tpu.memory_space<vmem>> -> memref<1x64xf32, #tpu.memory_space<vmem>>
        %get3A_1183 = tpu.memref_squeeze %get3A_1182 : memref<1x64xf32, #tpu.memory_space<vmem>> -> memref<64xf32, #tpu.memory_space<vmem>>
        %get3A_1184 = arith.constant 48 : index
        %get3A_1185 = tpu.vector_load %get3A_1183[%get3A_1184] {strides = array<i32>} : memref<64xf32, #tpu.memory_space<vmem>>, vector<16xf32>,
        %add3A_1186 = arith.constant 1 : i32
        %add3A_1187 = arith.addi %add3A_1150, %add3A_1186 : i32
        %get3A_1188 = arith.constant 0 : i32
        %get3A_1189 = arith.constant 0 : i32
        %get3A_1190 = tpu.memref_slice %arg7[%scan3A_770, %get3A_1188, %get3A_1189] : memref<4x128x64xf32, #tpu.memory_space<vmem>> -> memref<1x128x64xf32, #tpu.memory_space<vmem>>
        %get3A_1191 = tpu.memref_squeeze %get3A_1190 : memref<1x128x64xf32, #tpu.memory_space<vmem>> -> memref<128x64xf32, #tpu.memory_space<vmem>>
        %get3A_1192 = arith.constant 0 : i32
        %get3A_1193 = tpu.memref_slice %get3A_1191[%add3A_1187, %get3A_1192] : memref<128x64xf32, #tpu.memory_space<vmem>> -> memref<1x64xf32, #tpu.memory_space<vmem>>
        %get3A_1194 = tpu.memref_squeeze %get3A_1193 : memref<1x64xf32, #tpu.memory_space<vmem>> -> memref<64xf32, #tpu.memory_space<vmem>>
        %get3A_1195 = arith.constant 0 : index
        %get3A_1196 = tpu.vector_load %get3A_1194[%get3A_1195] {strides = array<i32>} : memref<64xf32, #tpu.memory_space<vmem>>, vector<16xf32>,
        %get3A_1197 = arith.constant 0 : i32
        %get3A_1198 = arith.constant 0 : i32
        %get3A_1199 = tpu.memref_slice %arg7[%scan3A_770, %get3A_1197, %get3A_1198] : memref<4x128x64xf32, #tpu.memory_space<vmem>> -> memref<1x128x64xf32, #tpu.memory_space<vmem>>
        %get3A_1200 = tpu.memref_squeeze %get3A_1199 : memref<1x128x64xf32, #tpu.memory_space<vmem>> -> memref<128x64xf32, #tpu.memory_space<vmem>>
        %get3A_1201 = arith.constant 0 : i32
        %get3A_1202 = tpu.memref_slice %get3A_1200[%add3A_1187, %get3A_1201] : memref<128x64xf32, #tpu.memory_space<vmem>> -> memref<1x64xf32, #tpu.memory_space<vmem>>
        %get3A_1203 = tpu.memref_squeeze %get3A_1202 : memref<1x64xf32, #tpu.memory_space<vmem>> -> memref<64xf32, #tpu.memory_space<vmem>>
        %get3A_1204 = arith.constant 16 : index
        %get3A_1205 = tpu.vector_load %get3A_1203[%get3A_1204] {strides = array<i32>} : memref<64xf32, #tpu.memory_space<vmem>>, vector<16xf32>,
        %get3A_1206 = arith.constant 0 : i32
        %get3A_1207 = arith.constant 0 : i32
        %get3A_1208 = tpu.memref_slice %arg7[%scan3A_770, %get3A_1206, %get3A_1207] : memref<4x128x64xf32, #tpu.memory_space<vmem>> -> memref<1x128x64xf32, #tpu.memory_space<vmem>>
        %get3A_1209 = tpu.memref_squeeze %get3A_1208 : memref<1x128x64xf32, #tpu.memory_space<vmem>> -> memref<128x64xf32, #tpu.memory_space<vmem>>
        %get3A_1210 = arith.constant 0 : i32
        %get3A_1211 = tpu.memref_slice %get3A_1209[%add3A_1187, %get3A_1210] : memref<128x64xf32, #tpu.memory_space<vmem>> -> memref<1x64xf32, #tpu.memory_space<vmem>>
        %get3A_1212 = tpu.memref_squeeze %get3A_1211 : memref<1x64xf32, #tpu.memory_space<vmem>> -> memref<64xf32, #tpu.memory_space<vmem>>
        %get3A_1213 = arith.constant 32 : index
        %get3A_1214 = tpu.vector_load %get3A_1212[%get3A_1213] {strides = array<i32>} : memref<64xf32, #tpu.memory_space<vmem>>, vector<16xf32>,
        %get3A_1215 = arith.constant 0 : i32
        %get3A_1216 = arith.constant 0 : i32
        %get3A_1217 = tpu.memref_slice %arg7[%scan3A_770, %get3A_1215, %get3A_1216] : memref<4x128x64xf32, #tpu.memory_space<vmem>> -> memref<1x128x64xf32, #tpu.memory_space<vmem>>
        %get3A_1218 = tpu.memref_squeeze %get3A_1217 : memref<1x128x64xf32, #tpu.memory_space<vmem>> -> memref<128x64xf32, #tpu.memory_space<vmem>>
        %get3A_1219 = arith.constant 0 : i32
        %get3A_1220 = tpu.memref_slice %get3A_1218[%add3A_1187, %get3A_1219] : memref<128x64xf32, #tpu.memory_space<vmem>> -> memref<1x64xf32, #tpu.memory_space<vmem>>
        %get3A_1221 = tpu.memref_squeeze %get3A_1220 : memref<1x64xf32, #tpu.memory_space<vmem>> -> memref<64xf32, #tpu.memory_space<vmem>>
        %get3A_1222 = arith.constant 48 : index
        %get3A_1223 = tpu.vector_load %get3A_1221[%get3A_1222] {strides = array<i32>} : memref<64xf32, #tpu.memory_space<vmem>>, vector<16xf32>,
        %add3A_1224 = arith.constant 0 : i32
        %add3A_1225 = vector.broadcast %add3A_1224 : i32 to vector<16xi32>
        %add3A_1226 = arith.addi %scan3A_1146, %add3A_1225 : vector<16xi32>
        %scatter3A = arith.constant 0 : i32
        %scatter3A_1227 = arith.constant 0 : i32
        %scatter3A_1228 = arith.constant 0 : i32
        %scatter3A_1229 = tpu.memref_slice %arg8[%scan3A_771, %scatter3A, %scatter3A_1227, %scatter3A_1228] : memref<4x8x8x133xf32, #tpu.memory_space<vmem>> -> memref<1x8x8x133xf32, #tpu.memory_space<vmem>>
        %scatter3A_1230 = tpu.memref_squeeze %scatter3A_1229 : memref<1x8x8x133xf32, #tpu.memory_space<vmem>> -> memref<8x8x133xf32, #tpu.memory_space<vmem>>
        tpu.vector_store_idx %scatter3A_1230[%select_n3A, %select_n3A_151, %add3A_1226], %get3A_1158 : memref<8x8x133xf32, #tpu.memory_space<vmem>>[vector<16xi32>, vector<16xi32>, vector<16xi32>], vector<16xf32>,
        %scatter3A_1231 = arith.constant 0 : i32
        %scatter3A_1232 = arith.constant 0 : i32
        %scatter3A_1233 = arith.constant 0 : i32
        %scatter3A_1234 = tpu.memref_slice %arg8[%scan3A_771, %scatter3A_1231, %scatter3A_1232, %scatter3A_1233] : memref<4x8x8x133xf32, #tpu.memory_space<vmem>> -> memref<1x8x8x133xf32, #tpu.memory_space<vmem>>
        %scatter3A_1235 = tpu.memref_squeeze %scatter3A_1234 : memref<1x8x8x133xf32, #tpu.memory_space<vmem>> -> memref<8x8x133xf32, #tpu.memory_space<vmem>>
        tpu.vector_store_idx %scatter3A_1235[%select_n3A_60, %select_n3A_176, %add3A_1226], %get3A_1167 : memref<8x8x133xf32, #tpu.memory_space<vmem>>[vector<16xi32>, vector<16xi32>, vector<16xi32>], vector<16xf32>,
        %scatter3A_1236 = arith.constant 0 : i32
        %scatter3A_1237 = arith.constant 0 : i32
        %scatter3A_1238 = arith.constant 0 : i32
        %scatter3A_1239 = tpu.memref_slice %arg8[%scan3A_771, %scatter3A_1236, %scatter3A_1237, %scatter3A_1238] : memref<4x8x8x133xf32, #tpu.memory_space<vmem>> -> memref<1x8x8x133xf32, #tpu.memory_space<vmem>>
        %scatter3A_1240 = tpu.memref_squeeze %scatter3A_1239 : memref<1x8x8x133xf32, #tpu.memory_space<vmem>> -> memref<8x8x133xf32, #tpu.memory_space<vmem>>
        tpu.vector_store_idx %scatter3A_1240[%select_n3A_94, %select_n3A_201, %add3A_1226], %get3A_1176 : memref<8x8x133xf32, #tpu.memory_space<vmem>>[vector<16xi32>, vector<16xi32>, vector<16xi32>], vector<16xf32>,
        %scatter3A_1241 = arith.constant 0 : i32
        %scatter3A_1242 = arith.constant 0 : i32
        %scatter3A_1243 = arith.constant 0 : i32
        %scatter3A_1244 = tpu.memref_slice %arg8[%scan3A_771, %scatter3A_1241, %scatter3A_1242, %scatter3A_1243] : memref<4x8x8x133xf32, #tpu.memory_space<vmem>> -> memref<1x8x8x133xf32, #tpu.memory_space<vmem>>
        %scatter3A_1245 = tpu.memref_squeeze %scatter3A_1244 : memref<1x8x8x133xf32, #tpu.memory_space<vmem>> -> memref<8x8x133xf32, #tpu.memory_space<vmem>>
        tpu.vector_store_idx %scatter3A_1245[%select_n3A_128, %select_n3A_226, %add3A_1226], %get3A_1185 : memref<8x8x133xf32, #tpu.memory_space<vmem>>[vector<16xi32>, vector<16xi32>, vector<16xi32>], vector<16xf32>,
        %add3A_1246 = arith.constant 2 : i32
        %add3A_1247 = arith.addi %add3A_1150, %add3A_1246 : i32
        %get3A_1248 = arith.constant 0 : i32
        %get3A_1249 = arith.constant 0 : i32
        %get3A_1250 = tpu.memref_slice %arg7[%scan3A_770, %get3A_1248, %get3A_1249] : memref<4x128x64xf32, #tpu.memory_space<vmem>> -> memref<1x128x64xf32, #tpu.memory_space<vmem>>
        %get3A_1251 = tpu.memref_squeeze %get3A_1250 : memref<1x128x64xf32, #tpu.memory_space<vmem>> -> memref<128x64xf32, #tpu.memory_space<vmem>>
        %get3A_1252 = arith.constant 0 : i32
        %get3A_1253 = tpu.memref_slice %get3A_1251[%add3A_1247, %get3A_1252] : memref<128x64xf32, #tpu.memory_space<vmem>> -> memref<1x64xf32, #tpu.memory_space<vmem>>
        %get3A_1254 = tpu.memref_squeeze %get3A_1253 : memref<1x64xf32, #tpu.memory_space<vmem>> -> memref<64xf32, #tpu.memory_space<vmem>>
        %get3A_1255 = arith.constant 0 : index
        %get3A_1256 = tpu.vector_load %get3A_1254[%get3A_1255] {strides = array<i32>} : memref<64xf32, #tpu.memory_space<vmem>>, vector<16xf32>,
        %get3A_1257 = arith.constant 0 : i32
        %get3A_1258 = arith.constant 0 : i32
        %get3A_1259 = tpu.memref_slice %arg7[%scan3A_770, %get3A_1257, %get3A_1258] : memref<4x128x64xf32, #tpu.memory_space<vmem>> -> memref<1x128x64xf32, #tpu.memory_space<vmem>>
        %get3A_1260 = tpu.memref_squeeze %get3A_1259 : memref<1x128x64xf32, #tpu.memory_space<vmem>> -> memref<128x64xf32, #tpu.memory_space<vmem>>
        %get3A_1261 = arith.constant 0 : i32
        %get3A_1262 = tpu.memref_slice %get3A_1260[%add3A_1247, %get3A_1261] : memref<128x64xf32, #tpu.memory_space<vmem>> -> memref<1x64xf32, #tpu.memory_space<vmem>>
        %get3A_1263 = tpu.memref_squeeze %get3A_1262 : memref<1x64xf32, #tpu.memory_space<vmem>> -> memref<64xf32, #tpu.memory_space<vmem>>
        %get3A_1264 = arith.constant 16 : index
        %get3A_1265 = tpu.vector_load %get3A_1263[%get3A_1264] {strides = array<i32>} : memref<64xf32, #tpu.memory_space<vmem>>, vector<16xf32>,
        %get3A_1266 = arith.constant 0 : i32
        %get3A_1267 = arith.constant 0 : i32
        %get3A_1268 = tpu.memref_slice %arg7[%scan3A_770, %get3A_1266, %get3A_1267] : memref<4x128x64xf32, #tpu.memory_space<vmem>> -> memref<1x128x64xf32, #tpu.memory_space<vmem>>
        %get3A_1269 = tpu.memref_squeeze %get3A_1268 : memref<1x128x64xf32, #tpu.memory_space<vmem>> -> memref<128x64xf32, #tpu.memory_space<vmem>>
        %get3A_1270 = arith.constant 0 : i32
        %get3A_1271 = tpu.memref_slice %get3A_1269[%add3A_1247, %get3A_1270] : memref<128x64xf32, #tpu.memory_space<vmem>> -> memref<1x64xf32, #tpu.memory_space<vmem>>
        %get3A_1272 = tpu.memref_squeeze %get3A_1271 : memref<1x64xf32, #tpu.memory_space<vmem>> -> memref<64xf32, #tpu.memory_space<vmem>>
        %get3A_1273 = arith.constant 32 : index
        %get3A_1274 = tpu.vector_load %get3A_1272[%get3A_1273] {strides = array<i32>} : memref<64xf32, #tpu.memory_space<vmem>>, vector<16xf32>,
        %get3A_1275 = arith.constant 0 : i32
        %get3A_1276 = arith.constant 0 : i32
        %get3A_1277 = tpu.memref_slice %arg7[%scan3A_770, %get3A_1275, %get3A_1276] : memref<4x128x64xf32, #tpu.memory_space<vmem>> -> memref<1x128x64xf32, #tpu.memory_space<vmem>>
        %get3A_1278 = tpu.memref_squeeze %get3A_1277 : memref<1x128x64xf32, #tpu.memory_space<vmem>> -> memref<128x64xf32, #tpu.memory_space<vmem>>
        %get3A_1279 = arith.constant 0 : i32
        %get3A_1280 = tpu.memref_slice %get3A_1278[%add3A_1247, %get3A_1279] : memref<128x64xf32, #tpu.memory_space<vmem>> -> memref<1x64xf32, #tpu.memory_space<vmem>>
        %get3A_1281 = tpu.memref_squeeze %get3A_1280 : memref<1x64xf32, #tpu.memory_space<vmem>> -> memref<64xf32, #tpu.memory_space<vmem>>
        %get3A_1282 = arith.constant 48 : index
        %get3A_1283 = tpu.vector_load %get3A_1281[%get3A_1282] {strides = array<i32>} : memref<64xf32, #tpu.memory_space<vmem>>, vector<16xf32>,
        %add3A_1284 = arith.constant 1 : i32
        %add3A_1285 = vector.broadcast %add3A_1284 : i32 to vector<16xi32>
        %add3A_1286 = arith.addi %scan3A_1146, %add3A_1285 : vector<16xi32>
        %scatter3A_1287 = arith.constant 0 : i32
        %scatter3A_1288 = arith.constant 0 : i32
        %scatter3A_1289 = arith.constant 0 : i32
        %scatter3A_1290 = tpu.memref_slice %arg8[%scan3A_771, %scatter3A_1287, %scatter3A_1288, %scatter3A_1289] : memref<4x8x8x133xf32, #tpu.memory_space<vmem>> -> memref<1x8x8x133xf32, #tpu.memory_space<vmem>>
        %scatter3A_1291 = tpu.memref_squeeze %scatter3A_1290 : memref<1x8x8x133xf32, #tpu.memory_space<vmem>> -> memref<8x8x133xf32, #tpu.memory_space<vmem>>
        tpu.vector_store_idx %scatter3A_1291[%select_n3A, %select_n3A_151, %add3A_1286], %get3A_1196 : memref<8x8x133xf32, #tpu.memory_space<vmem>>[vector<16xi32>, vector<16xi32>, vector<16xi32>], vector<16xf32>,
        %scatter3A_1292 = arith.constant 0 : i32
        %scatter3A_1293 = arith.constant 0 : i32
        %scatter3A_1294 = arith.constant 0 : i32
        %scatter3A_1295 = tpu.memref_slice %arg8[%scan3A_771, %scatter3A_1292, %scatter3A_1293, %scatter3A_1294] : memref<4x8x8x133xf32, #tpu.memory_space<vmem>> -> memref<1x8x8x133xf32, #tpu.memory_space<vmem>>
        %scatter3A_1296 = tpu.memref_squeeze %scatter3A_1295 : memref<1x8x8x133xf32, #tpu.memory_space<vmem>> -> memref<8x8x133xf32, #tpu.memory_space<vmem>>
        tpu.vector_store_idx %scatter3A_1296[%select_n3A_60, %select_n3A_176, %add3A_1286], %get3A_1205 : memref<8x8x133xf32, #tpu.memory_space<vmem>>[vector<16xi32>, vector<16xi32>, vector<16xi32>], vector<16xf32>,
        %scatter3A_1297 = arith.constant 0 : i32
        %scatter3A_1298 = arith.constant 0 : i32
        %scatter3A_1299 = arith.constant 0 : i32
        %scatter3A_1300 = tpu.memref_slice %arg8[%scan3A_771, %scatter3A_1297, %scatter3A_1298, %scatter3A_1299] : memref<4x8x8x133xf32, #tpu.memory_space<vmem>> -> memref<1x8x8x133xf32, #tpu.memory_space<vmem>>
        %scatter3A_1301 = tpu.memref_squeeze %scatter3A_1300 : memref<1x8x8x133xf32, #tpu.memory_space<vmem>> -> memref<8x8x133xf32, #tpu.memory_space<vmem>>
        tpu.vector_store_idx %scatter3A_1301[%select_n3A_94, %select_n3A_201, %add3A_1286], %get3A_1214 : memref<8x8x133xf32, #tpu.memory_space<vmem>>[vector<16xi32>, vector<16xi32>, vector<16xi32>], vector<16xf32>,
        %scatter3A_1302 = arith.constant 0 : i32
        %scatter3A_1303 = arith.constant 0 : i32
        %scatter3A_1304 = arith.constant 0 : i32
        %scatter3A_1305 = tpu.memref_slice %arg8[%scan3A_771, %scatter3A_1302, %scatter3A_1303, %scatter3A_1304] : memref<4x8x8x133xf32, #tpu.memory_space<vmem>> -> memref<1x8x8x133xf32, #tpu.memory_space<vmem>>
        %scatter3A_1306 = tpu.memref_squeeze %scatter3A_1305 : memref<1x8x8x133xf32, #tpu.memory_space<vmem>> -> memref<8x8x133xf32, #tpu.memory_space<vmem>>
        tpu.vector_store_idx %scatter3A_1306[%select_n3A_128, %select_n3A_226, %add3A_1286], %get3A_1223 : memref<8x8x133xf32, #tpu.memory_space<vmem>>[vector<16xi32>, vector<16xi32>, vector<16xi32>], vector<16xf32>,
        %add3A_1307 = arith.constant 3 : i32
        %add3A_1308 = arith.addi %add3A_1150, %add3A_1307 : i32
        %get3A_1309 = arith.constant 0 : i32
        %get3A_1310 = arith.constant 0 : i32
        %get3A_1311 = tpu.memref_slice %arg7[%scan3A_770, %get3A_1309, %get3A_1310] : memref<4x128x64xf32, #tpu.memory_space<vmem>> -> memref<1x128x64xf32, #tpu.memory_space<vmem>>
        %get3A_1312 = tpu.memref_squeeze %get3A_1311 : memref<1x128x64xf32, #tpu.memory_space<vmem>> -> memref<128x64xf32, #tpu.memory_space<vmem>>
        %get3A_1313 = arith.constant 0 : i32
        %get3A_1314 = tpu.memref_slice %get3A_1312[%add3A_1308, %get3A_1313] : memref<128x64xf32, #tpu.memory_space<vmem>> -> memref<1x64xf32, #tpu.memory_space<vmem>>
        %get3A_1315 = tpu.memref_squeeze %get3A_1314 : memref<1x64xf32, #tpu.memory_space<vmem>> -> memref<64xf32, #tpu.memory_space<vmem>>
        %get3A_1316 = arith.constant 0 : index
        %get3A_1317 = tpu.vector_load %get3A_1315[%get3A_1316] {strides = array<i32>} : memref<64xf32, #tpu.memory_space<vmem>>, vector<16xf32>,
        %get3A_1318 = arith.constant 0 : i32
        %get3A_1319 = arith.constant 0 : i32
        %get3A_1320 = tpu.memref_slice %arg7[%scan3A_770, %get3A_1318, %get3A_1319] : memref<4x128x64xf32, #tpu.memory_space<vmem>> -> memref<1x128x64xf32, #tpu.memory_space<vmem>>
        %get3A_1321 = tpu.memref_squeeze %get3A_1320 : memref<1x128x64xf32, #tpu.memory_space<vmem>> -> memref<128x64xf32, #tpu.memory_space<vmem>>
        %get3A_1322 = arith.constant 0 : i32
        %get3A_1323 = tpu.memref_slice %get3A_1321[%add3A_1308, %get3A_1322] : memref<128x64xf32, #tpu.memory_space<vmem>> -> memref<1x64xf32, #tpu.memory_space<vmem>>
        %get3A_1324 = tpu.memref_squeeze %get3A_1323 : memref<1x64xf32, #tpu.memory_space<vmem>> -> memref<64xf32, #tpu.memory_space<vmem>>
        %get3A_1325 = arith.constant 16 : index
        %get3A_1326 = tpu.vector_load %get3A_1324[%get3A_1325] {strides = array<i32>} : memref<64xf32, #tpu.memory_space<vmem>>, vector<16xf32>,
        %get3A_1327 = arith.constant 0 : i32
        %get3A_1328 = arith.constant 0 : i32
        %get3A_1329 = tpu.memref_slice %arg7[%scan3A_770, %get3A_1327, %get3A_1328] : memref<4x128x64xf32, #tpu.memory_space<vmem>> -> memref<1x128x64xf32, #tpu.memory_space<vmem>>
        %get3A_1330 = tpu.memref_squeeze %get3A_1329 : memref<1x128x64xf32, #tpu.memory_space<vmem>> -> memref<128x64xf32, #tpu.memory_space<vmem>>
        %get3A_1331 = arith.constant 0 : i32
        %get3A_1332 = tpu.memref_slice %get3A_1330[%add3A_1308, %get3A_1331] : memref<128x64xf32, #tpu.memory_space<vmem>> -> memref<1x64xf32, #tpu.memory_space<vmem>>
        %get3A_1333 = tpu.memref_squeeze %get3A_1332 : memref<1x64xf32, #tpu.memory_space<vmem>> -> memref<64xf32, #tpu.memory_space<vmem>>
        %get3A_1334 = arith.constant 32 : index
        %get3A_1335 = tpu.vector_load %get3A_1333[%get3A_1334] {strides = array<i32>} : memref<64xf32, #tpu.memory_space<vmem>>, vector<16xf32>,
        %get3A_1336 = arith.constant 0 : i32
        %get3A_1337 = arith.constant 0 : i32
        %get3A_1338 = tpu.memref_slice %arg7[%scan3A_770, %get3A_1336, %get3A_1337] : memref<4x128x64xf32, #tpu.memory_space<vmem>> -> memref<1x128x64xf32, #tpu.memory_space<vmem>>
        %get3A_1339 = tpu.memref_squeeze %get3A_1338 : memref<1x128x64xf32, #tpu.memory_space<vmem>> -> memref<128x64xf32, #tpu.memory_space<vmem>>
        %get3A_1340 = arith.constant 0 : i32
        %get3A_1341 = tpu.memref_slice %get3A_1339[%add3A_1308, %get3A_1340] : memref<128x64xf32, #tpu.memory_space<vmem>> -> memref<1x64xf32, #tpu.memory_space<vmem>>
        %get3A_1342 = tpu.memref_squeeze %get3A_1341 : memref<1x64xf32, #tpu.memory_space<vmem>> -> memref<64xf32, #tpu.memory_space<vmem>>
        %get3A_1343 = arith.constant 48 : index
        %get3A_1344 = tpu.vector_load %get3A_1342[%get3A_1343] {strides = array<i32>} : memref<64xf32, #tpu.memory_space<vmem>>, vector<16xf32>,
        %add3A_1345 = arith.constant 2 : i32
        %add3A_1346 = vector.broadcast %add3A_1345 : i32 to vector<16xi32>
        %add3A_1347 = arith.addi %scan3A_1146, %add3A_1346 : vector<16xi32>
        %scatter3A_1348 = arith.constant 0 : i32
        %scatter3A_1349 = arith.constant 0 : i32
        %scatter3A_1350 = arith.constant 0 : i32
        %scatter3A_1351 = tpu.memref_slice %arg8[%scan3A_771, %scatter3A_1348, %scatter3A_1349, %scatter3A_1350] : memref<4x8x8x133xf32, #tpu.memory_space<vmem>> -> memref<1x8x8x133xf32, #tpu.memory_space<vmem>>
        %scatter3A_1352 = tpu.memref_squeeze %scatter3A_1351 : memref<1x8x8x133xf32, #tpu.memory_space<vmem>> -> memref<8x8x133xf32, #tpu.memory_space<vmem>>
        tpu.vector_store_idx %scatter3A_1352[%select_n3A, %select_n3A_151, %add3A_1347], %get3A_1256 : memref<8x8x133xf32, #tpu.memory_space<vmem>>[vector<16xi32>, vector<16xi32>, vector<16xi32>], vector<16xf32>,
        %scatter3A_1353 = arith.constant 0 : i32
        %scatter3A_1354 = arith.constant 0 : i32
        %scatter3A_1355 = arith.constant 0 : i32
        %scatter3A_1356 = tpu.memref_slice %arg8[%scan3A_771, %scatter3A_1353, %scatter3A_1354, %scatter3A_1355] : memref<4x8x8x133xf32, #tpu.memory_space<vmem>> -> memref<1x8x8x133xf32, #tpu.memory_space<vmem>>
        %scatter3A_1357 = tpu.memref_squeeze %scatter3A_1356 : memref<1x8x8x133xf32, #tpu.memory_space<vmem>> -> memref<8x8x133xf32, #tpu.memory_space<vmem>>
        tpu.vector_store_idx %scatter3A_1357[%select_n3A_60, %select_n3A_176, %add3A_1347], %get3A_1265 : memref<8x8x133xf32, #tpu.memory_space<vmem>>[vector<16xi32>, vector<16xi32>, vector<16xi32>], vector<16xf32>,
        %scatter3A_1358 = arith.constant 0 : i32
        %scatter3A_1359 = arith.constant 0 : i32
        %scatter3A_1360 = arith.constant 0 : i32
        %scatter3A_1361 = tpu.memref_slice %arg8[%scan3A_771, %scatter3A_1358, %scatter3A_1359, %scatter3A_1360] : memref<4x8x8x133xf32, #tpu.memory_space<vmem>> -> memref<1x8x8x133xf32, #tpu.memory_space<vmem>>
        %scatter3A_1362 = tpu.memref_squeeze %scatter3A_1361 : memref<1x8x8x133xf32, #tpu.memory_space<vmem>> -> memref<8x8x133xf32, #tpu.memory_space<vmem>>
        tpu.vector_store_idx %scatter3A_1362[%select_n3A_94, %select_n3A_201, %add3A_1347], %get3A_1274 : memref<8x8x133xf32, #tpu.memory_space<vmem>>[vector<16xi32>, vector<16xi32>, vector<16xi32>], vector<16xf32>,
        %scatter3A_1363 = arith.constant 0 : i32
        %scatter3A_1364 = arith.constant 0 : i32
        %scatter3A_1365 = arith.constant 0 : i32
        %scatter3A_1366 = tpu.memref_slice %arg8[%scan3A_771, %scatter3A_1363, %scatter3A_1364, %scatter3A_1365] : memref<4x8x8x133xf32, #tpu.memory_space<vmem>> -> memref<1x8x8x133xf32, #tpu.memory_space<vmem>>
        %scatter3A_1367 = tpu.memref_squeeze %scatter3A_1366 : memref<1x8x8x133xf32, #tpu.memory_space<vmem>> -> memref<8x8x133xf32, #tpu.memory_space<vmem>>
        tpu.vector_store_idx %scatter3A_1367[%select_n3A_128, %select_n3A_226, %add3A_1347], %get3A_1283 : memref<8x8x133xf32, #tpu.memory_space<vmem>>[vector<16xi32>, vector<16xi32>, vector<16xi32>], vector<16xf32>,
        %add3A_1368 = arith.constant 4 : i32
        %add3A_1369 = arith.addi %add3A_1150, %add3A_1368 : i32
        %get3A_1370 = arith.constant 0 : i32
        %get3A_1371 = arith.constant 0 : i32
        %get3A_1372 = tpu.memref_slice %arg7[%scan3A_770, %get3A_1370, %get3A_1371] : memref<4x128x64xf32, #tpu.memory_space<vmem>> -> memref<1x128x64xf32, #tpu.memory_space<vmem>>
        %get3A_1373 = tpu.memref_squeeze %get3A_1372 : memref<1x128x64xf32, #tpu.memory_space<vmem>> -> memref<128x64xf32, #tpu.memory_space<vmem>>
        %get3A_1374 = arith.constant 0 : i32
        %get3A_1375 = tpu.memref_slice %get3A_1373[%add3A_1369, %get3A_1374] : memref<128x64xf32, #tpu.memory_space<vmem>> -> memref<1x64xf32, #tpu.memory_space<vmem>>
        %get3A_1376 = tpu.memref_squeeze %get3A_1375 : memref<1x64xf32, #tpu.memory_space<vmem>> -> memref<64xf32, #tpu.memory_space<vmem>>
        %get3A_1377 = arith.constant 0 : index
        %get3A_1378 = tpu.vector_load %get3A_1376[%get3A_1377] {strides = array<i32>} : memref<64xf32, #tpu.memory_space<vmem>>, vector<16xf32>,
        %get3A_1379 = arith.constant 0 : i32
        %get3A_1380 = arith.constant 0 : i32
        %get3A_1381 = tpu.memref_slice %arg7[%scan3A_770, %get3A_1379, %get3A_1380] : memref<4x128x64xf32, #tpu.memory_space<vmem>> -> memref<1x128x64xf32, #tpu.memory_space<vmem>>
        %get3A_1382 = tpu.memref_squeeze %get3A_1381 : memref<1x128x64xf32, #tpu.memory_space<vmem>> -> memref<128x64xf32, #tpu.memory_space<vmem>>
        %get3A_1383 = arith.constant 0 : i32
        %get3A_1384 = tpu.memref_slice %get3A_1382[%add3A_1369, %get3A_1383] : memref<128x64xf32, #tpu.memory_space<vmem>> -> memref<1x64xf32, #tpu.memory_space<vmem>>
        %get3A_1385 = tpu.memref_squeeze %get3A_1384 : memref<1x64xf32, #tpu.memory_space<vmem>> -> memref<64xf32, #tpu.memory_space<vmem>>
        %get3A_1386 = arith.constant 16 : index
        %get3A_1387 = tpu.vector_load %get3A_1385[%get3A_1386] {strides = array<i32>} : memref<64xf32, #tpu.memory_space<vmem>>, vector<16xf32>,
        %get3A_1388 = arith.constant 0 : i32
        %get3A_1389 = arith.constant 0 : i32
        %get3A_1390 = tpu.memref_slice %arg7[%scan3A_770, %get3A_1388, %get3A_1389] : memref<4x128x64xf32, #tpu.memory_space<vmem>> -> memref<1x128x64xf32, #tpu.memory_space<vmem>>
        %get3A_1391 = tpu.memref_squeeze %get3A_1390 : memref<1x128x64xf32, #tpu.memory_space<vmem>> -> memref<128x64xf32, #tpu.memory_space<vmem>>
        %get3A_1392 = arith.constant 0 : i32
        %get3A_1393 = tpu.memref_slice %get3A_1391[%add3A_1369, %get3A_1392] : memref<128x64xf32, #tpu.memory_space<vmem>> -> memref<1x64xf32, #tpu.memory_space<vmem>>
        %get3A_1394 = tpu.memref_squeeze %get3A_1393 : memref<1x64xf32, #tpu.memory_space<vmem>> -> memref<64xf32, #tpu.memory_space<vmem>>
        %get3A_1395 = arith.constant 32 : index
        %get3A_1396 = tpu.vector_load %get3A_1394[%get3A_1395] {strides = array<i32>} : memref<64xf32, #tpu.memory_space<vmem>>, vector<16xf32>,
        %get3A_1397 = arith.constant 0 : i32
        %get3A_1398 = arith.constant 0 : i32
        %get3A_1399 = tpu.memref_slice %arg7[%scan3A_770, %get3A_1397, %get3A_1398] : memref<4x128x64xf32, #tpu.memory_space<vmem>> -> memref<1x128x64xf32, #tpu.memory_space<vmem>>
        %get3A_1400 = tpu.memref_squeeze %get3A_1399 : memref<1x128x64xf32, #tpu.memory_space<vmem>> -> memref<128x64xf32, #tpu.memory_space<vmem>>
        %get3A_1401 = arith.constant 0 : i32
        %get3A_1402 = tpu.memref_slice %get3A_1400[%add3A_1369, %get3A_1401] : memref<128x64xf32, #tpu.memory_space<vmem>> -> memref<1x64xf32, #tpu.memory_space<vmem>>
        %get3A_1403 = tpu.memref_squeeze %get3A_1402 : memref<1x64xf32, #tpu.memory_space<vmem>> -> memref<64xf32, #tpu.memory_space<vmem>>
        %get3A_1404 = arith.constant 48 : index
        %get3A_1405 = tpu.vector_load %get3A_1403[%get3A_1404] {strides = array<i32>} : memref<64xf32, #tpu.memory_space<vmem>>, vector<16xf32>,
        %add3A_1406 = arith.constant 3 : i32
        %add3A_1407 = vector.broadcast %add3A_1406 : i32 to vector<16xi32>
        %add3A_1408 = arith.addi %scan3A_1146, %add3A_1407 : vector<16xi32>
        %scatter3A_1409 = arith.constant 0 : i32
        %scatter3A_1410 = arith.constant 0 : i32
        %scatter3A_1411 = arith.constant 0 : i32
        %scatter3A_1412 = tpu.memref_slice %arg8[%scan3A_771, %scatter3A_1409, %scatter3A_1410, %scatter3A_1411] : memref<4x8x8x133xf32, #tpu.memory_space<vmem>> -> memref<1x8x8x133xf32, #tpu.memory_space<vmem>>
        %scatter3A_1413 = tpu.memref_squeeze %scatter3A_1412 : memref<1x8x8x133xf32, #tpu.memory_space<vmem>> -> memref<8x8x133xf32, #tpu.memory_space<vmem>>
        tpu.vector_store_idx %scatter3A_1413[%select_n3A, %select_n3A_151, %add3A_1408], %get3A_1317 : memref<8x8x133xf32, #tpu.memory_space<vmem>>[vector<16xi32>, vector<16xi32>, vector<16xi32>], vector<16xf32>,
        %scatter3A_1414 = arith.constant 0 : i32
        %scatter3A_1415 = arith.constant 0 : i32
        %scatter3A_1416 = arith.constant 0 : i32
        %scatter3A_1417 = tpu.memref_slice %arg8[%scan3A_771, %scatter3A_1414, %scatter3A_1415, %scatter3A_1416] : memref<4x8x8x133xf32, #tpu.memory_space<vmem>> -> memref<1x8x8x133xf32, #tpu.memory_space<vmem>>
        %scatter3A_1418 = tpu.memref_squeeze %scatter3A_1417 : memref<1x8x8x133xf32, #tpu.memory_space<vmem>> -> memref<8x8x133xf32, #tpu.memory_space<vmem>>
        tpu.vector_store_idx %scatter3A_1418[%select_n3A_60, %select_n3A_176, %add3A_1408], %get3A_1326 : memref<8x8x133xf32, #tpu.memory_space<vmem>>[vector<16xi32>, vector<16xi32>, vector<16xi32>], vector<16xf32>,
        %scatter3A_1419 = arith.constant 0 : i32
        %scatter3A_1420 = arith.constant 0 : i32
        %scatter3A_1421 = arith.constant 0 : i32
        %scatter3A_1422 = tpu.memref_slice %arg8[%scan3A_771, %scatter3A_1419, %scatter3A_1420, %scatter3A_1421] : memref<4x8x8x133xf32, #tpu.memory_space<vmem>> -> memref<1x8x8x133xf32, #tpu.memory_space<vmem>>
        %scatter3A_1423 = tpu.memref_squeeze %scatter3A_1422 : memref<1x8x8x133xf32, #tpu.memory_space<vmem>> -> memref<8x8x133xf32, #tpu.memory_space<vmem>>
        tpu.vector_store_idx %scatter3A_1423[%select_n3A_94, %select_n3A_201, %add3A_1408], %get3A_1335 : memref<8x8x133xf32, #tpu.memory_space<vmem>>[vector<16xi32>, vector<16xi32>, vector<16xi32>], vector<16xf32>,
        %scatter3A_1424 = arith.constant 0 : i32
        %scatter3A_1425 = arith.constant 0 : i32
        %scatter3A_1426 = arith.constant 0 : i32
        %scatter3A_1427 = tpu.memref_slice %arg8[%scan3A_771, %scatter3A_1424, %scatter3A_1425, %scatter3A_1426] : memref<4x8x8x133xf32, #tpu.memory_space<vmem>> -> memref<1x8x8x133xf32, #tpu.memory_space<vmem>>
        %scatter3A_1428 = tpu.memref_squeeze %scatter3A_1427 : memref<1x8x8x133xf32, #tpu.memory_space<vmem>> -> memref<8x8x133xf32, #tpu.memory_space<vmem>>
        tpu.vector_store_idx %scatter3A_1428[%select_n3A_128, %select_n3A_226, %add3A_1408], %get3A_1344 : memref<8x8x133xf32, #tpu.memory_space<vmem>>[vector<16xi32>, vector<16xi32>, vector<16xi32>], vector<16xf32>,
        %add3A_1429 = arith.constant 5 : i32
        %add3A_1430 = arith.addi %add3A_1150, %add3A_1429 : i32
        %get3A_1431 = arith.constant 0 : i32
        %get3A_1432 = arith.constant 0 : i32
        %get3A_1433 = tpu.memref_slice %arg7[%scan3A_770, %get3A_1431, %get3A_1432] : memref<4x128x64xf32, #tpu.memory_space<vmem>> -> memref<1x128x64xf32, #tpu.memory_space<vmem>>
        %get3A_1434 = tpu.memref_squeeze %get3A_1433 : memref<1x128x64xf32, #tpu.memory_space<vmem>> -> memref<128x64xf32, #tpu.memory_space<vmem>>
        %get3A_1435 = arith.constant 0 : i32
        %get3A_1436 = tpu.memref_slice %get3A_1434[%add3A_1430, %get3A_1435] : memref<128x64xf32, #tpu.memory_space<vmem>> -> memref<1x64xf32, #tpu.memory_space<vmem>>
        %get3A_1437 = tpu.memref_squeeze %get3A_1436 : memref<1x64xf32, #tpu.memory_space<vmem>> -> memref<64xf32, #tpu.memory_space<vmem>>
        %get3A_1438 = arith.constant 0 : index
        %get3A_1439 = tpu.vector_load %get3A_1437[%get3A_1438] {strides = array<i32>} : memref<64xf32, #tpu.memory_space<vmem>>, vector<16xf32>,
        %get3A_1440 = arith.constant 0 : i32
        %get3A_1441 = arith.constant 0 : i32
        %get3A_1442 = tpu.memref_slice %arg7[%scan3A_770, %get3A_1440, %get3A_1441] : memref<4x128x64xf32, #tpu.memory_space<vmem>> -> memref<1x128x64xf32, #tpu.memory_space<vmem>>
        %get3A_1443 = tpu.memref_squeeze %get3A_1442 : memref<1x128x64xf32, #tpu.memory_space<vmem>> -> memref<128x64xf32, #tpu.memory_space<vmem>>
        %get3A_1444 = arith.constant 0 : i32
        %get3A_1445 = tpu.memref_slice %get3A_1443[%add3A_1430, %get3A_1444] : memref<128x64xf32, #tpu.memory_space<vmem>> -> memref<1x64xf32, #tpu.memory_space<vmem>>
        %get3A_1446 = tpu.memref_squeeze %get3A_1445 : memref<1x64xf32, #tpu.memory_space<vmem>> -> memref<64xf32, #tpu.memory_space<vmem>>
        %get3A_1447 = arith.constant 16 : index
        %get3A_1448 = tpu.vector_load %get3A_1446[%get3A_1447] {strides = array<i32>} : memref<64xf32, #tpu.memory_space<vmem>>, vector<16xf32>,
        %get3A_1449 = arith.constant 0 : i32
        %get3A_1450 = arith.constant 0 : i32
        %get3A_1451 = tpu.memref_slice %arg7[%scan3A_770, %get3A_1449, %get3A_1450] : memref<4x128x64xf32, #tpu.memory_space<vmem>> -> memref<1x128x64xf32, #tpu.memory_space<vmem>>
        %get3A_1452 = tpu.memref_squeeze %get3A_1451 : memref<1x128x64xf32, #tpu.memory_space<vmem>> -> memref<128x64xf32, #tpu.memory_space<vmem>>
        %get3A_1453 = arith.constant 0 : i32
        %get3A_1454 = tpu.memref_slice %get3A_1452[%add3A_1430, %get3A_1453] : memref<128x64xf32, #tpu.memory_space<vmem>> -> memref<1x64xf32, #tpu.memory_space<vmem>>
        %get3A_1455 = tpu.memref_squeeze %get3A_1454 : memref<1x64xf32, #tpu.memory_space<vmem>> -> memref<64xf32, #tpu.memory_space<vmem>>
        %get3A_1456 = arith.constant 32 : index
        %get3A_1457 = tpu.vector_load %get3A_1455[%get3A_1456] {strides = array<i32>} : memref<64xf32, #tpu.memory_space<vmem>>, vector<16xf32>,
        %get3A_1458 = arith.constant 0 : i32
        %get3A_1459 = arith.constant 0 : i32
        %get3A_1460 = tpu.memref_slice %arg7[%scan3A_770, %get3A_1458, %get3A_1459] : memref<4x128x64xf32, #tpu.memory_space<vmem>> -> memref<1x128x64xf32, #tpu.memory_space<vmem>>
        %get3A_1461 = tpu.memref_squeeze %get3A_1460 : memref<1x128x64xf32, #tpu.memory_space<vmem>> -> memref<128x64xf32, #tpu.memory_space<vmem>>
        %get3A_1462 = arith.constant 0 : i32
        %get3A_1463 = tpu.memref_slice %get3A_1461[%add3A_1430, %get3A_1462] : memref<128x64xf32, #tpu.memory_space<vmem>> -> memref<1x64xf32, #tpu.memory_space<vmem>>
        %get3A_1464 = tpu.memref_squeeze %get3A_1463 : memref<1x64xf32, #tpu.memory_space<vmem>> -> memref<64xf32, #tpu.memory_space<vmem>>
        %get3A_1465 = arith.constant 48 : index
        %get3A_1466 = tpu.vector_load %get3A_1464[%get3A_1465] {strides = array<i32>} : memref<64xf32, #tpu.memory_space<vmem>>, vector<16xf32>,
        %add3A_1467 = arith.constant 4 : i32
        %add3A_1468 = vector.broadcast %add3A_1467 : i32 to vector<16xi32>
        %add3A_1469 = arith.addi %scan3A_1146, %add3A_1468 : vector<16xi32>
        %scatter3A_1470 = arith.constant 0 : i32
        %scatter3A_1471 = arith.constant 0 : i32
        %scatter3A_1472 = arith.constant 0 : i32
        %scatter3A_1473 = tpu.memref_slice %arg8[%scan3A_771, %scatter3A_1470, %scatter3A_1471, %scatter3A_1472] : memref<4x8x8x133xf32, #tpu.memory_space<vmem>> -> memref<1x8x8x133xf32, #tpu.memory_space<vmem>>
        %scatter3A_1474 = tpu.memref_squeeze %scatter3A_1473 : memref<1x8x8x133xf32, #tpu.memory_space<vmem>> -> memref<8x8x133xf32, #tpu.memory_space<vmem>>
        tpu.vector_store_idx %scatter3A_1474[%select_n3A, %select_n3A_151, %add3A_1469], %get3A_1378 : memref<8x8x133xf32, #tpu.memory_space<vmem>>[vector<16xi32>, vector<16xi32>, vector<16xi32>], vector<16xf32>,
        %scatter3A_1475 = arith.constant 0 : i32
        %scatter3A_1476 = arith.constant 0 : i32
        %scatter3A_1477 = arith.constant 0 : i32
        %scatter3A_1478 = tpu.memref_slice %arg8[%scan3A_771, %scatter3A_1475, %scatter3A_1476, %scatter3A_1477] : memref<4x8x8x133xf32, #tpu.memory_space<vmem>> -> memref<1x8x8x133xf32, #tpu.memory_space<vmem>>
        %scatter3A_1479 = tpu.memref_squeeze %scatter3A_1478 : memref<1x8x8x133xf32, #tpu.memory_space<vmem>> -> memref<8x8x133xf32, #tpu.memory_space<vmem>>
        tpu.vector_store_idx %scatter3A_1479[%select_n3A_60, %select_n3A_176, %add3A_1469], %get3A_1387 : memref<8x8x133xf32, #tpu.memory_space<vmem>>[vector<16xi32>, vector<16xi32>, vector<16xi32>], vector<16xf32>,
        %scatter3A_1480 = arith.constant 0 : i32
        %scatter3A_1481 = arith.constant 0 : i32
        %scatter3A_1482 = arith.constant 0 : i32
        %scatter3A_1483 = tpu.memref_slice %arg8[%scan3A_771, %scatter3A_1480, %scatter3A_1481, %scatter3A_1482] : memref<4x8x8x133xf32, #tpu.memory_space<vmem>> -> memref<1x8x8x133xf32, #tpu.memory_space<vmem>>
        %scatter3A_1484 = tpu.memref_squeeze %scatter3A_1483 : memref<1x8x8x133xf32, #tpu.memory_space<vmem>> -> memref<8x8x133xf32, #tpu.memory_space<vmem>>
        tpu.vector_store_idx %scatter3A_1484[%select_n3A_94, %select_n3A_201, %add3A_1469], %get3A_1396 : memref<8x8x133xf32, #tpu.memory_space<vmem>>[vector<16xi32>, vector<16xi32>, vector<16xi32>], vector<16xf32>,
        %scatter3A_1485 = arith.constant 0 : i32
        %scatter3A_1486 = arith.constant 0 : i32
        %scatter3A_1487 = arith.constant 0 : i32
        %scatter3A_1488 = tpu.memref_slice %arg8[%scan3A_771, %scatter3A_1485, %scatter3A_1486, %scatter3A_1487] : memref<4x8x8x133xf32, #tpu.memory_space<vmem>> -> memref<1x8x8x133xf32, #tpu.memory_space<vmem>>
        %scatter3A_1489 = tpu.memref_squeeze %scatter3A_1488 : memref<1x8x8x133xf32, #tpu.memory_space<vmem>> -> memref<8x8x133xf32, #tpu.memory_space<vmem>>
        tpu.vector_store_idx %scatter3A_1489[%select_n3A_128, %select_n3A_226, %add3A_1469], %get3A_1405 : memref<8x8x133xf32, #tpu.memory_space<vmem>>[vector<16xi32>, vector<16xi32>, vector<16xi32>], vector<16xf32>,
        %add3A_1490 = arith.constant 6 : i32
        %add3A_1491 = arith.addi %add3A_1150, %add3A_1490 : i32
        %get3A_1492 = arith.constant 0 : i32
        %get3A_1493 = arith.constant 0 : i32
        %get3A_1494 = tpu.memref_slice %arg7[%scan3A_770, %get3A_1492, %get3A_1493] : memref<4x128x64xf32, #tpu.memory_space<vmem>> -> memref<1x128x64xf32, #tpu.memory_space<vmem>>
        %get3A_1495 = tpu.memref_squeeze %get3A_1494 : memref<1x128x64xf32, #tpu.memory_space<vmem>> -> memref<128x64xf32, #tpu.memory_space<vmem>>
        %get3A_1496 = arith.constant 0 : i32
        %get3A_1497 = tpu.memref_slice %get3A_1495[%add3A_1491, %get3A_1496] : memref<128x64xf32, #tpu.memory_space<vmem>> -> memref<1x64xf32, #tpu.memory_space<vmem>>
        %get3A_1498 = tpu.memref_squeeze %get3A_1497 : memref<1x64xf32, #tpu.memory_space<vmem>> -> memref<64xf32, #tpu.memory_space<vmem>>
        %get3A_1499 = arith.constant 0 : index
        %get3A_1500 = tpu.vector_load %get3A_1498[%get3A_1499] {strides = array<i32>} : memref<64xf32, #tpu.memory_space<vmem>>, vector<16xf32>,
        %get3A_1501 = arith.constant 0 : i32
        %get3A_1502 = arith.constant 0 : i32
        %get3A_1503 = tpu.memref_slice %arg7[%scan3A_770, %get3A_1501, %get3A_1502] : memref<4x128x64xf32, #tpu.memory_space<vmem>> -> memref<1x128x64xf32, #tpu.memory_space<vmem>>
        %get3A_1504 = tpu.memref_squeeze %get3A_1503 : memref<1x128x64xf32, #tpu.memory_space<vmem>> -> memref<128x64xf32, #tpu.memory_space<vmem>>
        %get3A_1505 = arith.constant 0 : i32
        %get3A_1506 = tpu.memref_slice %get3A_1504[%add3A_1491, %get3A_1505] : memref<128x64xf32, #tpu.memory_space<vmem>> -> memref<1x64xf32, #tpu.memory_space<vmem>>
        %get3A_1507 = tpu.memref_squeeze %get3A_1506 : memref<1x64xf32, #tpu.memory_space<vmem>> -> memref<64xf32, #tpu.memory_space<vmem>>
        %get3A_1508 = arith.constant 16 : index
        %get3A_1509 = tpu.vector_load %get3A_1507[%get3A_1508] {strides = array<i32>} : memref<64xf32, #tpu.memory_space<vmem>>, vector<16xf32>,
        %get3A_1510 = arith.constant 0 : i32
        %get3A_1511 = arith.constant 0 : i32
        %get3A_1512 = tpu.memref_slice %arg7[%scan3A_770, %get3A_1510, %get3A_1511] : memref<4x128x64xf32, #tpu.memory_space<vmem>> -> memref<1x128x64xf32, #tpu.memory_space<vmem>>
        %get3A_1513 = tpu.memref_squeeze %get3A_1512 : memref<1x128x64xf32, #tpu.memory_space<vmem>> -> memref<128x64xf32, #tpu.memory_space<vmem>>
        %get3A_1514 = arith.constant 0 : i32
        %get3A_1515 = tpu.memref_slice %get3A_1513[%add3A_1491, %get3A_1514] : memref<128x64xf32, #tpu.memory_space<vmem>> -> memref<1x64xf32, #tpu.memory_space<vmem>>
        %get3A_1516 = tpu.memref_squeeze %get3A_1515 : memref<1x64xf32, #tpu.memory_space<vmem>> -> memref<64xf32, #tpu.memory_space<vmem>>
        %get3A_1517 = arith.constant 32 : index
        %get3A_1518 = tpu.vector_load %get3A_1516[%get3A_1517] {strides = array<i32>} : memref<64xf32, #tpu.memory_space<vmem>>, vector<16xf32>,
        %get3A_1519 = arith.constant 0 : i32
        %get3A_1520 = arith.constant 0 : i32
        %get3A_1521 = tpu.memref_slice %arg7[%scan3A_770, %get3A_1519, %get3A_1520] : memref<4x128x64xf32, #tpu.memory_space<vmem>> -> memref<1x128x64xf32, #tpu.memory_space<vmem>>
        %get3A_1522 = tpu.memref_squeeze %get3A_1521 : memref<1x128x64xf32, #tpu.memory_space<vmem>> -> memref<128x64xf32, #tpu.memory_space<vmem>>
        %get3A_1523 = arith.constant 0 : i32
        %get3A_1524 = tpu.memref_slice %get3A_1522[%add3A_1491, %get3A_1523] : memref<128x64xf32, #tpu.memory_space<vmem>> -> memref<1x64xf32, #tpu.memory_space<vmem>>
        %get3A_1525 = tpu.memref_squeeze %get3A_1524 : memref<1x64xf32, #tpu.memory_space<vmem>> -> memref<64xf32, #tpu.memory_space<vmem>>
        %get3A_1526 = arith.constant 48 : index
        %get3A_1527 = tpu.vector_load %get3A_1525[%get3A_1526] {strides = array<i32>} : memref<64xf32, #tpu.memory_space<vmem>>, vector<16xf32>,
        %add3A_1528 = arith.constant 5 : i32
        %add3A_1529 = vector.broadcast %add3A_1528 : i32 to vector<16xi32>
        %add3A_1530 = arith.addi %scan3A_1146, %add3A_1529 : vector<16xi32>
        %scatter3A_1531 = arith.constant 0 : i32
        %scatter3A_1532 = arith.constant 0 : i32
        %scatter3A_1533 = arith.constant 0 : i32
        %scatter3A_1534 = tpu.memref_slice %arg8[%scan3A_771, %scatter3A_1531, %scatter3A_1532, %scatter3A_1533] : memref<4x8x8x133xf32, #tpu.memory_space<vmem>> -> memref<1x8x8x133xf32, #tpu.memory_space<vmem>>
        %scatter3A_1535 = tpu.memref_squeeze %scatter3A_1534 : memref<1x8x8x133xf32, #tpu.memory_space<vmem>> -> memref<8x8x133xf32, #tpu.memory_space<vmem>>
        tpu.vector_store_idx %scatter3A_1535[%select_n3A, %select_n3A_151, %add3A_1530], %get3A_1439 : memref<8x8x133xf32, #tpu.memory_space<vmem>>[vector<16xi32>, vector<16xi32>, vector<16xi32>], vector<16xf32>,
        %scatter3A_1536 = arith.constant 0 : i32
        %scatter3A_1537 = arith.constant 0 : i32
        %scatter3A_1538 = arith.constant 0 : i32
        %scatter3A_1539 = tpu.memref_slice %arg8[%scan3A_771, %scatter3A_1536, %scatter3A_1537, %scatter3A_1538] : memref<4x8x8x133xf32, #tpu.memory_space<vmem>> -> memref<1x8x8x133xf32, #tpu.memory_space<vmem>>
        %scatter3A_1540 = tpu.memref_squeeze %scatter3A_1539 : memref<1x8x8x133xf32, #tpu.memory_space<vmem>> -> memref<8x8x133xf32, #tpu.memory_space<vmem>>
        tpu.vector_store_idx %scatter3A_1540[%select_n3A_60, %select_n3A_176, %add3A_1530], %get3A_1448 : memref<8x8x133xf32, #tpu.memory_space<vmem>>[vector<16xi32>, vector<16xi32>, vector<16xi32>], vector<16xf32>,
        %scatter3A_1541 = arith.constant 0 : i32
        %scatter3A_1542 = arith.constant 0 : i32
        %scatter3A_1543 = arith.constant 0 : i32
        %scatter3A_1544 = tpu.memref_slice %arg8[%scan3A_771, %scatter3A_1541, %scatter3A_1542, %scatter3A_1543] : memref<4x8x8x133xf32, #tpu.memory_space<vmem>> -> memref<1x8x8x133xf32, #tpu.memory_space<vmem>>
        %scatter3A_1545 = tpu.memref_squeeze %scatter3A_1544 : memref<1x8x8x133xf32, #tpu.memory_space<vmem>> -> memref<8x8x133xf32, #tpu.memory_space<vmem>>
        tpu.vector_store_idx %scatter3A_1545[%select_n3A_94, %select_n3A_201, %add3A_1530], %get3A_1457 : memref<8x8x133xf32, #tpu.memory_space<vmem>>[vector<16xi32>, vector<16xi32>, vector<16xi32>], vector<16xf32>,
        %scatter3A_1546 = arith.constant 0 : i32
        %scatter3A_1547 = arith.constant 0 : i32
        %scatter3A_1548 = arith.constant 0 : i32
        %scatter3A_1549 = tpu.memref_slice %arg8[%scan3A_771, %scatter3A_1546, %scatter3A_1547, %scatter3A_1548] : memref<4x8x8x133xf32, #tpu.memory_space<vmem>> -> memref<1x8x8x133xf32, #tpu.memory_space<vmem>>
        %scatter3A_1550 = tpu.memref_squeeze %scatter3A_1549 : memref<1x8x8x133xf32, #tpu.memory_space<vmem>> -> memref<8x8x133xf32, #tpu.memory_space<vmem>>
        tpu.vector_store_idx %scatter3A_1550[%select_n3A_128, %select_n3A_226, %add3A_1530], %get3A_1466 : memref<8x8x133xf32, #tpu.memory_space<vmem>>[vector<16xi32>, vector<16xi32>, vector<16xi32>], vector<16xf32>,
        %add3A_1551 = arith.constant 7 : i32
        %add3A_1552 = arith.addi %add3A_1150, %add3A_1551 : i32
        %get3A_1553 = arith.constant 0 : i32
        %get3A_1554 = arith.constant 0 : i32
        %get3A_1555 = tpu.memref_slice %arg7[%scan3A_770, %get3A_1553, %get3A_1554] : memref<4x128x64xf32, #tpu.memory_space<vmem>> -> memref<1x128x64xf32, #tpu.memory_space<vmem>>
        %get3A_1556 = tpu.memref_squeeze %get3A_1555 : memref<1x128x64xf32, #tpu.memory_space<vmem>> -> memref<128x64xf32, #tpu.memory_space<vmem>>
        %get3A_1557 = arith.constant 0 : i32
        %get3A_1558 = tpu.memref_slice %get3A_1556[%add3A_1552, %get3A_1557] : memref<128x64xf32, #tpu.memory_space<vmem>> -> memref<1x64xf32, #tpu.memory_space<vmem>>
        %get3A_1559 = tpu.memref_squeeze %get3A_1558 : memref<1x64xf32, #tpu.memory_space<vmem>> -> memref<64xf32, #tpu.memory_space<vmem>>
        %get3A_1560 = arith.constant 0 : index
        %get3A_1561 = tpu.vector_load %get3A_1559[%get3A_1560] {strides = array<i32>} : memref<64xf32, #tpu.memory_space<vmem>>, vector<16xf32>,
        %get3A_1562 = arith.constant 0 : i32
        %get3A_1563 = arith.constant 0 : i32
        %get3A_1564 = tpu.memref_slice %arg7[%scan3A_770, %get3A_1562, %get3A_1563] : memref<4x128x64xf32, #tpu.memory_space<vmem>> -> memref<1x128x64xf32, #tpu.memory_space<vmem>>
        %get3A_1565 = tpu.memref_squeeze %get3A_1564 : memref<1x128x64xf32, #tpu.memory_space<vmem>> -> memref<128x64xf32, #tpu.memory_space<vmem>>
        %get3A_1566 = arith.constant 0 : i32
        %get3A_1567 = tpu.memref_slice %get3A_1565[%add3A_1552, %get3A_1566] : memref<128x64xf32, #tpu.memory_space<vmem>> -> memref<1x64xf32, #tpu.memory_space<vmem>>
        %get3A_1568 = tpu.memref_squeeze %get3A_1567 : memref<1x64xf32, #tpu.memory_space<vmem>> -> memref<64xf32, #tpu.memory_space<vmem>>
        %get3A_1569 = arith.constant 16 : index
        %get3A_1570 = tpu.vector_load %get3A_1568[%get3A_1569] {strides = array<i32>} : memref<64xf32, #tpu.memory_space<vmem>>, vector<16xf32>,
        %get3A_1571 = arith.constant 0 : i32
        %get3A_1572 = arith.constant 0 : i32
        %get3A_1573 = tpu.memref_slice %arg7[%scan3A_770, %get3A_1571, %get3A_1572] : memref<4x128x64xf32, #tpu.memory_space<vmem>> -> memref<1x128x64xf32, #tpu.memory_space<vmem>>
        %get3A_1574 = tpu.memref_squeeze %get3A_1573 : memref<1x128x64xf32, #tpu.memory_space<vmem>> -> memref<128x64xf32, #tpu.memory_space<vmem>>
        %get3A_1575 = arith.constant 0 : i32
        %get3A_1576 = tpu.memref_slice %get3A_1574[%add3A_1552, %get3A_1575] : memref<128x64xf32, #tpu.memory_space<vmem>> -> memref<1x64xf32, #tpu.memory_space<vmem>>
        %get3A_1577 = tpu.memref_squeeze %get3A_1576 : memref<1x64xf32, #tpu.memory_space<vmem>> -> memref<64xf32, #tpu.memory_space<vmem>>
        %get3A_1578 = arith.constant 32 : index
        %get3A_1579 = tpu.vector_load %get3A_1577[%get3A_1578] {strides = array<i32>} : memref<64xf32, #tpu.memory_space<vmem>>, vector<16xf32>,
        %get3A_1580 = arith.constant 0 : i32
        %get3A_1581 = arith.constant 0 : i32
        %get3A_1582 = tpu.memref_slice %arg7[%scan3A_770, %get3A_1580, %get3A_1581] : memref<4x128x64xf32, #tpu.memory_space<vmem>> -> memref<1x128x64xf32, #tpu.memory_space<vmem>>
        %get3A_1583 = tpu.memref_squeeze %get3A_1582 : memref<1x128x64xf32, #tpu.memory_space<vmem>> -> memref<128x64xf32, #tpu.memory_space<vmem>>
        %get3A_1584 = arith.constant 0 : i32
        %get3A_1585 = tpu.memref_slice %get3A_1583[%add3A_1552, %get3A_1584] : memref<128x64xf32, #tpu.memory_space<vmem>> -> memref<1x64xf32, #tpu.memory_space<vmem>>
        %get3A_1586 = tpu.memref_squeeze %get3A_1585 : memref<1x64xf32, #tpu.memory_space<vmem>> -> memref<64xf32, #tpu.memory_space<vmem>>
        %get3A_1587 = arith.constant 48 : index
        %get3A_1588 = tpu.vector_load %get3A_1586[%get3A_1587] {strides = array<i32>} : memref<64xf32, #tpu.memory_space<vmem>>, vector<16xf32>,
        %add3A_1589 = arith.constant 6 : i32
        %add3A_1590 = vector.broadcast %add3A_1589 : i32 to vector<16xi32>
        %add3A_1591 = arith.addi %scan3A_1146, %add3A_1590 : vector<16xi32>
        %scatter3A_1592 = arith.constant 0 : i32
        %scatter3A_1593 = arith.constant 0 : i32
        %scatter3A_1594 = arith.constant 0 : i32
        %scatter3A_1595 = tpu.memref_slice %arg8[%scan3A_771, %scatter3A_1592, %scatter3A_1593, %scatter3A_1594] : memref<4x8x8x133xf32, #tpu.memory_space<vmem>> -> memref<1x8x8x133xf32, #tpu.memory_space<vmem>>
        %scatter3A_1596 = tpu.memref_squeeze %scatter3A_1595 : memref<1x8x8x133xf32, #tpu.memory_space<vmem>> -> memref<8x8x133xf32, #tpu.memory_space<vmem>>
        tpu.vector_store_idx %scatter3A_1596[%select_n3A, %select_n3A_151, %add3A_1591], %get3A_1500 : memref<8x8x133xf32, #tpu.memory_space<vmem>>[vector<16xi32>, vector<16xi32>, vector<16xi32>], vector<16xf32>,
        %scatter3A_1597 = arith.constant 0 : i32
        %scatter3A_1598 = arith.constant 0 : i32
        %scatter3A_1599 = arith.constant 0 : i32
        %scatter3A_1600 = tpu.memref_slice %arg8[%scan3A_771, %scatter3A_1597, %scatter3A_1598, %scatter3A_1599] : memref<4x8x8x133xf32, #tpu.memory_space<vmem>> -> memref<1x8x8x133xf32, #tpu.memory_space<vmem>>
        %scatter3A_1601 = tpu.memref_squeeze %scatter3A_1600 : memref<1x8x8x133xf32, #tpu.memory_space<vmem>> -> memref<8x8x133xf32, #tpu.memory_space<vmem>>
        tpu.vector_store_idx %scatter3A_1601[%select_n3A_60, %select_n3A_176, %add3A_1591], %get3A_1509 : memref<8x8x133xf32, #tpu.memory_space<vmem>>[vector<16xi32>, vector<16xi32>, vector<16xi32>], vector<16xf32>,
        %scatter3A_1602 = arith.constant 0 : i32
        %scatter3A_1603 = arith.constant 0 : i32
        %scatter3A_1604 = arith.constant 0 : i32
        %scatter3A_1605 = tpu.memref_slice %arg8[%scan3A_771, %scatter3A_1602, %scatter3A_1603, %scatter3A_1604] : memref<4x8x8x133xf32, #tpu.memory_space<vmem>> -> memref<1x8x8x133xf32, #tpu.memory_space<vmem>>
        %scatter3A_1606 = tpu.memref_squeeze %scatter3A_1605 : memref<1x8x8x133xf32, #tpu.memory_space<vmem>> -> memref<8x8x133xf32, #tpu.memory_space<vmem>>
        tpu.vector_store_idx %scatter3A_1606[%select_n3A_94, %select_n3A_201, %add3A_1591], %get3A_1518 : memref<8x8x133xf32, #tpu.memory_space<vmem>>[vector<16xi32>, vector<16xi32>, vector<16xi32>], vector<16xf32>,
        %scatter3A_1607 = arith.constant 0 : i32
        %scatter3A_1608 = arith.constant 0 : i32
        %scatter3A_1609 = arith.constant 0 : i32
        %scatter3A_1610 = tpu.memref_slice %arg8[%scan3A_771, %scatter3A_1607, %scatter3A_1608, %scatter3A_1609] : memref<4x8x8x133xf32, #tpu.memory_space<vmem>> -> memref<1x8x8x133xf32, #tpu.memory_space<vmem>>
        %scatter3A_1611 = tpu.memref_squeeze %scatter3A_1610 : memref<1x8x8x133xf32, #tpu.memory_space<vmem>> -> memref<8x8x133xf32, #tpu.memory_space<vmem>>
        tpu.vector_store_idx %scatter3A_1611[%select_n3A_128, %select_n3A_226, %add3A_1591], %get3A_1527 : memref<8x8x133xf32, #tpu.memory_space<vmem>>[vector<16xi32>, vector<16xi32>, vector<16xi32>], vector<16xf32>,
        %add3A_1612 = arith.constant 7 : i32
        %add3A_1613 = vector.broadcast %add3A_1612 : i32 to vector<16xi32>
        %add3A_1614 = arith.addi %scan3A_1146, %add3A_1613 : vector<16xi32>
        %scatter3A_1615 = arith.constant 0 : i32
        %scatter3A_1616 = arith.constant 0 : i32
        %scatter3A_1617 = arith.constant 0 : i32
        %scatter3A_1618 = tpu.memref_slice %arg8[%scan3A_771, %scatter3A_1615, %scatter3A_1616, %scatter3A_1617] : memref<4x8x8x133xf32, #tpu.memory_space<vmem>> -> memref<1x8x8x133xf32, #tpu.memory_space<vmem>>
        %scatter3A_1619 = tpu.memref_squeeze %scatter3A_1618 : memref<1x8x8x133xf32, #tpu.memory_space<vmem>> -> memref<8x8x133xf32, #tpu.memory_space<vmem>>
        tpu.vector_store_idx %scatter3A_1619[%select_n3A, %select_n3A_151, %add3A_1614], %get3A_1561 : memref<8x8x133xf32, #tpu.memory_space<vmem>>[vector<16xi32>, vector<16xi32>, vector<16xi32>], vector<16xf32>,
        %scatter3A_1620 = arith.constant 0 : i32
        %scatter3A_1621 = arith.constant 0 : i32
        %scatter3A_1622 = arith.constant 0 : i32
        %scatter3A_1623 = tpu.memref_slice %arg8[%scan3A_771, %scatter3A_1620, %scatter3A_1621, %scatter3A_1622] : memref<4x8x8x133xf32, #tpu.memory_space<vmem>> -> memref<1x8x8x133xf32, #tpu.memory_space<vmem>>
        %scatter3A_1624 = tpu.memref_squeeze %scatter3A_1623 : memref<1x8x8x133xf32, #tpu.memory_space<vmem>> -> memref<8x8x133xf32, #tpu.memory_space<vmem>>
        tpu.vector_store_idx %scatter3A_1624[%select_n3A_60, %select_n3A_176, %add3A_1614], %get3A_1570 : memref<8x8x133xf32, #tpu.memory_space<vmem>>[vector<16xi32>, vector<16xi32>, vector<16xi32>], vector<16xf32>,
        %scatter3A_1625 = arith.constant 0 : i32
        %scatter3A_1626 = arith.constant 0 : i32
        %scatter3A_1627 = arith.constant 0 : i32
        %scatter3A_1628 = tpu.memref_slice %arg8[%scan3A_771, %scatter3A_1625, %scatter3A_1626, %scatter3A_1627] : memref<4x8x8x133xf32, #tpu.memory_space<vmem>> -> memref<1x8x8x133xf32, #tpu.memory_space<vmem>>
        %scatter3A_1629 = tpu.memref_squeeze %scatter3A_1628 : memref<1x8x8x133xf32, #tpu.memory_space<vmem>> -> memref<8x8x133xf32, #tpu.memory_space<vmem>>
        tpu.vector_store_idx %scatter3A_1629[%select_n3A_94, %select_n3A_201, %add3A_1614], %get3A_1579 : memref<8x8x133xf32, #tpu.memory_space<vmem>>[vector<16xi32>, vector<16xi32>, vector<16xi32>], vector<16xf32>,
        %scatter3A_1630 = arith.constant 0 : i32
        %scatter3A_1631 = arith.constant 0 : i32
        %scatter3A_1632 = arith.constant 0 : i32
        %scatter3A_1633 = tpu.memref_slice %arg8[%scan3A_771, %scatter3A_1630, %scatter3A_1631, %scatter3A_1632] : memref<4x8x8x133xf32, #tpu.memory_space<vmem>> -> memref<1x8x8x133xf32, #tpu.memory_space<vmem>>
        %scatter3A_1634 = tpu.memref_squeeze %scatter3A_1633 : memref<1x8x8x133xf32, #tpu.memory_space<vmem>> -> memref<8x8x133xf32, #tpu.memory_space<vmem>>
        tpu.vector_store_idx %scatter3A_1634[%select_n3A_128, %select_n3A_226, %add3A_1614], %get3A_1588 : memref<8x8x133xf32, #tpu.memory_space<vmem>>[vector<16xi32>, vector<16xi32>, vector<16xi32>], vector<16xf32>,
        %add3A_1635 = arith.constant 8 : i32
        %add3A_1636 = vector.broadcast %add3A_1635 : i32 to vector<16xi32>
        %add3A_1637 = arith.addi %scan3A_1146, %add3A_1636 : vector<16xi32>
        scf.yield %add3A_1637 : vector<16xi32>
      }
      %scan3A_777 = arith.constant 16 : i32
      %jit3A_778 = arith.constant 50 : i32
      %div3A_779 = arith.divsi %add3A_745, %jit3A_778 : i32
      %sign3A_780 = arith.constant 0 : i32
      %sign3A_781 = arith.cmpi sgt, %add3A_745, %sign3A_780 : i32
      %sign3A_782 = arith.extui %sign3A_781 : i1 to i32
      %sign3A_783 = arith.constant 0 : i32
      %sign3A_784 = arith.cmpi slt, %add3A_745, %sign3A_783 : i32
      %sign3A_785 = arith.extui %sign3A_784 : i1 to i32
      %sign3A_786 = arith.subi %sign3A_782, %sign3A_785 : i32
      %sign3A_787 = arith.constant 0 : i32
      %sign3A_788 = arith.cmpi sgt, %jit3A_778, %sign3A_787 : i32
      %sign3A_789 = arith.extui %sign3A_788 : i1 to i32
      %sign3A_790 = arith.constant 0 : i32
      %sign3A_791 = arith.cmpi slt, %jit3A_778, %sign3A_790 : i32
      %sign3A_792 = arith.extui %sign3A_791 : i1 to i32
      %sign3A_793 = arith.subi %sign3A_789, %sign3A_792 : i32
      %ne3A_794 = arith.cmpi ne, %sign3A_786, %sign3A_793 : i32
      %rem3A_795 = arith.remsi %add3A_745, %jit3A_778 : i32
      %ne3A_796 = arith.constant 0 : i32
      %ne3A_797 = arith.cmpi ne, %rem3A_795, %ne3A_796 : i32
      %and3A_798 = arith.andi %ne3A_794, %ne3A_797 : i1
      %sub3A_799 = arith.constant 1 : i32
      %sub3A_800 = arith.subi %div3A_779, %sub3A_799 : i32
      %select_n3A_801 = arith.select %and3A_798, %sub3A_800, %div3A_779 : i32
      %jit3A_802 = arith.constant 50 : i32
      %eq3A_803 = arith.constant 0 : i32
      %eq3A_804 = arith.cmpi eq, %jit3A_802, %eq3A_803 : i32
      %jit3A_805 = arith.constant 1 : i32
      %select_n3A_806 = arith.select %eq3A_804, %jit3A_805, %jit3A_802 : i32
      %rem3A_807 = arith.remsi %add3A_745, %select_n3A_806 : i32
      %ne3A_808 = arith.constant 0 : i32
      %ne3A_809 = arith.cmpi ne, %rem3A_807, %ne3A_808 : i32
      %lt3A_810 = arith.constant 0 : i32
      %lt3A_811 = arith.cmpi slt, %rem3A_807, %lt3A_810 : i32
      %lt3A_812 = arith.constant 0 : i32
      %lt3A_813 = arith.cmpi slt, %select_n3A_806, %lt3A_812 : i32
      %ne3A_814 = arith.xori %lt3A_811, %lt3A_813 : i1
      %and3A_815 = arith.andi %ne3A_814, %ne3A_809 : i1
      %add3A_816 = arith.addi %rem3A_807, %select_n3A_806 : i32
      %select_n3A_817 = arith.select %and3A_815, %add3A_816, %rem3A_807 : i32
      %mul3A_818 = arith.constant 4 : i32
      %mul3A_819 = arith.muli %add3A, %mul3A_818 : i32
      %add3A_820 = arith.addi %mul3A_819, %select_n3A_801 : i32
      %dma_start3A_821 = arith.constant 0 : i32
      %dma_start3A_822 = arith.constant 0 : i32
      %dma_start3A_823 = arith.constant 0 : i32
      %dma_start3A_824 = arith.constant 0 : i32
      %dma_start3A_825 = tpu.memref_slice %arg8[%dma_start3A_821, %dma_start3A_822, %dma_start3A_823, %dma_start3A_824] : memref<4x8x8x133xf32, #tpu.memory_space<vmem>> -> memref<1x8x8x128xf32, #tpu.memory_space<vmem>>
      %dma_start3A_826 = tpu.memref_squeeze %dma_start3A_825 : memref<1x8x8x128xf32, #tpu.memory_space<vmem>> -> memref<8x8x128xf32, #tpu.memory_space<vmem>>
      %dma_start3A_827 = arith.constant 0 : i32
      %dma_start3A_828 = arith.constant 0 : i32
      %dma_start3A_829 = arith.constant 0 : i32
      %dma_start3A_830 = tpu.memref_slice %arg4[%select_n3A_817, %dma_start3A_827, %add3A_820, %dma_start3A_828, %dma_start3A_829] : memref<50x8x128x8x128xf32, #tpu.memory_space<hbm>> -> memref<1x8x1x8x128xf32, #tpu.memory_space<hbm>>
      %dma_start3A_831 = tpu.memref_squeeze %dma_start3A_830 : memref<1x8x1x8x128xf32, #tpu.memory_space<hbm>> -> memref<8x8x128xf32, #tpu.memory_space<hbm>>
      %dma_start3A_832 = arith.constant 0 : i32
      %dma_start3A_833 = arith.constant 0 : i32
      %dma_start3A_834 = arith.constant 0 : i32
      %dma_start3A_835 = tpu.memref_slice %arg4[%select_n3A_817, %dma_start3A_832, %add3A_820, %dma_start3A_833, %dma_start3A_834] : memref<50x8x128x8x128xf32, #tpu.memory_space<hbm>> -> memref<1x8x1x8x128xf32, #tpu.memory_space<hbm>>
      %dma_start3A_836 = tpu.memref_squeeze %dma_start3A_835 : memref<1x8x1x8x128xf32, #tpu.memory_space<hbm>> -> memref<8x8x128xf32, #tpu.memory_space<hbm>>
      %dma_start3A_837 = arith.constant 0 : i32
      %dma_start3A_838 = arith.constant 0 : i32
      %dma_start3A_839 = arith.constant 0 : i32
      %dma_start3A_840 = tpu.memref_slice %arg8[%dma_start3A_821, %dma_start3A_837, %dma_start3A_838, %dma_start3A_839] : memref<4x8x8x133xf32, #tpu.memory_space<vmem>> -> memref<1x8x8x128xf32, #tpu.memory_space<vmem>>
      %dma_start3A_841 = tpu.memref_squeeze %dma_start3A_840 : memref<1x8x8x128xf32, #tpu.memory_space<vmem>> -> memref<8x8x128xf32, #tpu.memory_space<vmem>>
      tpu.enqueue_dma source(%dma_start3A_841 : memref<8x8x128xf32, #tpu.memory_space<vmem>>) target(%dma_start3A_836 : memref<8x8x128xf32, #tpu.memory_space<hbm>>) target_semaphore(%arg13 : memref<!tpu.dma_semaphore, #tpu.memory_space<semaphore_mem>>)
      %add3A_842 = arith.constant 1 : i32
      %add3A_843 = arith.addi %add3A_743, %add3A_842 : i32
      %add3A_844 = arith.constant 3 : i32
      %add3A_845 = arith.addi %add3A_843, %add3A_844 : i32
      %lt3A_846 = arith.constant 200 : i32
      %lt3A_847 = arith.cmpi slt, %add3A_845, %lt3A_846 : i32
      %convert_element_type3A_848 = arith.extui %lt3A_847 : i1 to i32
      %cond3A_849 = arith.constant 0 : i32
      %cond3A_850 = arith.cmpi ne, %convert_element_type3A_848, %cond3A_849 : i32
      scf.if %cond3A_850 {
        %add3A_1145 = arith.constant 3 : i32
        %add3A_1146 = arith.addi %add3A_843, %add3A_1145 : i32
        %jit3A_1147 = arith.constant 50 : i32
        %div3A_1148 = arith.divsi %add3A_1146, %jit3A_1147 : i32
        %sign3A_1149 = arith.constant 0 : i32
        %sign3A_1150 = arith.cmpi sgt, %add3A_1146, %sign3A_1149 : i32
        %sign3A_1151 = arith.extui %sign3A_1150 : i1 to i32
        %sign3A_1152 = arith.constant 0 : i32
        %sign3A_1153 = arith.cmpi slt, %add3A_1146, %sign3A_1152 : i32
        %sign3A_1154 = arith.extui %sign3A_1153 : i1 to i32
        %sign3A_1155 = arith.subi %sign3A_1151, %sign3A_1154 : i32
        %sign3A_1156 = arith.constant 0 : i32
        %sign3A_1157 = arith.cmpi sgt, %jit3A_1147, %sign3A_1156 : i32
        %sign3A_1158 = arith.extui %sign3A_1157 : i1 to i32
        %sign3A_1159 = arith.constant 0 : i32
        %sign3A_1160 = arith.cmpi slt, %jit3A_1147, %sign3A_1159 : i32
        %sign3A_1161 = arith.extui %sign3A_1160 : i1 to i32
        %sign3A_1162 = arith.subi %sign3A_1158, %sign3A_1161 : i32
        %ne3A_1163 = arith.cmpi ne, %sign3A_1155, %sign3A_1162 : i32
        %rem3A_1164 = arith.remsi %add3A_1146, %jit3A_1147 : i32
        %ne3A_1165 = arith.constant 0 : i32
        %ne3A_1166 = arith.cmpi ne, %rem3A_1164, %ne3A_1165 : i32
        %and3A_1167 = arith.andi %ne3A_1163, %ne3A_1166 : i1
        %sub3A_1168 = arith.constant 1 : i32
        %sub3A_1169 = arith.subi %div3A_1148, %sub3A_1168 : i32
        %select_n3A_1170 = arith.select %and3A_1167, %sub3A_1169, %div3A_1148 : i32
        %jit3A_1171 = arith.constant 50 : i32
        %eq3A_1172 = arith.constant 0 : i32
        %eq3A_1173 = arith.cmpi eq, %jit3A_1171, %eq3A_1172 : i32
        %jit3A_1174 = arith.constant 1 : i32
        %select_n3A_1175 = arith.select %eq3A_1173, %jit3A_1174, %jit3A_1171 : i32
        %rem3A_1176 = arith.remsi %add3A_1146, %select_n3A_1175 : i32
        %ne3A_1177 = arith.constant 0 : i32
        %ne3A_1178 = arith.cmpi ne, %rem3A_1176, %ne3A_1177 : i32
        %lt3A_1179 = arith.constant 0 : i32
        %lt3A_1180 = arith.cmpi slt, %rem3A_1176, %lt3A_1179 : i32
        %lt3A_1181 = arith.constant 0 : i32
        %lt3A_1182 = arith.cmpi slt, %select_n3A_1175, %lt3A_1181 : i32
        %ne3A_1183 = arith.xori %lt3A_1180, %lt3A_1182 : i1
        %and3A_1184 = arith.andi %ne3A_1183, %ne3A_1178 : i1
        %add3A_1185 = arith.addi %rem3A_1176, %select_n3A_1175 : i32
        %select_n3A_1186 = arith.select %and3A_1184, %add3A_1185, %rem3A_1176 : i32
        %mul3A_1187 = arith.constant 6400 : i32
        %mul3A_1188 = arith.muli %select_n3A_1170, %mul3A_1187 : i32
        %add3A_1189 = arith.addi %mul3A_1188, %select_n3A_1186 : i32
        %add3A_1190 = arith.constant 0 : i32
        %add3A_1191 = vector.broadcast %add3A_1190 : i32 to vector<16xi32>
        %add3A_1192 = arith.addi %iota3A, %add3A_1191 : vector<16xi32>
        %mul3A_1193 = arith.constant 50 : i32
        %mul3A_1194 = vector.broadcast %mul3A_1193 : i32 to vector<16xi32>
        %mul3A_1195 = arith.muli %add3A_1192, %mul3A_1194 : vector<16xi32>
        %add3A_1196 = vector.broadcast %add3A_1189 : i32 to vector<16xi32>
        %add3A_1197 = arith.addi %mul3A_1195, %add3A_1196 : vector<16xi32>
        %gather3A_1198 = tpu.vector_load_idx %arg5[%add3A_1197] : memref<25600xi32, #tpu.memory_space<vmem>>[vector<16xi32>], vector<16xi32>,
        %swap3A_1199 = arith.constant 0 : i32
        %swap3A_1200 = arith.constant 0 : i32
        %swap3A_1201 = tpu.memref_slice %arg6[%swap3A_1199, %swap3A_1200] : memref<4x128xi32, #tpu.memory_space<vmem>> -> memref<1x128xi32, #tpu.memory_space<vmem>>
        %swap3A_1202 = tpu.memref_squeeze %swap3A_1201 : memref<1x128xi32, #tpu.memory_space<vmem>> -> memref<128xi32, #tpu.memory_space<vmem>>
        %swap3A_1203 = arith.constant 0 : index
        %swap3A_1204 = tpu.vector_load %swap3A_1202[%swap3A_1203] {strides = array<i32>} : memref<128xi32, #tpu.memory_space<vmem>>, vector<16xi32>,
        tpu.vector_store %swap3A_1202[%swap3A_1203], %gather3A_1198 {strides = array<i32>} : memref<128xi32, #tpu.memory_space<vmem>>, vector<16xi32>,
        %add3A_1205 = arith.constant 16 : i32
        %add3A_1206 = vector.broadcast %add3A_1205 : i32 to vector<16xi32>
        %add3A_1207 = arith.addi %iota3A, %add3A_1206 : vector<16xi32>
        %mul3A_1208 = arith.constant 50 : i32
        %mul3A_1209 = vector.broadcast %mul3A_1208 : i32 to vector<16xi32>
        %mul3A_1210 = arith.muli %add3A_1207, %mul3A_1209 : vector<16xi32>
        %add3A_1211 = vector.broadcast %add3A_1189 : i32 to vector<16xi32>
        %add3A_1212 = arith.addi %mul3A_1210, %add3A_1211 : vector<16xi32>
        %gather3A_1213 = tpu.vector_load_idx %arg5[%add3A_1212] : memref<25600xi32, #tpu.memory_space<vmem>>[vector<16xi32>], vector<16xi32>,
        %swap3A_1214 = arith.constant 0 : i32
        %swap3A_1215 = arith.constant 0 : i32
        %swap3A_1216 = tpu.memref_slice %arg6[%swap3A_1214, %swap3A_1215] : memref<4x128xi32, #tpu.memory_space<vmem>> -> memref<1x128xi32, #tpu.memory_space<vmem>>
        %swap3A_1217 = tpu.memref_squeeze %swap3A_1216 : memref<1x128xi32, #tpu.memory_space<vmem>> -> memref<128xi32, #tpu.memory_space<vmem>>
        %swap3A_1218 = arith.constant 16 : index
        %swap3A_1219 = tpu.vector_load %swap3A_1217[%swap3A_1218] {strides = array<i32>} : memref<128xi32, #tpu.memory_space<vmem>>, vector<16xi32>,
        tpu.vector_store %swap3A_1217[%swap3A_1218], %gather3A_1213 {strides = array<i32>} : memref<128xi32, #tpu.memory_space<vmem>>, vector<16xi32>,
        %add3A_1220 = arith.constant 32 : i32
        %add3A_1221 = vector.broadcast %add3A_1220 : i32 to vector<16xi32>
        %add3A_1222 = arith.addi %iota3A, %add3A_1221 : vector<16xi32>
        %mul3A_1223 = arith.constant 50 : i32
        %mul3A_1224 = vector.broadcast %mul3A_1223 : i32 to vector<16xi32>
        %mul3A_1225 = arith.muli %add3A_1222, %mul3A_1224 : vector<16xi32>
        %add3A_1226 = vector.broadcast %add3A_1189 : i32 to vector<16xi32>
        %add3A_1227 = arith.addi %mul3A_1225, %add3A_1226 : vector<16xi32>
        %gather3A_1228 = tpu.vector_load_idx %arg5[%add3A_1227] : memref<25600xi32, #tpu.memory_space<vmem>>[vector<16xi32>], vector<16xi32>,
        %swap3A_1229 = arith.constant 0 : i32
        %swap3A_1230 = arith.constant 0 : i32
        %swap3A_1231 = tpu.memref_slice %arg6[%swap3A_1229, %swap3A_1230] : memref<4x128xi32, #tpu.memory_space<vmem>> -> memref<1x128xi32, #tpu.memory_space<vmem>>
        %swap3A_1232 = tpu.memref_squeeze %swap3A_1231 : memref<1x128xi32, #tpu.memory_space<vmem>> -> memref<128xi32, #tpu.memory_space<vmem>>
        %swap3A_1233 = arith.constant 32 : index
        %swap3A_1234 = tpu.vector_load %swap3A_1232[%swap3A_1233] {strides = array<i32>} : memref<128xi32, #tpu.memory_space<vmem>>, vector<16xi32>,
        tpu.vector_store %swap3A_1232[%swap3A_1233], %gather3A_1228 {strides = array<i32>} : memref<128xi32, #tpu.memory_space<vmem>>, vector<16xi32>,
        %add3A_1235 = arith.constant 48 : i32
        %add3A_1236 = vector.broadcast %add3A_1235 : i32 to vector<16xi32>
        %add3A_1237 = arith.addi %iota3A, %add3A_1236 : vector<16xi32>
        %mul3A_1238 = arith.constant 50 : i32
        %mul3A_1239 = vector.broadcast %mul3A_1238 : i32 to vector<16xi32>
        %mul3A_1240 = arith.muli %add3A_1237, %mul3A_1239 : vector<16xi32>
        %add3A_1241 = vector.broadcast %add3A_1189 : i32 to vector<16xi32>
        %add3A_1242 = arith.addi %mul3A_1240, %add3A_1241 : vector<16xi32>
        %gather3A_1243 = tpu.vector_load_idx %arg5[%add3A_1242] : memref<25600xi32, #tpu.memory_space<vmem>>[vector<16xi32>], vector<16xi32>,
        %swap3A_1244 = arith.constant 0 : i32
        %swap3A_1245 = arith.constant 0 : i32
        %swap3A_1246 = tpu.memref_slice %arg6[%swap3A_1244, %swap3A_1245] : memref<4x128xi32, #tpu.memory_space<vmem>> -> memref<1x128xi32, #tpu.memory_space<vmem>>
        %swap3A_1247 = tpu.memref_squeeze %swap3A_1246 : memref<1x128xi32, #tpu.memory_space<vmem>> -> memref<128xi32, #tpu.memory_space<vmem>>
        %swap3A_1248 = arith.constant 48 : index
        %swap3A_1249 = tpu.vector_load %swap3A_1247[%swap3A_1248] {strides = array<i32>} : memref<128xi32, #tpu.memory_space<vmem>>, vector<16xi32>,
        tpu.vector_store %swap3A_1247[%swap3A_1248], %gather3A_1243 {strides = array<i32>} : memref<128xi32, #tpu.memory_space<vmem>>, vector<16xi32>,
        %add3A_1250 = arith.constant 64 : i32
        %add3A_1251 = vector.broadcast %add3A_1250 : i32 to vector<16xi32>
        %add3A_1252 = arith.addi %iota3A, %add3A_1251 : vector<16xi32>
        %mul3A_1253 = arith.constant 50 : i32
        %mul3A_1254 = vector.broadcast %mul3A_1253 : i32 to vector<16xi32>
        %mul3A_1255 = arith.muli %add3A_1252, %mul3A_1254 : vector<16xi32>
        %add3A_1256 = vector.broadcast %add3A_1189 : i32 to vector<16xi32>
        %add3A_1257 = arith.addi %mul3A_1255, %add3A_1256 : vector<16xi32>
        %gather3A_1258 = tpu.vector_load_idx %arg5[%add3A_1257] : memref<25600xi32, #tpu.memory_space<vmem>>[vector<16xi32>], vector<16xi32>,
        %swap3A_1259 = arith.constant 0 : i32
        %swap3A_1260 = arith.constant 0 : i32
        %swap3A_1261 = tpu.memref_slice %arg6[%swap3A_1259, %swap3A_1260] : memref<4x128xi32, #tpu.memory_space<vmem>> -> memref<1x128xi32, #tpu.memory_space<vmem>>
        %swap3A_1262 = tpu.memref_squeeze %swap3A_1261 : memref<1x128xi32, #tpu.memory_space<vmem>> -> memref<128xi32, #tpu.memory_space<vmem>>
        %swap3A_1263 = arith.constant 64 : index
        %swap3A_1264 = tpu.vector_load %swap3A_1262[%swap3A_1263] {strides = array<i32>} : memref<128xi32, #tpu.memory_space<vmem>>, vector<16xi32>,
        tpu.vector_store %swap3A_1262[%swap3A_1263], %gather3A_1258 {strides = array<i32>} : memref<128xi32, #tpu.memory_space<vmem>>, vector<16xi32>,
        %add3A_1265 = arith.constant 80 : i32
        %add3A_1266 = vector.broadcast %add3A_1265 : i32 to vector<16xi32>
        %add3A_1267 = arith.addi %iota3A, %add3A_1266 : vector<16xi32>
        %mul3A_1268 = arith.constant 50 : i32
        %mul3A_1269 = vector.broadcast %mul3A_1268 : i32 to vector<16xi32>
        %mul3A_1270 = arith.muli %add3A_1267, %mul3A_1269 : vector<16xi32>
        %add3A_1271 = vector.broadcast %add3A_1189 : i32 to vector<16xi32>
        %add3A_1272 = arith.addi %mul3A_1270, %add3A_1271 : vector<16xi32>
        %gather3A_1273 = tpu.vector_load_idx %arg5[%add3A_1272] : memref<25600xi32, #tpu.memory_space<vmem>>[vector<16xi32>], vector<16xi32>,
        %swap3A_1274 = arith.constant 0 : i32
        %swap3A_1275 = arith.constant 0 : i32
        %swap3A_1276 = tpu.memref_slice %arg6[%swap3A_1274, %swap3A_1275] : memref<4x128xi32, #tpu.memory_space<vmem>> -> memref<1x128xi32, #tpu.memory_space<vmem>>
        %swap3A_1277 = tpu.memref_squeeze %swap3A_1276 : memref<1x128xi32, #tpu.memory_space<vmem>> -> memref<128xi32, #tpu.memory_space<vmem>>
        %swap3A_1278 = arith.constant 80 : index
        %swap3A_1279 = tpu.vector_load %swap3A_1277[%swap3A_1278] {strides = array<i32>} : memref<128xi32, #tpu.memory_space<vmem>>, vector<16xi32>,
        tpu.vector_store %swap3A_1277[%swap3A_1278], %gather3A_1273 {strides = array<i32>} : memref<128xi32, #tpu.memory_space<vmem>>, vector<16xi32>,
        %add3A_1280 = arith.constant 96 : i32
        %add3A_1281 = vector.broadcast %add3A_1280 : i32 to vector<16xi32>
        %add3A_1282 = arith.addi %iota3A, %add3A_1281 : vector<16xi32>
        %mul3A_1283 = arith.constant 50 : i32
        %mul3A_1284 = vector.broadcast %mul3A_1283 : i32 to vector<16xi32>
        %mul3A_1285 = arith.muli %add3A_1282, %mul3A_1284 : vector<16xi32>
        %add3A_1286 = vector.broadcast %add3A_1189 : i32 to vector<16xi32>
        %add3A_1287 = arith.addi %mul3A_1285, %add3A_1286 : vector<16xi32>
        %gather3A_1288 = tpu.vector_load_idx %arg5[%add3A_1287] : memref<25600xi32, #tpu.memory_space<vmem>>[vector<16xi32>], vector<16xi32>,
        %swap3A_1289 = arith.constant 0 : i32
        %swap3A_1290 = arith.constant 0 : i32
        %swap3A_1291 = tpu.memref_slice %arg6[%swap3A_1289, %swap3A_1290] : memref<4x128xi32, #tpu.memory_space<vmem>> -> memref<1x128xi32, #tpu.memory_space<vmem>>
        %swap3A_1292 = tpu.memref_squeeze %swap3A_1291 : memref<1x128xi32, #tpu.memory_space<vmem>> -> memref<128xi32, #tpu.memory_space<vmem>>
        %swap3A_1293 = arith.constant 96 : index
        %swap3A_1294 = tpu.vector_load %swap3A_1292[%swap3A_1293] {strides = array<i32>} : memref<128xi32, #tpu.memory_space<vmem>>, vector<16xi32>,
        tpu.vector_store %swap3A_1292[%swap3A_1293], %gather3A_1288 {strides = array<i32>} : memref<128xi32, #tpu.memory_space<vmem>>, vector<16xi32>,
        %add3A_1295 = arith.constant 112 : i32
        %add3A_1296 = vector.broadcast %add3A_1295 : i32 to vector<16xi32>
        %add3A_1297 = arith.addi %iota3A, %add3A_1296 : vector<16xi32>
        %mul3A_1298 = arith.constant 50 : i32
        %mul3A_1299 = vector.broadcast %mul3A_1298 : i32 to vector<16xi32>
        %mul3A_1300 = arith.muli %add3A_1297, %mul3A_1299 : vector<16xi32>
        %add3A_1301 = vector.broadcast %add3A_1189 : i32 to vector<16xi32>
        %add3A_1302 = arith.addi %mul3A_1300, %add3A_1301 : vector<16xi32>
        %gather3A_1303 = tpu.vector_load_idx %arg5[%add3A_1302] : memref<25600xi32, #tpu.memory_space<vmem>>[vector<16xi32>], vector<16xi32>,
        %swap3A_1304 = arith.constant 0 : i32
        %swap3A_1305 = arith.constant 0 : i32
        %swap3A_1306 = tpu.memref_slice %arg6[%swap3A_1304, %swap3A_1305] : memref<4x128xi32, #tpu.memory_space<vmem>> -> memref<1x128xi32, #tpu.memory_space<vmem>>
        %swap3A_1307 = tpu.memref_squeeze %swap3A_1306 : memref<1x128xi32, #tpu.memory_space<vmem>> -> memref<128xi32, #tpu.memory_space<vmem>>
        %swap3A_1308 = arith.constant 112 : index
        %swap3A_1309 = tpu.vector_load %swap3A_1307[%swap3A_1308] {strides = array<i32>} : memref<128xi32, #tpu.memory_space<vmem>>, vector<16xi32>,
        tpu.vector_store %swap3A_1307[%swap3A_1308], %gather3A_1303 {strides = array<i32>} : memref<128xi32, #tpu.memory_space<vmem>>, vector<16xi32>,
        %add3A_1310 = arith.constant 3 : i32
        %add3A_1311 = arith.addi %add3A_843, %add3A_1310 : i32
        %dma_start3A_1312 = arith.constant 0 : i32
        %dma_start3A_1313 = arith.constant 0 : i32
        %dma_start3A_1314 = arith.constant 0 : i32
        %dma_start3A_1315 = arith.constant 0 : i32
        %dma_start3A_1316 = tpu.memref_slice %arg7[%dma_start3A_1313, %dma_start3A_1314, %dma_start3A_1315] : memref<4x128x64xf32, #tpu.memory_space<vmem>> -> memref<1x128x64xf32, #tpu.memory_space<vmem>>
        %dma_start3A_1317 = tpu.memref_squeeze %dma_start3A_1316 : memref<1x128x64xf32, #tpu.memory_space<vmem>> -> memref<128x64xf32, #tpu.memory_space<vmem>>
        %dma_start3A_1318 = arith.constant 0 : i32
        %dma_start3A_1319 = tpu.memref_slice %arg6[%dma_start3A_1312, %dma_start3A_1318] : memref<4x128xi32, #tpu.memory_space<vmem>> -> memref<1x128xi32, #tpu.memory_space<vmem>>
        %dma_start3A_1320 = tpu.memref_squeeze %dma_start3A_1319 : memref<1x128xi32, #tpu.memory_space<vmem>> -> memref<128xi32, #tpu.memory_space<vmem>>
        %dma_start3A_1321 = arith.constant 0 : i32
        %dma_start3A_1322 = arith.constant 0 : i32
        %dma_start3A_1323 = tpu.memref_slice %arg3[%dma_start3A_1321, %dma_start3A_1322] : memref<1000000x64xf32, #tpu.memory_space<hbm>> -> memref<1000000x64xf32, #tpu.memory_space<hbm>>
        tpu.enqueue_indirect_dma source(%dma_start3A_1323 : memref<1000000x64xf32, #tpu.memory_space<hbm>>) target(%dma_start3A_1317 : memref<128x64xf32, #tpu.memory_space<vmem>>) offsets(%dma_start3A_1320 : memref<128xi32, #tpu.memory_space<vmem>>) semaphore(%arg9 : memref<!tpu.dma_semaphore, #tpu.memory_space<semaphore_mem>>)
      } else {
      }
      %ge3A_851 = arith.constant 4 : i32
      %ge3A_852 = arith.cmpi sge, %add3A_843, %ge3A_851 : i32
      %convert_element_type3A_853 = arith.extui %ge3A_852 : i1 to i32
      %cond3A_854 = arith.constant 0 : i32
      %cond3A_855 = arith.cmpi ne, %convert_element_type3A_853, %cond3A_854 : i32
      scf.if %cond3A_855 {
        %dma_wait3A_1145 = arith.constant 1 : i32
        %dma_wait3A_1146 = arith.constant 0 : i32
        %dma_wait3A_1147 = arith.constant 0 : i32
        %dma_wait3A_1148 = arith.constant 0 : i32
        %dma_wait3A_1149 = arith.constant 0 : i32
        %dma_wait3A_1150 = arith.constant 0 : i32
        %dma_wait3A_1151 = tpu.memref_slice %arg8[%dma_wait3A_1145, %dma_wait3A_1148, %dma_wait3A_1149, %dma_wait3A_1150] : memref<4x8x8x133xf32, #tpu.memory_space<vmem>> -> memref<1x8x8x128xf32, #tpu.memory_space<vmem>>
        %dma_wait3A_1152 = tpu.memref_squeeze %dma_wait3A_1151 : memref<1x8x8x128xf32, #tpu.memory_space<vmem>> -> memref<8x8x128xf32, #tpu.memory_space<vmem>>
        %dma_wait3A_1153 = arith.constant 0 : i32
        %dma_wait3A_1154 = arith.constant 0 : i32
        %dma_wait3A_1155 = arith.constant 0 : i32
        %dma_wait3A_1156 = tpu.memref_slice %arg4[%dma_wait3A_1146, %dma_wait3A_1153, %dma_wait3A_1147, %dma_wait3A_1154, %dma_wait3A_1155] : memref<50x8x128x8x128xf32, #tpu.memory_space<hbm>> -> memref<1x8x1x8x128xf32, #tpu.memory_space<hbm>>
        %dma_wait3A_1157 = tpu.memref_squeeze %dma_wait3A_1156 : memref<1x8x1x8x128xf32, #tpu.memory_space<hbm>> -> memref<8x8x128xf32, #tpu.memory_space<hbm>>
        %dma_wait3A_1158 = arith.constant 0 : i32
        %dma_wait3A_1159 = arith.constant 0 : i32
        %dma_wait3A_1160 = arith.constant 0 : i32
        %dma_wait3A_1161 = tpu.memref_slice %arg4[%dma_wait3A_1146, %dma_wait3A_1158, %dma_wait3A_1147, %dma_wait3A_1159, %dma_wait3A_1160] : memref<50x8x128x8x128xf32, #tpu.memory_space<hbm>> -> memref<1x8x1x8x128xf32, #tpu.memory_space<hbm>>
        %dma_wait3A_1162 = tpu.memref_squeeze %dma_wait3A_1161 : memref<1x8x1x8x128xf32, #tpu.memory_space<hbm>> -> memref<8x8x128xf32, #tpu.memory_space<hbm>>
        %dma_wait3A_1163 = arith.constant 0 : i32
        %dma_wait3A_1164 = arith.constant 0 : i32
        %dma_wait3A_1165 = arith.constant 0 : i32
        %dma_wait3A_1166 = tpu.memref_slice %arg8[%dma_wait3A_1145, %dma_wait3A_1163, %dma_wait3A_1164, %dma_wait3A_1165] : memref<4x8x8x133xf32, #tpu.memory_space<vmem>> -> memref<1x8x8x128xf32, #tpu.memory_space<vmem>>
        %dma_wait3A_1167 = tpu.memref_squeeze %dma_wait3A_1166 : memref<1x8x8x128xf32, #tpu.memory_space<vmem>> -> memref<8x8x128xf32, #tpu.memory_space<vmem>>
        tpu.wait_dma2 semaphore(%arg14 : memref<!tpu.dma_semaphore, #tpu.memory_space<semaphore_mem>>) src(%dma_wait3A_1167 : memref<8x8x128xf32, #tpu.memory_space<vmem>>) dst(%dma_wait3A_1162 : memref<8x8x128xf32, #tpu.memory_space<hbm>>)
      } else {
      }
      %dma_wait3A_856 = arith.constant 1 : i32
      %dma_wait3A_857 = arith.constant 1 : i32
      %dma_wait3A_858 = arith.constant 0 : i32
      %dma_wait3A_859 = arith.constant 0 : i32
      %dma_wait3A_860 = tpu.memref_slice %arg7[%dma_wait3A_857, %dma_wait3A_858, %dma_wait3A_859] : memref<4x128x64xf32, #tpu.memory_space<vmem>> -> memref<1x128x64xf32, #tpu.memory_space<vmem>>
      %dma_wait3A_861 = tpu.memref_squeeze %dma_wait3A_860 : memref<1x128x64xf32, #tpu.memory_space<vmem>> -> memref<128x64xf32, #tpu.memory_space<vmem>>
      %dma_wait3A_862 = arith.constant 0 : i32
      %dma_wait3A_863 = tpu.memref_slice %arg6[%dma_wait3A_856, %dma_wait3A_862] : memref<4x128xi32, #tpu.memory_space<vmem>> -> memref<1x128xi32, #tpu.memory_space<vmem>>
      %dma_wait3A_864 = tpu.memref_squeeze %dma_wait3A_863 : memref<1x128xi32, #tpu.memory_space<vmem>> -> memref<128xi32, #tpu.memory_space<vmem>>
      %dma_wait3A_865 = arith.constant 0 : i32
      %dma_wait3A_866 = arith.constant 0 : i32
      %dma_wait3A_867 = tpu.memref_slice %arg3[%dma_wait3A_865, %dma_wait3A_866] : memref<1000000x64xf32, #tpu.memory_space<hbm>> -> memref<1000000x64xf32, #tpu.memory_space<hbm>>
      tpu.wait_indirect_dma semaphore(%arg10 : memref<!tpu.dma_semaphore, #tpu.memory_space<semaphore_mem>>) src(%dma_wait3A_867 : memref<1000000x64xf32, #tpu.memory_space<hbm>>) dst(%dma_wait3A_861 : memref<128x64xf32, #tpu.memory_space<vmem>>)
      %mul3A_868 = arith.constant 0 : i32
      %mul3A_869 = vector.broadcast %mul3A_868 : i32 to vector<16xi32>
      %mul3A_870 = arith.muli %iota3A, %mul3A_869 : vector<16xi32>
      %scan3A_871 = arith.constant 1 : i32
      %scan3A_872 = arith.constant 1 : i32
      %scan3A_873 = arith.constant 0 : i32
      %scan3A_874 = arith.constant 16 : i32
      %scan3A_875 = arith.addi %scan3A_873, %scan3A_874 : i32
      %scan3A_876 = arith.constant 1 : i32
      %scan3A_877 = scf.for %scan3A_1145 = %scan3A_873 to %scan3A_875 step %scan3A_876 iter_args(%scan3A_1146 = %mul3A_870) -> (vector<16xi32>)  : i32 {
        %mul3A_1147 = arith.constant 8 : i32
        %mul3A_1148 = arith.muli %scan3A_1145, %mul3A_1147 : i32
        %add3A_1149 = arith.constant 0 : i32
        %add3A_1150 = arith.addi %add3A_1149, %mul3A_1148 : i32
        %get3A = arith.constant 0 : i32
        %get3A_1151 = arith.constant 0 : i32
        %get3A_1152 = tpu.memref_slice %arg7[%scan3A_871, %get3A, %get3A_1151] : memref<4x128x64xf32, #tpu.memory_space<vmem>> -> memref<1x128x64xf32, #tpu.memory_space<vmem>>
        %get3A_1153 = tpu.memref_squeeze %get3A_1152 : memref<1x128x64xf32, #tpu.memory_space<vmem>> -> memref<128x64xf32, #tpu.memory_space<vmem>>
        %get3A_1154 = arith.constant 0 : i32
        %get3A_1155 = tpu.memref_slice %get3A_1153[%add3A_1150, %get3A_1154] : memref<128x64xf32, #tpu.memory_space<vmem>> -> memref<1x64xf32, #tpu.memory_space<vmem>>
        %get3A_1156 = tpu.memref_squeeze %get3A_1155 : memref<1x64xf32, #tpu.memory_space<vmem>> -> memref<64xf32, #tpu.memory_space<vmem>>
        %get3A_1157 = arith.constant 0 : index
        %get3A_1158 = tpu.vector_load %get3A_1156[%get3A_1157] {strides = array<i32>} : memref<64xf32, #tpu.memory_space<vmem>>, vector<16xf32>,
        %get3A_1159 = arith.constant 0 : i32
        %get3A_1160 = arith.constant 0 : i32
        %get3A_1161 = tpu.memref_slice %arg7[%scan3A_871, %get3A_1159, %get3A_1160] : memref<4x128x64xf32, #tpu.memory_space<vmem>> -> memref<1x128x64xf32, #tpu.memory_space<vmem>>
        %get3A_1162 = tpu.memref_squeeze %get3A_1161 : memref<1x128x64xf32, #tpu.memory_space<vmem>> -> memref<128x64xf32, #tpu.memory_space<vmem>>
        %get3A_1163 = arith.constant 0 : i32
        %get3A_1164 = tpu.memref_slice %get3A_1162[%add3A_1150, %get3A_1163] : memref<128x64xf32, #tpu.memory_space<vmem>> -> memref<1x64xf32, #tpu.memory_space<vmem>>
        %get3A_1165 = tpu.memref_squeeze %get3A_1164 : memref<1x64xf32, #tpu.memory_space<vmem>> -> memref<64xf32, #tpu.memory_space<vmem>>
        %get3A_1166 = arith.constant 16 : index
        %get3A_1167 = tpu.vector_load %get3A_1165[%get3A_1166] {strides = array<i32>} : memref<64xf32, #tpu.memory_space<vmem>>, vector<16xf32>,
        %get3A_1168 = arith.constant 0 : i32
        %get3A_1169 = arith.constant 0 : i32
        %get3A_1170 = tpu.memref_slice %arg7[%scan3A_871, %get3A_1168, %get3A_1169] : memref<4x128x64xf32, #tpu.memory_space<vmem>> -> memref<1x128x64xf32, #tpu.memory_space<vmem>>
        %get3A_1171 = tpu.memref_squeeze %get3A_1170 : memref<1x128x64xf32, #tpu.memory_space<vmem>> -> memref<128x64xf32, #tpu.memory_space<vmem>>
        %get3A_1172 = arith.constant 0 : i32
        %get3A_1173 = tpu.memref_slice %get3A_1171[%add3A_1150, %get3A_1172] : memref<128x64xf32, #tpu.memory_space<vmem>> -> memref<1x64xf32, #tpu.memory_space<vmem>>
        %get3A_1174 = tpu.memref_squeeze %get3A_1173 : memref<1x64xf32, #tpu.memory_space<vmem>> -> memref<64xf32, #tpu.memory_space<vmem>>
        %get3A_1175 = arith.constant 32 : index
        %get3A_1176 = tpu.vector_load %get3A_1174[%get3A_1175] {strides = array<i32>} : memref<64xf32, #tpu.memory_space<vmem>>, vector<16xf32>,
        %get3A_1177 = arith.constant 0 : i32
        %get3A_1178 = arith.constant 0 : i32
        %get3A_1179 = tpu.memref_slice %arg7[%scan3A_871, %get3A_1177, %get3A_1178] : memref<4x128x64xf32, #tpu.memory_space<vmem>> -> memref<1x128x64xf32, #tpu.memory_space<vmem>>
        %get3A_1180 = tpu.memref_squeeze %get3A_1179 : memref<1x128x64xf32, #tpu.memory_space<vmem>> -> memref<128x64xf32, #tpu.memory_space<vmem>>
        %get3A_1181 = arith.constant 0 : i32
        %get3A_1182 = tpu.memref_slice %get3A_1180[%add3A_1150, %get3A_1181] : memref<128x64xf32, #tpu.memory_space<vmem>> -> memref<1x64xf32, #tpu.memory_space<vmem>>
        %get3A_1183 = tpu.memref_squeeze %get3A_1182 : memref<1x64xf32, #tpu.memory_space<vmem>> -> memref<64xf32, #tpu.memory_space<vmem>>
        %get3A_1184 = arith.constant 48 : index
        %get3A_1185 = tpu.vector_load %get3A_1183[%get3A_1184] {strides = array<i32>} : memref<64xf32, #tpu.memory_space<vmem>>, vector<16xf32>,
        %add3A_1186 = arith.constant 1 : i32
        %add3A_1187 = arith.addi %add3A_1150, %add3A_1186 : i32
        %get3A_1188 = arith.constant 0 : i32
        %get3A_1189 = arith.constant 0 : i32
        %get3A_1190 = tpu.memref_slice %arg7[%scan3A_871, %get3A_1188, %get3A_1189] : memref<4x128x64xf32, #tpu.memory_space<vmem>> -> memref<1x128x64xf32, #tpu.memory_space<vmem>>
        %get3A_1191 = tpu.memref_squeeze %get3A_1190 : memref<1x128x64xf32, #tpu.memory_space<vmem>> -> memref<128x64xf32, #tpu.memory_space<vmem>>
        %get3A_1192 = arith.constant 0 : i32
        %get3A_1193 = tpu.memref_slice %get3A_1191[%add3A_1187, %get3A_1192] : memref<128x64xf32, #tpu.memory_space<vmem>> -> memref<1x64xf32, #tpu.memory_space<vmem>>
        %get3A_1194 = tpu.memref_squeeze %get3A_1193 : memref<1x64xf32, #tpu.memory_space<vmem>> -> memref<64xf32, #tpu.memory_space<vmem>>
        %get3A_1195 = arith.constant 0 : index
        %get3A_1196 = tpu.vector_load %get3A_1194[%get3A_1195] {strides = array<i32>} : memref<64xf32, #tpu.memory_space<vmem>>, vector<16xf32>,
        %get3A_1197 = arith.constant 0 : i32
        %get3A_1198 = arith.constant 0 : i32
        %get3A_1199 = tpu.memref_slice %arg7[%scan3A_871, %get3A_1197, %get3A_1198] : memref<4x128x64xf32, #tpu.memory_space<vmem>> -> memref<1x128x64xf32, #tpu.memory_space<vmem>>
        %get3A_1200 = tpu.memref_squeeze %get3A_1199 : memref<1x128x64xf32, #tpu.memory_space<vmem>> -> memref<128x64xf32, #tpu.memory_space<vmem>>
        %get3A_1201 = arith.constant 0 : i32
        %get3A_1202 = tpu.memref_slice %get3A_1200[%add3A_1187, %get3A_1201] : memref<128x64xf32, #tpu.memory_space<vmem>> -> memref<1x64xf32, #tpu.memory_space<vmem>>
        %get3A_1203 = tpu.memref_squeeze %get3A_1202 : memref<1x64xf32, #tpu.memory_space<vmem>> -> memref<64xf32, #tpu.memory_space<vmem>>
        %get3A_1204 = arith.constant 16 : index
        %get3A_1205 = tpu.vector_load %get3A_1203[%get3A_1204] {strides = array<i32>} : memref<64xf32, #tpu.memory_space<vmem>>, vector<16xf32>,
        %get3A_1206 = arith.constant 0 : i32
        %get3A_1207 = arith.constant 0 : i32
        %get3A_1208 = tpu.memref_slice %arg7[%scan3A_871, %get3A_1206, %get3A_1207] : memref<4x128x64xf32, #tpu.memory_space<vmem>> -> memref<1x128x64xf32, #tpu.memory_space<vmem>>
        %get3A_1209 = tpu.memref_squeeze %get3A_1208 : memref<1x128x64xf32, #tpu.memory_space<vmem>> -> memref<128x64xf32, #tpu.memory_space<vmem>>
        %get3A_1210 = arith.constant 0 : i32
        %get3A_1211 = tpu.memref_slice %get3A_1209[%add3A_1187, %get3A_1210] : memref<128x64xf32, #tpu.memory_space<vmem>> -> memref<1x64xf32, #tpu.memory_space<vmem>>
        %get3A_1212 = tpu.memref_squeeze %get3A_1211 : memref<1x64xf32, #tpu.memory_space<vmem>> -> memref<64xf32, #tpu.memory_space<vmem>>
        %get3A_1213 = arith.constant 32 : index
        %get3A_1214 = tpu.vector_load %get3A_1212[%get3A_1213] {strides = array<i32>} : memref<64xf32, #tpu.memory_space<vmem>>, vector<16xf32>,
        %get3A_1215 = arith.constant 0 : i32
        %get3A_1216 = arith.constant 0 : i32
        %get3A_1217 = tpu.memref_slice %arg7[%scan3A_871, %get3A_1215, %get3A_1216] : memref<4x128x64xf32, #tpu.memory_space<vmem>> -> memref<1x128x64xf32, #tpu.memory_space<vmem>>
        %get3A_1218 = tpu.memref_squeeze %get3A_1217 : memref<1x128x64xf32, #tpu.memory_space<vmem>> -> memref<128x64xf32, #tpu.memory_space<vmem>>
        %get3A_1219 = arith.constant 0 : i32
        %get3A_1220 = tpu.memref_slice %get3A_1218[%add3A_1187, %get3A_1219] : memref<128x64xf32, #tpu.memory_space<vmem>> -> memref<1x64xf32, #tpu.memory_space<vmem>>
        %get3A_1221 = tpu.memref_squeeze %get3A_1220 : memref<1x64xf32, #tpu.memory_space<vmem>> -> memref<64xf32, #tpu.memory_space<vmem>>
        %get3A_1222 = arith.constant 48 : index
        %get3A_1223 = tpu.vector_load %get3A_1221[%get3A_1222] {strides = array<i32>} : memref<64xf32, #tpu.memory_space<vmem>>, vector<16xf32>,
        %add3A_1224 = arith.constant 0 : i32
        %add3A_1225 = vector.broadcast %add3A_1224 : i32 to vector<16xi32>
        %add3A_1226 = arith.addi %scan3A_1146, %add3A_1225 : vector<16xi32>
        %scatter3A = arith.constant 0 : i32
        %scatter3A_1227 = arith.constant 0 : i32
        %scatter3A_1228 = arith.constant 0 : i32
        %scatter3A_1229 = tpu.memref_slice %arg8[%scan3A_872, %scatter3A, %scatter3A_1227, %scatter3A_1228] : memref<4x8x8x133xf32, #tpu.memory_space<vmem>> -> memref<1x8x8x133xf32, #tpu.memory_space<vmem>>
        %scatter3A_1230 = tpu.memref_squeeze %scatter3A_1229 : memref<1x8x8x133xf32, #tpu.memory_space<vmem>> -> memref<8x8x133xf32, #tpu.memory_space<vmem>>
        tpu.vector_store_idx %scatter3A_1230[%select_n3A, %select_n3A_151, %add3A_1226], %get3A_1158 : memref<8x8x133xf32, #tpu.memory_space<vmem>>[vector<16xi32>, vector<16xi32>, vector<16xi32>], vector<16xf32>,
        %scatter3A_1231 = arith.constant 0 : i32
        %scatter3A_1232 = arith.constant 0 : i32
        %scatter3A_1233 = arith.constant 0 : i32
        %scatter3A_1234 = tpu.memref_slice %arg8[%scan3A_872, %scatter3A_1231, %scatter3A_1232, %scatter3A_1233] : memref<4x8x8x133xf32, #tpu.memory_space<vmem>> -> memref<1x8x8x133xf32, #tpu.memory_space<vmem>>
        %scatter3A_1235 = tpu.memref_squeeze %scatter3A_1234 : memref<1x8x8x133xf32, #tpu.memory_space<vmem>> -> memref<8x8x133xf32, #tpu.memory_space<vmem>>
        tpu.vector_store_idx %scatter3A_1235[%select_n3A_60, %select_n3A_176, %add3A_1226], %get3A_1167 : memref<8x8x133xf32, #tpu.memory_space<vmem>>[vector<16xi32>, vector<16xi32>, vector<16xi32>], vector<16xf32>,
        %scatter3A_1236 = arith.constant 0 : i32
        %scatter3A_1237 = arith.constant 0 : i32
        %scatter3A_1238 = arith.constant 0 : i32
        %scatter3A_1239 = tpu.memref_slice %arg8[%scan3A_872, %scatter3A_1236, %scatter3A_1237, %scatter3A_1238] : memref<4x8x8x133xf32, #tpu.memory_space<vmem>> -> memref<1x8x8x133xf32, #tpu.memory_space<vmem>>
        %scatter3A_1240 = tpu.memref_squeeze %scatter3A_1239 : memref<1x8x8x133xf32, #tpu.memory_space<vmem>> -> memref<8x8x133xf32, #tpu.memory_space<vmem>>
        tpu.vector_store_idx %scatter3A_1240[%select_n3A_94, %select_n3A_201, %add3A_1226], %get3A_1176 : memref<8x8x133xf32, #tpu.memory_space<vmem>>[vector<16xi32>, vector<16xi32>, vector<16xi32>], vector<16xf32>,
        %scatter3A_1241 = arith.constant 0 : i32
        %scatter3A_1242 = arith.constant 0 : i32
        %scatter3A_1243 = arith.constant 0 : i32
        %scatter3A_1244 = tpu.memref_slice %arg8[%scan3A_872, %scatter3A_1241, %scatter3A_1242, %scatter3A_1243] : memref<4x8x8x133xf32, #tpu.memory_space<vmem>> -> memref<1x8x8x133xf32, #tpu.memory_space<vmem>>
        %scatter3A_1245 = tpu.memref_squeeze %scatter3A_1244 : memref<1x8x8x133xf32, #tpu.memory_space<vmem>> -> memref<8x8x133xf32, #tpu.memory_space<vmem>>
        tpu.vector_store_idx %scatter3A_1245[%select_n3A_128, %select_n3A_226, %add3A_1226], %get3A_1185 : memref<8x8x133xf32, #tpu.memory_space<vmem>>[vector<16xi32>, vector<16xi32>, vector<16xi32>], vector<16xf32>,
        %add3A_1246 = arith.constant 2 : i32
        %add3A_1247 = arith.addi %add3A_1150, %add3A_1246 : i32
        %get3A_1248 = arith.constant 0 : i32
        %get3A_1249 = arith.constant 0 : i32
        %get3A_1250 = tpu.memref_slice %arg7[%scan3A_871, %get3A_1248, %get3A_1249] : memref<4x128x64xf32, #tpu.memory_space<vmem>> -> memref<1x128x64xf32, #tpu.memory_space<vmem>>
        %get3A_1251 = tpu.memref_squeeze %get3A_1250 : memref<1x128x64xf32, #tpu.memory_space<vmem>> -> memref<128x64xf32, #tpu.memory_space<vmem>>
        %get3A_1252 = arith.constant 0 : i32
        %get3A_1253 = tpu.memref_slice %get3A_1251[%add3A_1247, %get3A_1252] : memref<128x64xf32, #tpu.memory_space<vmem>> -> memref<1x64xf32, #tpu.memory_space<vmem>>
        %get3A_1254 = tpu.memref_squeeze %get3A_1253 : memref<1x64xf32, #tpu.memory_space<vmem>> -> memref<64xf32, #tpu.memory_space<vmem>>
        %get3A_1255 = arith.constant 0 : index
        %get3A_1256 = tpu.vector_load %get3A_1254[%get3A_1255] {strides = array<i32>} : memref<64xf32, #tpu.memory_space<vmem>>, vector<16xf32>,
        %get3A_1257 = arith.constant 0 : i32
        %get3A_1258 = arith.constant 0 : i32
        %get3A_1259 = tpu.memref_slice %arg7[%scan3A_871, %get3A_1257, %get3A_1258] : memref<4x128x64xf32, #tpu.memory_space<vmem>> -> memref<1x128x64xf32, #tpu.memory_space<vmem>>
        %get3A_1260 = tpu.memref_squeeze %get3A_1259 : memref<1x128x64xf32, #tpu.memory_space<vmem>> -> memref<128x64xf32, #tpu.memory_space<vmem>>
        %get3A_1261 = arith.constant 0 : i32
        %get3A_1262 = tpu.memref_slice %get3A_1260[%add3A_1247, %get3A_1261] : memref<128x64xf32, #tpu.memory_space<vmem>> -> memref<1x64xf32, #tpu.memory_space<vmem>>
        %get3A_1263 = tpu.memref_squeeze %get3A_1262 : memref<1x64xf32, #tpu.memory_space<vmem>> -> memref<64xf32, #tpu.memory_space<vmem>>
        %get3A_1264 = arith.constant 16 : index
        %get3A_1265 = tpu.vector_load %get3A_1263[%get3A_1264] {strides = array<i32>} : memref<64xf32, #tpu.memory_space<vmem>>, vector<16xf32>,
        %get3A_1266 = arith.constant 0 : i32
        %get3A_1267 = arith.constant 0 : i32
        %get3A_1268 = tpu.memref_slice %arg7[%scan3A_871, %get3A_1266, %get3A_1267] : memref<4x128x64xf32, #tpu.memory_space<vmem>> -> memref<1x128x64xf32, #tpu.memory_space<vmem>>
        %get3A_1269 = tpu.memref_squeeze %get3A_1268 : memref<1x128x64xf32, #tpu.memory_space<vmem>> -> memref<128x64xf32, #tpu.memory_space<vmem>>
        %get3A_1270 = arith.constant 0 : i32
        %get3A_1271 = tpu.memref_slice %get3A_1269[%add3A_1247, %get3A_1270] : memref<128x64xf32, #tpu.memory_space<vmem>> -> memref<1x64xf32, #tpu.memory_space<vmem>>
        %get3A_1272 = tpu.memref_squeeze %get3A_1271 : memref<1x64xf32, #tpu.memory_space<vmem>> -> memref<64xf32, #tpu.memory_space<vmem>>
        %get3A_1273 = arith.constant 32 : index
        %get3A_1274 = tpu.vector_load %get3A_1272[%get3A_1273] {strides = array<i32>} : memref<64xf32, #tpu.memory_space<vmem>>, vector<16xf32>,
        %get3A_1275 = arith.constant 0 : i32
        %get3A_1276 = arith.constant 0 : i32
        %get3A_1277 = tpu.memref_slice %arg7[%scan3A_871, %get3A_1275, %get3A_1276] : memref<4x128x64xf32, #tpu.memory_space<vmem>> -> memref<1x128x64xf32, #tpu.memory_space<vmem>>
        %get3A_1278 = tpu.memref_squeeze %get3A_1277 : memref<1x128x64xf32, #tpu.memory_space<vmem>> -> memref<128x64xf32, #tpu.memory_space<vmem>>
        %get3A_1279 = arith.constant 0 : i32
        %get3A_1280 = tpu.memref_slice %get3A_1278[%add3A_1247, %get3A_1279] : memref<128x64xf32, #tpu.memory_space<vmem>> -> memref<1x64xf32, #tpu.memory_space<vmem>>
        %get3A_1281 = tpu.memref_squeeze %get3A_1280 : memref<1x64xf32, #tpu.memory_space<vmem>> -> memref<64xf32, #tpu.memory_space<vmem>>
        %get3A_1282 = arith.constant 48 : index
        %get3A_1283 = tpu.vector_load %get3A_1281[%get3A_1282] {strides = array<i32>} : memref<64xf32, #tpu.memory_space<vmem>>, vector<16xf32>,
        %add3A_1284 = arith.constant 1 : i32
        %add3A_1285 = vector.broadcast %add3A_1284 : i32 to vector<16xi32>
        %add3A_1286 = arith.addi %scan3A_1146, %add3A_1285 : vector<16xi32>
        %scatter3A_1287 = arith.constant 0 : i32
        %scatter3A_1288 = arith.constant 0 : i32
        %scatter3A_1289 = arith.constant 0 : i32
        %scatter3A_1290 = tpu.memref_slice %arg8[%scan3A_872, %scatter3A_1287, %scatter3A_1288, %scatter3A_1289] : memref<4x8x8x133xf32, #tpu.memory_space<vmem>> -> memref<1x8x8x133xf32, #tpu.memory_space<vmem>>
        %scatter3A_1291 = tpu.memref_squeeze %scatter3A_1290 : memref<1x8x8x133xf32, #tpu.memory_space<vmem>> -> memref<8x8x133xf32, #tpu.memory_space<vmem>>
        tpu.vector_store_idx %scatter3A_1291[%select_n3A, %select_n3A_151, %add3A_1286], %get3A_1196 : memref<8x8x133xf32, #tpu.memory_space<vmem>>[vector<16xi32>, vector<16xi32>, vector<16xi32>], vector<16xf32>,
        %scatter3A_1292 = arith.constant 0 : i32
        %scatter3A_1293 = arith.constant 0 : i32
        %scatter3A_1294 = arith.constant 0 : i32
        %scatter3A_1295 = tpu.memref_slice %arg8[%scan3A_872, %scatter3A_1292, %scatter3A_1293, %scatter3A_1294] : memref<4x8x8x133xf32, #tpu.memory_space<vmem>> -> memref<1x8x8x133xf32, #tpu.memory_space<vmem>>
        %scatter3A_1296 = tpu.memref_squeeze %scatter3A_1295 : memref<1x8x8x133xf32, #tpu.memory_space<vmem>> -> memref<8x8x133xf32, #tpu.memory_space<vmem>>
        tpu.vector_store_idx %scatter3A_1296[%select_n3A_60, %select_n3A_176, %add3A_1286], %get3A_1205 : memref<8x8x133xf32, #tpu.memory_space<vmem>>[vector<16xi32>, vector<16xi32>, vector<16xi32>], vector<16xf32>,
        %scatter3A_1297 = arith.constant 0 : i32
        %scatter3A_1298 = arith.constant 0 : i32
        %scatter3A_1299 = arith.constant 0 : i32
        %scatter3A_1300 = tpu.memref_slice %arg8[%scan3A_872, %scatter3A_1297, %scatter3A_1298, %scatter3A_1299] : memref<4x8x8x133xf32, #tpu.memory_space<vmem>> -> memref<1x8x8x133xf32, #tpu.memory_space<vmem>>
        %scatter3A_1301 = tpu.memref_squeeze %scatter3A_1300 : memref<1x8x8x133xf32, #tpu.memory_space<vmem>> -> memref<8x8x133xf32, #tpu.memory_space<vmem>>
        tpu.vector_store_idx %scatter3A_1301[%select_n3A_94, %select_n3A_201, %add3A_1286], %get3A_1214 : memref<8x8x133xf32, #tpu.memory_space<vmem>>[vector<16xi32>, vector<16xi32>, vector<16xi32>], vector<16xf32>,
        %scatter3A_1302 = arith.constant 0 : i32
        %scatter3A_1303 = arith.constant 0 : i32
        %scatter3A_1304 = arith.constant 0 : i32
        %scatter3A_1305 = tpu.memref_slice %arg8[%scan3A_872, %scatter3A_1302, %scatter3A_1303, %scatter3A_1304] : memref<4x8x8x133xf32, #tpu.memory_space<vmem>> -> memref<1x8x8x133xf32, #tpu.memory_space<vmem>>
        %scatter3A_1306 = tpu.memref_squeeze %scatter3A_1305 : memref<1x8x8x133xf32, #tpu.memory_space<vmem>> -> memref<8x8x133xf32, #tpu.memory_space<vmem>>
        tpu.vector_store_idx %scatter3A_1306[%select_n3A_128, %select_n3A_226, %add3A_1286], %get3A_1223 : memref<8x8x133xf32, #tpu.memory_space<vmem>>[vector<16xi32>, vector<16xi32>, vector<16xi32>], vector<16xf32>,
        %add3A_1307 = arith.constant 3 : i32
        %add3A_1308 = arith.addi %add3A_1150, %add3A_1307 : i32
        %get3A_1309 = arith.constant 0 : i32
        %get3A_1310 = arith.constant 0 : i32
        %get3A_1311 = tpu.memref_slice %arg7[%scan3A_871, %get3A_1309, %get3A_1310] : memref<4x128x64xf32, #tpu.memory_space<vmem>> -> memref<1x128x64xf32, #tpu.memory_space<vmem>>
        %get3A_1312 = tpu.memref_squeeze %get3A_1311 : memref<1x128x64xf32, #tpu.memory_space<vmem>> -> memref<128x64xf32, #tpu.memory_space<vmem>>
        %get3A_1313 = arith.constant 0 : i32
        %get3A_1314 = tpu.memref_slice %get3A_1312[%add3A_1308, %get3A_1313] : memref<128x64xf32, #tpu.memory_space<vmem>> -> memref<1x64xf32, #tpu.memory_space<vmem>>
        %get3A_1315 = tpu.memref_squeeze %get3A_1314 : memref<1x64xf32, #tpu.memory_space<vmem>> -> memref<64xf32, #tpu.memory_space<vmem>>
        %get3A_1316 = arith.constant 0 : index
        %get3A_1317 = tpu.vector_load %get3A_1315[%get3A_1316] {strides = array<i32>} : memref<64xf32, #tpu.memory_space<vmem>>, vector<16xf32>,
        %get3A_1318 = arith.constant 0 : i32
        %get3A_1319 = arith.constant 0 : i32
        %get3A_1320 = tpu.memref_slice %arg7[%scan3A_871, %get3A_1318, %get3A_1319] : memref<4x128x64xf32, #tpu.memory_space<vmem>> -> memref<1x128x64xf32, #tpu.memory_space<vmem>>
        %get3A_1321 = tpu.memref_squeeze %get3A_1320 : memref<1x128x64xf32, #tpu.memory_space<vmem>> -> memref<128x64xf32, #tpu.memory_space<vmem>>
        %get3A_1322 = arith.constant 0 : i32
        %get3A_1323 = tpu.memref_slice %get3A_1321[%add3A_1308, %get3A_1322] : memref<128x64xf32, #tpu.memory_space<vmem>> -> memref<1x64xf32, #tpu.memory_space<vmem>>
        %get3A_1324 = tpu.memref_squeeze %get3A_1323 : memref<1x64xf32, #tpu.memory_space<vmem>> -> memref<64xf32, #tpu.memory_space<vmem>>
        %get3A_1325 = arith.constant 16 : index
        %get3A_1326 = tpu.vector_load %get3A_1324[%get3A_1325] {strides = array<i32>} : memref<64xf32, #tpu.memory_space<vmem>>, vector<16xf32>,
        %get3A_1327 = arith.constant 0 : i32
        %get3A_1328 = arith.constant 0 : i32
        %get3A_1329 = tpu.memref_slice %arg7[%scan3A_871, %get3A_1327, %get3A_1328] : memref<4x128x64xf32, #tpu.memory_space<vmem>> -> memref<1x128x64xf32, #tpu.memory_space<vmem>>
        %get3A_1330 = tpu.memref_squeeze %get3A_1329 : memref<1x128x64xf32, #tpu.memory_space<vmem>> -> memref<128x64xf32, #tpu.memory_space<vmem>>
        %get3A_1331 = arith.constant 0 : i32
        %get3A_1332 = tpu.memref_slice %get3A_1330[%add3A_1308, %get3A_1331] : memref<128x64xf32, #tpu.memory_space<vmem>> -> memref<1x64xf32, #tpu.memory_space<vmem>>
        %get3A_1333 = tpu.memref_squeeze %get3A_1332 : memref<1x64xf32, #tpu.memory_space<vmem>> -> memref<64xf32, #tpu.memory_space<vmem>>
        %get3A_1334 = arith.constant 32 : index
        %get3A_1335 = tpu.vector_load %get3A_1333[%get3A_1334] {strides = array<i32>} : memref<64xf32, #tpu.memory_space<vmem>>, vector<16xf32>,
        %get3A_1336 = arith.constant 0 : i32
        %get3A_1337 = arith.constant 0 : i32
        %get3A_1338 = tpu.memref_slice %arg7[%scan3A_871, %get3A_1336, %get3A_1337] : memref<4x128x64xf32, #tpu.memory_space<vmem>> -> memref<1x128x64xf32, #tpu.memory_space<vmem>>
        %get3A_1339 = tpu.memref_squeeze %get3A_1338 : memref<1x128x64xf32, #tpu.memory_space<vmem>> -> memref<128x64xf32, #tpu.memory_space<vmem>>
        %get3A_1340 = arith.constant 0 : i32
        %get3A_1341 = tpu.memref_slice %get3A_1339[%add3A_1308, %get3A_1340] : memref<128x64xf32, #tpu.memory_space<vmem>> -> memref<1x64xf32, #tpu.memory_space<vmem>>
        %get3A_1342 = tpu.memref_squeeze %get3A_1341 : memref<1x64xf32, #tpu.memory_space<vmem>> -> memref<64xf32, #tpu.memory_space<vmem>>
        %get3A_1343 = arith.constant 48 : index
        %get3A_1344 = tpu.vector_load %get3A_1342[%get3A_1343] {strides = array<i32>} : memref<64xf32, #tpu.memory_space<vmem>>, vector<16xf32>,
        %add3A_1345 = arith.constant 2 : i32
        %add3A_1346 = vector.broadcast %add3A_1345 : i32 to vector<16xi32>
        %add3A_1347 = arith.addi %scan3A_1146, %add3A_1346 : vector<16xi32>
        %scatter3A_1348 = arith.constant 0 : i32
        %scatter3A_1349 = arith.constant 0 : i32
        %scatter3A_1350 = arith.constant 0 : i32
        %scatter3A_1351 = tpu.memref_slice %arg8[%scan3A_872, %scatter3A_1348, %scatter3A_1349, %scatter3A_1350] : memref<4x8x8x133xf32, #tpu.memory_space<vmem>> -> memref<1x8x8x133xf32, #tpu.memory_space<vmem>>
        %scatter3A_1352 = tpu.memref_squeeze %scatter3A_1351 : memref<1x8x8x133xf32, #tpu.memory_space<vmem>> -> memref<8x8x133xf32, #tpu.memory_space<vmem>>
        tpu.vector_store_idx %scatter3A_1352[%select_n3A, %select_n3A_151, %add3A_1347], %get3A_1256 : memref<8x8x133xf32, #tpu.memory_space<vmem>>[vector<16xi32>, vector<16xi32>, vector<16xi32>], vector<16xf32>,
        %scatter3A_1353 = arith.constant 0 : i32
        %scatter3A_1354 = arith.constant 0 : i32
        %scatter3A_1355 = arith.constant 0 : i32
        %scatter3A_1356 = tpu.memref_slice %arg8[%scan3A_872, %scatter3A_1353, %scatter3A_1354, %scatter3A_1355] : memref<4x8x8x133xf32, #tpu.memory_space<vmem>> -> memref<1x8x8x133xf32, #tpu.memory_space<vmem>>
        %scatter3A_1357 = tpu.memref_squeeze %scatter3A_1356 : memref<1x8x8x133xf32, #tpu.memory_space<vmem>> -> memref<8x8x133xf32, #tpu.memory_space<vmem>>
        tpu.vector_store_idx %scatter3A_1357[%select_n3A_60, %select_n3A_176, %add3A_1347], %get3A_1265 : memref<8x8x133xf32, #tpu.memory_space<vmem>>[vector<16xi32>, vector<16xi32>, vector<16xi32>], vector<16xf32>,
        %scatter3A_1358 = arith.constant 0 : i32
        %scatter3A_1359 = arith.constant 0 : i32
        %scatter3A_1360 = arith.constant 0 : i32
        %scatter3A_1361 = tpu.memref_slice %arg8[%scan3A_872, %scatter3A_1358, %scatter3A_1359, %scatter3A_1360] : memref<4x8x8x133xf32, #tpu.memory_space<vmem>> -> memref<1x8x8x133xf32, #tpu.memory_space<vmem>>
        %scatter3A_1362 = tpu.memref_squeeze %scatter3A_1361 : memref<1x8x8x133xf32, #tpu.memory_space<vmem>> -> memref<8x8x133xf32, #tpu.memory_space<vmem>>
        tpu.vector_store_idx %scatter3A_1362[%select_n3A_94, %select_n3A_201, %add3A_1347], %get3A_1274 : memref<8x8x133xf32, #tpu.memory_space<vmem>>[vector<16xi32>, vector<16xi32>, vector<16xi32>], vector<16xf32>,
        %scatter3A_1363 = arith.constant 0 : i32
        %scatter3A_1364 = arith.constant 0 : i32
        %scatter3A_1365 = arith.constant 0 : i32
        %scatter3A_1366 = tpu.memref_slice %arg8[%scan3A_872, %scatter3A_1363, %scatter3A_1364, %scatter3A_1365] : memref<4x8x8x133xf32, #tpu.memory_space<vmem>> -> memref<1x8x8x133xf32, #tpu.memory_space<vmem>>
        %scatter3A_1367 = tpu.memref_squeeze %scatter3A_1366 : memref<1x8x8x133xf32, #tpu.memory_space<vmem>> -> memref<8x8x133xf32, #tpu.memory_space<vmem>>
        tpu.vector_store_idx %scatter3A_1367[%select_n3A_128, %select_n3A_226, %add3A_1347], %get3A_1283 : memref<8x8x133xf32, #tpu.memory_space<vmem>>[vector<16xi32>, vector<16xi32>, vector<16xi32>], vector<16xf32>,
        %add3A_1368 = arith.constant 4 : i32
        %add3A_1369 = arith.addi %add3A_1150, %add3A_1368 : i32
        %get3A_1370 = arith.constant 0 : i32
        %get3A_1371 = arith.constant 0 : i32
        %get3A_1372 = tpu.memref_slice %arg7[%scan3A_871, %get3A_1370, %get3A_1371] : memref<4x128x64xf32, #tpu.memory_space<vmem>> -> memref<1x128x64xf32, #tpu.memory_space<vmem>>
        %get3A_1373 = tpu.memref_squeeze %get3A_1372 : memref<1x128x64xf32, #tpu.memory_space<vmem>> -> memref<128x64xf32, #tpu.memory_space<vmem>>
        %get3A_1374 = arith.constant 0 : i32
        %get3A_1375 = tpu.memref_slice %get3A_1373[%add3A_1369, %get3A_1374] : memref<128x64xf32, #tpu.memory_space<vmem>> -> memref<1x64xf32, #tpu.memory_space<vmem>>
        %get3A_1376 = tpu.memref_squeeze %get3A_1375 : memref<1x64xf32, #tpu.memory_space<vmem>> -> memref<64xf32, #tpu.memory_space<vmem>>
        %get3A_1377 = arith.constant 0 : index
        %get3A_1378 = tpu.vector_load %get3A_1376[%get3A_1377] {strides = array<i32>} : memref<64xf32, #tpu.memory_space<vmem>>, vector<16xf32>,
        %get3A_1379 = arith.constant 0 : i32
        %get3A_1380 = arith.constant 0 : i32
        %get3A_1381 = tpu.memref_slice %arg7[%scan3A_871, %get3A_1379, %get3A_1380] : memref<4x128x64xf32, #tpu.memory_space<vmem>> -> memref<1x128x64xf32, #tpu.memory_space<vmem>>
        %get3A_1382 = tpu.memref_squeeze %get3A_1381 : memref<1x128x64xf32, #tpu.memory_space<vmem>> -> memref<128x64xf32, #tpu.memory_space<vmem>>
        %get3A_1383 = arith.constant 0 : i32
        %get3A_1384 = tpu.memref_slice %get3A_1382[%add3A_1369, %get3A_1383] : memref<128x64xf32, #tpu.memory_space<vmem>> -> memref<1x64xf32, #tpu.memory_space<vmem>>
        %get3A_1385 = tpu.memref_squeeze %get3A_1384 : memref<1x64xf32, #tpu.memory_space<vmem>> -> memref<64xf32, #tpu.memory_space<vmem>>
        %get3A_1386 = arith.constant 16 : index
        %get3A_1387 = tpu.vector_load %get3A_1385[%get3A_1386] {strides = array<i32>} : memref<64xf32, #tpu.memory_space<vmem>>, vector<16xf32>,
        %get3A_1388 = arith.constant 0 : i32
        %get3A_1389 = arith.constant 0 : i32
        %get3A_1390 = tpu.memref_slice %arg7[%scan3A_871, %get3A_1388, %get3A_1389] : memref<4x128x64xf32, #tpu.memory_space<vmem>> -> memref<1x128x64xf32, #tpu.memory_space<vmem>>
        %get3A_1391 = tpu.memref_squeeze %get3A_1390 : memref<1x128x64xf32, #tpu.memory_space<vmem>> -> memref<128x64xf32, #tpu.memory_space<vmem>>
        %get3A_1392 = arith.constant 0 : i32
        %get3A_1393 = tpu.memref_slice %get3A_1391[%add3A_1369, %get3A_1392] : memref<128x64xf32, #tpu.memory_space<vmem>> -> memref<1x64xf32, #tpu.memory_space<vmem>>
        %get3A_1394 = tpu.memref_squeeze %get3A_1393 : memref<1x64xf32, #tpu.memory_space<vmem>> -> memref<64xf32, #tpu.memory_space<vmem>>
        %get3A_1395 = arith.constant 32 : index
        %get3A_1396 = tpu.vector_load %get3A_1394[%get3A_1395] {strides = array<i32>} : memref<64xf32, #tpu.memory_space<vmem>>, vector<16xf32>,
        %get3A_1397 = arith.constant 0 : i32
        %get3A_1398 = arith.constant 0 : i32
        %get3A_1399 = tpu.memref_slice %arg7[%scan3A_871, %get3A_1397, %get3A_1398] : memref<4x128x64xf32, #tpu.memory_space<vmem>> -> memref<1x128x64xf32, #tpu.memory_space<vmem>>
        %get3A_1400 = tpu.memref_squeeze %get3A_1399 : memref<1x128x64xf32, #tpu.memory_space<vmem>> -> memref<128x64xf32, #tpu.memory_space<vmem>>
        %get3A_1401 = arith.constant 0 : i32
        %get3A_1402 = tpu.memref_slice %get3A_1400[%add3A_1369, %get3A_1401] : memref<128x64xf32, #tpu.memory_space<vmem>> -> memref<1x64xf32, #tpu.memory_space<vmem>>
        %get3A_1403 = tpu.memref_squeeze %get3A_1402 : memref<1x64xf32, #tpu.memory_space<vmem>> -> memref<64xf32, #tpu.memory_space<vmem>>
        %get3A_1404 = arith.constant 48 : index
        %get3A_1405 = tpu.vector_load %get3A_1403[%get3A_1404] {strides = array<i32>} : memref<64xf32, #tpu.memory_space<vmem>>, vector<16xf32>,
        %add3A_1406 = arith.constant 3 : i32
        %add3A_1407 = vector.broadcast %add3A_1406 : i32 to vector<16xi32>
        %add3A_1408 = arith.addi %scan3A_1146, %add3A_1407 : vector<16xi32>
        %scatter3A_1409 = arith.constant 0 : i32
        %scatter3A_1410 = arith.constant 0 : i32
        %scatter3A_1411 = arith.constant 0 : i32
        %scatter3A_1412 = tpu.memref_slice %arg8[%scan3A_872, %scatter3A_1409, %scatter3A_1410, %scatter3A_1411] : memref<4x8x8x133xf32, #tpu.memory_space<vmem>> -> memref<1x8x8x133xf32, #tpu.memory_space<vmem>>
        %scatter3A_1413 = tpu.memref_squeeze %scatter3A_1412 : memref<1x8x8x133xf32, #tpu.memory_space<vmem>> -> memref<8x8x133xf32, #tpu.memory_space<vmem>>
        tpu.vector_store_idx %scatter3A_1413[%select_n3A, %select_n3A_151, %add3A_1408], %get3A_1317 : memref<8x8x133xf32, #tpu.memory_space<vmem>>[vector<16xi32>, vector<16xi32>, vector<16xi32>], vector<16xf32>,
        %scatter3A_1414 = arith.constant 0 : i32
        %scatter3A_1415 = arith.constant 0 : i32
        %scatter3A_1416 = arith.constant 0 : i32
        %scatter3A_1417 = tpu.memref_slice %arg8[%scan3A_872, %scatter3A_1414, %scatter3A_1415, %scatter3A_1416] : memref<4x8x8x133xf32, #tpu.memory_space<vmem>> -> memref<1x8x8x133xf32, #tpu.memory_space<vmem>>
        %scatter3A_1418 = tpu.memref_squeeze %scatter3A_1417 : memref<1x8x8x133xf32, #tpu.memory_space<vmem>> -> memref<8x8x133xf32, #tpu.memory_space<vmem>>
        tpu.vector_store_idx %scatter3A_1418[%select_n3A_60, %select_n3A_176, %add3A_1408], %get3A_1326 : memref<8x8x133xf32, #tpu.memory_space<vmem>>[vector<16xi32>, vector<16xi32>, vector<16xi32>], vector<16xf32>,
        %scatter3A_1419 = arith.constant 0 : i32
        %scatter3A_1420 = arith.constant 0 : i32
        %scatter3A_1421 = arith.constant 0 : i32
        %scatter3A_1422 = tpu.memref_slice %arg8[%scan3A_872, %scatter3A_1419, %scatter3A_1420, %scatter3A_1421] : memref<4x8x8x133xf32, #tpu.memory_space<vmem>> -> memref<1x8x8x133xf32, #tpu.memory_space<vmem>>
        %scatter3A_1423 = tpu.memref_squeeze %scatter3A_1422 : memref<1x8x8x133xf32, #tpu.memory_space<vmem>> -> memref<8x8x133xf32, #tpu.memory_space<vmem>>
        tpu.vector_store_idx %scatter3A_1423[%select_n3A_94, %select_n3A_201, %add3A_1408], %get3A_1335 : memref<8x8x133xf32, #tpu.memory_space<vmem>>[vector<16xi32>, vector<16xi32>, vector<16xi32>], vector<16xf32>,
        %scatter3A_1424 = arith.constant 0 : i32
        %scatter3A_1425 = arith.constant 0 : i32
        %scatter3A_1426 = arith.constant 0 : i32
        %scatter3A_1427 = tpu.memref_slice %arg8[%scan3A_872, %scatter3A_1424, %scatter3A_1425, %scatter3A_1426] : memref<4x8x8x133xf32, #tpu.memory_space<vmem>> -> memref<1x8x8x133xf32, #tpu.memory_space<vmem>>
        %scatter3A_1428 = tpu.memref_squeeze %scatter3A_1427 : memref<1x8x8x133xf32, #tpu.memory_space<vmem>> -> memref<8x8x133xf32, #tpu.memory_space<vmem>>
        tpu.vector_store_idx %scatter3A_1428[%select_n3A_128, %select_n3A_226, %add3A_1408], %get3A_1344 : memref<8x8x133xf32, #tpu.memory_space<vmem>>[vector<16xi32>, vector<16xi32>, vector<16xi32>], vector<16xf32>,
        %add3A_1429 = arith.constant 5 : i32
        %add3A_1430 = arith.addi %add3A_1150, %add3A_1429 : i32
        %get3A_1431 = arith.constant 0 : i32
        %get3A_1432 = arith.constant 0 : i32
        %get3A_1433 = tpu.memref_slice %arg7[%scan3A_871, %get3A_1431, %get3A_1432] : memref<4x128x64xf32, #tpu.memory_space<vmem>> -> memref<1x128x64xf32, #tpu.memory_space<vmem>>
        %get3A_1434 = tpu.memref_squeeze %get3A_1433 : memref<1x128x64xf32, #tpu.memory_space<vmem>> -> memref<128x64xf32, #tpu.memory_space<vmem>>
        %get3A_1435 = arith.constant 0 : i32
        %get3A_1436 = tpu.memref_slice %get3A_1434[%add3A_1430, %get3A_1435] : memref<128x64xf32, #tpu.memory_space<vmem>> -> memref<1x64xf32, #tpu.memory_space<vmem>>
        %get3A_1437 = tpu.memref_squeeze %get3A_1436 : memref<1x64xf32, #tpu.memory_space<vmem>> -> memref<64xf32, #tpu.memory_space<vmem>>
        %get3A_1438 = arith.constant 0 : index
        %get3A_1439 = tpu.vector_load %get3A_1437[%get3A_1438] {strides = array<i32>} : memref<64xf32, #tpu.memory_space<vmem>>, vector<16xf32>,
        %get3A_1440 = arith.constant 0 : i32
        %get3A_1441 = arith.constant 0 : i32
        %get3A_1442 = tpu.memref_slice %arg7[%scan3A_871, %get3A_1440, %get3A_1441] : memref<4x128x64xf32, #tpu.memory_space<vmem>> -> memref<1x128x64xf32, #tpu.memory_space<vmem>>
        %get3A_1443 = tpu.memref_squeeze %get3A_1442 : memref<1x128x64xf32, #tpu.memory_space<vmem>> -> memref<128x64xf32, #tpu.memory_space<vmem>>
        %get3A_1444 = arith.constant 0 : i32
        %get3A_1445 = tpu.memref_slice %get3A_1443[%add3A_1430, %get3A_1444] : memref<128x64xf32, #tpu.memory_space<vmem>> -> memref<1x64xf32, #tpu.memory_space<vmem>>
        %get3A_1446 = tpu.memref_squeeze %get3A_1445 : memref<1x64xf32, #tpu.memory_space<vmem>> -> memref<64xf32, #tpu.memory_space<vmem>>
        %get3A_1447 = arith.constant 16 : index
        %get3A_1448 = tpu.vector_load %get3A_1446[%get3A_1447] {strides = array<i32>} : memref<64xf32, #tpu.memory_space<vmem>>, vector<16xf32>,
        %get3A_1449 = arith.constant 0 : i32
        %get3A_1450 = arith.constant 0 : i32
        %get3A_1451 = tpu.memref_slice %arg7[%scan3A_871, %get3A_1449, %get3A_1450] : memref<4x128x64xf32, #tpu.memory_space<vmem>> -> memref<1x128x64xf32, #tpu.memory_space<vmem>>
        %get3A_1452 = tpu.memref_squeeze %get3A_1451 : memref<1x128x64xf32, #tpu.memory_space<vmem>> -> memref<128x64xf32, #tpu.memory_space<vmem>>
        %get3A_1453 = arith.constant 0 : i32
        %get3A_1454 = tpu.memref_slice %get3A_1452[%add3A_1430, %get3A_1453] : memref<128x64xf32, #tpu.memory_space<vmem>> -> memref<1x64xf32, #tpu.memory_space<vmem>>
        %get3A_1455 = tpu.memref_squeeze %get3A_1454 : memref<1x64xf32, #tpu.memory_space<vmem>> -> memref<64xf32, #tpu.memory_space<vmem>>
        %get3A_1456 = arith.constant 32 : index
        %get3A_1457 = tpu.vector_load %get3A_1455[%get3A_1456] {strides = array<i32>} : memref<64xf32, #tpu.memory_space<vmem>>, vector<16xf32>,
        %get3A_1458 = arith.constant 0 : i32
        %get3A_1459 = arith.constant 0 : i32
        %get3A_1460 = tpu.memref_slice %arg7[%scan3A_871, %get3A_1458, %get3A_1459] : memref<4x128x64xf32, #tpu.memory_space<vmem>> -> memref<1x128x64xf32, #tpu.memory_space<vmem>>
        %get3A_1461 = tpu.memref_squeeze %get3A_1460 : memref<1x128x64xf32, #tpu.memory_space<vmem>> -> memref<128x64xf32, #tpu.memory_space<vmem>>
        %get3A_1462 = arith.constant 0 : i32
        %get3A_1463 = tpu.memref_slice %get3A_1461[%add3A_1430, %get3A_1462] : memref<128x64xf32, #tpu.memory_space<vmem>> -> memref<1x64xf32, #tpu.memory_space<vmem>>
        %get3A_1464 = tpu.memref_squeeze %get3A_1463 : memref<1x64xf32, #tpu.memory_space<vmem>> -> memref<64xf32, #tpu.memory_space<vmem>>
        %get3A_1465 = arith.constant 48 : index
        %get3A_1466 = tpu.vector_load %get3A_1464[%get3A_1465] {strides = array<i32>} : memref<64xf32, #tpu.memory_space<vmem>>, vector<16xf32>,
        %add3A_1467 = arith.constant 4 : i32
        %add3A_1468 = vector.broadcast %add3A_1467 : i32 to vector<16xi32>
        %add3A_1469 = arith.addi %scan3A_1146, %add3A_1468 : vector<16xi32>
        %scatter3A_1470 = arith.constant 0 : i32
        %scatter3A_1471 = arith.constant 0 : i32
        %scatter3A_1472 = arith.constant 0 : i32
        %scatter3A_1473 = tpu.memref_slice %arg8[%scan3A_872, %scatter3A_1470, %scatter3A_1471, %scatter3A_1472] : memref<4x8x8x133xf32, #tpu.memory_space<vmem>> -> memref<1x8x8x133xf32, #tpu.memory_space<vmem>>
        %scatter3A_1474 = tpu.memref_squeeze %scatter3A_1473 : memref<1x8x8x133xf32, #tpu.memory_space<vmem>> -> memref<8x8x133xf32, #tpu.memory_space<vmem>>
        tpu.vector_store_idx %scatter3A_1474[%select_n3A, %select_n3A_151, %add3A_1469], %get3A_1378 : memref<8x8x133xf32, #tpu.memory_space<vmem>>[vector<16xi32>, vector<16xi32>, vector<16xi32>], vector<16xf32>,
        %scatter3A_1475 = arith.constant 0 : i32
        %scatter3A_1476 = arith.constant 0 : i32
        %scatter3A_1477 = arith.constant 0 : i32
        %scatter3A_1478 = tpu.memref_slice %arg8[%scan3A_872, %scatter3A_1475, %scatter3A_1476, %scatter3A_1477] : memref<4x8x8x133xf32, #tpu.memory_space<vmem>> -> memref<1x8x8x133xf32, #tpu.memory_space<vmem>>
        %scatter3A_1479 = tpu.memref_squeeze %scatter3A_1478 : memref<1x8x8x133xf32, #tpu.memory_space<vmem>> -> memref<8x8x133xf32, #tpu.memory_space<vmem>>
        tpu.vector_store_idx %scatter3A_1479[%select_n3A_60, %select_n3A_176, %add3A_1469], %get3A_1387 : memref<8x8x133xf32, #tpu.memory_space<vmem>>[vector<16xi32>, vector<16xi32>, vector<16xi32>], vector<16xf32>,
        %scatter3A_1480 = arith.constant 0 : i32
        %scatter3A_1481 = arith.constant 0 : i32
        %scatter3A_1482 = arith.constant 0 : i32
        %scatter3A_1483 = tpu.memref_slice %arg8[%scan3A_872, %scatter3A_1480, %scatter3A_1481, %scatter3A_1482] : memref<4x8x8x133xf32, #tpu.memory_space<vmem>> -> memref<1x8x8x133xf32, #tpu.memory_space<vmem>>
        %scatter3A_1484 = tpu.memref_squeeze %scatter3A_1483 : memref<1x8x8x133xf32, #tpu.memory_space<vmem>> -> memref<8x8x133xf32, #tpu.memory_space<vmem>>
        tpu.vector_store_idx %scatter3A_1484[%select_n3A_94, %select_n3A_201, %add3A_1469], %get3A_1396 : memref<8x8x133xf32, #tpu.memory_space<vmem>>[vector<16xi32>, vector<16xi32>, vector<16xi32>], vector<16xf32>,
        %scatter3A_1485 = arith.constant 0 : i32
        %scatter3A_1486 = arith.constant 0 : i32
        %scatter3A_1487 = arith.constant 0 : i32
        %scatter3A_1488 = tpu.memref_slice %arg8[%scan3A_872, %scatter3A_1485, %scatter3A_1486, %scatter3A_1487] : memref<4x8x8x133xf32, #tpu.memory_space<vmem>> -> memref<1x8x8x133xf32, #tpu.memory_space<vmem>>
        %scatter3A_1489 = tpu.memref_squeeze %scatter3A_1488 : memref<1x8x8x133xf32, #tpu.memory_space<vmem>> -> memref<8x8x133xf32, #tpu.memory_space<vmem>>
        tpu.vector_store_idx %scatter3A_1489[%select_n3A_128, %select_n3A_226, %add3A_1469], %get3A_1405 : memref<8x8x133xf32, #tpu.memory_space<vmem>>[vector<16xi32>, vector<16xi32>, vector<16xi32>], vector<16xf32>,
        %add3A_1490 = arith.constant 6 : i32
        %add3A_1491 = arith.addi %add3A_1150, %add3A_1490 : i32
        %get3A_1492 = arith.constant 0 : i32
        %get3A_1493 = arith.constant 0 : i32
        %get3A_1494 = tpu.memref_slice %arg7[%scan3A_871, %get3A_1492, %get3A_1493] : memref<4x128x64xf32, #tpu.memory_space<vmem>> -> memref<1x128x64xf32, #tpu.memory_space<vmem>>
        %get3A_1495 = tpu.memref_squeeze %get3A_1494 : memref<1x128x64xf32, #tpu.memory_space<vmem>> -> memref<128x64xf32, #tpu.memory_space<vmem>>
        %get3A_1496 = arith.constant 0 : i32
        %get3A_1497 = tpu.memref_slice %get3A_1495[%add3A_1491, %get3A_1496] : memref<128x64xf32, #tpu.memory_space<vmem>> -> memref<1x64xf32, #tpu.memory_space<vmem>>
        %get3A_1498 = tpu.memref_squeeze %get3A_1497 : memref<1x64xf32, #tpu.memory_space<vmem>> -> memref<64xf32, #tpu.memory_space<vmem>>
        %get3A_1499 = arith.constant 0 : index
        %get3A_1500 = tpu.vector_load %get3A_1498[%get3A_1499] {strides = array<i32>} : memref<64xf32, #tpu.memory_space<vmem>>, vector<16xf32>,
        %get3A_1501 = arith.constant 0 : i32
        %get3A_1502 = arith.constant 0 : i32
        %get3A_1503 = tpu.memref_slice %arg7[%scan3A_871, %get3A_1501, %get3A_1502] : memref<4x128x64xf32, #tpu.memory_space<vmem>> -> memref<1x128x64xf32, #tpu.memory_space<vmem>>
        %get3A_1504 = tpu.memref_squeeze %get3A_1503 : memref<1x128x64xf32, #tpu.memory_space<vmem>> -> memref<128x64xf32, #tpu.memory_space<vmem>>
        %get3A_1505 = arith.constant 0 : i32
        %get3A_1506 = tpu.memref_slice %get3A_1504[%add3A_1491, %get3A_1505] : memref<128x64xf32, #tpu.memory_space<vmem>> -> memref<1x64xf32, #tpu.memory_space<vmem>>
        %get3A_1507 = tpu.memref_squeeze %get3A_1506 : memref<1x64xf32, #tpu.memory_space<vmem>> -> memref<64xf32, #tpu.memory_space<vmem>>
        %get3A_1508 = arith.constant 16 : index
        %get3A_1509 = tpu.vector_load %get3A_1507[%get3A_1508] {strides = array<i32>} : memref<64xf32, #tpu.memory_space<vmem>>, vector<16xf32>,
        %get3A_1510 = arith.constant 0 : i32
        %get3A_1511 = arith.constant 0 : i32
        %get3A_1512 = tpu.memref_slice %arg7[%scan3A_871, %get3A_1510, %get3A_1511] : memref<4x128x64xf32, #tpu.memory_space<vmem>> -> memref<1x128x64xf32, #tpu.memory_space<vmem>>
        %get3A_1513 = tpu.memref_squeeze %get3A_1512 : memref<1x128x64xf32, #tpu.memory_space<vmem>> -> memref<128x64xf32, #tpu.memory_space<vmem>>
        %get3A_1514 = arith.constant 0 : i32
        %get3A_1515 = tpu.memref_slice %get3A_1513[%add3A_1491, %get3A_1514] : memref<128x64xf32, #tpu.memory_space<vmem>> -> memref<1x64xf32, #tpu.memory_space<vmem>>
        %get3A_1516 = tpu.memref_squeeze %get3A_1515 : memref<1x64xf32, #tpu.memory_space<vmem>> -> memref<64xf32, #tpu.memory_space<vmem>>
        %get3A_1517 = arith.constant 32 : index
        %get3A_1518 = tpu.vector_load %get3A_1516[%get3A_1517] {strides = array<i32>} : memref<64xf32, #tpu.memory_space<vmem>>, vector<16xf32>,
        %get3A_1519 = arith.constant 0 : i32
        %get3A_1520 = arith.constant 0 : i32
        %get3A_1521 = tpu.memref_slice %arg7[%scan3A_871, %get3A_1519, %get3A_1520] : memref<4x128x64xf32, #tpu.memory_space<vmem>> -> memref<1x128x64xf32, #tpu.memory_space<vmem>>
        %get3A_1522 = tpu.memref_squeeze %get3A_1521 : memref<1x128x64xf32, #tpu.memory_space<vmem>> -> memref<128x64xf32, #tpu.memory_space<vmem>>
        %get3A_1523 = arith.constant 0 : i32
        %get3A_1524 = tpu.memref_slice %get3A_1522[%add3A_1491, %get3A_1523] : memref<128x64xf32, #tpu.memory_space<vmem>> -> memref<1x64xf32, #tpu.memory_space<vmem>>
        %get3A_1525 = tpu.memref_squeeze %get3A_1524 : memref<1x64xf32, #tpu.memory_space<vmem>> -> memref<64xf32, #tpu.memory_space<vmem>>
        %get3A_1526 = arith.constant 48 : index
        %get3A_1527 = tpu.vector_load %get3A_1525[%get3A_1526] {strides = array<i32>} : memref<64xf32, #tpu.memory_space<vmem>>, vector<16xf32>,
        %add3A_1528 = arith.constant 5 : i32
        %add3A_1529 = vector.broadcast %add3A_1528 : i32 to vector<16xi32>
        %add3A_1530 = arith.addi %scan3A_1146, %add3A_1529 : vector<16xi32>
        %scatter3A_1531 = arith.constant 0 : i32
        %scatter3A_1532 = arith.constant 0 : i32
        %scatter3A_1533 = arith.constant 0 : i32
        %scatter3A_1534 = tpu.memref_slice %arg8[%scan3A_872, %scatter3A_1531, %scatter3A_1532, %scatter3A_1533] : memref<4x8x8x133xf32, #tpu.memory_space<vmem>> -> memref<1x8x8x133xf32, #tpu.memory_space<vmem>>
        %scatter3A_1535 = tpu.memref_squeeze %scatter3A_1534 : memref<1x8x8x133xf32, #tpu.memory_space<vmem>> -> memref<8x8x133xf32, #tpu.memory_space<vmem>>
        tpu.vector_store_idx %scatter3A_1535[%select_n3A, %select_n3A_151, %add3A_1530], %get3A_1439 : memref<8x8x133xf32, #tpu.memory_space<vmem>>[vector<16xi32>, vector<16xi32>, vector<16xi32>], vector<16xf32>,
        %scatter3A_1536 = arith.constant 0 : i32
        %scatter3A_1537 = arith.constant 0 : i32
        %scatter3A_1538 = arith.constant 0 : i32
        %scatter3A_1539 = tpu.memref_slice %arg8[%scan3A_872, %scatter3A_1536, %scatter3A_1537, %scatter3A_1538] : memref<4x8x8x133xf32, #tpu.memory_space<vmem>> -> memref<1x8x8x133xf32, #tpu.memory_space<vmem>>
        %scatter3A_1540 = tpu.memref_squeeze %scatter3A_1539 : memref<1x8x8x133xf32, #tpu.memory_space<vmem>> -> memref<8x8x133xf32, #tpu.memory_space<vmem>>
        tpu.vector_store_idx %scatter3A_1540[%select_n3A_60, %select_n3A_176, %add3A_1530], %get3A_1448 : memref<8x8x133xf32, #tpu.memory_space<vmem>>[vector<16xi32>, vector<16xi32>, vector<16xi32>], vector<16xf32>,
        %scatter3A_1541 = arith.constant 0 : i32
        %scatter3A_1542 = arith.constant 0 : i32
        %scatter3A_1543 = arith.constant 0 : i32
        %scatter3A_1544 = tpu.memref_slice %arg8[%scan3A_872, %scatter3A_1541, %scatter3A_1542, %scatter3A_1543] : memref<4x8x8x133xf32, #tpu.memory_space<vmem>> -> memref<1x8x8x133xf32, #tpu.memory_space<vmem>>
        %scatter3A_1545 = tpu.memref_squeeze %scatter3A_1544 : memref<1x8x8x133xf32, #tpu.memory_space<vmem>> -> memref<8x8x133xf32, #tpu.memory_space<vmem>>
        tpu.vector_store_idx %scatter3A_1545[%select_n3A_94, %select_n3A_201, %add3A_1530], %get3A_1457 : memref<8x8x133xf32, #tpu.memory_space<vmem>>[vector<16xi32>, vector<16xi32>, vector<16xi32>], vector<16xf32>,
        %scatter3A_1546 = arith.constant 0 : i32
        %scatter3A_1547 = arith.constant 0 : i32
        %scatter3A_1548 = arith.constant 0 : i32
        %scatter3A_1549 = tpu.memref_slice %arg8[%scan3A_872, %scatter3A_1546, %scatter3A_1547, %scatter3A_1548] : memref<4x8x8x133xf32, #tpu.memory_space<vmem>> -> memref<1x8x8x133xf32, #tpu.memory_space<vmem>>
        %scatter3A_1550 = tpu.memref_squeeze %scatter3A_1549 : memref<1x8x8x133xf32, #tpu.memory_space<vmem>> -> memref<8x8x133xf32, #tpu.memory_space<vmem>>
        tpu.vector_store_idx %scatter3A_1550[%select_n3A_128, %select_n3A_226, %add3A_1530], %get3A_1466 : memref<8x8x133xf32, #tpu.memory_space<vmem>>[vector<16xi32>, vector<16xi32>, vector<16xi32>], vector<16xf32>,
        %add3A_1551 = arith.constant 7 : i32
        %add3A_1552 = arith.addi %add3A_1150, %add3A_1551 : i32
        %get3A_1553 = arith.constant 0 : i32
        %get3A_1554 = arith.constant 0 : i32
        %get3A_1555 = tpu.memref_slice %arg7[%scan3A_871, %get3A_1553, %get3A_1554] : memref<4x128x64xf32, #tpu.memory_space<vmem>> -> memref<1x128x64xf32, #tpu.memory_space<vmem>>
        %get3A_1556 = tpu.memref_squeeze %get3A_1555 : memref<1x128x64xf32, #tpu.memory_space<vmem>> -> memref<128x64xf32, #tpu.memory_space<vmem>>
        %get3A_1557 = arith.constant 0 : i32
        %get3A_1558 = tpu.memref_slice %get3A_1556[%add3A_1552, %get3A_1557] : memref<128x64xf32, #tpu.memory_space<vmem>> -> memref<1x64xf32, #tpu.memory_space<vmem>>
        %get3A_1559 = tpu.memref_squeeze %get3A_1558 : memref<1x64xf32, #tpu.memory_space<vmem>> -> memref<64xf32, #tpu.memory_space<vmem>>
        %get3A_1560 = arith.constant 0 : index
        %get3A_1561 = tpu.vector_load %get3A_1559[%get3A_1560] {strides = array<i32>} : memref<64xf32, #tpu.memory_space<vmem>>, vector<16xf32>,
        %get3A_1562 = arith.constant 0 : i32
        %get3A_1563 = arith.constant 0 : i32
        %get3A_1564 = tpu.memref_slice %arg7[%scan3A_871, %get3A_1562, %get3A_1563] : memref<4x128x64xf32, #tpu.memory_space<vmem>> -> memref<1x128x64xf32, #tpu.memory_space<vmem>>
        %get3A_1565 = tpu.memref_squeeze %get3A_1564 : memref<1x128x64xf32, #tpu.memory_space<vmem>> -> memref<128x64xf32, #tpu.memory_space<vmem>>
        %get3A_1566 = arith.constant 0 : i32
        %get3A_1567 = tpu.memref_slice %get3A_1565[%add3A_1552, %get3A_1566] : memref<128x64xf32, #tpu.memory_space<vmem>> -> memref<1x64xf32, #tpu.memory_space<vmem>>
        %get3A_1568 = tpu.memref_squeeze %get3A_1567 : memref<1x64xf32, #tpu.memory_space<vmem>> -> memref<64xf32, #tpu.memory_space<vmem>>
        %get3A_1569 = arith.constant 16 : index
        %get3A_1570 = tpu.vector_load %get3A_1568[%get3A_1569] {strides = array<i32>} : memref<64xf32, #tpu.memory_space<vmem>>, vector<16xf32>,
        %get3A_1571 = arith.constant 0 : i32
        %get3A_1572 = arith.constant 0 : i32
        %get3A_1573 = tpu.memref_slice %arg7[%scan3A_871, %get3A_1571, %get3A_1572] : memref<4x128x64xf32, #tpu.memory_space<vmem>> -> memref<1x128x64xf32, #tpu.memory_space<vmem>>
        %get3A_1574 = tpu.memref_squeeze %get3A_1573 : memref<1x128x64xf32, #tpu.memory_space<vmem>> -> memref<128x64xf32, #tpu.memory_space<vmem>>
        %get3A_1575 = arith.constant 0 : i32
        %get3A_1576 = tpu.memref_slice %get3A_1574[%add3A_1552, %get3A_1575] : memref<128x64xf32, #tpu.memory_space<vmem>> -> memref<1x64xf32, #tpu.memory_space<vmem>>
        %get3A_1577 = tpu.memref_squeeze %get3A_1576 : memref<1x64xf32, #tpu.memory_space<vmem>> -> memref<64xf32, #tpu.memory_space<vmem>>
        %get3A_1578 = arith.constant 32 : index
        %get3A_1579 = tpu.vector_load %get3A_1577[%get3A_1578] {strides = array<i32>} : memref<64xf32, #tpu.memory_space<vmem>>, vector<16xf32>,
        %get3A_1580 = arith.constant 0 : i32
        %get3A_1581 = arith.constant 0 : i32
        %get3A_1582 = tpu.memref_slice %arg7[%scan3A_871, %get3A_1580, %get3A_1581] : memref<4x128x64xf32, #tpu.memory_space<vmem>> -> memref<1x128x64xf32, #tpu.memory_space<vmem>>
        %get3A_1583 = tpu.memref_squeeze %get3A_1582 : memref<1x128x64xf32, #tpu.memory_space<vmem>> -> memref<128x64xf32, #tpu.memory_space<vmem>>
        %get3A_1584 = arith.constant 0 : i32
        %get3A_1585 = tpu.memref_slice %get3A_1583[%add3A_1552, %get3A_1584] : memref<128x64xf32, #tpu.memory_space<vmem>> -> memref<1x64xf32, #tpu.memory_space<vmem>>
        %get3A_1586 = tpu.memref_squeeze %get3A_1585 : memref<1x64xf32, #tpu.memory_space<vmem>> -> memref<64xf32, #tpu.memory_space<vmem>>
        %get3A_1587 = arith.constant 48 : index
        %get3A_1588 = tpu.vector_load %get3A_1586[%get3A_1587] {strides = array<i32>} : memref<64xf32, #tpu.memory_space<vmem>>, vector<16xf32>,
        %add3A_1589 = arith.constant 6 : i32
        %add3A_1590 = vector.broadcast %add3A_1589 : i32 to vector<16xi32>
        %add3A_1591 = arith.addi %scan3A_1146, %add3A_1590 : vector<16xi32>
        %scatter3A_1592 = arith.constant 0 : i32
        %scatter3A_1593 = arith.constant 0 : i32
        %scatter3A_1594 = arith.constant 0 : i32
        %scatter3A_1595 = tpu.memref_slice %arg8[%scan3A_872, %scatter3A_1592, %scatter3A_1593, %scatter3A_1594] : memref<4x8x8x133xf32, #tpu.memory_space<vmem>> -> memref<1x8x8x133xf32, #tpu.memory_space<vmem>>
        %scatter3A_1596 = tpu.memref_squeeze %scatter3A_1595 : memref<1x8x8x133xf32, #tpu.memory_space<vmem>> -> memref<8x8x133xf32, #tpu.memory_space<vmem>>
        tpu.vector_store_idx %scatter3A_1596[%select_n3A, %select_n3A_151, %add3A_1591], %get3A_1500 : memref<8x8x133xf32, #tpu.memory_space<vmem>>[vector<16xi32>, vector<16xi32>, vector<16xi32>], vector<16xf32>,
        %scatter3A_1597 = arith.constant 0 : i32
        %scatter3A_1598 = arith.constant 0 : i32
        %scatter3A_1599 = arith.constant 0 : i32
        %scatter3A_1600 = tpu.memref_slice %arg8[%scan3A_872, %scatter3A_1597, %scatter3A_1598, %scatter3A_1599] : memref<4x8x8x133xf32, #tpu.memory_space<vmem>> -> memref<1x8x8x133xf32, #tpu.memory_space<vmem>>
        %scatter3A_1601 = tpu.memref_squeeze %scatter3A_1600 : memref<1x8x8x133xf32, #tpu.memory_space<vmem>> -> memref<8x8x133xf32, #tpu.memory_space<vmem>>
        tpu.vector_store_idx %scatter3A_1601[%select_n3A_60, %select_n3A_176, %add3A_1591], %get3A_1509 : memref<8x8x133xf32, #tpu.memory_space<vmem>>[vector<16xi32>, vector<16xi32>, vector<16xi32>], vector<16xf32>,
        %scatter3A_1602 = arith.constant 0 : i32
        %scatter3A_1603 = arith.constant 0 : i32
        %scatter3A_1604 = arith.constant 0 : i32
        %scatter3A_1605 = tpu.memref_slice %arg8[%scan3A_872, %scatter3A_1602, %scatter3A_1603, %scatter3A_1604] : memref<4x8x8x133xf32, #tpu.memory_space<vmem>> -> memref<1x8x8x133xf32, #tpu.memory_space<vmem>>
        %scatter3A_1606 = tpu.memref_squeeze %scatter3A_1605 : memref<1x8x8x133xf32, #tpu.memory_space<vmem>> -> memref<8x8x133xf32, #tpu.memory_space<vmem>>
        tpu.vector_store_idx %scatter3A_1606[%select_n3A_94, %select_n3A_201, %add3A_1591], %get3A_1518 : memref<8x8x133xf32, #tpu.memory_space<vmem>>[vector<16xi32>, vector<16xi32>, vector<16xi32>], vector<16xf32>,
        %scatter3A_1607 = arith.constant 0 : i32
        %scatter3A_1608 = arith.constant 0 : i32
        %scatter3A_1609 = arith.constant 0 : i32
        %scatter3A_1610 = tpu.memref_slice %arg8[%scan3A_872, %scatter3A_1607, %scatter3A_1608, %scatter3A_1609] : memref<4x8x8x133xf32, #tpu.memory_space<vmem>> -> memref<1x8x8x133xf32, #tpu.memory_space<vmem>>
        %scatter3A_1611 = tpu.memref_squeeze %scatter3A_1610 : memref<1x8x8x133xf32, #tpu.memory_space<vmem>> -> memref<8x8x133xf32, #tpu.memory_space<vmem>>
        tpu.vector_store_idx %scatter3A_1611[%select_n3A_128, %select_n3A_226, %add3A_1591], %get3A_1527 : memref<8x8x133xf32, #tpu.memory_space<vmem>>[vector<16xi32>, vector<16xi32>, vector<16xi32>], vector<16xf32>,
        %add3A_1612 = arith.constant 7 : i32
        %add3A_1613 = vector.broadcast %add3A_1612 : i32 to vector<16xi32>
        %add3A_1614 = arith.addi %scan3A_1146, %add3A_1613 : vector<16xi32>
        %scatter3A_1615 = arith.constant 0 : i32
        %scatter3A_1616 = arith.constant 0 : i32
        %scatter3A_1617 = arith.constant 0 : i32
        %scatter3A_1618 = tpu.memref_slice %arg8[%scan3A_872, %scatter3A_1615, %scatter3A_1616, %scatter3A_1617] : memref<4x8x8x133xf32, #tpu.memory_space<vmem>> -> memref<1x8x8x133xf32, #tpu.memory_space<vmem>>
        %scatter3A_1619 = tpu.memref_squeeze %scatter3A_1618 : memref<1x8x8x133xf32, #tpu.memory_space<vmem>> -> memref<8x8x133xf32, #tpu.memory_space<vmem>>
        tpu.vector_store_idx %scatter3A_1619[%select_n3A, %select_n3A_151, %add3A_1614], %get3A_1561 : memref<8x8x133xf32, #tpu.memory_space<vmem>>[vector<16xi32>, vector<16xi32>, vector<16xi32>], vector<16xf32>,
        %scatter3A_1620 = arith.constant 0 : i32
        %scatter3A_1621 = arith.constant 0 : i32
        %scatter3A_1622 = arith.constant 0 : i32
        %scatter3A_1623 = tpu.memref_slice %arg8[%scan3A_872, %scatter3A_1620, %scatter3A_1621, %scatter3A_1622] : memref<4x8x8x133xf32, #tpu.memory_space<vmem>> -> memref<1x8x8x133xf32, #tpu.memory_space<vmem>>
        %scatter3A_1624 = tpu.memref_squeeze %scatter3A_1623 : memref<1x8x8x133xf32, #tpu.memory_space<vmem>> -> memref<8x8x133xf32, #tpu.memory_space<vmem>>
        tpu.vector_store_idx %scatter3A_1624[%select_n3A_60, %select_n3A_176, %add3A_1614], %get3A_1570 : memref<8x8x133xf32, #tpu.memory_space<vmem>>[vector<16xi32>, vector<16xi32>, vector<16xi32>], vector<16xf32>,
        %scatter3A_1625 = arith.constant 0 : i32
        %scatter3A_1626 = arith.constant 0 : i32
        %scatter3A_1627 = arith.constant 0 : i32
        %scatter3A_1628 = tpu.memref_slice %arg8[%scan3A_872, %scatter3A_1625, %scatter3A_1626, %scatter3A_1627] : memref<4x8x8x133xf32, #tpu.memory_space<vmem>> -> memref<1x8x8x133xf32, #tpu.memory_space<vmem>>
        %scatter3A_1629 = tpu.memref_squeeze %scatter3A_1628 : memref<1x8x8x133xf32, #tpu.memory_space<vmem>> -> memref<8x8x133xf32, #tpu.memory_space<vmem>>
        tpu.vector_store_idx %scatter3A_1629[%select_n3A_94, %select_n3A_201, %add3A_1614], %get3A_1579 : memref<8x8x133xf32, #tpu.memory_space<vmem>>[vector<16xi32>, vector<16xi32>, vector<16xi32>], vector<16xf32>,
        %scatter3A_1630 = arith.constant 0 : i32
        %scatter3A_1631 = arith.constant 0 : i32
        %scatter3A_1632 = arith.constant 0 : i32
        %scatter3A_1633 = tpu.memref_slice %arg8[%scan3A_872, %scatter3A_1630, %scatter3A_1631, %scatter3A_1632] : memref<4x8x8x133xf32, #tpu.memory_space<vmem>> -> memref<1x8x8x133xf32, #tpu.memory_space<vmem>>
        %scatter3A_1634 = tpu.memref_squeeze %scatter3A_1633 : memref<1x8x8x133xf32, #tpu.memory_space<vmem>> -> memref<8x8x133xf32, #tpu.memory_space<vmem>>
        tpu.vector_store_idx %scatter3A_1634[%select_n3A_128, %select_n3A_226, %add3A_1614], %get3A_1588 : memref<8x8x133xf32, #tpu.memory_space<vmem>>[vector<16xi32>, vector<16xi32>, vector<16xi32>], vector<16xf32>,
        %add3A_1635 = arith.constant 8 : i32
        %add3A_1636 = vector.broadcast %add3A_1635 : i32 to vector<16xi32>
        %add3A_1637 = arith.addi %scan3A_1146, %add3A_1636 : vector<16xi32>
        scf.yield %add3A_1637 : vector<16xi32>
      }
      %scan3A_878 = arith.constant 16 : i32
      %jit3A_879 = arith.constant 50 : i32
      %div3A_880 = arith.divsi %add3A_843, %jit3A_879 : i32
      %sign3A_881 = arith.constant 0 : i32
      %sign3A_882 = arith.cmpi sgt, %add3A_843, %sign3A_881 : i32
      %sign3A_883 = arith.extui %sign3A_882 : i1 to i32
      %sign3A_884 = arith.constant 0 : i32
      %sign3A_885 = arith.cmpi slt, %add3A_843, %sign3A_884 : i32
      %sign3A_886 = arith.extui %sign3A_885 : i1 to i32
      %sign3A_887 = arith.subi %sign3A_883, %sign3A_886 : i32
      %sign3A_888 = arith.constant 0 : i32
      %sign3A_889 = arith.cmpi sgt, %jit3A_879, %sign3A_888 : i32
      %sign3A_890 = arith.extui %sign3A_889 : i1 to i32
      %sign3A_891 = arith.constant 0 : i32
      %sign3A_892 = arith.cmpi slt, %jit3A_879, %sign3A_891 : i32
      %sign3A_893 = arith.extui %sign3A_892 : i1 to i32
      %sign3A_894 = arith.subi %sign3A_890, %sign3A_893 : i32
      %ne3A_895 = arith.cmpi ne, %sign3A_887, %sign3A_894 : i32
      %rem3A_896 = arith.remsi %add3A_843, %jit3A_879 : i32
      %ne3A_897 = arith.constant 0 : i32
      %ne3A_898 = arith.cmpi ne, %rem3A_896, %ne3A_897 : i32
      %and3A_899 = arith.andi %ne3A_895, %ne3A_898 : i1
      %sub3A_900 = arith.constant 1 : i32
      %sub3A_901 = arith.subi %div3A_880, %sub3A_900 : i32
      %select_n3A_902 = arith.select %and3A_899, %sub3A_901, %div3A_880 : i32
      %jit3A_903 = arith.constant 50 : i32
      %eq3A_904 = arith.constant 0 : i32
      %eq3A_905 = arith.cmpi eq, %jit3A_903, %eq3A_904 : i32
      %jit3A_906 = arith.constant 1 : i32
      %select_n3A_907 = arith.select %eq3A_905, %jit3A_906, %jit3A_903 : i32
      %rem3A_908 = arith.remsi %add3A_843, %select_n3A_907 : i32
      %ne3A_909 = arith.constant 0 : i32
      %ne3A_910 = arith.cmpi ne, %rem3A_908, %ne3A_909 : i32
      %lt3A_911 = arith.constant 0 : i32
      %lt3A_912 = arith.cmpi slt, %rem3A_908, %lt3A_911 : i32
      %lt3A_913 = arith.constant 0 : i32
      %lt3A_914 = arith.cmpi slt, %select_n3A_907, %lt3A_913 : i32
      %ne3A_915 = arith.xori %lt3A_912, %lt3A_914 : i1
      %and3A_916 = arith.andi %ne3A_915, %ne3A_910 : i1
      %add3A_917 = arith.addi %rem3A_908, %select_n3A_907 : i32
      %select_n3A_918 = arith.select %and3A_916, %add3A_917, %rem3A_908 : i32
      %mul3A_919 = arith.constant 4 : i32
      %mul3A_920 = arith.muli %add3A, %mul3A_919 : i32
      %add3A_921 = arith.addi %mul3A_920, %select_n3A_902 : i32
      %dma_start3A_922 = arith.constant 1 : i32
      %dma_start3A_923 = arith.constant 0 : i32
      %dma_start3A_924 = arith.constant 0 : i32
      %dma_start3A_925 = arith.constant 0 : i32
      %dma_start3A_926 = tpu.memref_slice %arg8[%dma_start3A_922, %dma_start3A_923, %dma_start3A_924, %dma_start3A_925] : memref<4x8x8x133xf32, #tpu.memory_space<vmem>> -> memref<1x8x8x128xf32, #tpu.memory_space<vmem>>
      %dma_start3A_927 = tpu.memref_squeeze %dma_start3A_926 : memref<1x8x8x128xf32, #tpu.memory_space<vmem>> -> memref<8x8x128xf32, #tpu.memory_space<vmem>>
      %dma_start3A_928 = arith.constant 0 : i32
      %dma_start3A_929 = arith.constant 0 : i32
      %dma_start3A_930 = arith.constant 0 : i32
      %dma_start3A_931 = tpu.memref_slice %arg4[%select_n3A_918, %dma_start3A_928, %add3A_921, %dma_start3A_929, %dma_start3A_930] : memref<50x8x128x8x128xf32, #tpu.memory_space<hbm>> -> memref<1x8x1x8x128xf32, #tpu.memory_space<hbm>>
      %dma_start3A_932 = tpu.memref_squeeze %dma_start3A_931 : memref<1x8x1x8x128xf32, #tpu.memory_space<hbm>> -> memref<8x8x128xf32, #tpu.memory_space<hbm>>
      %dma_start3A_933 = arith.constant 0 : i32
      %dma_start3A_934 = arith.constant 0 : i32
      %dma_start3A_935 = arith.constant 0 : i32
      %dma_start3A_936 = tpu.memref_slice %arg4[%select_n3A_918, %dma_start3A_933, %add3A_921, %dma_start3A_934, %dma_start3A_935] : memref<50x8x128x8x128xf32, #tpu.memory_space<hbm>> -> memref<1x8x1x8x128xf32, #tpu.memory_space<hbm>>
      %dma_start3A_937 = tpu.memref_squeeze %dma_start3A_936 : memref<1x8x1x8x128xf32, #tpu.memory_space<hbm>> -> memref<8x8x128xf32, #tpu.memory_space<hbm>>
      %dma_start3A_938 = arith.constant 0 : i32
      %dma_start3A_939 = arith.constant 0 : i32
      %dma_start3A_940 = arith.constant 0 : i32
      %dma_start3A_941 = tpu.memref_slice %arg8[%dma_start3A_922, %dma_start3A_938, %dma_start3A_939, %dma_start3A_940] : memref<4x8x8x133xf32, #tpu.memory_space<vmem>> -> memref<1x8x8x128xf32, #tpu.memory_space<vmem>>
      %dma_start3A_942 = tpu.memref_squeeze %dma_start3A_941 : memref<1x8x8x128xf32, #tpu.memory_space<vmem>> -> memref<8x8x128xf32, #tpu.memory_space<vmem>>
      tpu.enqueue_dma source(%dma_start3A_942 : memref<8x8x128xf32, #tpu.memory_space<vmem>>) target(%dma_start3A_937 : memref<8x8x128xf32, #tpu.memory_space<hbm>>) target_semaphore(%arg14 : memref<!tpu.dma_semaphore, #tpu.memory_space<semaphore_mem>>)
      %add3A_943 = arith.constant 2 : i32
      %add3A_944 = arith.addi %add3A_743, %add3A_943 : i32
      %add3A_945 = arith.constant 3 : i32
      %add3A_946 = arith.addi %add3A_944, %add3A_945 : i32
      %lt3A_947 = arith.constant 200 : i32
      %lt3A_948 = arith.cmpi slt, %add3A_946, %lt3A_947 : i32
      %convert_element_type3A_949 = arith.extui %lt3A_948 : i1 to i32
      %cond3A_950 = arith.constant 0 : i32
      %cond3A_951 = arith.cmpi ne, %convert_element_type3A_949, %cond3A_950 : i32
      scf.if %cond3A_951 {
        %add3A_1145 = arith.constant 3 : i32
        %add3A_1146 = arith.addi %add3A_944, %add3A_1145 : i32
        %jit3A_1147 = arith.constant 50 : i32
        %div3A_1148 = arith.divsi %add3A_1146, %jit3A_1147 : i32
        %sign3A_1149 = arith.constant 0 : i32
        %sign3A_1150 = arith.cmpi sgt, %add3A_1146, %sign3A_1149 : i32
        %sign3A_1151 = arith.extui %sign3A_1150 : i1 to i32
        %sign3A_1152 = arith.constant 0 : i32
        %sign3A_1153 = arith.cmpi slt, %add3A_1146, %sign3A_1152 : i32
        %sign3A_1154 = arith.extui %sign3A_1153 : i1 to i32
        %sign3A_1155 = arith.subi %sign3A_1151, %sign3A_1154 : i32
        %sign3A_1156 = arith.constant 0 : i32
        %sign3A_1157 = arith.cmpi sgt, %jit3A_1147, %sign3A_1156 : i32
        %sign3A_1158 = arith.extui %sign3A_1157 : i1 to i32
        %sign3A_1159 = arith.constant 0 : i32
        %sign3A_1160 = arith.cmpi slt, %jit3A_1147, %sign3A_1159 : i32
        %sign3A_1161 = arith.extui %sign3A_1160 : i1 to i32
        %sign3A_1162 = arith.subi %sign3A_1158, %sign3A_1161 : i32
        %ne3A_1163 = arith.cmpi ne, %sign3A_1155, %sign3A_1162 : i32
        %rem3A_1164 = arith.remsi %add3A_1146, %jit3A_1147 : i32
        %ne3A_1165 = arith.constant 0 : i32
        %ne3A_1166 = arith.cmpi ne, %rem3A_1164, %ne3A_1165 : i32
        %and3A_1167 = arith.andi %ne3A_1163, %ne3A_1166 : i1
        %sub3A_1168 = arith.constant 1 : i32
        %sub3A_1169 = arith.subi %div3A_1148, %sub3A_1168 : i32
        %select_n3A_1170 = arith.select %and3A_1167, %sub3A_1169, %div3A_1148 : i32
        %jit3A_1171 = arith.constant 50 : i32
        %eq3A_1172 = arith.constant 0 : i32
        %eq3A_1173 = arith.cmpi eq, %jit3A_1171, %eq3A_1172 : i32
        %jit3A_1174 = arith.constant 1 : i32
        %select_n3A_1175 = arith.select %eq3A_1173, %jit3A_1174, %jit3A_1171 : i32
        %rem3A_1176 = arith.remsi %add3A_1146, %select_n3A_1175 : i32
        %ne3A_1177 = arith.constant 0 : i32
        %ne3A_1178 = arith.cmpi ne, %rem3A_1176, %ne3A_1177 : i32
        %lt3A_1179 = arith.constant 0 : i32
        %lt3A_1180 = arith.cmpi slt, %rem3A_1176, %lt3A_1179 : i32
        %lt3A_1181 = arith.constant 0 : i32
        %lt3A_1182 = arith.cmpi slt, %select_n3A_1175, %lt3A_1181 : i32
        %ne3A_1183 = arith.xori %lt3A_1180, %lt3A_1182 : i1
        %and3A_1184 = arith.andi %ne3A_1183, %ne3A_1178 : i1
        %add3A_1185 = arith.addi %rem3A_1176, %select_n3A_1175 : i32
        %select_n3A_1186 = arith.select %and3A_1184, %add3A_1185, %rem3A_1176 : i32
        %mul3A_1187 = arith.constant 6400 : i32
        %mul3A_1188 = arith.muli %select_n3A_1170, %mul3A_1187 : i32
        %add3A_1189 = arith.addi %mul3A_1188, %select_n3A_1186 : i32
        %add3A_1190 = arith.constant 0 : i32
        %add3A_1191 = vector.broadcast %add3A_1190 : i32 to vector<16xi32>
        %add3A_1192 = arith.addi %iota3A, %add3A_1191 : vector<16xi32>
        %mul3A_1193 = arith.constant 50 : i32
        %mul3A_1194 = vector.broadcast %mul3A_1193 : i32 to vector<16xi32>
        %mul3A_1195 = arith.muli %add3A_1192, %mul3A_1194 : vector<16xi32>
        %add3A_1196 = vector.broadcast %add3A_1189 : i32 to vector<16xi32>
        %add3A_1197 = arith.addi %mul3A_1195, %add3A_1196 : vector<16xi32>
        %gather3A_1198 = tpu.vector_load_idx %arg5[%add3A_1197] : memref<25600xi32, #tpu.memory_space<vmem>>[vector<16xi32>], vector<16xi32>,
        %swap3A_1199 = arith.constant 1 : i32
        %swap3A_1200 = arith.constant 0 : i32
        %swap3A_1201 = tpu.memref_slice %arg6[%swap3A_1199, %swap3A_1200] : memref<4x128xi32, #tpu.memory_space<vmem>> -> memref<1x128xi32, #tpu.memory_space<vmem>>
        %swap3A_1202 = tpu.memref_squeeze %swap3A_1201 : memref<1x128xi32, #tpu.memory_space<vmem>> -> memref<128xi32, #tpu.memory_space<vmem>>
        %swap3A_1203 = arith.constant 0 : index
        %swap3A_1204 = tpu.vector_load %swap3A_1202[%swap3A_1203] {strides = array<i32>} : memref<128xi32, #tpu.memory_space<vmem>>, vector<16xi32>,
        tpu.vector_store %swap3A_1202[%swap3A_1203], %gather3A_1198 {strides = array<i32>} : memref<128xi32, #tpu.memory_space<vmem>>, vector<16xi32>,
        %add3A_1205 = arith.constant 16 : i32
        %add3A_1206 = vector.broadcast %add3A_1205 : i32 to vector<16xi32>
        %add3A_1207 = arith.addi %iota3A, %add3A_1206 : vector<16xi32>
        %mul3A_1208 = arith.constant 50 : i32
        %mul3A_1209 = vector.broadcast %mul3A_1208 : i32 to vector<16xi32>
        %mul3A_1210 = arith.muli %add3A_1207, %mul3A_1209 : vector<16xi32>
        %add3A_1211 = vector.broadcast %add3A_1189 : i32 to vector<16xi32>
        %add3A_1212 = arith.addi %mul3A_1210, %add3A_1211 : vector<16xi32>
        %gather3A_1213 = tpu.vector_load_idx %arg5[%add3A_1212] : memref<25600xi32, #tpu.memory_space<vmem>>[vector<16xi32>], vector<16xi32>,
        %swap3A_1214 = arith.constant 1 : i32
        %swap3A_1215 = arith.constant 0 : i32
        %swap3A_1216 = tpu.memref_slice %arg6[%swap3A_1214, %swap3A_1215] : memref<4x128xi32, #tpu.memory_space<vmem>> -> memref<1x128xi32, #tpu.memory_space<vmem>>
        %swap3A_1217 = tpu.memref_squeeze %swap3A_1216 : memref<1x128xi32, #tpu.memory_space<vmem>> -> memref<128xi32, #tpu.memory_space<vmem>>
        %swap3A_1218 = arith.constant 16 : index
        %swap3A_1219 = tpu.vector_load %swap3A_1217[%swap3A_1218] {strides = array<i32>} : memref<128xi32, #tpu.memory_space<vmem>>, vector<16xi32>,
        tpu.vector_store %swap3A_1217[%swap3A_1218], %gather3A_1213 {strides = array<i32>} : memref<128xi32, #tpu.memory_space<vmem>>, vector<16xi32>,
        %add3A_1220 = arith.constant 32 : i32
        %add3A_1221 = vector.broadcast %add3A_1220 : i32 to vector<16xi32>
        %add3A_1222 = arith.addi %iota3A, %add3A_1221 : vector<16xi32>
        %mul3A_1223 = arith.constant 50 : i32
        %mul3A_1224 = vector.broadcast %mul3A_1223 : i32 to vector<16xi32>
        %mul3A_1225 = arith.muli %add3A_1222, %mul3A_1224 : vector<16xi32>
        %add3A_1226 = vector.broadcast %add3A_1189 : i32 to vector<16xi32>
        %add3A_1227 = arith.addi %mul3A_1225, %add3A_1226 : vector<16xi32>
        %gather3A_1228 = tpu.vector_load_idx %arg5[%add3A_1227] : memref<25600xi32, #tpu.memory_space<vmem>>[vector<16xi32>], vector<16xi32>,
        %swap3A_1229 = arith.constant 1 : i32
        %swap3A_1230 = arith.constant 0 : i32
        %swap3A_1231 = tpu.memref_slice %arg6[%swap3A_1229, %swap3A_1230] : memref<4x128xi32, #tpu.memory_space<vmem>> -> memref<1x128xi32, #tpu.memory_space<vmem>>
        %swap3A_1232 = tpu.memref_squeeze %swap3A_1231 : memref<1x128xi32, #tpu.memory_space<vmem>> -> memref<128xi32, #tpu.memory_space<vmem>>
        %swap3A_1233 = arith.constant 32 : index
        %swap3A_1234 = tpu.vector_load %swap3A_1232[%swap3A_1233] {strides = array<i32>} : memref<128xi32, #tpu.memory_space<vmem>>, vector<16xi32>,
        tpu.vector_store %swap3A_1232[%swap3A_1233], %gather3A_1228 {strides = array<i32>} : memref<128xi32, #tpu.memory_space<vmem>>, vector<16xi32>,
        %add3A_1235 = arith.constant 48 : i32
        %add3A_1236 = vector.broadcast %add3A_1235 : i32 to vector<16xi32>
        %add3A_1237 = arith.addi %iota3A, %add3A_1236 : vector<16xi32>
        %mul3A_1238 = arith.constant 50 : i32
        %mul3A_1239 = vector.broadcast %mul3A_1238 : i32 to vector<16xi32>
        %mul3A_1240 = arith.muli %add3A_1237, %mul3A_1239 : vector<16xi32>
        %add3A_1241 = vector.broadcast %add3A_1189 : i32 to vector<16xi32>
        %add3A_1242 = arith.addi %mul3A_1240, %add3A_1241 : vector<16xi32>
        %gather3A_1243 = tpu.vector_load_idx %arg5[%add3A_1242] : memref<25600xi32, #tpu.memory_space<vmem>>[vector<16xi32>], vector<16xi32>,
        %swap3A_1244 = arith.constant 1 : i32
        %swap3A_1245 = arith.constant 0 : i32
        %swap3A_1246 = tpu.memref_slice %arg6[%swap3A_1244, %swap3A_1245] : memref<4x128xi32, #tpu.memory_space<vmem>> -> memref<1x128xi32, #tpu.memory_space<vmem>>
        %swap3A_1247 = tpu.memref_squeeze %swap3A_1246 : memref<1x128xi32, #tpu.memory_space<vmem>> -> memref<128xi32, #tpu.memory_space<vmem>>
        %swap3A_1248 = arith.constant 48 : index
        %swap3A_1249 = tpu.vector_load %swap3A_1247[%swap3A_1248] {strides = array<i32>} : memref<128xi32, #tpu.memory_space<vmem>>, vector<16xi32>,
        tpu.vector_store %swap3A_1247[%swap3A_1248], %gather3A_1243 {strides = array<i32>} : memref<128xi32, #tpu.memory_space<vmem>>, vector<16xi32>,
        %add3A_1250 = arith.constant 64 : i32
        %add3A_1251 = vector.broadcast %add3A_1250 : i32 to vector<16xi32>
        %add3A_1252 = arith.addi %iota3A, %add3A_1251 : vector<16xi32>
        %mul3A_1253 = arith.constant 50 : i32
        %mul3A_1254 = vector.broadcast %mul3A_1253 : i32 to vector<16xi32>
        %mul3A_1255 = arith.muli %add3A_1252, %mul3A_1254 : vector<16xi32>
        %add3A_1256 = vector.broadcast %add3A_1189 : i32 to vector<16xi32>
        %add3A_1257 = arith.addi %mul3A_1255, %add3A_1256 : vector<16xi32>
        %gather3A_1258 = tpu.vector_load_idx %arg5[%add3A_1257] : memref<25600xi32, #tpu.memory_space<vmem>>[vector<16xi32>], vector<16xi32>,
        %swap3A_1259 = arith.constant 1 : i32
        %swap3A_1260 = arith.constant 0 : i32
        %swap3A_1261 = tpu.memref_slice %arg6[%swap3A_1259, %swap3A_1260] : memref<4x128xi32, #tpu.memory_space<vmem>> -> memref<1x128xi32, #tpu.memory_space<vmem>>
        %swap3A_1262 = tpu.memref_squeeze %swap3A_1261 : memref<1x128xi32, #tpu.memory_space<vmem>> -> memref<128xi32, #tpu.memory_space<vmem>>
        %swap3A_1263 = arith.constant 64 : index
        %swap3A_1264 = tpu.vector_load %swap3A_1262[%swap3A_1263] {strides = array<i32>} : memref<128xi32, #tpu.memory_space<vmem>>, vector<16xi32>,
        tpu.vector_store %swap3A_1262[%swap3A_1263], %gather3A_1258 {strides = array<i32>} : memref<128xi32, #tpu.memory_space<vmem>>, vector<16xi32>,
        %add3A_1265 = arith.constant 80 : i32
        %add3A_1266 = vector.broadcast %add3A_1265 : i32 to vector<16xi32>
        %add3A_1267 = arith.addi %iota3A, %add3A_1266 : vector<16xi32>
        %mul3A_1268 = arith.constant 50 : i32
        %mul3A_1269 = vector.broadcast %mul3A_1268 : i32 to vector<16xi32>
        %mul3A_1270 = arith.muli %add3A_1267, %mul3A_1269 : vector<16xi32>
        %add3A_1271 = vector.broadcast %add3A_1189 : i32 to vector<16xi32>
        %add3A_1272 = arith.addi %mul3A_1270, %add3A_1271 : vector<16xi32>
        %gather3A_1273 = tpu.vector_load_idx %arg5[%add3A_1272] : memref<25600xi32, #tpu.memory_space<vmem>>[vector<16xi32>], vector<16xi32>,
        %swap3A_1274 = arith.constant 1 : i32
        %swap3A_1275 = arith.constant 0 : i32
        %swap3A_1276 = tpu.memref_slice %arg6[%swap3A_1274, %swap3A_1275] : memref<4x128xi32, #tpu.memory_space<vmem>> -> memref<1x128xi32, #tpu.memory_space<vmem>>
        %swap3A_1277 = tpu.memref_squeeze %swap3A_1276 : memref<1x128xi32, #tpu.memory_space<vmem>> -> memref<128xi32, #tpu.memory_space<vmem>>
        %swap3A_1278 = arith.constant 80 : index
        %swap3A_1279 = tpu.vector_load %swap3A_1277[%swap3A_1278] {strides = array<i32>} : memref<128xi32, #tpu.memory_space<vmem>>, vector<16xi32>,
        tpu.vector_store %swap3A_1277[%swap3A_1278], %gather3A_1273 {strides = array<i32>} : memref<128xi32, #tpu.memory_space<vmem>>, vector<16xi32>,
        %add3A_1280 = arith.constant 96 : i32
        %add3A_1281 = vector.broadcast %add3A_1280 : i32 to vector<16xi32>
        %add3A_1282 = arith.addi %iota3A, %add3A_1281 : vector<16xi32>
        %mul3A_1283 = arith.constant 50 : i32
        %mul3A_1284 = vector.broadcast %mul3A_1283 : i32 to vector<16xi32>
        %mul3A_1285 = arith.muli %add3A_1282, %mul3A_1284 : vector<16xi32>
        %add3A_1286 = vector.broadcast %add3A_1189 : i32 to vector<16xi32>
        %add3A_1287 = arith.addi %mul3A_1285, %add3A_1286 : vector<16xi32>
        %gather3A_1288 = tpu.vector_load_idx %arg5[%add3A_1287] : memref<25600xi32, #tpu.memory_space<vmem>>[vector<16xi32>], vector<16xi32>,
        %swap3A_1289 = arith.constant 1 : i32
        %swap3A_1290 = arith.constant 0 : i32
        %swap3A_1291 = tpu.memref_slice %arg6[%swap3A_1289, %swap3A_1290] : memref<4x128xi32, #tpu.memory_space<vmem>> -> memref<1x128xi32, #tpu.memory_space<vmem>>
        %swap3A_1292 = tpu.memref_squeeze %swap3A_1291 : memref<1x128xi32, #tpu.memory_space<vmem>> -> memref<128xi32, #tpu.memory_space<vmem>>
        %swap3A_1293 = arith.constant 96 : index
        %swap3A_1294 = tpu.vector_load %swap3A_1292[%swap3A_1293] {strides = array<i32>} : memref<128xi32, #tpu.memory_space<vmem>>, vector<16xi32>,
        tpu.vector_store %swap3A_1292[%swap3A_1293], %gather3A_1288 {strides = array<i32>} : memref<128xi32, #tpu.memory_space<vmem>>, vector<16xi32>,
        %add3A_1295 = arith.constant 112 : i32
        %add3A_1296 = vector.broadcast %add3A_1295 : i32 to vector<16xi32>
        %add3A_1297 = arith.addi %iota3A, %add3A_1296 : vector<16xi32>
        %mul3A_1298 = arith.constant 50 : i32
        %mul3A_1299 = vector.broadcast %mul3A_1298 : i32 to vector<16xi32>
        %mul3A_1300 = arith.muli %add3A_1297, %mul3A_1299 : vector<16xi32>
        %add3A_1301 = vector.broadcast %add3A_1189 : i32 to vector<16xi32>
        %add3A_1302 = arith.addi %mul3A_1300, %add3A_1301 : vector<16xi32>
        %gather3A_1303 = tpu.vector_load_idx %arg5[%add3A_1302] : memref<25600xi32, #tpu.memory_space<vmem>>[vector<16xi32>], vector<16xi32>,
        %swap3A_1304 = arith.constant 1 : i32
        %swap3A_1305 = arith.constant 0 : i32
        %swap3A_1306 = tpu.memref_slice %arg6[%swap3A_1304, %swap3A_1305] : memref<4x128xi32, #tpu.memory_space<vmem>> -> memref<1x128xi32, #tpu.memory_space<vmem>>
        %swap3A_1307 = tpu.memref_squeeze %swap3A_1306 : memref<1x128xi32, #tpu.memory_space<vmem>> -> memref<128xi32, #tpu.memory_space<vmem>>
        %swap3A_1308 = arith.constant 112 : index
        %swap3A_1309 = tpu.vector_load %swap3A_1307[%swap3A_1308] {strides = array<i32>} : memref<128xi32, #tpu.memory_space<vmem>>, vector<16xi32>,
        tpu.vector_store %swap3A_1307[%swap3A_1308], %gather3A_1303 {strides = array<i32>} : memref<128xi32, #tpu.memory_space<vmem>>, vector<16xi32>,
        %add3A_1310 = arith.constant 3 : i32
        %add3A_1311 = arith.addi %add3A_944, %add3A_1310 : i32
        %dma_start3A_1312 = arith.constant 1 : i32
        %dma_start3A_1313 = arith.constant 1 : i32
        %dma_start3A_1314 = arith.constant 0 : i32
        %dma_start3A_1315 = arith.constant 0 : i32
        %dma_start3A_1316 = tpu.memref_slice %arg7[%dma_start3A_1313, %dma_start3A_1314, %dma_start3A_1315] : memref<4x128x64xf32, #tpu.memory_space<vmem>> -> memref<1x128x64xf32, #tpu.memory_space<vmem>>
        %dma_start3A_1317 = tpu.memref_squeeze %dma_start3A_1316 : memref<1x128x64xf32, #tpu.memory_space<vmem>> -> memref<128x64xf32, #tpu.memory_space<vmem>>
        %dma_start3A_1318 = arith.constant 0 : i32
        %dma_start3A_1319 = tpu.memref_slice %arg6[%dma_start3A_1312, %dma_start3A_1318] : memref<4x128xi32, #tpu.memory_space<vmem>> -> memref<1x128xi32, #tpu.memory_space<vmem>>
        %dma_start3A_1320 = tpu.memref_squeeze %dma_start3A_1319 : memref<1x128xi32, #tpu.memory_space<vmem>> -> memref<128xi32, #tpu.memory_space<vmem>>
        %dma_start3A_1321 = arith.constant 0 : i32
        %dma_start3A_1322 = arith.constant 0 : i32
        %dma_start3A_1323 = tpu.memref_slice %arg3[%dma_start3A_1321, %dma_start3A_1322] : memref<1000000x64xf32, #tpu.memory_space<hbm>> -> memref<1000000x64xf32, #tpu.memory_space<hbm>>
        tpu.enqueue_indirect_dma source(%dma_start3A_1323 : memref<1000000x64xf32, #tpu.memory_space<hbm>>) target(%dma_start3A_1317 : memref<128x64xf32, #tpu.memory_space<vmem>>) offsets(%dma_start3A_1320 : memref<128xi32, #tpu.memory_space<vmem>>) semaphore(%arg10 : memref<!tpu.dma_semaphore, #tpu.memory_space<semaphore_mem>>)
      } else {
      }
      %ge3A_952 = arith.constant 4 : i32
      %ge3A_953 = arith.cmpi sge, %add3A_944, %ge3A_952 : i32
      %convert_element_type3A_954 = arith.extui %ge3A_953 : i1 to i32
      %cond3A_955 = arith.constant 0 : i32
      %cond3A_956 = arith.cmpi ne, %convert_element_type3A_954, %cond3A_955 : i32
      scf.if %cond3A_956 {
        %dma_wait3A_1145 = arith.constant 2 : i32
        %dma_wait3A_1146 = arith.constant 0 : i32
        %dma_wait3A_1147 = arith.constant 0 : i32
        %dma_wait3A_1148 = arith.constant 0 : i32
        %dma_wait3A_1149 = arith.constant 0 : i32
        %dma_wait3A_1150 = arith.constant 0 : i32
        %dma_wait3A_1151 = tpu.memref_slice %arg8[%dma_wait3A_1145, %dma_wait3A_1148, %dma_wait3A_1149, %dma_wait3A_1150] : memref<4x8x8x133xf32, #tpu.memory_space<vmem>> -> memref<1x8x8x128xf32, #tpu.memory_space<vmem>>
        %dma_wait3A_1152 = tpu.memref_squeeze %dma_wait3A_1151 : memref<1x8x8x128xf32, #tpu.memory_space<vmem>> -> memref<8x8x128xf32, #tpu.memory_space<vmem>>
        %dma_wait3A_1153 = arith.constant 0 : i32
        %dma_wait3A_1154 = arith.constant 0 : i32
        %dma_wait3A_1155 = arith.constant 0 : i32
        %dma_wait3A_1156 = tpu.memref_slice %arg4[%dma_wait3A_1146, %dma_wait3A_1153, %dma_wait3A_1147, %dma_wait3A_1154, %dma_wait3A_1155] : memref<50x8x128x8x128xf32, #tpu.memory_space<hbm>> -> memref<1x8x1x8x128xf32, #tpu.memory_space<hbm>>
        %dma_wait3A_1157 = tpu.memref_squeeze %dma_wait3A_1156 : memref<1x8x1x8x128xf32, #tpu.memory_space<hbm>> -> memref<8x8x128xf32, #tpu.memory_space<hbm>>
        %dma_wait3A_1158 = arith.constant 0 : i32
        %dma_wait3A_1159 = arith.constant 0 : i32
        %dma_wait3A_1160 = arith.constant 0 : i32
        %dma_wait3A_1161 = tpu.memref_slice %arg4[%dma_wait3A_1146, %dma_wait3A_1158, %dma_wait3A_1147, %dma_wait3A_1159, %dma_wait3A_1160] : memref<50x8x128x8x128xf32, #tpu.memory_space<hbm>> -> memref<1x8x1x8x128xf32, #tpu.memory_space<hbm>>
        %dma_wait3A_1162 = tpu.memref_squeeze %dma_wait3A_1161 : memref<1x8x1x8x128xf32, #tpu.memory_space<hbm>> -> memref<8x8x128xf32, #tpu.memory_space<hbm>>
        %dma_wait3A_1163 = arith.constant 0 : i32
        %dma_wait3A_1164 = arith.constant 0 : i32
        %dma_wait3A_1165 = arith.constant 0 : i32
        %dma_wait3A_1166 = tpu.memref_slice %arg8[%dma_wait3A_1145, %dma_wait3A_1163, %dma_wait3A_1164, %dma_wait3A_1165] : memref<4x8x8x133xf32, #tpu.memory_space<vmem>> -> memref<1x8x8x128xf32, #tpu.memory_space<vmem>>
        %dma_wait3A_1167 = tpu.memref_squeeze %dma_wait3A_1166 : memref<1x8x8x128xf32, #tpu.memory_space<vmem>> -> memref<8x8x128xf32, #tpu.memory_space<vmem>>
        tpu.wait_dma2 semaphore(%arg15 : memref<!tpu.dma_semaphore, #tpu.memory_space<semaphore_mem>>) src(%dma_wait3A_1167 : memref<8x8x128xf32, #tpu.memory_space<vmem>>) dst(%dma_wait3A_1162 : memref<8x8x128xf32, #tpu.memory_space<hbm>>)
      } else {
      }
      %dma_wait3A_957 = arith.constant 2 : i32
      %dma_wait3A_958 = arith.constant 2 : i32
      %dma_wait3A_959 = arith.constant 0 : i32
      %dma_wait3A_960 = arith.constant 0 : i32
      %dma_wait3A_961 = tpu.memref_slice %arg7[%dma_wait3A_958, %dma_wait3A_959, %dma_wait3A_960] : memref<4x128x64xf32, #tpu.memory_space<vmem>> -> memref<1x128x64xf32, #tpu.memory_space<vmem>>
      %dma_wait3A_962 = tpu.memref_squeeze %dma_wait3A_961 : memref<1x128x64xf32, #tpu.memory_space<vmem>> -> memref<128x64xf32, #tpu.memory_space<vmem>>
      %dma_wait3A_963 = arith.constant 0 : i32
      %dma_wait3A_964 = tpu.memref_slice %arg6[%dma_wait3A_957, %dma_wait3A_963] : memref<4x128xi32, #tpu.memory_space<vmem>> -> memref<1x128xi32, #tpu.memory_space<vmem>>
      %dma_wait3A_965 = tpu.memref_squeeze %dma_wait3A_964 : memref<1x128xi32, #tpu.memory_space<vmem>> -> memref<128xi32, #tpu.memory_space<vmem>>
      %dma_wait3A_966 = arith.constant 0 : i32
      %dma_wait3A_967 = arith.constant 0 : i32
      %dma_wait3A_968 = tpu.memref_slice %arg3[%dma_wait3A_966, %dma_wait3A_967] : memref<1000000x64xf32, #tpu.memory_space<hbm>> -> memref<1000000x64xf32, #tpu.memory_space<hbm>>
      tpu.wait_indirect_dma semaphore(%arg11 : memref<!tpu.dma_semaphore, #tpu.memory_space<semaphore_mem>>) src(%dma_wait3A_968 : memref<1000000x64xf32, #tpu.memory_space<hbm>>) dst(%dma_wait3A_962 : memref<128x64xf32, #tpu.memory_space<vmem>>)
      %mul3A_969 = arith.constant 0 : i32
      %mul3A_970 = vector.broadcast %mul3A_969 : i32 to vector<16xi32>
      %mul3A_971 = arith.muli %iota3A, %mul3A_970 : vector<16xi32>
      %scan3A_972 = arith.constant 2 : i32
      %scan3A_973 = arith.constant 2 : i32
      %scan3A_974 = arith.constant 0 : i32
      %scan3A_975 = arith.constant 16 : i32
      %scan3A_976 = arith.addi %scan3A_974, %scan3A_975 : i32
      %scan3A_977 = arith.constant 1 : i32
      %scan3A_978 = scf.for %scan3A_1145 = %scan3A_974 to %scan3A_976 step %scan3A_977 iter_args(%scan3A_1146 = %mul3A_971) -> (vector<16xi32>)  : i32 {
        %mul3A_1147 = arith.constant 8 : i32
        %mul3A_1148 = arith.muli %scan3A_1145, %mul3A_1147 : i32
        %add3A_1149 = arith.constant 0 : i32
        %add3A_1150 = arith.addi %add3A_1149, %mul3A_1148 : i32
        %get3A = arith.constant 0 : i32
        %get3A_1151 = arith.constant 0 : i32
        %get3A_1152 = tpu.memref_slice %arg7[%scan3A_972, %get3A, %get3A_1151] : memref<4x128x64xf32, #tpu.memory_space<vmem>> -> memref<1x128x64xf32, #tpu.memory_space<vmem>>
        %get3A_1153 = tpu.memref_squeeze %get3A_1152 : memref<1x128x64xf32, #tpu.memory_space<vmem>> -> memref<128x64xf32, #tpu.memory_space<vmem>>
        %get3A_1154 = arith.constant 0 : i32
        %get3A_1155 = tpu.memref_slice %get3A_1153[%add3A_1150, %get3A_1154] : memref<128x64xf32, #tpu.memory_space<vmem>> -> memref<1x64xf32, #tpu.memory_space<vmem>>
        %get3A_1156 = tpu.memref_squeeze %get3A_1155 : memref<1x64xf32, #tpu.memory_space<vmem>> -> memref<64xf32, #tpu.memory_space<vmem>>
        %get3A_1157 = arith.constant 0 : index
        %get3A_1158 = tpu.vector_load %get3A_1156[%get3A_1157] {strides = array<i32>} : memref<64xf32, #tpu.memory_space<vmem>>, vector<16xf32>,
        %get3A_1159 = arith.constant 0 : i32
        %get3A_1160 = arith.constant 0 : i32
        %get3A_1161 = tpu.memref_slice %arg7[%scan3A_972, %get3A_1159, %get3A_1160] : memref<4x128x64xf32, #tpu.memory_space<vmem>> -> memref<1x128x64xf32, #tpu.memory_space<vmem>>
        %get3A_1162 = tpu.memref_squeeze %get3A_1161 : memref<1x128x64xf32, #tpu.memory_space<vmem>> -> memref<128x64xf32, #tpu.memory_space<vmem>>
        %get3A_1163 = arith.constant 0 : i32
        %get3A_1164 = tpu.memref_slice %get3A_1162[%add3A_1150, %get3A_1163] : memref<128x64xf32, #tpu.memory_space<vmem>> -> memref<1x64xf32, #tpu.memory_space<vmem>>
        %get3A_1165 = tpu.memref_squeeze %get3A_1164 : memref<1x64xf32, #tpu.memory_space<vmem>> -> memref<64xf32, #tpu.memory_space<vmem>>
        %get3A_1166 = arith.constant 16 : index
        %get3A_1167 = tpu.vector_load %get3A_1165[%get3A_1166] {strides = array<i32>} : memref<64xf32, #tpu.memory_space<vmem>>, vector<16xf32>,
        %get3A_1168 = arith.constant 0 : i32
        %get3A_1169 = arith.constant 0 : i32
        %get3A_1170 = tpu.memref_slice %arg7[%scan3A_972, %get3A_1168, %get3A_1169] : memref<4x128x64xf32, #tpu.memory_space<vmem>> -> memref<1x128x64xf32, #tpu.memory_space<vmem>>
        %get3A_1171 = tpu.memref_squeeze %get3A_1170 : memref<1x128x64xf32, #tpu.memory_space<vmem>> -> memref<128x64xf32, #tpu.memory_space<vmem>>
        %get3A_1172 = arith.constant 0 : i32
        %get3A_1173 = tpu.memref_slice %get3A_1171[%add3A_1150, %get3A_1172] : memref<128x64xf32, #tpu.memory_space<vmem>> -> memref<1x64xf32, #tpu.memory_space<vmem>>
        %get3A_1174 = tpu.memref_squeeze %get3A_1173 : memref<1x64xf32, #tpu.memory_space<vmem>> -> memref<64xf32, #tpu.memory_space<vmem>>
        %get3A_1175 = arith.constant 32 : index
        %get3A_1176 = tpu.vector_load %get3A_1174[%get3A_1175] {strides = array<i32>} : memref<64xf32, #tpu.memory_space<vmem>>, vector<16xf32>,
        %get3A_1177 = arith.constant 0 : i32
        %get3A_1178 = arith.constant 0 : i32
        %get3A_1179 = tpu.memref_slice %arg7[%scan3A_972, %get3A_1177, %get3A_1178] : memref<4x128x64xf32, #tpu.memory_space<vmem>> -> memref<1x128x64xf32, #tpu.memory_space<vmem>>
        %get3A_1180 = tpu.memref_squeeze %get3A_1179 : memref<1x128x64xf32, #tpu.memory_space<vmem>> -> memref<128x64xf32, #tpu.memory_space<vmem>>
        %get3A_1181 = arith.constant 0 : i32
        %get3A_1182 = tpu.memref_slice %get3A_1180[%add3A_1150, %get3A_1181] : memref<128x64xf32, #tpu.memory_space<vmem>> -> memref<1x64xf32, #tpu.memory_space<vmem>>
        %get3A_1183 = tpu.memref_squeeze %get3A_1182 : memref<1x64xf32, #tpu.memory_space<vmem>> -> memref<64xf32, #tpu.memory_space<vmem>>
        %get3A_1184 = arith.constant 48 : index
        %get3A_1185 = tpu.vector_load %get3A_1183[%get3A_1184] {strides = array<i32>} : memref<64xf32, #tpu.memory_space<vmem>>, vector<16xf32>,
        %add3A_1186 = arith.constant 1 : i32
        %add3A_1187 = arith.addi %add3A_1150, %add3A_1186 : i32
        %get3A_1188 = arith.constant 0 : i32
        %get3A_1189 = arith.constant 0 : i32
        %get3A_1190 = tpu.memref_slice %arg7[%scan3A_972, %get3A_1188, %get3A_1189] : memref<4x128x64xf32, #tpu.memory_space<vmem>> -> memref<1x128x64xf32, #tpu.memory_space<vmem>>
        %get3A_1191 = tpu.memref_squeeze %get3A_1190 : memref<1x128x64xf32, #tpu.memory_space<vmem>> -> memref<128x64xf32, #tpu.memory_space<vmem>>
        %get3A_1192 = arith.constant 0 : i32
        %get3A_1193 = tpu.memref_slice %get3A_1191[%add3A_1187, %get3A_1192] : memref<128x64xf32, #tpu.memory_space<vmem>> -> memref<1x64xf32, #tpu.memory_space<vmem>>
        %get3A_1194 = tpu.memref_squeeze %get3A_1193 : memref<1x64xf32, #tpu.memory_space<vmem>> -> memref<64xf32, #tpu.memory_space<vmem>>
        %get3A_1195 = arith.constant 0 : index
        %get3A_1196 = tpu.vector_load %get3A_1194[%get3A_1195] {strides = array<i32>} : memref<64xf32, #tpu.memory_space<vmem>>, vector<16xf32>,
        %get3A_1197 = arith.constant 0 : i32
        %get3A_1198 = arith.constant 0 : i32
        %get3A_1199 = tpu.memref_slice %arg7[%scan3A_972, %get3A_1197, %get3A_1198] : memref<4x128x64xf32, #tpu.memory_space<vmem>> -> memref<1x128x64xf32, #tpu.memory_space<vmem>>
        %get3A_1200 = tpu.memref_squeeze %get3A_1199 : memref<1x128x64xf32, #tpu.memory_space<vmem>> -> memref<128x64xf32, #tpu.memory_space<vmem>>
        %get3A_1201 = arith.constant 0 : i32
        %get3A_1202 = tpu.memref_slice %get3A_1200[%add3A_1187, %get3A_1201] : memref<128x64xf32, #tpu.memory_space<vmem>> -> memref<1x64xf32, #tpu.memory_space<vmem>>
        %get3A_1203 = tpu.memref_squeeze %get3A_1202 : memref<1x64xf32, #tpu.memory_space<vmem>> -> memref<64xf32, #tpu.memory_space<vmem>>
        %get3A_1204 = arith.constant 16 : index
        %get3A_1205 = tpu.vector_load %get3A_1203[%get3A_1204] {strides = array<i32>} : memref<64xf32, #tpu.memory_space<vmem>>, vector<16xf32>,
        %get3A_1206 = arith.constant 0 : i32
        %get3A_1207 = arith.constant 0 : i32
        %get3A_1208 = tpu.memref_slice %arg7[%scan3A_972, %get3A_1206, %get3A_1207] : memref<4x128x64xf32, #tpu.memory_space<vmem>> -> memref<1x128x64xf32, #tpu.memory_space<vmem>>
        %get3A_1209 = tpu.memref_squeeze %get3A_1208 : memref<1x128x64xf32, #tpu.memory_space<vmem>> -> memref<128x64xf32, #tpu.memory_space<vmem>>
        %get3A_1210 = arith.constant 0 : i32
        %get3A_1211 = tpu.memref_slice %get3A_1209[%add3A_1187, %get3A_1210] : memref<128x64xf32, #tpu.memory_space<vmem>> -> memref<1x64xf32, #tpu.memory_space<vmem>>
        %get3A_1212 = tpu.memref_squeeze %get3A_1211 : memref<1x64xf32, #tpu.memory_space<vmem>> -> memref<64xf32, #tpu.memory_space<vmem>>
        %get3A_1213 = arith.constant 32 : index
        %get3A_1214 = tpu.vector_load %get3A_1212[%get3A_1213] {strides = array<i32>} : memref<64xf32, #tpu.memory_space<vmem>>, vector<16xf32>,
        %get3A_1215 = arith.constant 0 : i32
        %get3A_1216 = arith.constant 0 : i32
        %get3A_1217 = tpu.memref_slice %arg7[%scan3A_972, %get3A_1215, %get3A_1216] : memref<4x128x64xf32, #tpu.memory_space<vmem>> -> memref<1x128x64xf32, #tpu.memory_space<vmem>>
        %get3A_1218 = tpu.memref_squeeze %get3A_1217 : memref<1x128x64xf32, #tpu.memory_space<vmem>> -> memref<128x64xf32, #tpu.memory_space<vmem>>
        %get3A_1219 = arith.constant 0 : i32
        %get3A_1220 = tpu.memref_slice %get3A_1218[%add3A_1187, %get3A_1219] : memref<128x64xf32, #tpu.memory_space<vmem>> -> memref<1x64xf32, #tpu.memory_space<vmem>>
        %get3A_1221 = tpu.memref_squeeze %get3A_1220 : memref<1x64xf32, #tpu.memory_space<vmem>> -> memref<64xf32, #tpu.memory_space<vmem>>
        %get3A_1222 = arith.constant 48 : index
        %get3A_1223 = tpu.vector_load %get3A_1221[%get3A_1222] {strides = array<i32>} : memref<64xf32, #tpu.memory_space<vmem>>, vector<16xf32>,
        %add3A_1224 = arith.constant 0 : i32
        %add3A_1225 = vector.broadcast %add3A_1224 : i32 to vector<16xi32>
        %add3A_1226 = arith.addi %scan3A_1146, %add3A_1225 : vector<16xi32>
        %scatter3A = arith.constant 0 : i32
        %scatter3A_1227 = arith.constant 0 : i32
        %scatter3A_1228 = arith.constant 0 : i32
        %scatter3A_1229 = tpu.memref_slice %arg8[%scan3A_973, %scatter3A, %scatter3A_1227, %scatter3A_1228] : memref<4x8x8x133xf32, #tpu.memory_space<vmem>> -> memref<1x8x8x133xf32, #tpu.memory_space<vmem>>
        %scatter3A_1230 = tpu.memref_squeeze %scatter3A_1229 : memref<1x8x8x133xf32, #tpu.memory_space<vmem>> -> memref<8x8x133xf32, #tpu.memory_space<vmem>>
        tpu.vector_store_idx %scatter3A_1230[%select_n3A, %select_n3A_151, %add3A_1226], %get3A_1158 : memref<8x8x133xf32, #tpu.memory_space<vmem>>[vector<16xi32>, vector<16xi32>, vector<16xi32>], vector<16xf32>,
        %scatter3A_1231 = arith.constant 0 : i32
        %scatter3A_1232 = arith.constant 0 : i32
        %scatter3A_1233 = arith.constant 0 : i32
        %scatter3A_1234 = tpu.memref_slice %arg8[%scan3A_973, %scatter3A_1231, %scatter3A_1232, %scatter3A_1233] : memref<4x8x8x133xf32, #tpu.memory_space<vmem>> -> memref<1x8x8x133xf32, #tpu.memory_space<vmem>>
        %scatter3A_1235 = tpu.memref_squeeze %scatter3A_1234 : memref<1x8x8x133xf32, #tpu.memory_space<vmem>> -> memref<8x8x133xf32, #tpu.memory_space<vmem>>
        tpu.vector_store_idx %scatter3A_1235[%select_n3A_60, %select_n3A_176, %add3A_1226], %get3A_1167 : memref<8x8x133xf32, #tpu.memory_space<vmem>>[vector<16xi32>, vector<16xi32>, vector<16xi32>], vector<16xf32>,
        %scatter3A_1236 = arith.constant 0 : i32
        %scatter3A_1237 = arith.constant 0 : i32
        %scatter3A_1238 = arith.constant 0 : i32
        %scatter3A_1239 = tpu.memref_slice %arg8[%scan3A_973, %scatter3A_1236, %scatter3A_1237, %scatter3A_1238] : memref<4x8x8x133xf32, #tpu.memory_space<vmem>> -> memref<1x8x8x133xf32, #tpu.memory_space<vmem>>
        %scatter3A_1240 = tpu.memref_squeeze %scatter3A_1239 : memref<1x8x8x133xf32, #tpu.memory_space<vmem>> -> memref<8x8x133xf32, #tpu.memory_space<vmem>>
        tpu.vector_store_idx %scatter3A_1240[%select_n3A_94, %select_n3A_201, %add3A_1226], %get3A_1176 : memref<8x8x133xf32, #tpu.memory_space<vmem>>[vector<16xi32>, vector<16xi32>, vector<16xi32>], vector<16xf32>,
        %scatter3A_1241 = arith.constant 0 : i32
        %scatter3A_1242 = arith.constant 0 : i32
        %scatter3A_1243 = arith.constant 0 : i32
        %scatter3A_1244 = tpu.memref_slice %arg8[%scan3A_973, %scatter3A_1241, %scatter3A_1242, %scatter3A_1243] : memref<4x8x8x133xf32, #tpu.memory_space<vmem>> -> memref<1x8x8x133xf32, #tpu.memory_space<vmem>>
        %scatter3A_1245 = tpu.memref_squeeze %scatter3A_1244 : memref<1x8x8x133xf32, #tpu.memory_space<vmem>> -> memref<8x8x133xf32, #tpu.memory_space<vmem>>
        tpu.vector_store_idx %scatter3A_1245[%select_n3A_128, %select_n3A_226, %add3A_1226], %get3A_1185 : memref<8x8x133xf32, #tpu.memory_space<vmem>>[vector<16xi32>, vector<16xi32>, vector<16xi32>], vector<16xf32>,
        %add3A_1246 = arith.constant 2 : i32
        %add3A_1247 = arith.addi %add3A_1150, %add3A_1246 : i32
        %get3A_1248 = arith.constant 0 : i32
        %get3A_1249 = arith.constant 0 : i32
        %get3A_1250 = tpu.memref_slice %arg7[%scan3A_972, %get3A_1248, %get3A_1249] : memref<4x128x64xf32, #tpu.memory_space<vmem>> -> memref<1x128x64xf32, #tpu.memory_space<vmem>>
        %get3A_1251 = tpu.memref_squeeze %get3A_1250 : memref<1x128x64xf32, #tpu.memory_space<vmem>> -> memref<128x64xf32, #tpu.memory_space<vmem>>
        %get3A_1252 = arith.constant 0 : i32
        %get3A_1253 = tpu.memref_slice %get3A_1251[%add3A_1247, %get3A_1252] : memref<128x64xf32, #tpu.memory_space<vmem>> -> memref<1x64xf32, #tpu.memory_space<vmem>>
        %get3A_1254 = tpu.memref_squeeze %get3A_1253 : memref<1x64xf32, #tpu.memory_space<vmem>> -> memref<64xf32, #tpu.memory_space<vmem>>
        %get3A_1255 = arith.constant 0 : index
        %get3A_1256 = tpu.vector_load %get3A_1254[%get3A_1255] {strides = array<i32>} : memref<64xf32, #tpu.memory_space<vmem>>, vector<16xf32>,
        %get3A_1257 = arith.constant 0 : i32
        %get3A_1258 = arith.constant 0 : i32
        %get3A_1259 = tpu.memref_slice %arg7[%scan3A_972, %get3A_1257, %get3A_1258] : memref<4x128x64xf32, #tpu.memory_space<vmem>> -> memref<1x128x64xf32, #tpu.memory_space<vmem>>
        %get3A_1260 = tpu.memref_squeeze %get3A_1259 : memref<1x128x64xf32, #tpu.memory_space<vmem>> -> memref<128x64xf32, #tpu.memory_space<vmem>>
        %get3A_1261 = arith.constant 0 : i32
        %get3A_1262 = tpu.memref_slice %get3A_1260[%add3A_1247, %get3A_1261] : memref<128x64xf32, #tpu.memory_space<vmem>> -> memref<1x64xf32, #tpu.memory_space<vmem>>
        %get3A_1263 = tpu.memref_squeeze %get3A_1262 : memref<1x64xf32, #tpu.memory_space<vmem>> -> memref<64xf32, #tpu.memory_space<vmem>>
        %get3A_1264 = arith.constant 16 : index
        %get3A_1265 = tpu.vector_load %get3A_1263[%get3A_1264] {strides = array<i32>} : memref<64xf32, #tpu.memory_space<vmem>>, vector<16xf32>,
        %get3A_1266 = arith.constant 0 : i32
        %get3A_1267 = arith.constant 0 : i32
        %get3A_1268 = tpu.memref_slice %arg7[%scan3A_972, %get3A_1266, %get3A_1267] : memref<4x128x64xf32, #tpu.memory_space<vmem>> -> memref<1x128x64xf32, #tpu.memory_space<vmem>>
        %get3A_1269 = tpu.memref_squeeze %get3A_1268 : memref<1x128x64xf32, #tpu.memory_space<vmem>> -> memref<128x64xf32, #tpu.memory_space<vmem>>
        %get3A_1270 = arith.constant 0 : i32
        %get3A_1271 = tpu.memref_slice %get3A_1269[%add3A_1247, %get3A_1270] : memref<128x64xf32, #tpu.memory_space<vmem>> -> memref<1x64xf32, #tpu.memory_space<vmem>>
        %get3A_1272 = tpu.memref_squeeze %get3A_1271 : memref<1x64xf32, #tpu.memory_space<vmem>> -> memref<64xf32, #tpu.memory_space<vmem>>
        %get3A_1273 = arith.constant 32 : index
        %get3A_1274 = tpu.vector_load %get3A_1272[%get3A_1273] {strides = array<i32>} : memref<64xf32, #tpu.memory_space<vmem>>, vector<16xf32>,
        %get3A_1275 = arith.constant 0 : i32
        %get3A_1276 = arith.constant 0 : i32
        %get3A_1277 = tpu.memref_slice %arg7[%scan3A_972, %get3A_1275, %get3A_1276] : memref<4x128x64xf32, #tpu.memory_space<vmem>> -> memref<1x128x64xf32, #tpu.memory_space<vmem>>
        %get3A_1278 = tpu.memref_squeeze %get3A_1277 : memref<1x128x64xf32, #tpu.memory_space<vmem>> -> memref<128x64xf32, #tpu.memory_space<vmem>>
        %get3A_1279 = arith.constant 0 : i32
        %get3A_1280 = tpu.memref_slice %get3A_1278[%add3A_1247, %get3A_1279] : memref<128x64xf32, #tpu.memory_space<vmem>> -> memref<1x64xf32, #tpu.memory_space<vmem>>
        %get3A_1281 = tpu.memref_squeeze %get3A_1280 : memref<1x64xf32, #tpu.memory_space<vmem>> -> memref<64xf32, #tpu.memory_space<vmem>>
        %get3A_1282 = arith.constant 48 : index
        %get3A_1283 = tpu.vector_load %get3A_1281[%get3A_1282] {strides = array<i32>} : memref<64xf32, #tpu.memory_space<vmem>>, vector<16xf32>,
        %add3A_1284 = arith.constant 1 : i32
        %add3A_1285 = vector.broadcast %add3A_1284 : i32 to vector<16xi32>
        %add3A_1286 = arith.addi %scan3A_1146, %add3A_1285 : vector<16xi32>
        %scatter3A_1287 = arith.constant 0 : i32
        %scatter3A_1288 = arith.constant 0 : i32
        %scatter3A_1289 = arith.constant 0 : i32
        %scatter3A_1290 = tpu.memref_slice %arg8[%scan3A_973, %scatter3A_1287, %scatter3A_1288, %scatter3A_1289] : memref<4x8x8x133xf32, #tpu.memory_space<vmem>> -> memref<1x8x8x133xf32, #tpu.memory_space<vmem>>
        %scatter3A_1291 = tpu.memref_squeeze %scatter3A_1290 : memref<1x8x8x133xf32, #tpu.memory_space<vmem>> -> memref<8x8x133xf32, #tpu.memory_space<vmem>>
        tpu.vector_store_idx %scatter3A_1291[%select_n3A, %select_n3A_151, %add3A_1286], %get3A_1196 : memref<8x8x133xf32, #tpu.memory_space<vmem>>[vector<16xi32>, vector<16xi32>, vector<16xi32>], vector<16xf32>,
        %scatter3A_1292 = arith.constant 0 : i32
        %scatter3A_1293 = arith.constant 0 : i32
        %scatter3A_1294 = arith.constant 0 : i32
        %scatter3A_1295 = tpu.memref_slice %arg8[%scan3A_973, %scatter3A_1292, %scatter3A_1293, %scatter3A_1294] : memref<4x8x8x133xf32, #tpu.memory_space<vmem>> -> memref<1x8x8x133xf32, #tpu.memory_space<vmem>>
        %scatter3A_1296 = tpu.memref_squeeze %scatter3A_1295 : memref<1x8x8x133xf32, #tpu.memory_space<vmem>> -> memref<8x8x133xf32, #tpu.memory_space<vmem>>
        tpu.vector_store_idx %scatter3A_1296[%select_n3A_60, %select_n3A_176, %add3A_1286], %get3A_1205 : memref<8x8x133xf32, #tpu.memory_space<vmem>>[vector<16xi32>, vector<16xi32>, vector<16xi32>], vector<16xf32>,
        %scatter3A_1297 = arith.constant 0 : i32
        %scatter3A_1298 = arith.constant 0 : i32
        %scatter3A_1299 = arith.constant 0 : i32
        %scatter3A_1300 = tpu.memref_slice %arg8[%scan3A_973, %scatter3A_1297, %scatter3A_1298, %scatter3A_1299] : memref<4x8x8x133xf32, #tpu.memory_space<vmem>> -> memref<1x8x8x133xf32, #tpu.memory_space<vmem>>
        %scatter3A_1301 = tpu.memref_squeeze %scatter3A_1300 : memref<1x8x8x133xf32, #tpu.memory_space<vmem>> -> memref<8x8x133xf32, #tpu.memory_space<vmem>>
        tpu.vector_store_idx %scatter3A_1301[%select_n3A_94, %select_n3A_201, %add3A_1286], %get3A_1214 : memref<8x8x133xf32, #tpu.memory_space<vmem>>[vector<16xi32>, vector<16xi32>, vector<16xi32>], vector<16xf32>,
        %scatter3A_1302 = arith.constant 0 : i32
        %scatter3A_1303 = arith.constant 0 : i32
        %scatter3A_1304 = arith.constant 0 : i32
        %scatter3A_1305 = tpu.memref_slice %arg8[%scan3A_973, %scatter3A_1302, %scatter3A_1303, %scatter3A_1304] : memref<4x8x8x133xf32, #tpu.memory_space<vmem>> -> memref<1x8x8x133xf32, #tpu.memory_space<vmem>>
        %scatter3A_1306 = tpu.memref_squeeze %scatter3A_1305 : memref<1x8x8x133xf32, #tpu.memory_space<vmem>> -> memref<8x8x133xf32, #tpu.memory_space<vmem>>
        tpu.vector_store_idx %scatter3A_1306[%select_n3A_128, %select_n3A_226, %add3A_1286], %get3A_1223 : memref<8x8x133xf32, #tpu.memory_space<vmem>>[vector<16xi32>, vector<16xi32>, vector<16xi32>], vector<16xf32>,
        %add3A_1307 = arith.constant 3 : i32
        %add3A_1308 = arith.addi %add3A_1150, %add3A_1307 : i32
        %get3A_1309 = arith.constant 0 : i32
        %get3A_1310 = arith.constant 0 : i32
        %get3A_1311 = tpu.memref_slice %arg7[%scan3A_972, %get3A_1309, %get3A_1310] : memref<4x128x64xf32, #tpu.memory_space<vmem>> -> memref<1x128x64xf32, #tpu.memory_space<vmem>>
        %get3A_1312 = tpu.memref_squeeze %get3A_1311 : memref<1x128x64xf32, #tpu.memory_space<vmem>> -> memref<128x64xf32, #tpu.memory_space<vmem>>
        %get3A_1313 = arith.constant 0 : i32
        %get3A_1314 = tpu.memref_slice %get3A_1312[%add3A_1308, %get3A_1313] : memref<128x64xf32, #tpu.memory_space<vmem>> -> memref<1x64xf32, #tpu.memory_space<vmem>>
        %get3A_1315 = tpu.memref_squeeze %get3A_1314 : memref<1x64xf32, #tpu.memory_space<vmem>> -> memref<64xf32, #tpu.memory_space<vmem>>
        %get3A_1316 = arith.constant 0 : index
        %get3A_1317 = tpu.vector_load %get3A_1315[%get3A_1316] {strides = array<i32>} : memref<64xf32, #tpu.memory_space<vmem>>, vector<16xf32>,
        %get3A_1318 = arith.constant 0 : i32
        %get3A_1319 = arith.constant 0 : i32
        %get3A_1320 = tpu.memref_slice %arg7[%scan3A_972, %get3A_1318, %get3A_1319] : memref<4x128x64xf32, #tpu.memory_space<vmem>> -> memref<1x128x64xf32, #tpu.memory_space<vmem>>
        %get3A_1321 = tpu.memref_squeeze %get3A_1320 : memref<1x128x64xf32, #tpu.memory_space<vmem>> -> memref<128x64xf32, #tpu.memory_space<vmem>>
        %get3A_1322 = arith.constant 0 : i32
        %get3A_1323 = tpu.memref_slice %get3A_1321[%add3A_1308, %get3A_1322] : memref<128x64xf32, #tpu.memory_space<vmem>> -> memref<1x64xf32, #tpu.memory_space<vmem>>
        %get3A_1324 = tpu.memref_squeeze %get3A_1323 : memref<1x64xf32, #tpu.memory_space<vmem>> -> memref<64xf32, #tpu.memory_space<vmem>>
        %get3A_1325 = arith.constant 16 : index
        %get3A_1326 = tpu.vector_load %get3A_1324[%get3A_1325] {strides = array<i32>} : memref<64xf32, #tpu.memory_space<vmem>>, vector<16xf32>,
        %get3A_1327 = arith.constant 0 : i32
        %get3A_1328 = arith.constant 0 : i32
        %get3A_1329 = tpu.memref_slice %arg7[%scan3A_972, %get3A_1327, %get3A_1328] : memref<4x128x64xf32, #tpu.memory_space<vmem>> -> memref<1x128x64xf32, #tpu.memory_space<vmem>>
        %get3A_1330 = tpu.memref_squeeze %get3A_1329 : memref<1x128x64xf32, #tpu.memory_space<vmem>> -> memref<128x64xf32, #tpu.memory_space<vmem>>
        %get3A_1331 = arith.constant 0 : i32
        %get3A_1332 = tpu.memref_slice %get3A_1330[%add3A_1308, %get3A_1331] : memref<128x64xf32, #tpu.memory_space<vmem>> -> memref<1x64xf32, #tpu.memory_space<vmem>>
        %get3A_1333 = tpu.memref_squeeze %get3A_1332 : memref<1x64xf32, #tpu.memory_space<vmem>> -> memref<64xf32, #tpu.memory_space<vmem>>
        %get3A_1334 = arith.constant 32 : index
        %get3A_1335 = tpu.vector_load %get3A_1333[%get3A_1334] {strides = array<i32>} : memref<64xf32, #tpu.memory_space<vmem>>, vector<16xf32>,
        %get3A_1336 = arith.constant 0 : i32
        %get3A_1337 = arith.constant 0 : i32
        %get3A_1338 = tpu.memref_slice %arg7[%scan3A_972, %get3A_1336, %get3A_1337] : memref<4x128x64xf32, #tpu.memory_space<vmem>> -> memref<1x128x64xf32, #tpu.memory_space<vmem>>
        %get3A_1339 = tpu.memref_squeeze %get3A_1338 : memref<1x128x64xf32, #tpu.memory_space<vmem>> -> memref<128x64xf32, #tpu.memory_space<vmem>>
        %get3A_1340 = arith.constant 0 : i32
        %get3A_1341 = tpu.memref_slice %get3A_1339[%add3A_1308, %get3A_1340] : memref<128x64xf32, #tpu.memory_space<vmem>> -> memref<1x64xf32, #tpu.memory_space<vmem>>
        %get3A_1342 = tpu.memref_squeeze %get3A_1341 : memref<1x64xf32, #tpu.memory_space<vmem>> -> memref<64xf32, #tpu.memory_space<vmem>>
        %get3A_1343 = arith.constant 48 : index
        %get3A_1344 = tpu.vector_load %get3A_1342[%get3A_1343] {strides = array<i32>} : memref<64xf32, #tpu.memory_space<vmem>>, vector<16xf32>,
        %add3A_1345 = arith.constant 2 : i32
        %add3A_1346 = vector.broadcast %add3A_1345 : i32 to vector<16xi32>
        %add3A_1347 = arith.addi %scan3A_1146, %add3A_1346 : vector<16xi32>
        %scatter3A_1348 = arith.constant 0 : i32
        %scatter3A_1349 = arith.constant 0 : i32
        %scatter3A_1350 = arith.constant 0 : i32
        %scatter3A_1351 = tpu.memref_slice %arg8[%scan3A_973, %scatter3A_1348, %scatter3A_1349, %scatter3A_1350] : memref<4x8x8x133xf32, #tpu.memory_space<vmem>> -> memref<1x8x8x133xf32, #tpu.memory_space<vmem>>
        %scatter3A_1352 = tpu.memref_squeeze %scatter3A_1351 : memref<1x8x8x133xf32, #tpu.memory_space<vmem>> -> memref<8x8x133xf32, #tpu.memory_space<vmem>>
        tpu.vector_store_idx %scatter3A_1352[%select_n3A, %select_n3A_151, %add3A_1347], %get3A_1256 : memref<8x8x133xf32, #tpu.memory_space<vmem>>[vector<16xi32>, vector<16xi32>, vector<16xi32>], vector<16xf32>,
        %scatter3A_1353 = arith.constant 0 : i32
        %scatter3A_1354 = arith.constant 0 : i32
        %scatter3A_1355 = arith.constant 0 : i32
        %scatter3A_1356 = tpu.memref_slice %arg8[%scan3A_973, %scatter3A_1353, %scatter3A_1354, %scatter3A_1355] : memref<4x8x8x133xf32, #tpu.memory_space<vmem>> -> memref<1x8x8x133xf32, #tpu.memory_space<vmem>>
        %scatter3A_1357 = tpu.memref_squeeze %scatter3A_1356 : memref<1x8x8x133xf32, #tpu.memory_space<vmem>> -> memref<8x8x133xf32, #tpu.memory_space<vmem>>
        tpu.vector_store_idx %scatter3A_1357[%select_n3A_60, %select_n3A_176, %add3A_1347], %get3A_1265 : memref<8x8x133xf32, #tpu.memory_space<vmem>>[vector<16xi32>, vector<16xi32>, vector<16xi32>], vector<16xf32>,
        %scatter3A_1358 = arith.constant 0 : i32
        %scatter3A_1359 = arith.constant 0 : i32
        %scatter3A_1360 = arith.constant 0 : i32
        %scatter3A_1361 = tpu.memref_slice %arg8[%scan3A_973, %scatter3A_1358, %scatter3A_1359, %scatter3A_1360] : memref<4x8x8x133xf32, #tpu.memory_space<vmem>> -> memref<1x8x8x133xf32, #tpu.memory_space<vmem>>
        %scatter3A_1362 = tpu.memref_squeeze %scatter3A_1361 : memref<1x8x8x133xf32, #tpu.memory_space<vmem>> -> memref<8x8x133xf32, #tpu.memory_space<vmem>>
        tpu.vector_store_idx %scatter3A_1362[%select_n3A_94, %select_n3A_201, %add3A_1347], %get3A_1274 : memref<8x8x133xf32, #tpu.memory_space<vmem>>[vector<16xi32>, vector<16xi32>, vector<16xi32>], vector<16xf32>,
        %scatter3A_1363 = arith.constant 0 : i32
        %scatter3A_1364 = arith.constant 0 : i32
        %scatter3A_1365 = arith.constant 0 : i32
        %scatter3A_1366 = tpu.memref_slice %arg8[%scan3A_973, %scatter3A_1363, %scatter3A_1364, %scatter3A_1365] : memref<4x8x8x133xf32, #tpu.memory_space<vmem>> -> memref<1x8x8x133xf32, #tpu.memory_space<vmem>>
        %scatter3A_1367 = tpu.memref_squeeze %scatter3A_1366 : memref<1x8x8x133xf32, #tpu.memory_space<vmem>> -> memref<8x8x133xf32, #tpu.memory_space<vmem>>
        tpu.vector_store_idx %scatter3A_1367[%select_n3A_128, %select_n3A_226, %add3A_1347], %get3A_1283 : memref<8x8x133xf32, #tpu.memory_space<vmem>>[vector<16xi32>, vector<16xi32>, vector<16xi32>], vector<16xf32>,
        %add3A_1368 = arith.constant 4 : i32
        %add3A_1369 = arith.addi %add3A_1150, %add3A_1368 : i32
        %get3A_1370 = arith.constant 0 : i32
        %get3A_1371 = arith.constant 0 : i32
        %get3A_1372 = tpu.memref_slice %arg7[%scan3A_972, %get3A_1370, %get3A_1371] : memref<4x128x64xf32, #tpu.memory_space<vmem>> -> memref<1x128x64xf32, #tpu.memory_space<vmem>>
        %get3A_1373 = tpu.memref_squeeze %get3A_1372 : memref<1x128x64xf32, #tpu.memory_space<vmem>> -> memref<128x64xf32, #tpu.memory_space<vmem>>
        %get3A_1374 = arith.constant 0 : i32
        %get3A_1375 = tpu.memref_slice %get3A_1373[%add3A_1369, %get3A_1374] : memref<128x64xf32, #tpu.memory_space<vmem>> -> memref<1x64xf32, #tpu.memory_space<vmem>>
        %get3A_1376 = tpu.memref_squeeze %get3A_1375 : memref<1x64xf32, #tpu.memory_space<vmem>> -> memref<64xf32, #tpu.memory_space<vmem>>
        %get3A_1377 = arith.constant 0 : index
        %get3A_1378 = tpu.vector_load %get3A_1376[%get3A_1377] {strides = array<i32>} : memref<64xf32, #tpu.memory_space<vmem>>, vector<16xf32>,
        %get3A_1379 = arith.constant 0 : i32
        %get3A_1380 = arith.constant 0 : i32
        %get3A_1381 = tpu.memref_slice %arg7[%scan3A_972, %get3A_1379, %get3A_1380] : memref<4x128x64xf32, #tpu.memory_space<vmem>> -> memref<1x128x64xf32, #tpu.memory_space<vmem>>
        %get3A_1382 = tpu.memref_squeeze %get3A_1381 : memref<1x128x64xf32, #tpu.memory_space<vmem>> -> memref<128x64xf32, #tpu.memory_space<vmem>>
        %get3A_1383 = arith.constant 0 : i32
        %get3A_1384 = tpu.memref_slice %get3A_1382[%add3A_1369, %get3A_1383] : memref<128x64xf32, #tpu.memory_space<vmem>> -> memref<1x64xf32, #tpu.memory_space<vmem>>
        %get3A_1385 = tpu.memref_squeeze %get3A_1384 : memref<1x64xf32, #tpu.memory_space<vmem>> -> memref<64xf32, #tpu.memory_space<vmem>>
        %get3A_1386 = arith.constant 16 : index
        %get3A_1387 = tpu.vector_load %get3A_1385[%get3A_1386] {strides = array<i32>} : memref<64xf32, #tpu.memory_space<vmem>>, vector<16xf32>,
        %get3A_1388 = arith.constant 0 : i32
        %get3A_1389 = arith.constant 0 : i32
        %get3A_1390 = tpu.memref_slice %arg7[%scan3A_972, %get3A_1388, %get3A_1389] : memref<4x128x64xf32, #tpu.memory_space<vmem>> -> memref<1x128x64xf32, #tpu.memory_space<vmem>>
        %get3A_1391 = tpu.memref_squeeze %get3A_1390 : memref<1x128x64xf32, #tpu.memory_space<vmem>> -> memref<128x64xf32, #tpu.memory_space<vmem>>
        %get3A_1392 = arith.constant 0 : i32
        %get3A_1393 = tpu.memref_slice %get3A_1391[%add3A_1369, %get3A_1392] : memref<128x64xf32, #tpu.memory_space<vmem>> -> memref<1x64xf32, #tpu.memory_space<vmem>>
        %get3A_1394 = tpu.memref_squeeze %get3A_1393 : memref<1x64xf32, #tpu.memory_space<vmem>> -> memref<64xf32, #tpu.memory_space<vmem>>
        %get3A_1395 = arith.constant 32 : index
        %get3A_1396 = tpu.vector_load %get3A_1394[%get3A_1395] {strides = array<i32>} : memref<64xf32, #tpu.memory_space<vmem>>, vector<16xf32>,
        %get3A_1397 = arith.constant 0 : i32
        %get3A_1398 = arith.constant 0 : i32
        %get3A_1399 = tpu.memref_slice %arg7[%scan3A_972, %get3A_1397, %get3A_1398] : memref<4x128x64xf32, #tpu.memory_space<vmem>> -> memref<1x128x64xf32, #tpu.memory_space<vmem>>
        %get3A_1400 = tpu.memref_squeeze %get3A_1399 : memref<1x128x64xf32, #tpu.memory_space<vmem>> -> memref<128x64xf32, #tpu.memory_space<vmem>>
        %get3A_1401 = arith.constant 0 : i32
        %get3A_1402 = tpu.memref_slice %get3A_1400[%add3A_1369, %get3A_1401] : memref<128x64xf32, #tpu.memory_space<vmem>> -> memref<1x64xf32, #tpu.memory_space<vmem>>
        %get3A_1403 = tpu.memref_squeeze %get3A_1402 : memref<1x64xf32, #tpu.memory_space<vmem>> -> memref<64xf32, #tpu.memory_space<vmem>>
        %get3A_1404 = arith.constant 48 : index
        %get3A_1405 = tpu.vector_load %get3A_1403[%get3A_1404] {strides = array<i32>} : memref<64xf32, #tpu.memory_space<vmem>>, vector<16xf32>,
        %add3A_1406 = arith.constant 3 : i32
        %add3A_1407 = vector.broadcast %add3A_1406 : i32 to vector<16xi32>
        %add3A_1408 = arith.addi %scan3A_1146, %add3A_1407 : vector<16xi32>
        %scatter3A_1409 = arith.constant 0 : i32
        %scatter3A_1410 = arith.constant 0 : i32
        %scatter3A_1411 = arith.constant 0 : i32
        %scatter3A_1412 = tpu.memref_slice %arg8[%scan3A_973, %scatter3A_1409, %scatter3A_1410, %scatter3A_1411] : memref<4x8x8x133xf32, #tpu.memory_space<vmem>> -> memref<1x8x8x133xf32, #tpu.memory_space<vmem>>
        %scatter3A_1413 = tpu.memref_squeeze %scatter3A_1412 : memref<1x8x8x133xf32, #tpu.memory_space<vmem>> -> memref<8x8x133xf32, #tpu.memory_space<vmem>>
        tpu.vector_store_idx %scatter3A_1413[%select_n3A, %select_n3A_151, %add3A_1408], %get3A_1317 : memref<8x8x133xf32, #tpu.memory_space<vmem>>[vector<16xi32>, vector<16xi32>, vector<16xi32>], vector<16xf32>,
        %scatter3A_1414 = arith.constant 0 : i32
        %scatter3A_1415 = arith.constant 0 : i32
        %scatter3A_1416 = arith.constant 0 : i32
        %scatter3A_1417 = tpu.memref_slice %arg8[%scan3A_973, %scatter3A_1414, %scatter3A_1415, %scatter3A_1416] : memref<4x8x8x133xf32, #tpu.memory_space<vmem>> -> memref<1x8x8x133xf32, #tpu.memory_space<vmem>>
        %scatter3A_1418 = tpu.memref_squeeze %scatter3A_1417 : memref<1x8x8x133xf32, #tpu.memory_space<vmem>> -> memref<8x8x133xf32, #tpu.memory_space<vmem>>
        tpu.vector_store_idx %scatter3A_1418[%select_n3A_60, %select_n3A_176, %add3A_1408], %get3A_1326 : memref<8x8x133xf32, #tpu.memory_space<vmem>>[vector<16xi32>, vector<16xi32>, vector<16xi32>], vector<16xf32>,
        %scatter3A_1419 = arith.constant 0 : i32
        %scatter3A_1420 = arith.constant 0 : i32
        %scatter3A_1421 = arith.constant 0 : i32
        %scatter3A_1422 = tpu.memref_slice %arg8[%scan3A_973, %scatter3A_1419, %scatter3A_1420, %scatter3A_1421] : memref<4x8x8x133xf32, #tpu.memory_space<vmem>> -> memref<1x8x8x133xf32, #tpu.memory_space<vmem>>
        %scatter3A_1423 = tpu.memref_squeeze %scatter3A_1422 : memref<1x8x8x133xf32, #tpu.memory_space<vmem>> -> memref<8x8x133xf32, #tpu.memory_space<vmem>>
        tpu.vector_store_idx %scatter3A_1423[%select_n3A_94, %select_n3A_201, %add3A_1408], %get3A_1335 : memref<8x8x133xf32, #tpu.memory_space<vmem>>[vector<16xi32>, vector<16xi32>, vector<16xi32>], vector<16xf32>,
        %scatter3A_1424 = arith.constant 0 : i32
        %scatter3A_1425 = arith.constant 0 : i32
        %scatter3A_1426 = arith.constant 0 : i32
        %scatter3A_1427 = tpu.memref_slice %arg8[%scan3A_973, %scatter3A_1424, %scatter3A_1425, %scatter3A_1426] : memref<4x8x8x133xf32, #tpu.memory_space<vmem>> -> memref<1x8x8x133xf32, #tpu.memory_space<vmem>>
        %scatter3A_1428 = tpu.memref_squeeze %scatter3A_1427 : memref<1x8x8x133xf32, #tpu.memory_space<vmem>> -> memref<8x8x133xf32, #tpu.memory_space<vmem>>
        tpu.vector_store_idx %scatter3A_1428[%select_n3A_128, %select_n3A_226, %add3A_1408], %get3A_1344 : memref<8x8x133xf32, #tpu.memory_space<vmem>>[vector<16xi32>, vector<16xi32>, vector<16xi32>], vector<16xf32>,
        %add3A_1429 = arith.constant 5 : i32
        %add3A_1430 = arith.addi %add3A_1150, %add3A_1429 : i32
        %get3A_1431 = arith.constant 0 : i32
        %get3A_1432 = arith.constant 0 : i32
        %get3A_1433 = tpu.memref_slice %arg7[%scan3A_972, %get3A_1431, %get3A_1432] : memref<4x128x64xf32, #tpu.memory_space<vmem>> -> memref<1x128x64xf32, #tpu.memory_space<vmem>>
        %get3A_1434 = tpu.memref_squeeze %get3A_1433 : memref<1x128x64xf32, #tpu.memory_space<vmem>> -> memref<128x64xf32, #tpu.memory_space<vmem>>
        %get3A_1435 = arith.constant 0 : i32
        %get3A_1436 = tpu.memref_slice %get3A_1434[%add3A_1430, %get3A_1435] : memref<128x64xf32, #tpu.memory_space<vmem>> -> memref<1x64xf32, #tpu.memory_space<vmem>>
        %get3A_1437 = tpu.memref_squeeze %get3A_1436 : memref<1x64xf32, #tpu.memory_space<vmem>> -> memref<64xf32, #tpu.memory_space<vmem>>
        %get3A_1438 = arith.constant 0 : index
        %get3A_1439 = tpu.vector_load %get3A_1437[%get3A_1438] {strides = array<i32>} : memref<64xf32, #tpu.memory_space<vmem>>, vector<16xf32>,
        %get3A_1440 = arith.constant 0 : i32
        %get3A_1441 = arith.constant 0 : i32
        %get3A_1442 = tpu.memref_slice %arg7[%scan3A_972, %get3A_1440, %get3A_1441] : memref<4x128x64xf32, #tpu.memory_space<vmem>> -> memref<1x128x64xf32, #tpu.memory_space<vmem>>
        %get3A_1443 = tpu.memref_squeeze %get3A_1442 : memref<1x128x64xf32, #tpu.memory_space<vmem>> -> memref<128x64xf32, #tpu.memory_space<vmem>>
        %get3A_1444 = arith.constant 0 : i32
        %get3A_1445 = tpu.memref_slice %get3A_1443[%add3A_1430, %get3A_1444] : memref<128x64xf32, #tpu.memory_space<vmem>> -> memref<1x64xf32, #tpu.memory_space<vmem>>
        %get3A_1446 = tpu.memref_squeeze %get3A_1445 : memref<1x64xf32, #tpu.memory_space<vmem>> -> memref<64xf32, #tpu.memory_space<vmem>>
        %get3A_1447 = arith.constant 16 : index
        %get3A_1448 = tpu.vector_load %get3A_1446[%get3A_1447] {strides = array<i32>} : memref<64xf32, #tpu.memory_space<vmem>>, vector<16xf32>,
        %get3A_1449 = arith.constant 0 : i32
        %get3A_1450 = arith.constant 0 : i32
        %get3A_1451 = tpu.memref_slice %arg7[%scan3A_972, %get3A_1449, %get3A_1450] : memref<4x128x64xf32, #tpu.memory_space<vmem>> -> memref<1x128x64xf32, #tpu.memory_space<vmem>>
        %get3A_1452 = tpu.memref_squeeze %get3A_1451 : memref<1x128x64xf32, #tpu.memory_space<vmem>> -> memref<128x64xf32, #tpu.memory_space<vmem>>
        %get3A_1453 = arith.constant 0 : i32
        %get3A_1454 = tpu.memref_slice %get3A_1452[%add3A_1430, %get3A_1453] : memref<128x64xf32, #tpu.memory_space<vmem>> -> memref<1x64xf32, #tpu.memory_space<vmem>>
        %get3A_1455 = tpu.memref_squeeze %get3A_1454 : memref<1x64xf32, #tpu.memory_space<vmem>> -> memref<64xf32, #tpu.memory_space<vmem>>
        %get3A_1456 = arith.constant 32 : index
        %get3A_1457 = tpu.vector_load %get3A_1455[%get3A_1456] {strides = array<i32>} : memref<64xf32, #tpu.memory_space<vmem>>, vector<16xf32>,
        %get3A_1458 = arith.constant 0 : i32
        %get3A_1459 = arith.constant 0 : i32
        %get3A_1460 = tpu.memref_slice %arg7[%scan3A_972, %get3A_1458, %get3A_1459] : memref<4x128x64xf32, #tpu.memory_space<vmem>> -> memref<1x128x64xf32, #tpu.memory_space<vmem>>
        %get3A_1461 = tpu.memref_squeeze %get3A_1460 : memref<1x128x64xf32, #tpu.memory_space<vmem>> -> memref<128x64xf32, #tpu.memory_space<vmem>>
        %get3A_1462 = arith.constant 0 : i32
        %get3A_1463 = tpu.memref_slice %get3A_1461[%add3A_1430, %get3A_1462] : memref<128x64xf32, #tpu.memory_space<vmem>> -> memref<1x64xf32, #tpu.memory_space<vmem>>
        %get3A_1464 = tpu.memref_squeeze %get3A_1463 : memref<1x64xf32, #tpu.memory_space<vmem>> -> memref<64xf32, #tpu.memory_space<vmem>>
        %get3A_1465 = arith.constant 48 : index
        %get3A_1466 = tpu.vector_load %get3A_1464[%get3A_1465] {strides = array<i32>} : memref<64xf32, #tpu.memory_space<vmem>>, vector<16xf32>,
        %add3A_1467 = arith.constant 4 : i32
        %add3A_1468 = vector.broadcast %add3A_1467 : i32 to vector<16xi32>
        %add3A_1469 = arith.addi %scan3A_1146, %add3A_1468 : vector<16xi32>
        %scatter3A_1470 = arith.constant 0 : i32
        %scatter3A_1471 = arith.constant 0 : i32
        %scatter3A_1472 = arith.constant 0 : i32
        %scatter3A_1473 = tpu.memref_slice %arg8[%scan3A_973, %scatter3A_1470, %scatter3A_1471, %scatter3A_1472] : memref<4x8x8x133xf32, #tpu.memory_space<vmem>> -> memref<1x8x8x133xf32, #tpu.memory_space<vmem>>
        %scatter3A_1474 = tpu.memref_squeeze %scatter3A_1473 : memref<1x8x8x133xf32, #tpu.memory_space<vmem>> -> memref<8x8x133xf32, #tpu.memory_space<vmem>>
        tpu.vector_store_idx %scatter3A_1474[%select_n3A, %select_n3A_151, %add3A_1469], %get3A_1378 : memref<8x8x133xf32, #tpu.memory_space<vmem>>[vector<16xi32>, vector<16xi32>, vector<16xi32>], vector<16xf32>,
        %scatter3A_1475 = arith.constant 0 : i32
        %scatter3A_1476 = arith.constant 0 : i32
        %scatter3A_1477 = arith.constant 0 : i32
        %scatter3A_1478 = tpu.memref_slice %arg8[%scan3A_973, %scatter3A_1475, %scatter3A_1476, %scatter3A_1477] : memref<4x8x8x133xf32, #tpu.memory_space<vmem>> -> memref<1x8x8x133xf32, #tpu.memory_space<vmem>>
        %scatter3A_1479 = tpu.memref_squeeze %scatter3A_1478 : memref<1x8x8x133xf32, #tpu.memory_space<vmem>> -> memref<8x8x133xf32, #tpu.memory_space<vmem>>
        tpu.vector_store_idx %scatter3A_1479[%select_n3A_60, %select_n3A_176, %add3A_1469], %get3A_1387 : memref<8x8x133xf32, #tpu.memory_space<vmem>>[vector<16xi32>, vector<16xi32>, vector<16xi32>], vector<16xf32>,
        %scatter3A_1480 = arith.constant 0 : i32
        %scatter3A_1481 = arith.constant 0 : i32
        %scatter3A_1482 = arith.constant 0 : i32
        %scatter3A_1483 = tpu.memref_slice %arg8[%scan3A_973, %scatter3A_1480, %scatter3A_1481, %scatter3A_1482] : memref<4x8x8x133xf32, #tpu.memory_space<vmem>> -> memref<1x8x8x133xf32, #tpu.memory_space<vmem>>
        %scatter3A_1484 = tpu.memref_squeeze %scatter3A_1483 : memref<1x8x8x133xf32, #tpu.memory_space<vmem>> -> memref<8x8x133xf32, #tpu.memory_space<vmem>>
        tpu.vector_store_idx %scatter3A_1484[%select_n3A_94, %select_n3A_201, %add3A_1469], %get3A_1396 : memref<8x8x133xf32, #tpu.memory_space<vmem>>[vector<16xi32>, vector<16xi32>, vector<16xi32>], vector<16xf32>,
        %scatter3A_1485 = arith.constant 0 : i32
        %scatter3A_1486 = arith.constant 0 : i32
        %scatter3A_1487 = arith.constant 0 : i32
        %scatter3A_1488 = tpu.memref_slice %arg8[%scan3A_973, %scatter3A_1485, %scatter3A_1486, %scatter3A_1487] : memref<4x8x8x133xf32, #tpu.memory_space<vmem>> -> memref<1x8x8x133xf32, #tpu.memory_space<vmem>>
        %scatter3A_1489 = tpu.memref_squeeze %scatter3A_1488 : memref<1x8x8x133xf32, #tpu.memory_space<vmem>> -> memref<8x8x133xf32, #tpu.memory_space<vmem>>
        tpu.vector_store_idx %scatter3A_1489[%select_n3A_128, %select_n3A_226, %add3A_1469], %get3A_1405 : memref<8x8x133xf32, #tpu.memory_space<vmem>>[vector<16xi32>, vector<16xi32>, vector<16xi32>], vector<16xf32>,
        %add3A_1490 = arith.constant 6 : i32
        %add3A_1491 = arith.addi %add3A_1150, %add3A_1490 : i32
        %get3A_1492 = arith.constant 0 : i32
        %get3A_1493 = arith.constant 0 : i32
        %get3A_1494 = tpu.memref_slice %arg7[%scan3A_972, %get3A_1492, %get3A_1493] : memref<4x128x64xf32, #tpu.memory_space<vmem>> -> memref<1x128x64xf32, #tpu.memory_space<vmem>>
        %get3A_1495 = tpu.memref_squeeze %get3A_1494 : memref<1x128x64xf32, #tpu.memory_space<vmem>> -> memref<128x64xf32, #tpu.memory_space<vmem>>
        %get3A_1496 = arith.constant 0 : i32
        %get3A_1497 = tpu.memref_slice %get3A_1495[%add3A_1491, %get3A_1496] : memref<128x64xf32, #tpu.memory_space<vmem>> -> memref<1x64xf32, #tpu.memory_space<vmem>>
        %get3A_1498 = tpu.memref_squeeze %get3A_1497 : memref<1x64xf32, #tpu.memory_space<vmem>> -> memref<64xf32, #tpu.memory_space<vmem>>
        %get3A_1499 = arith.constant 0 : index
        %get3A_1500 = tpu.vector_load %get3A_1498[%get3A_1499] {strides = array<i32>} : memref<64xf32, #tpu.memory_space<vmem>>, vector<16xf32>,
        %get3A_1501 = arith.constant 0 : i32
        %get3A_1502 = arith.constant 0 : i32
        %get3A_1503 = tpu.memref_slice %arg7[%scan3A_972, %get3A_1501, %get3A_1502] : memref<4x128x64xf32, #tpu.memory_space<vmem>> -> memref<1x128x64xf32, #tpu.memory_space<vmem>>
        %get3A_1504 = tpu.memref_squeeze %get3A_1503 : memref<1x128x64xf32, #tpu.memory_space<vmem>> -> memref<128x64xf32, #tpu.memory_space<vmem>>
        %get3A_1505 = arith.constant 0 : i32
        %get3A_1506 = tpu.memref_slice %get3A_1504[%add3A_1491, %get3A_1505] : memref<128x64xf32, #tpu.memory_space<vmem>> -> memref<1x64xf32, #tpu.memory_space<vmem>>
        %get3A_1507 = tpu.memref_squeeze %get3A_1506 : memref<1x64xf32, #tpu.memory_space<vmem>> -> memref<64xf32, #tpu.memory_space<vmem>>
        %get3A_1508 = arith.constant 16 : index
        %get3A_1509 = tpu.vector_load %get3A_1507[%get3A_1508] {strides = array<i32>} : memref<64xf32, #tpu.memory_space<vmem>>, vector<16xf32>,
        %get3A_1510 = arith.constant 0 : i32
        %get3A_1511 = arith.constant 0 : i32
        %get3A_1512 = tpu.memref_slice %arg7[%scan3A_972, %get3A_1510, %get3A_1511] : memref<4x128x64xf32, #tpu.memory_space<vmem>> -> memref<1x128x64xf32, #tpu.memory_space<vmem>>
        %get3A_1513 = tpu.memref_squeeze %get3A_1512 : memref<1x128x64xf32, #tpu.memory_space<vmem>> -> memref<128x64xf32, #tpu.memory_space<vmem>>
        %get3A_1514 = arith.constant 0 : i32
        %get3A_1515 = tpu.memref_slice %get3A_1513[%add3A_1491, %get3A_1514] : memref<128x64xf32, #tpu.memory_space<vmem>> -> memref<1x64xf32, #tpu.memory_space<vmem>>
        %get3A_1516 = tpu.memref_squeeze %get3A_1515 : memref<1x64xf32, #tpu.memory_space<vmem>> -> memref<64xf32, #tpu.memory_space<vmem>>
        %get3A_1517 = arith.constant 32 : index
        %get3A_1518 = tpu.vector_load %get3A_1516[%get3A_1517] {strides = array<i32>} : memref<64xf32, #tpu.memory_space<vmem>>, vector<16xf32>,
        %get3A_1519 = arith.constant 0 : i32
        %get3A_1520 = arith.constant 0 : i32
        %get3A_1521 = tpu.memref_slice %arg7[%scan3A_972, %get3A_1519, %get3A_1520] : memref<4x128x64xf32, #tpu.memory_space<vmem>> -> memref<1x128x64xf32, #tpu.memory_space<vmem>>
        %get3A_1522 = tpu.memref_squeeze %get3A_1521 : memref<1x128x64xf32, #tpu.memory_space<vmem>> -> memref<128x64xf32, #tpu.memory_space<vmem>>
        %get3A_1523 = arith.constant 0 : i32
        %get3A_1524 = tpu.memref_slice %get3A_1522[%add3A_1491, %get3A_1523] : memref<128x64xf32, #tpu.memory_space<vmem>> -> memref<1x64xf32, #tpu.memory_space<vmem>>
        %get3A_1525 = tpu.memref_squeeze %get3A_1524 : memref<1x64xf32, #tpu.memory_space<vmem>> -> memref<64xf32, #tpu.memory_space<vmem>>
        %get3A_1526 = arith.constant 48 : index
        %get3A_1527 = tpu.vector_load %get3A_1525[%get3A_1526] {strides = array<i32>} : memref<64xf32, #tpu.memory_space<vmem>>, vector<16xf32>,
        %add3A_1528 = arith.constant 5 : i32
        %add3A_1529 = vector.broadcast %add3A_1528 : i32 to vector<16xi32>
        %add3A_1530 = arith.addi %scan3A_1146, %add3A_1529 : vector<16xi32>
        %scatter3A_1531 = arith.constant 0 : i32
        %scatter3A_1532 = arith.constant 0 : i32
        %scatter3A_1533 = arith.constant 0 : i32
        %scatter3A_1534 = tpu.memref_slice %arg8[%scan3A_973, %scatter3A_1531, %scatter3A_1532, %scatter3A_1533] : memref<4x8x8x133xf32, #tpu.memory_space<vmem>> -> memref<1x8x8x133xf32, #tpu.memory_space<vmem>>
        %scatter3A_1535 = tpu.memref_squeeze %scatter3A_1534 : memref<1x8x8x133xf32, #tpu.memory_space<vmem>> -> memref<8x8x133xf32, #tpu.memory_space<vmem>>
        tpu.vector_store_idx %scatter3A_1535[%select_n3A, %select_n3A_151, %add3A_1530], %get3A_1439 : memref<8x8x133xf32, #tpu.memory_space<vmem>>[vector<16xi32>, vector<16xi32>, vector<16xi32>], vector<16xf32>,
        %scatter3A_1536 = arith.constant 0 : i32
        %scatter3A_1537 = arith.constant 0 : i32
        %scatter3A_1538 = arith.constant 0 : i32
        %scatter3A_1539 = tpu.memref_slice %arg8[%scan3A_973, %scatter3A_1536, %scatter3A_1537, %scatter3A_1538] : memref<4x8x8x133xf32, #tpu.memory_space<vmem>> -> memref<1x8x8x133xf32, #tpu.memory_space<vmem>>
        %scatter3A_1540 = tpu.memref_squeeze %scatter3A_1539 : memref<1x8x8x133xf32, #tpu.memory_space<vmem>> -> memref<8x8x133xf32, #tpu.memory_space<vmem>>
        tpu.vector_store_idx %scatter3A_1540[%select_n3A_60, %select_n3A_176, %add3A_1530], %get3A_1448 : memref<8x8x133xf32, #tpu.memory_space<vmem>>[vector<16xi32>, vector<16xi32>, vector<16xi32>], vector<16xf32>,
        %scatter3A_1541 = arith.constant 0 : i32
        %scatter3A_1542 = arith.constant 0 : i32
        %scatter3A_1543 = arith.constant 0 : i32
        %scatter3A_1544 = tpu.memref_slice %arg8[%scan3A_973, %scatter3A_1541, %scatter3A_1542, %scatter3A_1543] : memref<4x8x8x133xf32, #tpu.memory_space<vmem>> -> memref<1x8x8x133xf32, #tpu.memory_space<vmem>>
        %scatter3A_1545 = tpu.memref_squeeze %scatter3A_1544 : memref<1x8x8x133xf32, #tpu.memory_space<vmem>> -> memref<8x8x133xf32, #tpu.memory_space<vmem>>
        tpu.vector_store_idx %scatter3A_1545[%select_n3A_94, %select_n3A_201, %add3A_1530], %get3A_1457 : memref<8x8x133xf32, #tpu.memory_space<vmem>>[vector<16xi32>, vector<16xi32>, vector<16xi32>], vector<16xf32>,
        %scatter3A_1546 = arith.constant 0 : i32
        %scatter3A_1547 = arith.constant 0 : i32
        %scatter3A_1548 = arith.constant 0 : i32
        %scatter3A_1549 = tpu.memref_slice %arg8[%scan3A_973, %scatter3A_1546, %scatter3A_1547, %scatter3A_1548] : memref<4x8x8x133xf32, #tpu.memory_space<vmem>> -> memref<1x8x8x133xf32, #tpu.memory_space<vmem>>
        %scatter3A_1550 = tpu.memref_squeeze %scatter3A_1549 : memref<1x8x8x133xf32, #tpu.memory_space<vmem>> -> memref<8x8x133xf32, #tpu.memory_space<vmem>>
        tpu.vector_store_idx %scatter3A_1550[%select_n3A_128, %select_n3A_226, %add3A_1530], %get3A_1466 : memref<8x8x133xf32, #tpu.memory_space<vmem>>[vector<16xi32>, vector<16xi32>, vector<16xi32>], vector<16xf32>,
        %add3A_1551 = arith.constant 7 : i32
        %add3A_1552 = arith.addi %add3A_1150, %add3A_1551 : i32
        %get3A_1553 = arith.constant 0 : i32
        %get3A_1554 = arith.constant 0 : i32
        %get3A_1555 = tpu.memref_slice %arg7[%scan3A_972, %get3A_1553, %get3A_1554] : memref<4x128x64xf32, #tpu.memory_space<vmem>> -> memref<1x128x64xf32, #tpu.memory_space<vmem>>
        %get3A_1556 = tpu.memref_squeeze %get3A_1555 : memref<1x128x64xf32, #tpu.memory_space<vmem>> -> memref<128x64xf32, #tpu.memory_space<vmem>>
        %get3A_1557 = arith.constant 0 : i32
        %get3A_1558 = tpu.memref_slice %get3A_1556[%add3A_1552, %get3A_1557] : memref<128x64xf32, #tpu.memory_space<vmem>> -> memref<1x64xf32, #tpu.memory_space<vmem>>
        %get3A_1559 = tpu.memref_squeeze %get3A_1558 : memref<1x64xf32, #tpu.memory_space<vmem>> -> memref<64xf32, #tpu.memory_space<vmem>>
        %get3A_1560 = arith.constant 0 : index
        %get3A_1561 = tpu.vector_load %get3A_1559[%get3A_1560] {strides = array<i32>} : memref<64xf32, #tpu.memory_space<vmem>>, vector<16xf32>,
        %get3A_1562 = arith.constant 0 : i32
        %get3A_1563 = arith.constant 0 : i32
        %get3A_1564 = tpu.memref_slice %arg7[%scan3A_972, %get3A_1562, %get3A_1563] : memref<4x128x64xf32, #tpu.memory_space<vmem>> -> memref<1x128x64xf32, #tpu.memory_space<vmem>>
        %get3A_1565 = tpu.memref_squeeze %get3A_1564 : memref<1x128x64xf32, #tpu.memory_space<vmem>> -> memref<128x64xf32, #tpu.memory_space<vmem>>
        %get3A_1566 = arith.constant 0 : i32
        %get3A_1567 = tpu.memref_slice %get3A_1565[%add3A_1552, %get3A_1566] : memref<128x64xf32, #tpu.memory_space<vmem>> -> memref<1x64xf32, #tpu.memory_space<vmem>>
        %get3A_1568 = tpu.memref_squeeze %get3A_1567 : memref<1x64xf32, #tpu.memory_space<vmem>> -> memref<64xf32, #tpu.memory_space<vmem>>
        %get3A_1569 = arith.constant 16 : index
        %get3A_1570 = tpu.vector_load %get3A_1568[%get3A_1569] {strides = array<i32>} : memref<64xf32, #tpu.memory_space<vmem>>, vector<16xf32>,
        %get3A_1571 = arith.constant 0 : i32
        %get3A_1572 = arith.constant 0 : i32
        %get3A_1573 = tpu.memref_slice %arg7[%scan3A_972, %get3A_1571, %get3A_1572] : memref<4x128x64xf32, #tpu.memory_space<vmem>> -> memref<1x128x64xf32, #tpu.memory_space<vmem>>
        %get3A_1574 = tpu.memref_squeeze %get3A_1573 : memref<1x128x64xf32, #tpu.memory_space<vmem>> -> memref<128x64xf32, #tpu.memory_space<vmem>>
        %get3A_1575 = arith.constant 0 : i32
        %get3A_1576 = tpu.memref_slice %get3A_1574[%add3A_1552, %get3A_1575] : memref<128x64xf32, #tpu.memory_space<vmem>> -> memref<1x64xf32, #tpu.memory_space<vmem>>
        %get3A_1577 = tpu.memref_squeeze %get3A_1576 : memref<1x64xf32, #tpu.memory_space<vmem>> -> memref<64xf32, #tpu.memory_space<vmem>>
        %get3A_1578 = arith.constant 32 : index
        %get3A_1579 = tpu.vector_load %get3A_1577[%get3A_1578] {strides = array<i32>} : memref<64xf32, #tpu.memory_space<vmem>>, vector<16xf32>,
        %get3A_1580 = arith.constant 0 : i32
        %get3A_1581 = arith.constant 0 : i32
        %get3A_1582 = tpu.memref_slice %arg7[%scan3A_972, %get3A_1580, %get3A_1581] : memref<4x128x64xf32, #tpu.memory_space<vmem>> -> memref<1x128x64xf32, #tpu.memory_space<vmem>>
        %get3A_1583 = tpu.memref_squeeze %get3A_1582 : memref<1x128x64xf32, #tpu.memory_space<vmem>> -> memref<128x64xf32, #tpu.memory_space<vmem>>
        %get3A_1584 = arith.constant 0 : i32
        %get3A_1585 = tpu.memref_slice %get3A_1583[%add3A_1552, %get3A_1584] : memref<128x64xf32, #tpu.memory_space<vmem>> -> memref<1x64xf32, #tpu.memory_space<vmem>>
        %get3A_1586 = tpu.memref_squeeze %get3A_1585 : memref<1x64xf32, #tpu.memory_space<vmem>> -> memref<64xf32, #tpu.memory_space<vmem>>
        %get3A_1587 = arith.constant 48 : index
        %get3A_1588 = tpu.vector_load %get3A_1586[%get3A_1587] {strides = array<i32>} : memref<64xf32, #tpu.memory_space<vmem>>, vector<16xf32>,
        %add3A_1589 = arith.constant 6 : i32
        %add3A_1590 = vector.broadcast %add3A_1589 : i32 to vector<16xi32>
        %add3A_1591 = arith.addi %scan3A_1146, %add3A_1590 : vector<16xi32>
        %scatter3A_1592 = arith.constant 0 : i32
        %scatter3A_1593 = arith.constant 0 : i32
        %scatter3A_1594 = arith.constant 0 : i32
        %scatter3A_1595 = tpu.memref_slice %arg8[%scan3A_973, %scatter3A_1592, %scatter3A_1593, %scatter3A_1594] : memref<4x8x8x133xf32, #tpu.memory_space<vmem>> -> memref<1x8x8x133xf32, #tpu.memory_space<vmem>>
        %scatter3A_1596 = tpu.memref_squeeze %scatter3A_1595 : memref<1x8x8x133xf32, #tpu.memory_space<vmem>> -> memref<8x8x133xf32, #tpu.memory_space<vmem>>
        tpu.vector_store_idx %scatter3A_1596[%select_n3A, %select_n3A_151, %add3A_1591], %get3A_1500 : memref<8x8x133xf32, #tpu.memory_space<vmem>>[vector<16xi32>, vector<16xi32>, vector<16xi32>], vector<16xf32>,
        %scatter3A_1597 = arith.constant 0 : i32
        %scatter3A_1598 = arith.constant 0 : i32
        %scatter3A_1599 = arith.constant 0 : i32
        %scatter3A_1600 = tpu.memref_slice %arg8[%scan3A_973, %scatter3A_1597, %scatter3A_1598, %scatter3A_1599] : memref<4x8x8x133xf32, #tpu.memory_space<vmem>> -> memref<1x8x8x133xf32, #tpu.memory_space<vmem>>
        %scatter3A_1601 = tpu.memref_squeeze %scatter3A_1600 : memref<1x8x8x133xf32, #tpu.memory_space<vmem>> -> memref<8x8x133xf32, #tpu.memory_space<vmem>>
        tpu.vector_store_idx %scatter3A_1601[%select_n3A_60, %select_n3A_176, %add3A_1591], %get3A_1509 : memref<8x8x133xf32, #tpu.memory_space<vmem>>[vector<16xi32>, vector<16xi32>, vector<16xi32>], vector<16xf32>,
        %scatter3A_1602 = arith.constant 0 : i32
        %scatter3A_1603 = arith.constant 0 : i32
        %scatter3A_1604 = arith.constant 0 : i32
        %scatter3A_1605 = tpu.memref_slice %arg8[%scan3A_973, %scatter3A_1602, %scatter3A_1603, %scatter3A_1604] : memref<4x8x8x133xf32, #tpu.memory_space<vmem>> -> memref<1x8x8x133xf32, #tpu.memory_space<vmem>>
        %scatter3A_1606 = tpu.memref_squeeze %scatter3A_1605 : memref<1x8x8x133xf32, #tpu.memory_space<vmem>> -> memref<8x8x133xf32, #tpu.memory_space<vmem>>
        tpu.vector_store_idx %scatter3A_1606[%select_n3A_94, %select_n3A_201, %add3A_1591], %get3A_1518 : memref<8x8x133xf32, #tpu.memory_space<vmem>>[vector<16xi32>, vector<16xi32>, vector<16xi32>], vector<16xf32>,
        %scatter3A_1607 = arith.constant 0 : i32
        %scatter3A_1608 = arith.constant 0 : i32
        %scatter3A_1609 = arith.constant 0 : i32
        %scatter3A_1610 = tpu.memref_slice %arg8[%scan3A_973, %scatter3A_1607, %scatter3A_1608, %scatter3A_1609] : memref<4x8x8x133xf32, #tpu.memory_space<vmem>> -> memref<1x8x8x133xf32, #tpu.memory_space<vmem>>
        %scatter3A_1611 = tpu.memref_squeeze %scatter3A_1610 : memref<1x8x8x133xf32, #tpu.memory_space<vmem>> -> memref<8x8x133xf32, #tpu.memory_space<vmem>>
        tpu.vector_store_idx %scatter3A_1611[%select_n3A_128, %select_n3A_226, %add3A_1591], %get3A_1527 : memref<8x8x133xf32, #tpu.memory_space<vmem>>[vector<16xi32>, vector<16xi32>, vector<16xi32>], vector<16xf32>,
        %add3A_1612 = arith.constant 7 : i32
        %add3A_1613 = vector.broadcast %add3A_1612 : i32 to vector<16xi32>
        %add3A_1614 = arith.addi %scan3A_1146, %add3A_1613 : vector<16xi32>
        %scatter3A_1615 = arith.constant 0 : i32
        %scatter3A_1616 = arith.constant 0 : i32
        %scatter3A_1617 = arith.constant 0 : i32
        %scatter3A_1618 = tpu.memref_slice %arg8[%scan3A_973, %scatter3A_1615, %scatter3A_1616, %scatter3A_1617] : memref<4x8x8x133xf32, #tpu.memory_space<vmem>> -> memref<1x8x8x133xf32, #tpu.memory_space<vmem>>
        %scatter3A_1619 = tpu.memref_squeeze %scatter3A_1618 : memref<1x8x8x133xf32, #tpu.memory_space<vmem>> -> memref<8x8x133xf32, #tpu.memory_space<vmem>>
        tpu.vector_store_idx %scatter3A_1619[%select_n3A, %select_n3A_151, %add3A_1614], %get3A_1561 : memref<8x8x133xf32, #tpu.memory_space<vmem>>[vector<16xi32>, vector<16xi32>, vector<16xi32>], vector<16xf32>,
        %scatter3A_1620 = arith.constant 0 : i32
        %scatter3A_1621 = arith.constant 0 : i32
        %scatter3A_1622 = arith.constant 0 : i32
        %scatter3A_1623 = tpu.memref_slice %arg8[%scan3A_973, %scatter3A_1620, %scatter3A_1621, %scatter3A_1622] : memref<4x8x8x133xf32, #tpu.memory_space<vmem>> -> memref<1x8x8x133xf32, #tpu.memory_space<vmem>>
        %scatter3A_1624 = tpu.memref_squeeze %scatter3A_1623 : memref<1x8x8x133xf32, #tpu.memory_space<vmem>> -> memref<8x8x133xf32, #tpu.memory_space<vmem>>
        tpu.vector_store_idx %scatter3A_1624[%select_n3A_60, %select_n3A_176, %add3A_1614], %get3A_1570 : memref<8x8x133xf32, #tpu.memory_space<vmem>>[vector<16xi32>, vector<16xi32>, vector<16xi32>], vector<16xf32>,
        %scatter3A_1625 = arith.constant 0 : i32
        %scatter3A_1626 = arith.constant 0 : i32
        %scatter3A_1627 = arith.constant 0 : i32
        %scatter3A_1628 = tpu.memref_slice %arg8[%scan3A_973, %scatter3A_1625, %scatter3A_1626, %scatter3A_1627] : memref<4x8x8x133xf32, #tpu.memory_space<vmem>> -> memref<1x8x8x133xf32, #tpu.memory_space<vmem>>
        %scatter3A_1629 = tpu.memref_squeeze %scatter3A_1628 : memref<1x8x8x133xf32, #tpu.memory_space<vmem>> -> memref<8x8x133xf32, #tpu.memory_space<vmem>>
        tpu.vector_store_idx %scatter3A_1629[%select_n3A_94, %select_n3A_201, %add3A_1614], %get3A_1579 : memref<8x8x133xf32, #tpu.memory_space<vmem>>[vector<16xi32>, vector<16xi32>, vector<16xi32>], vector<16xf32>,
        %scatter3A_1630 = arith.constant 0 : i32
        %scatter3A_1631 = arith.constant 0 : i32
        %scatter3A_1632 = arith.constant 0 : i32
        %scatter3A_1633 = tpu.memref_slice %arg8[%scan3A_973, %scatter3A_1630, %scatter3A_1631, %scatter3A_1632] : memref<4x8x8x133xf32, #tpu.memory_space<vmem>> -> memref<1x8x8x133xf32, #tpu.memory_space<vmem>>
        %scatter3A_1634 = tpu.memref_squeeze %scatter3A_1633 : memref<1x8x8x133xf32, #tpu.memory_space<vmem>> -> memref<8x8x133xf32, #tpu.memory_space<vmem>>
        tpu.vector_store_idx %scatter3A_1634[%select_n3A_128, %select_n3A_226, %add3A_1614], %get3A_1588 : memref<8x8x133xf32, #tpu.memory_space<vmem>>[vector<16xi32>, vector<16xi32>, vector<16xi32>], vector<16xf32>,
        %add3A_1635 = arith.constant 8 : i32
        %add3A_1636 = vector.broadcast %add3A_1635 : i32 to vector<16xi32>
        %add3A_1637 = arith.addi %scan3A_1146, %add3A_1636 : vector<16xi32>
        scf.yield %add3A_1637 : vector<16xi32>
      }
      %scan3A_979 = arith.constant 16 : i32
      %jit3A_980 = arith.constant 50 : i32
      %div3A_981 = arith.divsi %add3A_944, %jit3A_980 : i32
      %sign3A_982 = arith.constant 0 : i32
      %sign3A_983 = arith.cmpi sgt, %add3A_944, %sign3A_982 : i32
      %sign3A_984 = arith.extui %sign3A_983 : i1 to i32
      %sign3A_985 = arith.constant 0 : i32
      %sign3A_986 = arith.cmpi slt, %add3A_944, %sign3A_985 : i32
      %sign3A_987 = arith.extui %sign3A_986 : i1 to i32
      %sign3A_988 = arith.subi %sign3A_984, %sign3A_987 : i32
      %sign3A_989 = arith.constant 0 : i32
      %sign3A_990 = arith.cmpi sgt, %jit3A_980, %sign3A_989 : i32
      %sign3A_991 = arith.extui %sign3A_990 : i1 to i32
      %sign3A_992 = arith.constant 0 : i32
      %sign3A_993 = arith.cmpi slt, %jit3A_980, %sign3A_992 : i32
      %sign3A_994 = arith.extui %sign3A_993 : i1 to i32
      %sign3A_995 = arith.subi %sign3A_991, %sign3A_994 : i32
      %ne3A_996 = arith.cmpi ne, %sign3A_988, %sign3A_995 : i32
      %rem3A_997 = arith.remsi %add3A_944, %jit3A_980 : i32
      %ne3A_998 = arith.constant 0 : i32
      %ne3A_999 = arith.cmpi ne, %rem3A_997, %ne3A_998 : i32
      %and3A_1000 = arith.andi %ne3A_996, %ne3A_999 : i1
      %sub3A_1001 = arith.constant 1 : i32
      %sub3A_1002 = arith.subi %div3A_981, %sub3A_1001 : i32
      %select_n3A_1003 = arith.select %and3A_1000, %sub3A_1002, %div3A_981 : i32
      %jit3A_1004 = arith.constant 50 : i32
      %eq3A_1005 = arith.constant 0 : i32
      %eq3A_1006 = arith.cmpi eq, %jit3A_1004, %eq3A_1005 : i32
      %jit3A_1007 = arith.constant 1 : i32
      %select_n3A_1008 = arith.select %eq3A_1006, %jit3A_1007, %jit3A_1004 : i32
      %rem3A_1009 = arith.remsi %add3A_944, %select_n3A_1008 : i32
      %ne3A_1010 = arith.constant 0 : i32
      %ne3A_1011 = arith.cmpi ne, %rem3A_1009, %ne3A_1010 : i32
      %lt3A_1012 = arith.constant 0 : i32
      %lt3A_1013 = arith.cmpi slt, %rem3A_1009, %lt3A_1012 : i32
      %lt3A_1014 = arith.constant 0 : i32
      %lt3A_1015 = arith.cmpi slt, %select_n3A_1008, %lt3A_1014 : i32
      %ne3A_1016 = arith.xori %lt3A_1013, %lt3A_1015 : i1
      %and3A_1017 = arith.andi %ne3A_1016, %ne3A_1011 : i1
      %add3A_1018 = arith.addi %rem3A_1009, %select_n3A_1008 : i32
      %select_n3A_1019 = arith.select %and3A_1017, %add3A_1018, %rem3A_1009 : i32
      %mul3A_1020 = arith.constant 4 : i32
      %mul3A_1021 = arith.muli %add3A, %mul3A_1020 : i32
      %add3A_1022 = arith.addi %mul3A_1021, %select_n3A_1003 : i32
      %dma_start3A_1023 = arith.constant 2 : i32
      %dma_start3A_1024 = arith.constant 0 : i32
      %dma_start3A_1025 = arith.constant 0 : i32
      %dma_start3A_1026 = arith.constant 0 : i32
      %dma_start3A_1027 = tpu.memref_slice %arg8[%dma_start3A_1023, %dma_start3A_1024, %dma_start3A_1025, %dma_start3A_1026] : memref<4x8x8x133xf32, #tpu.memory_space<vmem>> -> memref<1x8x8x128xf32, #tpu.memory_space<vmem>>
      %dma_start3A_1028 = tpu.memref_squeeze %dma_start3A_1027 : memref<1x8x8x128xf32, #tpu.memory_space<vmem>> -> memref<8x8x128xf32, #tpu.memory_space<vmem>>
      %dma_start3A_1029 = arith.constant 0 : i32
      %dma_start3A_1030 = arith.constant 0 : i32
      %dma_start3A_1031 = arith.constant 0 : i32
      %dma_start3A_1032 = tpu.memref_slice %arg4[%select_n3A_1019, %dma_start3A_1029, %add3A_1022, %dma_start3A_1030, %dma_start3A_1031] : memref<50x8x128x8x128xf32, #tpu.memory_space<hbm>> -> memref<1x8x1x8x128xf32, #tpu.memory_space<hbm>>
      %dma_start3A_1033 = tpu.memref_squeeze %dma_start3A_1032 : memref<1x8x1x8x128xf32, #tpu.memory_space<hbm>> -> memref<8x8x128xf32, #tpu.memory_space<hbm>>
      %dma_start3A_1034 = arith.constant 0 : i32
      %dma_start3A_1035 = arith.constant 0 : i32
      %dma_start3A_1036 = arith.constant 0 : i32
      %dma_start3A_1037 = tpu.memref_slice %arg4[%select_n3A_1019, %dma_start3A_1034, %add3A_1022, %dma_start3A_1035, %dma_start3A_1036] : memref<50x8x128x8x128xf32, #tpu.memory_space<hbm>> -> memref<1x8x1x8x128xf32, #tpu.memory_space<hbm>>
      %dma_start3A_1038 = tpu.memref_squeeze %dma_start3A_1037 : memref<1x8x1x8x128xf32, #tpu.memory_space<hbm>> -> memref<8x8x128xf32, #tpu.memory_space<hbm>>
      %dma_start3A_1039 = arith.constant 0 : i32
      %dma_start3A_1040 = arith.constant 0 : i32
      %dma_start3A_1041 = arith.constant 0 : i32
      %dma_start3A_1042 = tpu.memref_slice %arg8[%dma_start3A_1023, %dma_start3A_1039, %dma_start3A_1040, %dma_start3A_1041] : memref<4x8x8x133xf32, #tpu.memory_space<vmem>> -> memref<1x8x8x128xf32, #tpu.memory_space<vmem>>
      %dma_start3A_1043 = tpu.memref_squeeze %dma_start3A_1042 : memref<1x8x8x128xf32, #tpu.memory_space<vmem>> -> memref<8x8x128xf32, #tpu.memory_space<vmem>>
      tpu.enqueue_dma source(%dma_start3A_1043 : memref<8x8x128xf32, #tpu.memory_space<vmem>>) target(%dma_start3A_1038 : memref<8x8x128xf32, #tpu.memory_space<hbm>>) target_semaphore(%arg15 : memref<!tpu.dma_semaphore, #tpu.memory_space<semaphore_mem>>)
      %add3A_1044 = arith.constant 3 : i32
      %add3A_1045 = arith.addi %add3A_743, %add3A_1044 : i32
      %add3A_1046 = arith.constant 3 : i32
      %add3A_1047 = arith.addi %add3A_1045, %add3A_1046 : i32
      %lt3A_1048 = arith.constant 200 : i32
      %lt3A_1049 = arith.cmpi slt, %add3A_1047, %lt3A_1048 : i32
      %convert_element_type3A_1050 = arith.extui %lt3A_1049 : i1 to i32
      %cond3A_1051 = arith.constant 0 : i32
      %cond3A_1052 = arith.cmpi ne, %convert_element_type3A_1050, %cond3A_1051 : i32
      scf.if %cond3A_1052 {
        %add3A_1145 = arith.constant 3 : i32
        %add3A_1146 = arith.addi %add3A_1045, %add3A_1145 : i32
        %jit3A_1147 = arith.constant 50 : i32
        %div3A_1148 = arith.divsi %add3A_1146, %jit3A_1147 : i32
        %sign3A_1149 = arith.constant 0 : i32
        %sign3A_1150 = arith.cmpi sgt, %add3A_1146, %sign3A_1149 : i32
        %sign3A_1151 = arith.extui %sign3A_1150 : i1 to i32
        %sign3A_1152 = arith.constant 0 : i32
        %sign3A_1153 = arith.cmpi slt, %add3A_1146, %sign3A_1152 : i32
        %sign3A_1154 = arith.extui %sign3A_1153 : i1 to i32
        %sign3A_1155 = arith.subi %sign3A_1151, %sign3A_1154 : i32
        %sign3A_1156 = arith.constant 0 : i32
        %sign3A_1157 = arith.cmpi sgt, %jit3A_1147, %sign3A_1156 : i32
        %sign3A_1158 = arith.extui %sign3A_1157 : i1 to i32
        %sign3A_1159 = arith.constant 0 : i32
        %sign3A_1160 = arith.cmpi slt, %jit3A_1147, %sign3A_1159 : i32
        %sign3A_1161 = arith.extui %sign3A_1160 : i1 to i32
        %sign3A_1162 = arith.subi %sign3A_1158, %sign3A_1161 : i32
        %ne3A_1163 = arith.cmpi ne, %sign3A_1155, %sign3A_1162 : i32
        %rem3A_1164 = arith.remsi %add3A_1146, %jit3A_1147 : i32
        %ne3A_1165 = arith.constant 0 : i32
        %ne3A_1166 = arith.cmpi ne, %rem3A_1164, %ne3A_1165 : i32
        %and3A_1167 = arith.andi %ne3A_1163, %ne3A_1166 : i1
        %sub3A_1168 = arith.constant 1 : i32
        %sub3A_1169 = arith.subi %div3A_1148, %sub3A_1168 : i32
        %select_n3A_1170 = arith.select %and3A_1167, %sub3A_1169, %div3A_1148 : i32
        %jit3A_1171 = arith.constant 50 : i32
        %eq3A_1172 = arith.constant 0 : i32
        %eq3A_1173 = arith.cmpi eq, %jit3A_1171, %eq3A_1172 : i32
        %jit3A_1174 = arith.constant 1 : i32
        %select_n3A_1175 = arith.select %eq3A_1173, %jit3A_1174, %jit3A_1171 : i32
        %rem3A_1176 = arith.remsi %add3A_1146, %select_n3A_1175 : i32
        %ne3A_1177 = arith.constant 0 : i32
        %ne3A_1178 = arith.cmpi ne, %rem3A_1176, %ne3A_1177 : i32
        %lt3A_1179 = arith.constant 0 : i32
        %lt3A_1180 = arith.cmpi slt, %rem3A_1176, %lt3A_1179 : i32
        %lt3A_1181 = arith.constant 0 : i32
        %lt3A_1182 = arith.cmpi slt, %select_n3A_1175, %lt3A_1181 : i32
        %ne3A_1183 = arith.xori %lt3A_1180, %lt3A_1182 : i1
        %and3A_1184 = arith.andi %ne3A_1183, %ne3A_1178 : i1
        %add3A_1185 = arith.addi %rem3A_1176, %select_n3A_1175 : i32
        %select_n3A_1186 = arith.select %and3A_1184, %add3A_1185, %rem3A_1176 : i32
        %mul3A_1187 = arith.constant 6400 : i32
        %mul3A_1188 = arith.muli %select_n3A_1170, %mul3A_1187 : i32
        %add3A_1189 = arith.addi %mul3A_1188, %select_n3A_1186 : i32
        %add3A_1190 = arith.constant 0 : i32
        %add3A_1191 = vector.broadcast %add3A_1190 : i32 to vector<16xi32>
        %add3A_1192 = arith.addi %iota3A, %add3A_1191 : vector<16xi32>
        %mul3A_1193 = arith.constant 50 : i32
        %mul3A_1194 = vector.broadcast %mul3A_1193 : i32 to vector<16xi32>
        %mul3A_1195 = arith.muli %add3A_1192, %mul3A_1194 : vector<16xi32>
        %add3A_1196 = vector.broadcast %add3A_1189 : i32 to vector<16xi32>
        %add3A_1197 = arith.addi %mul3A_1195, %add3A_1196 : vector<16xi32>
        %gather3A_1198 = tpu.vector_load_idx %arg5[%add3A_1197] : memref<25600xi32, #tpu.memory_space<vmem>>[vector<16xi32>], vector<16xi32>,
        %swap3A_1199 = arith.constant 2 : i32
        %swap3A_1200 = arith.constant 0 : i32
        %swap3A_1201 = tpu.memref_slice %arg6[%swap3A_1199, %swap3A_1200] : memref<4x128xi32, #tpu.memory_space<vmem>> -> memref<1x128xi32, #tpu.memory_space<vmem>>
        %swap3A_1202 = tpu.memref_squeeze %swap3A_1201 : memref<1x128xi32, #tpu.memory_space<vmem>> -> memref<128xi32, #tpu.memory_space<vmem>>
        %swap3A_1203 = arith.constant 0 : index
        %swap3A_1204 = tpu.vector_load %swap3A_1202[%swap3A_1203] {strides = array<i32>} : memref<128xi32, #tpu.memory_space<vmem>>, vector<16xi32>,
        tpu.vector_store %swap3A_1202[%swap3A_1203], %gather3A_1198 {strides = array<i32>} : memref<128xi32, #tpu.memory_space<vmem>>, vector<16xi32>,
        %add3A_1205 = arith.constant 16 : i32
        %add3A_1206 = vector.broadcast %add3A_1205 : i32 to vector<16xi32>
        %add3A_1207 = arith.addi %iota3A, %add3A_1206 : vector<16xi32>
        %mul3A_1208 = arith.constant 50 : i32
        %mul3A_1209 = vector.broadcast %mul3A_1208 : i32 to vector<16xi32>
        %mul3A_1210 = arith.muli %add3A_1207, %mul3A_1209 : vector<16xi32>
        %add3A_1211 = vector.broadcast %add3A_1189 : i32 to vector<16xi32>
        %add3A_1212 = arith.addi %mul3A_1210, %add3A_1211 : vector<16xi32>
        %gather3A_1213 = tpu.vector_load_idx %arg5[%add3A_1212] : memref<25600xi32, #tpu.memory_space<vmem>>[vector<16xi32>], vector<16xi32>,
        %swap3A_1214 = arith.constant 2 : i32
        %swap3A_1215 = arith.constant 0 : i32
        %swap3A_1216 = tpu.memref_slice %arg6[%swap3A_1214, %swap3A_1215] : memref<4x128xi32, #tpu.memory_space<vmem>> -> memref<1x128xi32, #tpu.memory_space<vmem>>
        %swap3A_1217 = tpu.memref_squeeze %swap3A_1216 : memref<1x128xi32, #tpu.memory_space<vmem>> -> memref<128xi32, #tpu.memory_space<vmem>>
        %swap3A_1218 = arith.constant 16 : index
        %swap3A_1219 = tpu.vector_load %swap3A_1217[%swap3A_1218] {strides = array<i32>} : memref<128xi32, #tpu.memory_space<vmem>>, vector<16xi32>,
        tpu.vector_store %swap3A_1217[%swap3A_1218], %gather3A_1213 {strides = array<i32>} : memref<128xi32, #tpu.memory_space<vmem>>, vector<16xi32>,
        %add3A_1220 = arith.constant 32 : i32
        %add3A_1221 = vector.broadcast %add3A_1220 : i32 to vector<16xi32>
        %add3A_1222 = arith.addi %iota3A, %add3A_1221 : vector<16xi32>
        %mul3A_1223 = arith.constant 50 : i32
        %mul3A_1224 = vector.broadcast %mul3A_1223 : i32 to vector<16xi32>
        %mul3A_1225 = arith.muli %add3A_1222, %mul3A_1224 : vector<16xi32>
        %add3A_1226 = vector.broadcast %add3A_1189 : i32 to vector<16xi32>
        %add3A_1227 = arith.addi %mul3A_1225, %add3A_1226 : vector<16xi32>
        %gather3A_1228 = tpu.vector_load_idx %arg5[%add3A_1227] : memref<25600xi32, #tpu.memory_space<vmem>>[vector<16xi32>], vector<16xi32>,
        %swap3A_1229 = arith.constant 2 : i32
        %swap3A_1230 = arith.constant 0 : i32
        %swap3A_1231 = tpu.memref_slice %arg6[%swap3A_1229, %swap3A_1230] : memref<4x128xi32, #tpu.memory_space<vmem>> -> memref<1x128xi32, #tpu.memory_space<vmem>>
        %swap3A_1232 = tpu.memref_squeeze %swap3A_1231 : memref<1x128xi32, #tpu.memory_space<vmem>> -> memref<128xi32, #tpu.memory_space<vmem>>
        %swap3A_1233 = arith.constant 32 : index
        %swap3A_1234 = tpu.vector_load %swap3A_1232[%swap3A_1233] {strides = array<i32>} : memref<128xi32, #tpu.memory_space<vmem>>, vector<16xi32>,
        tpu.vector_store %swap3A_1232[%swap3A_1233], %gather3A_1228 {strides = array<i32>} : memref<128xi32, #tpu.memory_space<vmem>>, vector<16xi32>,
        %add3A_1235 = arith.constant 48 : i32
        %add3A_1236 = vector.broadcast %add3A_1235 : i32 to vector<16xi32>
        %add3A_1237 = arith.addi %iota3A, %add3A_1236 : vector<16xi32>
        %mul3A_1238 = arith.constant 50 : i32
        %mul3A_1239 = vector.broadcast %mul3A_1238 : i32 to vector<16xi32>
        %mul3A_1240 = arith.muli %add3A_1237, %mul3A_1239 : vector<16xi32>
        %add3A_1241 = vector.broadcast %add3A_1189 : i32 to vector<16xi32>
        %add3A_1242 = arith.addi %mul3A_1240, %add3A_1241 : vector<16xi32>
        %gather3A_1243 = tpu.vector_load_idx %arg5[%add3A_1242] : memref<25600xi32, #tpu.memory_space<vmem>>[vector<16xi32>], vector<16xi32>,
        %swap3A_1244 = arith.constant 2 : i32
        %swap3A_1245 = arith.constant 0 : i32
        %swap3A_1246 = tpu.memref_slice %arg6[%swap3A_1244, %swap3A_1245] : memref<4x128xi32, #tpu.memory_space<vmem>> -> memref<1x128xi32, #tpu.memory_space<vmem>>
        %swap3A_1247 = tpu.memref_squeeze %swap3A_1246 : memref<1x128xi32, #tpu.memory_space<vmem>> -> memref<128xi32, #tpu.memory_space<vmem>>
        %swap3A_1248 = arith.constant 48 : index
        %swap3A_1249 = tpu.vector_load %swap3A_1247[%swap3A_1248] {strides = array<i32>} : memref<128xi32, #tpu.memory_space<vmem>>, vector<16xi32>,
        tpu.vector_store %swap3A_1247[%swap3A_1248], %gather3A_1243 {strides = array<i32>} : memref<128xi32, #tpu.memory_space<vmem>>, vector<16xi32>,
        %add3A_1250 = arith.constant 64 : i32
        %add3A_1251 = vector.broadcast %add3A_1250 : i32 to vector<16xi32>
        %add3A_1252 = arith.addi %iota3A, %add3A_1251 : vector<16xi32>
        %mul3A_1253 = arith.constant 50 : i32
        %mul3A_1254 = vector.broadcast %mul3A_1253 : i32 to vector<16xi32>
        %mul3A_1255 = arith.muli %add3A_1252, %mul3A_1254 : vector<16xi32>
        %add3A_1256 = vector.broadcast %add3A_1189 : i32 to vector<16xi32>
        %add3A_1257 = arith.addi %mul3A_1255, %add3A_1256 : vector<16xi32>
        %gather3A_1258 = tpu.vector_load_idx %arg5[%add3A_1257] : memref<25600xi32, #tpu.memory_space<vmem>>[vector<16xi32>], vector<16xi32>,
        %swap3A_1259 = arith.constant 2 : i32
        %swap3A_1260 = arith.constant 0 : i32
        %swap3A_1261 = tpu.memref_slice %arg6[%swap3A_1259, %swap3A_1260] : memref<4x128xi32, #tpu.memory_space<vmem>> -> memref<1x128xi32, #tpu.memory_space<vmem>>
        %swap3A_1262 = tpu.memref_squeeze %swap3A_1261 : memref<1x128xi32, #tpu.memory_space<vmem>> -> memref<128xi32, #tpu.memory_space<vmem>>
        %swap3A_1263 = arith.constant 64 : index
        %swap3A_1264 = tpu.vector_load %swap3A_1262[%swap3A_1263] {strides = array<i32>} : memref<128xi32, #tpu.memory_space<vmem>>, vector<16xi32>,
        tpu.vector_store %swap3A_1262[%swap3A_1263], %gather3A_1258 {strides = array<i32>} : memref<128xi32, #tpu.memory_space<vmem>>, vector<16xi32>,
        %add3A_1265 = arith.constant 80 : i32
        %add3A_1266 = vector.broadcast %add3A_1265 : i32 to vector<16xi32>
        %add3A_1267 = arith.addi %iota3A, %add3A_1266 : vector<16xi32>
        %mul3A_1268 = arith.constant 50 : i32
        %mul3A_1269 = vector.broadcast %mul3A_1268 : i32 to vector<16xi32>
        %mul3A_1270 = arith.muli %add3A_1267, %mul3A_1269 : vector<16xi32>
        %add3A_1271 = vector.broadcast %add3A_1189 : i32 to vector<16xi32>
        %add3A_1272 = arith.addi %mul3A_1270, %add3A_1271 : vector<16xi32>
        %gather3A_1273 = tpu.vector_load_idx %arg5[%add3A_1272] : memref<25600xi32, #tpu.memory_space<vmem>>[vector<16xi32>], vector<16xi32>,
        %swap3A_1274 = arith.constant 2 : i32
        %swap3A_1275 = arith.constant 0 : i32
        %swap3A_1276 = tpu.memref_slice %arg6[%swap3A_1274, %swap3A_1275] : memref<4x128xi32, #tpu.memory_space<vmem>> -> memref<1x128xi32, #tpu.memory_space<vmem>>
        %swap3A_1277 = tpu.memref_squeeze %swap3A_1276 : memref<1x128xi32, #tpu.memory_space<vmem>> -> memref<128xi32, #tpu.memory_space<vmem>>
        %swap3A_1278 = arith.constant 80 : index
        %swap3A_1279 = tpu.vector_load %swap3A_1277[%swap3A_1278] {strides = array<i32>} : memref<128xi32, #tpu.memory_space<vmem>>, vector<16xi32>,
        tpu.vector_store %swap3A_1277[%swap3A_1278], %gather3A_1273 {strides = array<i32>} : memref<128xi32, #tpu.memory_space<vmem>>, vector<16xi32>,
        %add3A_1280 = arith.constant 96 : i32
        %add3A_1281 = vector.broadcast %add3A_1280 : i32 to vector<16xi32>
        %add3A_1282 = arith.addi %iota3A, %add3A_1281 : vector<16xi32>
        %mul3A_1283 = arith.constant 50 : i32
        %mul3A_1284 = vector.broadcast %mul3A_1283 : i32 to vector<16xi32>
        %mul3A_1285 = arith.muli %add3A_1282, %mul3A_1284 : vector<16xi32>
        %add3A_1286 = vector.broadcast %add3A_1189 : i32 to vector<16xi32>
        %add3A_1287 = arith.addi %mul3A_1285, %add3A_1286 : vector<16xi32>
        %gather3A_1288 = tpu.vector_load_idx %arg5[%add3A_1287] : memref<25600xi32, #tpu.memory_space<vmem>>[vector<16xi32>], vector<16xi32>,
        %swap3A_1289 = arith.constant 2 : i32
        %swap3A_1290 = arith.constant 0 : i32
        %swap3A_1291 = tpu.memref_slice %arg6[%swap3A_1289, %swap3A_1290] : memref<4x128xi32, #tpu.memory_space<vmem>> -> memref<1x128xi32, #tpu.memory_space<vmem>>
        %swap3A_1292 = tpu.memref_squeeze %swap3A_1291 : memref<1x128xi32, #tpu.memory_space<vmem>> -> memref<128xi32, #tpu.memory_space<vmem>>
        %swap3A_1293 = arith.constant 96 : index
        %swap3A_1294 = tpu.vector_load %swap3A_1292[%swap3A_1293] {strides = array<i32>} : memref<128xi32, #tpu.memory_space<vmem>>, vector<16xi32>,
        tpu.vector_store %swap3A_1292[%swap3A_1293], %gather3A_1288 {strides = array<i32>} : memref<128xi32, #tpu.memory_space<vmem>>, vector<16xi32>,
        %add3A_1295 = arith.constant 112 : i32
        %add3A_1296 = vector.broadcast %add3A_1295 : i32 to vector<16xi32>
        %add3A_1297 = arith.addi %iota3A, %add3A_1296 : vector<16xi32>
        %mul3A_1298 = arith.constant 50 : i32
        %mul3A_1299 = vector.broadcast %mul3A_1298 : i32 to vector<16xi32>
        %mul3A_1300 = arith.muli %add3A_1297, %mul3A_1299 : vector<16xi32>
        %add3A_1301 = vector.broadcast %add3A_1189 : i32 to vector<16xi32>
        %add3A_1302 = arith.addi %mul3A_1300, %add3A_1301 : vector<16xi32>
        %gather3A_1303 = tpu.vector_load_idx %arg5[%add3A_1302] : memref<25600xi32, #tpu.memory_space<vmem>>[vector<16xi32>], vector<16xi32>,
        %swap3A_1304 = arith.constant 2 : i32
        %swap3A_1305 = arith.constant 0 : i32
        %swap3A_1306 = tpu.memref_slice %arg6[%swap3A_1304, %swap3A_1305] : memref<4x128xi32, #tpu.memory_space<vmem>> -> memref<1x128xi32, #tpu.memory_space<vmem>>
        %swap3A_1307 = tpu.memref_squeeze %swap3A_1306 : memref<1x128xi32, #tpu.memory_space<vmem>> -> memref<128xi32, #tpu.memory_space<vmem>>
        %swap3A_1308 = arith.constant 112 : index
        %swap3A_1309 = tpu.vector_load %swap3A_1307[%swap3A_1308] {strides = array<i32>} : memref<128xi32, #tpu.memory_space<vmem>>, vector<16xi32>,
        tpu.vector_store %swap3A_1307[%swap3A_1308], %gather3A_1303 {strides = array<i32>} : memref<128xi32, #tpu.memory_space<vmem>>, vector<16xi32>,
        %add3A_1310 = arith.constant 3 : i32
        %add3A_1311 = arith.addi %add3A_1045, %add3A_1310 : i32
        %dma_start3A_1312 = arith.constant 2 : i32
        %dma_start3A_1313 = arith.constant 2 : i32
        %dma_start3A_1314 = arith.constant 0 : i32
        %dma_start3A_1315 = arith.constant 0 : i32
        %dma_start3A_1316 = tpu.memref_slice %arg7[%dma_start3A_1313, %dma_start3A_1314, %dma_start3A_1315] : memref<4x128x64xf32, #tpu.memory_space<vmem>> -> memref<1x128x64xf32, #tpu.memory_space<vmem>>
        %dma_start3A_1317 = tpu.memref_squeeze %dma_start3A_1316 : memref<1x128x64xf32, #tpu.memory_space<vmem>> -> memref<128x64xf32, #tpu.memory_space<vmem>>
        %dma_start3A_1318 = arith.constant 0 : i32
        %dma_start3A_1319 = tpu.memref_slice %arg6[%dma_start3A_1312, %dma_start3A_1318] : memref<4x128xi32, #tpu.memory_space<vmem>> -> memref<1x128xi32, #tpu.memory_space<vmem>>
        %dma_start3A_1320 = tpu.memref_squeeze %dma_start3A_1319 : memref<1x128xi32, #tpu.memory_space<vmem>> -> memref<128xi32, #tpu.memory_space<vmem>>
        %dma_start3A_1321 = arith.constant 0 : i32
        %dma_start3A_1322 = arith.constant 0 : i32
        %dma_start3A_1323 = tpu.memref_slice %arg3[%dma_start3A_1321, %dma_start3A_1322] : memref<1000000x64xf32, #tpu.memory_space<hbm>> -> memref<1000000x64xf32, #tpu.memory_space<hbm>>
        tpu.enqueue_indirect_dma source(%dma_start3A_1323 : memref<1000000x64xf32, #tpu.memory_space<hbm>>) target(%dma_start3A_1317 : memref<128x64xf32, #tpu.memory_space<vmem>>) offsets(%dma_start3A_1320 : memref<128xi32, #tpu.memory_space<vmem>>) semaphore(%arg11 : memref<!tpu.dma_semaphore, #tpu.memory_space<semaphore_mem>>)
      } else {
      }
      %ge3A_1053 = arith.constant 4 : i32
      %ge3A_1054 = arith.cmpi sge, %add3A_1045, %ge3A_1053 : i32
      %convert_element_type3A_1055 = arith.extui %ge3A_1054 : i1 to i32
      %cond3A_1056 = arith.constant 0 : i32
      %cond3A_1057 = arith.cmpi ne, %convert_element_type3A_1055, %cond3A_1056 : i32
      scf.if %cond3A_1057 {
        %dma_wait3A_1145 = arith.constant 3 : i32
        %dma_wait3A_1146 = arith.constant 0 : i32
        %dma_wait3A_1147 = arith.constant 0 : i32
        %dma_wait3A_1148 = arith.constant 0 : i32
        %dma_wait3A_1149 = arith.constant 0 : i32
        %dma_wait3A_1150 = arith.constant 0 : i32
        %dma_wait3A_1151 = tpu.memref_slice %arg8[%dma_wait3A_1145, %dma_wait3A_1148, %dma_wait3A_1149, %dma_wait3A_1150] : memref<4x8x8x133xf32, #tpu.memory_space<vmem>> -> memref<1x8x8x128xf32, #tpu.memory_space<vmem>>
        %dma_wait3A_1152 = tpu.memref_squeeze %dma_wait3A_1151 : memref<1x8x8x128xf32, #tpu.memory_space<vmem>> -> memref<8x8x128xf32, #tpu.memory_space<vmem>>
        %dma_wait3A_1153 = arith.constant 0 : i32
        %dma_wait3A_1154 = arith.constant 0 : i32
        %dma_wait3A_1155 = arith.constant 0 : i32
        %dma_wait3A_1156 = tpu.memref_slice %arg4[%dma_wait3A_1146, %dma_wait3A_1153, %dma_wait3A_1147, %dma_wait3A_1154, %dma_wait3A_1155] : memref<50x8x128x8x128xf32, #tpu.memory_space<hbm>> -> memref<1x8x1x8x128xf32, #tpu.memory_space<hbm>>
        %dma_wait3A_1157 = tpu.memref_squeeze %dma_wait3A_1156 : memref<1x8x1x8x128xf32, #tpu.memory_space<hbm>> -> memref<8x8x128xf32, #tpu.memory_space<hbm>>
        %dma_wait3A_1158 = arith.constant 0 : i32
        %dma_wait3A_1159 = arith.constant 0 : i32
        %dma_wait3A_1160 = arith.constant 0 : i32
        %dma_wait3A_1161 = tpu.memref_slice %arg4[%dma_wait3A_1146, %dma_wait3A_1158, %dma_wait3A_1147, %dma_wait3A_1159, %dma_wait3A_1160] : memref<50x8x128x8x128xf32, #tpu.memory_space<hbm>> -> memref<1x8x1x8x128xf32, #tpu.memory_space<hbm>>
        %dma_wait3A_1162 = tpu.memref_squeeze %dma_wait3A_1161 : memref<1x8x1x8x128xf32, #tpu.memory_space<hbm>> -> memref<8x8x128xf32, #tpu.memory_space<hbm>>
        %dma_wait3A_1163 = arith.constant 0 : i32
        %dma_wait3A_1164 = arith.constant 0 : i32
        %dma_wait3A_1165 = arith.constant 0 : i32
        %dma_wait3A_1166 = tpu.memref_slice %arg8[%dma_wait3A_1145, %dma_wait3A_1163, %dma_wait3A_1164, %dma_wait3A_1165] : memref<4x8x8x133xf32, #tpu.memory_space<vmem>> -> memref<1x8x8x128xf32, #tpu.memory_space<vmem>>
        %dma_wait3A_1167 = tpu.memref_squeeze %dma_wait3A_1166 : memref<1x8x8x128xf32, #tpu.memory_space<vmem>> -> memref<8x8x128xf32, #tpu.memory_space<vmem>>
        tpu.wait_dma2 semaphore(%arg16 : memref<!tpu.dma_semaphore, #tpu.memory_space<semaphore_mem>>) src(%dma_wait3A_1167 : memref<8x8x128xf32, #tpu.memory_space<vmem>>) dst(%dma_wait3A_1162 : memref<8x8x128xf32, #tpu.memory_space<hbm>>)
      } else {
      }
      %dma_wait3A_1058 = arith.constant 3 : i32
      %dma_wait3A_1059 = arith.constant 3 : i32
      %dma_wait3A_1060 = arith.constant 0 : i32
      %dma_wait3A_1061 = arith.constant 0 : i32
      %dma_wait3A_1062 = tpu.memref_slice %arg7[%dma_wait3A_1059, %dma_wait3A_1060, %dma_wait3A_1061] : memref<4x128x64xf32, #tpu.memory_space<vmem>> -> memref<1x128x64xf32, #tpu.memory_space<vmem>>
      %dma_wait3A_1063 = tpu.memref_squeeze %dma_wait3A_1062 : memref<1x128x64xf32, #tpu.memory_space<vmem>> -> memref<128x64xf32, #tpu.memory_space<vmem>>
      %dma_wait3A_1064 = arith.constant 0 : i32
      %dma_wait3A_1065 = tpu.memref_slice %arg6[%dma_wait3A_1058, %dma_wait3A_1064] : memref<4x128xi32, #tpu.memory_space<vmem>> -> memref<1x128xi32, #tpu.memory_space<vmem>>
      %dma_wait3A_1066 = tpu.memref_squeeze %dma_wait3A_1065 : memref<1x128xi32, #tpu.memory_space<vmem>> -> memref<128xi32, #tpu.memory_space<vmem>>
      %dma_wait3A_1067 = arith.constant 0 : i32
      %dma_wait3A_1068 = arith.constant 0 : i32
      %dma_wait3A_1069 = tpu.memref_slice %arg3[%dma_wait3A_1067, %dma_wait3A_1068] : memref<1000000x64xf32, #tpu.memory_space<hbm>> -> memref<1000000x64xf32, #tpu.memory_space<hbm>>
      tpu.wait_indirect_dma semaphore(%arg12 : memref<!tpu.dma_semaphore, #tpu.memory_space<semaphore_mem>>) src(%dma_wait3A_1069 : memref<1000000x64xf32, #tpu.memory_space<hbm>>) dst(%dma_wait3A_1063 : memref<128x64xf32, #tpu.memory_space<vmem>>)
      %mul3A_1070 = arith.constant 0 : i32
      %mul3A_1071 = vector.broadcast %mul3A_1070 : i32 to vector<16xi32>
      %mul3A_1072 = arith.muli %iota3A, %mul3A_1071 : vector<16xi32>
      %scan3A_1073 = arith.constant 3 : i32
      %scan3A_1074 = arith.constant 3 : i32
      %scan3A_1075 = arith.constant 0 : i32
      %scan3A_1076 = arith.constant 16 : i32
      %scan3A_1077 = arith.addi %scan3A_1075, %scan3A_1076 : i32
      %scan3A_1078 = arith.constant 1 : i32
      %scan3A_1079 = scf.for %scan3A_1145 = %scan3A_1075 to %scan3A_1077 step %scan3A_1078 iter_args(%scan3A_1146 = %mul3A_1072) -> (vector<16xi32>)  : i32 {
        %mul3A_1147 = arith.constant 8 : i32
        %mul3A_1148 = arith.muli %scan3A_1145, %mul3A_1147 : i32
        %add3A_1149 = arith.constant 0 : i32
        %add3A_1150 = arith.addi %add3A_1149, %mul3A_1148 : i32
        %get3A = arith.constant 0 : i32
        %get3A_1151 = arith.constant 0 : i32
        %get3A_1152 = tpu.memref_slice %arg7[%scan3A_1073, %get3A, %get3A_1151] : memref<4x128x64xf32, #tpu.memory_space<vmem>> -> memref<1x128x64xf32, #tpu.memory_space<vmem>>
        %get3A_1153 = tpu.memref_squeeze %get3A_1152 : memref<1x128x64xf32, #tpu.memory_space<vmem>> -> memref<128x64xf32, #tpu.memory_space<vmem>>
        %get3A_1154 = arith.constant 0 : i32
        %get3A_1155 = tpu.memref_slice %get3A_1153[%add3A_1150, %get3A_1154] : memref<128x64xf32, #tpu.memory_space<vmem>> -> memref<1x64xf32, #tpu.memory_space<vmem>>
        %get3A_1156 = tpu.memref_squeeze %get3A_1155 : memref<1x64xf32, #tpu.memory_space<vmem>> -> memref<64xf32, #tpu.memory_space<vmem>>
        %get3A_1157 = arith.constant 0 : index
        %get3A_1158 = tpu.vector_load %get3A_1156[%get3A_1157] {strides = array<i32>} : memref<64xf32, #tpu.memory_space<vmem>>, vector<16xf32>,
        %get3A_1159 = arith.constant 0 : i32
        %get3A_1160 = arith.constant 0 : i32
        %get3A_1161 = tpu.memref_slice %arg7[%scan3A_1073, %get3A_1159, %get3A_1160] : memref<4x128x64xf32, #tpu.memory_space<vmem>> -> memref<1x128x64xf32, #tpu.memory_space<vmem>>
        %get3A_1162 = tpu.memref_squeeze %get3A_1161 : memref<1x128x64xf32, #tpu.memory_space<vmem>> -> memref<128x64xf32, #tpu.memory_space<vmem>>
        %get3A_1163 = arith.constant 0 : i32
        %get3A_1164 = tpu.memref_slice %get3A_1162[%add3A_1150, %get3A_1163] : memref<128x64xf32, #tpu.memory_space<vmem>> -> memref<1x64xf32, #tpu.memory_space<vmem>>
        %get3A_1165 = tpu.memref_squeeze %get3A_1164 : memref<1x64xf32, #tpu.memory_space<vmem>> -> memref<64xf32, #tpu.memory_space<vmem>>
        %get3A_1166 = arith.constant 16 : index
        %get3A_1167 = tpu.vector_load %get3A_1165[%get3A_1166] {strides = array<i32>} : memref<64xf32, #tpu.memory_space<vmem>>, vector<16xf32>,
        %get3A_1168 = arith.constant 0 : i32
        %get3A_1169 = arith.constant 0 : i32
        %get3A_1170 = tpu.memref_slice %arg7[%scan3A_1073, %get3A_1168, %get3A_1169] : memref<4x128x64xf32, #tpu.memory_space<vmem>> -> memref<1x128x64xf32, #tpu.memory_space<vmem>>
        %get3A_1171 = tpu.memref_squeeze %get3A_1170 : memref<1x128x64xf32, #tpu.memory_space<vmem>> -> memref<128x64xf32, #tpu.memory_space<vmem>>
        %get3A_1172 = arith.constant 0 : i32
        %get3A_1173 = tpu.memref_slice %get3A_1171[%add3A_1150, %get3A_1172] : memref<128x64xf32, #tpu.memory_space<vmem>> -> memref<1x64xf32, #tpu.memory_space<vmem>>
        %get3A_1174 = tpu.memref_squeeze %get3A_1173 : memref<1x64xf32, #tpu.memory_space<vmem>> -> memref<64xf32, #tpu.memory_space<vmem>>
        %get3A_1175 = arith.constant 32 : index
        %get3A_1176 = tpu.vector_load %get3A_1174[%get3A_1175] {strides = array<i32>} : memref<64xf32, #tpu.memory_space<vmem>>, vector<16xf32>,
        %get3A_1177 = arith.constant 0 : i32
        %get3A_1178 = arith.constant 0 : i32
        %get3A_1179 = tpu.memref_slice %arg7[%scan3A_1073, %get3A_1177, %get3A_1178] : memref<4x128x64xf32, #tpu.memory_space<vmem>> -> memref<1x128x64xf32, #tpu.memory_space<vmem>>
        %get3A_1180 = tpu.memref_squeeze %get3A_1179 : memref<1x128x64xf32, #tpu.memory_space<vmem>> -> memref<128x64xf32, #tpu.memory_space<vmem>>
        %get3A_1181 = arith.constant 0 : i32
        %get3A_1182 = tpu.memref_slice %get3A_1180[%add3A_1150, %get3A_1181] : memref<128x64xf32, #tpu.memory_space<vmem>> -> memref<1x64xf32, #tpu.memory_space<vmem>>
        %get3A_1183 = tpu.memref_squeeze %get3A_1182 : memref<1x64xf32, #tpu.memory_space<vmem>> -> memref<64xf32, #tpu.memory_space<vmem>>
        %get3A_1184 = arith.constant 48 : index
        %get3A_1185 = tpu.vector_load %get3A_1183[%get3A_1184] {strides = array<i32>} : memref<64xf32, #tpu.memory_space<vmem>>, vector<16xf32>,
        %add3A_1186 = arith.constant 1 : i32
        %add3A_1187 = arith.addi %add3A_1150, %add3A_1186 : i32
        %get3A_1188 = arith.constant 0 : i32
        %get3A_1189 = arith.constant 0 : i32
        %get3A_1190 = tpu.memref_slice %arg7[%scan3A_1073, %get3A_1188, %get3A_1189] : memref<4x128x64xf32, #tpu.memory_space<vmem>> -> memref<1x128x64xf32, #tpu.memory_space<vmem>>
        %get3A_1191 = tpu.memref_squeeze %get3A_1190 : memref<1x128x64xf32, #tpu.memory_space<vmem>> -> memref<128x64xf32, #tpu.memory_space<vmem>>
        %get3A_1192 = arith.constant 0 : i32
        %get3A_1193 = tpu.memref_slice %get3A_1191[%add3A_1187, %get3A_1192] : memref<128x64xf32, #tpu.memory_space<vmem>> -> memref<1x64xf32, #tpu.memory_space<vmem>>
        %get3A_1194 = tpu.memref_squeeze %get3A_1193 : memref<1x64xf32, #tpu.memory_space<vmem>> -> memref<64xf32, #tpu.memory_space<vmem>>
        %get3A_1195 = arith.constant 0 : index
        %get3A_1196 = tpu.vector_load %get3A_1194[%get3A_1195] {strides = array<i32>} : memref<64xf32, #tpu.memory_space<vmem>>, vector<16xf32>,
        %get3A_1197 = arith.constant 0 : i32
        %get3A_1198 = arith.constant 0 : i32
        %get3A_1199 = tpu.memref_slice %arg7[%scan3A_1073, %get3A_1197, %get3A_1198] : memref<4x128x64xf32, #tpu.memory_space<vmem>> -> memref<1x128x64xf32, #tpu.memory_space<vmem>>
        %get3A_1200 = tpu.memref_squeeze %get3A_1199 : memref<1x128x64xf32, #tpu.memory_space<vmem>> -> memref<128x64xf32, #tpu.memory_space<vmem>>
        %get3A_1201 = arith.constant 0 : i32
        %get3A_1202 = tpu.memref_slice %get3A_1200[%add3A_1187, %get3A_1201] : memref<128x64xf32, #tpu.memory_space<vmem>> -> memref<1x64xf32, #tpu.memory_space<vmem>>
        %get3A_1203 = tpu.memref_squeeze %get3A_1202 : memref<1x64xf32, #tpu.memory_space<vmem>> -> memref<64xf32, #tpu.memory_space<vmem>>
        %get3A_1204 = arith.constant 16 : index
        %get3A_1205 = tpu.vector_load %get3A_1203[%get3A_1204] {strides = array<i32>} : memref<64xf32, #tpu.memory_space<vmem>>, vector<16xf32>,
        %get3A_1206 = arith.constant 0 : i32
        %get3A_1207 = arith.constant 0 : i32
        %get3A_1208 = tpu.memref_slice %arg7[%scan3A_1073, %get3A_1206, %get3A_1207] : memref<4x128x64xf32, #tpu.memory_space<vmem>> -> memref<1x128x64xf32, #tpu.memory_space<vmem>>
        %get3A_1209 = tpu.memref_squeeze %get3A_1208 : memref<1x128x64xf32, #tpu.memory_space<vmem>> -> memref<128x64xf32, #tpu.memory_space<vmem>>
        %get3A_1210 = arith.constant 0 : i32
        %get3A_1211 = tpu.memref_slice %get3A_1209[%add3A_1187, %get3A_1210] : memref<128x64xf32, #tpu.memory_space<vmem>> -> memref<1x64xf32, #tpu.memory_space<vmem>>
        %get3A_1212 = tpu.memref_squeeze %get3A_1211 : memref<1x64xf32, #tpu.memory_space<vmem>> -> memref<64xf32, #tpu.memory_space<vmem>>
        %get3A_1213 = arith.constant 32 : index
        %get3A_1214 = tpu.vector_load %get3A_1212[%get3A_1213] {strides = array<i32>} : memref<64xf32, #tpu.memory_space<vmem>>, vector<16xf32>,
        %get3A_1215 = arith.constant 0 : i32
        %get3A_1216 = arith.constant 0 : i32
        %get3A_1217 = tpu.memref_slice %arg7[%scan3A_1073, %get3A_1215, %get3A_1216] : memref<4x128x64xf32, #tpu.memory_space<vmem>> -> memref<1x128x64xf32, #tpu.memory_space<vmem>>
        %get3A_1218 = tpu.memref_squeeze %get3A_1217 : memref<1x128x64xf32, #tpu.memory_space<vmem>> -> memref<128x64xf32, #tpu.memory_space<vmem>>
        %get3A_1219 = arith.constant 0 : i32
        %get3A_1220 = tpu.memref_slice %get3A_1218[%add3A_1187, %get3A_1219] : memref<128x64xf32, #tpu.memory_space<vmem>> -> memref<1x64xf32, #tpu.memory_space<vmem>>
        %get3A_1221 = tpu.memref_squeeze %get3A_1220 : memref<1x64xf32, #tpu.memory_space<vmem>> -> memref<64xf32, #tpu.memory_space<vmem>>
        %get3A_1222 = arith.constant 48 : index
        %get3A_1223 = tpu.vector_load %get3A_1221[%get3A_1222] {strides = array<i32>} : memref<64xf32, #tpu.memory_space<vmem>>, vector<16xf32>,
        %add3A_1224 = arith.constant 0 : i32
        %add3A_1225 = vector.broadcast %add3A_1224 : i32 to vector<16xi32>
        %add3A_1226 = arith.addi %scan3A_1146, %add3A_1225 : vector<16xi32>
        %scatter3A = arith.constant 0 : i32
        %scatter3A_1227 = arith.constant 0 : i32
        %scatter3A_1228 = arith.constant 0 : i32
        %scatter3A_1229 = tpu.memref_slice %arg8[%scan3A_1074, %scatter3A, %scatter3A_1227, %scatter3A_1228] : memref<4x8x8x133xf32, #tpu.memory_space<vmem>> -> memref<1x8x8x133xf32, #tpu.memory_space<vmem>>
        %scatter3A_1230 = tpu.memref_squeeze %scatter3A_1229 : memref<1x8x8x133xf32, #tpu.memory_space<vmem>> -> memref<8x8x133xf32, #tpu.memory_space<vmem>>
        tpu.vector_store_idx %scatter3A_1230[%select_n3A, %select_n3A_151, %add3A_1226], %get3A_1158 : memref<8x8x133xf32, #tpu.memory_space<vmem>>[vector<16xi32>, vector<16xi32>, vector<16xi32>], vector<16xf32>,
        %scatter3A_1231 = arith.constant 0 : i32
        %scatter3A_1232 = arith.constant 0 : i32
        %scatter3A_1233 = arith.constant 0 : i32
        %scatter3A_1234 = tpu.memref_slice %arg8[%scan3A_1074, %scatter3A_1231, %scatter3A_1232, %scatter3A_1233] : memref<4x8x8x133xf32, #tpu.memory_space<vmem>> -> memref<1x8x8x133xf32, #tpu.memory_space<vmem>>
        %scatter3A_1235 = tpu.memref_squeeze %scatter3A_1234 : memref<1x8x8x133xf32, #tpu.memory_space<vmem>> -> memref<8x8x133xf32, #tpu.memory_space<vmem>>
        tpu.vector_store_idx %scatter3A_1235[%select_n3A_60, %select_n3A_176, %add3A_1226], %get3A_1167 : memref<8x8x133xf32, #tpu.memory_space<vmem>>[vector<16xi32>, vector<16xi32>, vector<16xi32>], vector<16xf32>,
        %scatter3A_1236 = arith.constant 0 : i32
        %scatter3A_1237 = arith.constant 0 : i32
        %scatter3A_1238 = arith.constant 0 : i32
        %scatter3A_1239 = tpu.memref_slice %arg8[%scan3A_1074, %scatter3A_1236, %scatter3A_1237, %scatter3A_1238] : memref<4x8x8x133xf32, #tpu.memory_space<vmem>> -> memref<1x8x8x133xf32, #tpu.memory_space<vmem>>
        %scatter3A_1240 = tpu.memref_squeeze %scatter3A_1239 : memref<1x8x8x133xf32, #tpu.memory_space<vmem>> -> memref<8x8x133xf32, #tpu.memory_space<vmem>>
        tpu.vector_store_idx %scatter3A_1240[%select_n3A_94, %select_n3A_201, %add3A_1226], %get3A_1176 : memref<8x8x133xf32, #tpu.memory_space<vmem>>[vector<16xi32>, vector<16xi32>, vector<16xi32>], vector<16xf32>,
        %scatter3A_1241 = arith.constant 0 : i32
        %scatter3A_1242 = arith.constant 0 : i32
        %scatter3A_1243 = arith.constant 0 : i32
        %scatter3A_1244 = tpu.memref_slice %arg8[%scan3A_1074, %scatter3A_1241, %scatter3A_1242, %scatter3A_1243] : memref<4x8x8x133xf32, #tpu.memory_space<vmem>> -> memref<1x8x8x133xf32, #tpu.memory_space<vmem>>
        %scatter3A_1245 = tpu.memref_squeeze %scatter3A_1244 : memref<1x8x8x133xf32, #tpu.memory_space<vmem>> -> memref<8x8x133xf32, #tpu.memory_space<vmem>>
        tpu.vector_store_idx %scatter3A_1245[%select_n3A_128, %select_n3A_226, %add3A_1226], %get3A_1185 : memref<8x8x133xf32, #tpu.memory_space<vmem>>[vector<16xi32>, vector<16xi32>, vector<16xi32>], vector<16xf32>,
        %add3A_1246 = arith.constant 2 : i32
        %add3A_1247 = arith.addi %add3A_1150, %add3A_1246 : i32
        %get3A_1248 = arith.constant 0 : i32
        %get3A_1249 = arith.constant 0 : i32
        %get3A_1250 = tpu.memref_slice %arg7[%scan3A_1073, %get3A_1248, %get3A_1249] : memref<4x128x64xf32, #tpu.memory_space<vmem>> -> memref<1x128x64xf32, #tpu.memory_space<vmem>>
        %get3A_1251 = tpu.memref_squeeze %get3A_1250 : memref<1x128x64xf32, #tpu.memory_space<vmem>> -> memref<128x64xf32, #tpu.memory_space<vmem>>
        %get3A_1252 = arith.constant 0 : i32
        %get3A_1253 = tpu.memref_slice %get3A_1251[%add3A_1247, %get3A_1252] : memref<128x64xf32, #tpu.memory_space<vmem>> -> memref<1x64xf32, #tpu.memory_space<vmem>>
        %get3A_1254 = tpu.memref_squeeze %get3A_1253 : memref<1x64xf32, #tpu.memory_space<vmem>> -> memref<64xf32, #tpu.memory_space<vmem>>
        %get3A_1255 = arith.constant 0 : index
        %get3A_1256 = tpu.vector_load %get3A_1254[%get3A_1255] {strides = array<i32>} : memref<64xf32, #tpu.memory_space<vmem>>, vector<16xf32>,
        %get3A_1257 = arith.constant 0 : i32
        %get3A_1258 = arith.constant 0 : i32
        %get3A_1259 = tpu.memref_slice %arg7[%scan3A_1073, %get3A_1257, %get3A_1258] : memref<4x128x64xf32, #tpu.memory_space<vmem>> -> memref<1x128x64xf32, #tpu.memory_space<vmem>>
        %get3A_1260 = tpu.memref_squeeze %get3A_1259 : memref<1x128x64xf32, #tpu.memory_space<vmem>> -> memref<128x64xf32, #tpu.memory_space<vmem>>
        %get3A_1261 = arith.constant 0 : i32
        %get3A_1262 = tpu.memref_slice %get3A_1260[%add3A_1247, %get3A_1261] : memref<128x64xf32, #tpu.memory_space<vmem>> -> memref<1x64xf32, #tpu.memory_space<vmem>>
        %get3A_1263 = tpu.memref_squeeze %get3A_1262 : memref<1x64xf32, #tpu.memory_space<vmem>> -> memref<64xf32, #tpu.memory_space<vmem>>
        %get3A_1264 = arith.constant 16 : index
        %get3A_1265 = tpu.vector_load %get3A_1263[%get3A_1264] {strides = array<i32>} : memref<64xf32, #tpu.memory_space<vmem>>, vector<16xf32>,
        %get3A_1266 = arith.constant 0 : i32
        %get3A_1267 = arith.constant 0 : i32
        %get3A_1268 = tpu.memref_slice %arg7[%scan3A_1073, %get3A_1266, %get3A_1267] : memref<4x128x64xf32, #tpu.memory_space<vmem>> -> memref<1x128x64xf32, #tpu.memory_space<vmem>>
        %get3A_1269 = tpu.memref_squeeze %get3A_1268 : memref<1x128x64xf32, #tpu.memory_space<vmem>> -> memref<128x64xf32, #tpu.memory_space<vmem>>
        %get3A_1270 = arith.constant 0 : i32
        %get3A_1271 = tpu.memref_slice %get3A_1269[%add3A_1247, %get3A_1270] : memref<128x64xf32, #tpu.memory_space<vmem>> -> memref<1x64xf32, #tpu.memory_space<vmem>>
        %get3A_1272 = tpu.memref_squeeze %get3A_1271 : memref<1x64xf32, #tpu.memory_space<vmem>> -> memref<64xf32, #tpu.memory_space<vmem>>
        %get3A_1273 = arith.constant 32 : index
        %get3A_1274 = tpu.vector_load %get3A_1272[%get3A_1273] {strides = array<i32>} : memref<64xf32, #tpu.memory_space<vmem>>, vector<16xf32>,
        %get3A_1275 = arith.constant 0 : i32
        %get3A_1276 = arith.constant 0 : i32
        %get3A_1277 = tpu.memref_slice %arg7[%scan3A_1073, %get3A_1275, %get3A_1276] : memref<4x128x64xf32, #tpu.memory_space<vmem>> -> memref<1x128x64xf32, #tpu.memory_space<vmem>>
        %get3A_1278 = tpu.memref_squeeze %get3A_1277 : memref<1x128x64xf32, #tpu.memory_space<vmem>> -> memref<128x64xf32, #tpu.memory_space<vmem>>
        %get3A_1279 = arith.constant 0 : i32
        %get3A_1280 = tpu.memref_slice %get3A_1278[%add3A_1247, %get3A_1279] : memref<128x64xf32, #tpu.memory_space<vmem>> -> memref<1x64xf32, #tpu.memory_space<vmem>>
        %get3A_1281 = tpu.memref_squeeze %get3A_1280 : memref<1x64xf32, #tpu.memory_space<vmem>> -> memref<64xf32, #tpu.memory_space<vmem>>
        %get3A_1282 = arith.constant 48 : index
        %get3A_1283 = tpu.vector_load %get3A_1281[%get3A_1282] {strides = array<i32>} : memref<64xf32, #tpu.memory_space<vmem>>, vector<16xf32>,
        %add3A_1284 = arith.constant 1 : i32
        %add3A_1285 = vector.broadcast %add3A_1284 : i32 to vector<16xi32>
        %add3A_1286 = arith.addi %scan3A_1146, %add3A_1285 : vector<16xi32>
        %scatter3A_1287 = arith.constant 0 : i32
        %scatter3A_1288 = arith.constant 0 : i32
        %scatter3A_1289 = arith.constant 0 : i32
        %scatter3A_1290 = tpu.memref_slice %arg8[%scan3A_1074, %scatter3A_1287, %scatter3A_1288, %scatter3A_1289] : memref<4x8x8x133xf32, #tpu.memory_space<vmem>> -> memref<1x8x8x133xf32, #tpu.memory_space<vmem>>
        %scatter3A_1291 = tpu.memref_squeeze %scatter3A_1290 : memref<1x8x8x133xf32, #tpu.memory_space<vmem>> -> memref<8x8x133xf32, #tpu.memory_space<vmem>>
        tpu.vector_store_idx %scatter3A_1291[%select_n3A, %select_n3A_151, %add3A_1286], %get3A_1196 : memref<8x8x133xf32, #tpu.memory_space<vmem>>[vector<16xi32>, vector<16xi32>, vector<16xi32>], vector<16xf32>,
        %scatter3A_1292 = arith.constant 0 : i32
        %scatter3A_1293 = arith.constant 0 : i32
        %scatter3A_1294 = arith.constant 0 : i32
        %scatter3A_1295 = tpu.memref_slice %arg8[%scan3A_1074, %scatter3A_1292, %scatter3A_1293, %scatter3A_1294] : memref<4x8x8x133xf32, #tpu.memory_space<vmem>> -> memref<1x8x8x133xf32, #tpu.memory_space<vmem>>
        %scatter3A_1296 = tpu.memref_squeeze %scatter3A_1295 : memref<1x8x8x133xf32, #tpu.memory_space<vmem>> -> memref<8x8x133xf32, #tpu.memory_space<vmem>>
        tpu.vector_store_idx %scatter3A_1296[%select_n3A_60, %select_n3A_176, %add3A_1286], %get3A_1205 : memref<8x8x133xf32, #tpu.memory_space<vmem>>[vector<16xi32>, vector<16xi32>, vector<16xi32>], vector<16xf32>,
        %scatter3A_1297 = arith.constant 0 : i32
        %scatter3A_1298 = arith.constant 0 : i32
        %scatter3A_1299 = arith.constant 0 : i32
        %scatter3A_1300 = tpu.memref_slice %arg8[%scan3A_1074, %scatter3A_1297, %scatter3A_1298, %scatter3A_1299] : memref<4x8x8x133xf32, #tpu.memory_space<vmem>> -> memref<1x8x8x133xf32, #tpu.memory_space<vmem>>
        %scatter3A_1301 = tpu.memref_squeeze %scatter3A_1300 : memref<1x8x8x133xf32, #tpu.memory_space<vmem>> -> memref<8x8x133xf32, #tpu.memory_space<vmem>>
        tpu.vector_store_idx %scatter3A_1301[%select_n3A_94, %select_n3A_201, %add3A_1286], %get3A_1214 : memref<8x8x133xf32, #tpu.memory_space<vmem>>[vector<16xi32>, vector<16xi32>, vector<16xi32>], vector<16xf32>,
        %scatter3A_1302 = arith.constant 0 : i32
        %scatter3A_1303 = arith.constant 0 : i32
        %scatter3A_1304 = arith.constant 0 : i32
        %scatter3A_1305 = tpu.memref_slice %arg8[%scan3A_1074, %scatter3A_1302, %scatter3A_1303, %scatter3A_1304] : memref<4x8x8x133xf32, #tpu.memory_space<vmem>> -> memref<1x8x8x133xf32, #tpu.memory_space<vmem>>
        %scatter3A_1306 = tpu.memref_squeeze %scatter3A_1305 : memref<1x8x8x133xf32, #tpu.memory_space<vmem>> -> memref<8x8x133xf32, #tpu.memory_space<vmem>>
        tpu.vector_store_idx %scatter3A_1306[%select_n3A_128, %select_n3A_226, %add3A_1286], %get3A_1223 : memref<8x8x133xf32, #tpu.memory_space<vmem>>[vector<16xi32>, vector<16xi32>, vector<16xi32>], vector<16xf32>,
        %add3A_1307 = arith.constant 3 : i32
        %add3A_1308 = arith.addi %add3A_1150, %add3A_1307 : i32
        %get3A_1309 = arith.constant 0 : i32
        %get3A_1310 = arith.constant 0 : i32
        %get3A_1311 = tpu.memref_slice %arg7[%scan3A_1073, %get3A_1309, %get3A_1310] : memref<4x128x64xf32, #tpu.memory_space<vmem>> -> memref<1x128x64xf32, #tpu.memory_space<vmem>>
        %get3A_1312 = tpu.memref_squeeze %get3A_1311 : memref<1x128x64xf32, #tpu.memory_space<vmem>> -> memref<128x64xf32, #tpu.memory_space<vmem>>
        %get3A_1313 = arith.constant 0 : i32
        %get3A_1314 = tpu.memref_slice %get3A_1312[%add3A_1308, %get3A_1313] : memref<128x64xf32, #tpu.memory_space<vmem>> -> memref<1x64xf32, #tpu.memory_space<vmem>>
        %get3A_1315 = tpu.memref_squeeze %get3A_1314 : memref<1x64xf32, #tpu.memory_space<vmem>> -> memref<64xf32, #tpu.memory_space<vmem>>
        %get3A_1316 = arith.constant 0 : index
        %get3A_1317 = tpu.vector_load %get3A_1315[%get3A_1316] {strides = array<i32>} : memref<64xf32, #tpu.memory_space<vmem>>, vector<16xf32>,
        %get3A_1318 = arith.constant 0 : i32
        %get3A_1319 = arith.constant 0 : i32
        %get3A_1320 = tpu.memref_slice %arg7[%scan3A_1073, %get3A_1318, %get3A_1319] : memref<4x128x64xf32, #tpu.memory_space<vmem>> -> memref<1x128x64xf32, #tpu.memory_space<vmem>>
        %get3A_1321 = tpu.memref_squeeze %get3A_1320 : memref<1x128x64xf32, #tpu.memory_space<vmem>> -> memref<128x64xf32, #tpu.memory_space<vmem>>
        %get3A_1322 = arith.constant 0 : i32
        %get3A_1323 = tpu.memref_slice %get3A_1321[%add3A_1308, %get3A_1322] : memref<128x64xf32, #tpu.memory_space<vmem>> -> memref<1x64xf32, #tpu.memory_space<vmem>>
        %get3A_1324 = tpu.memref_squeeze %get3A_1323 : memref<1x64xf32, #tpu.memory_space<vmem>> -> memref<64xf32, #tpu.memory_space<vmem>>
        %get3A_1325 = arith.constant 16 : index
        %get3A_1326 = tpu.vector_load %get3A_1324[%get3A_1325] {strides = array<i32>} : memref<64xf32, #tpu.memory_space<vmem>>, vector<16xf32>,
        %get3A_1327 = arith.constant 0 : i32
        %get3A_1328 = arith.constant 0 : i32
        %get3A_1329 = tpu.memref_slice %arg7[%scan3A_1073, %get3A_1327, %get3A_1328] : memref<4x128x64xf32, #tpu.memory_space<vmem>> -> memref<1x128x64xf32, #tpu.memory_space<vmem>>
        %get3A_1330 = tpu.memref_squeeze %get3A_1329 : memref<1x128x64xf32, #tpu.memory_space<vmem>> -> memref<128x64xf32, #tpu.memory_space<vmem>>
        %get3A_1331 = arith.constant 0 : i32
        %get3A_1332 = tpu.memref_slice %get3A_1330[%add3A_1308, %get3A_1331] : memref<128x64xf32, #tpu.memory_space<vmem>> -> memref<1x64xf32, #tpu.memory_space<vmem>>
        %get3A_1333 = tpu.memref_squeeze %get3A_1332 : memref<1x64xf32, #tpu.memory_space<vmem>> -> memref<64xf32, #tpu.memory_space<vmem>>
        %get3A_1334 = arith.constant 32 : index
        %get3A_1335 = tpu.vector_load %get3A_1333[%get3A_1334] {strides = array<i32>} : memref<64xf32, #tpu.memory_space<vmem>>, vector<16xf32>,
        %get3A_1336 = arith.constant 0 : i32
        %get3A_1337 = arith.constant 0 : i32
        %get3A_1338 = tpu.memref_slice %arg7[%scan3A_1073, %get3A_1336, %get3A_1337] : memref<4x128x64xf32, #tpu.memory_space<vmem>> -> memref<1x128x64xf32, #tpu.memory_space<vmem>>
        %get3A_1339 = tpu.memref_squeeze %get3A_1338 : memref<1x128x64xf32, #tpu.memory_space<vmem>> -> memref<128x64xf32, #tpu.memory_space<vmem>>
        %get3A_1340 = arith.constant 0 : i32
        %get3A_1341 = tpu.memref_slice %get3A_1339[%add3A_1308, %get3A_1340] : memref<128x64xf32, #tpu.memory_space<vmem>> -> memref<1x64xf32, #tpu.memory_space<vmem>>
        %get3A_1342 = tpu.memref_squeeze %get3A_1341 : memref<1x64xf32, #tpu.memory_space<vmem>> -> memref<64xf32, #tpu.memory_space<vmem>>
        %get3A_1343 = arith.constant 48 : index
        %get3A_1344 = tpu.vector_load %get3A_1342[%get3A_1343] {strides = array<i32>} : memref<64xf32, #tpu.memory_space<vmem>>, vector<16xf32>,
        %add3A_1345 = arith.constant 2 : i32
        %add3A_1346 = vector.broadcast %add3A_1345 : i32 to vector<16xi32>
        %add3A_1347 = arith.addi %scan3A_1146, %add3A_1346 : vector<16xi32>
        %scatter3A_1348 = arith.constant 0 : i32
        %scatter3A_1349 = arith.constant 0 : i32
        %scatter3A_1350 = arith.constant 0 : i32
        %scatter3A_1351 = tpu.memref_slice %arg8[%scan3A_1074, %scatter3A_1348, %scatter3A_1349, %scatter3A_1350] : memref<4x8x8x133xf32, #tpu.memory_space<vmem>> -> memref<1x8x8x133xf32, #tpu.memory_space<vmem>>
        %scatter3A_1352 = tpu.memref_squeeze %scatter3A_1351 : memref<1x8x8x133xf32, #tpu.memory_space<vmem>> -> memref<8x8x133xf32, #tpu.memory_space<vmem>>
        tpu.vector_store_idx %scatter3A_1352[%select_n3A, %select_n3A_151, %add3A_1347], %get3A_1256 : memref<8x8x133xf32, #tpu.memory_space<vmem>>[vector<16xi32>, vector<16xi32>, vector<16xi32>], vector<16xf32>,
        %scatter3A_1353 = arith.constant 0 : i32
        %scatter3A_1354 = arith.constant 0 : i32
        %scatter3A_1355 = arith.constant 0 : i32
        %scatter3A_1356 = tpu.memref_slice %arg8[%scan3A_1074, %scatter3A_1353, %scatter3A_1354, %scatter3A_1355] : memref<4x8x8x133xf32, #tpu.memory_space<vmem>> -> memref<1x8x8x133xf32, #tpu.memory_space<vmem>>
        %scatter3A_1357 = tpu.memref_squeeze %scatter3A_1356 : memref<1x8x8x133xf32, #tpu.memory_space<vmem>> -> memref<8x8x133xf32, #tpu.memory_space<vmem>>
        tpu.vector_store_idx %scatter3A_1357[%select_n3A_60, %select_n3A_176, %add3A_1347], %get3A_1265 : memref<8x8x133xf32, #tpu.memory_space<vmem>>[vector<16xi32>, vector<16xi32>, vector<16xi32>], vector<16xf32>,
        %scatter3A_1358 = arith.constant 0 : i32
        %scatter3A_1359 = arith.constant 0 : i32
        %scatter3A_1360 = arith.constant 0 : i32
        %scatter3A_1361 = tpu.memref_slice %arg8[%scan3A_1074, %scatter3A_1358, %scatter3A_1359, %scatter3A_1360] : memref<4x8x8x133xf32, #tpu.memory_space<vmem>> -> memref<1x8x8x133xf32, #tpu.memory_space<vmem>>
        %scatter3A_1362 = tpu.memref_squeeze %scatter3A_1361 : memref<1x8x8x133xf32, #tpu.memory_space<vmem>> -> memref<8x8x133xf32, #tpu.memory_space<vmem>>
        tpu.vector_store_idx %scatter3A_1362[%select_n3A_94, %select_n3A_201, %add3A_1347], %get3A_1274 : memref<8x8x133xf32, #tpu.memory_space<vmem>>[vector<16xi32>, vector<16xi32>, vector<16xi32>], vector<16xf32>,
        %scatter3A_1363 = arith.constant 0 : i32
        %scatter3A_1364 = arith.constant 0 : i32
        %scatter3A_1365 = arith.constant 0 : i32
        %scatter3A_1366 = tpu.memref_slice %arg8[%scan3A_1074, %scatter3A_1363, %scatter3A_1364, %scatter3A_1365] : memref<4x8x8x133xf32, #tpu.memory_space<vmem>> -> memref<1x8x8x133xf32, #tpu.memory_space<vmem>>
        %scatter3A_1367 = tpu.memref_squeeze %scatter3A_1366 : memref<1x8x8x133xf32, #tpu.memory_space<vmem>> -> memref<8x8x133xf32, #tpu.memory_space<vmem>>
        tpu.vector_store_idx %scatter3A_1367[%select_n3A_128, %select_n3A_226, %add3A_1347], %get3A_1283 : memref<8x8x133xf32, #tpu.memory_space<vmem>>[vector<16xi32>, vector<16xi32>, vector<16xi32>], vector<16xf32>,
        %add3A_1368 = arith.constant 4 : i32
        %add3A_1369 = arith.addi %add3A_1150, %add3A_1368 : i32
        %get3A_1370 = arith.constant 0 : i32
        %get3A_1371 = arith.constant 0 : i32
        %get3A_1372 = tpu.memref_slice %arg7[%scan3A_1073, %get3A_1370, %get3A_1371] : memref<4x128x64xf32, #tpu.memory_space<vmem>> -> memref<1x128x64xf32, #tpu.memory_space<vmem>>
        %get3A_1373 = tpu.memref_squeeze %get3A_1372 : memref<1x128x64xf32, #tpu.memory_space<vmem>> -> memref<128x64xf32, #tpu.memory_space<vmem>>
        %get3A_1374 = arith.constant 0 : i32
        %get3A_1375 = tpu.memref_slice %get3A_1373[%add3A_1369, %get3A_1374] : memref<128x64xf32, #tpu.memory_space<vmem>> -> memref<1x64xf32, #tpu.memory_space<vmem>>
        %get3A_1376 = tpu.memref_squeeze %get3A_1375 : memref<1x64xf32, #tpu.memory_space<vmem>> -> memref<64xf32, #tpu.memory_space<vmem>>
        %get3A_1377 = arith.constant 0 : index
        %get3A_1378 = tpu.vector_load %get3A_1376[%get3A_1377] {strides = array<i32>} : memref<64xf32, #tpu.memory_space<vmem>>, vector<16xf32>,
        %get3A_1379 = arith.constant 0 : i32
        %get3A_1380 = arith.constant 0 : i32
        %get3A_1381 = tpu.memref_slice %arg7[%scan3A_1073, %get3A_1379, %get3A_1380] : memref<4x128x64xf32, #tpu.memory_space<vmem>> -> memref<1x128x64xf32, #tpu.memory_space<vmem>>
        %get3A_1382 = tpu.memref_squeeze %get3A_1381 : memref<1x128x64xf32, #tpu.memory_space<vmem>> -> memref<128x64xf32, #tpu.memory_space<vmem>>
        %get3A_1383 = arith.constant 0 : i32
        %get3A_1384 = tpu.memref_slice %get3A_1382[%add3A_1369, %get3A_1383] : memref<128x64xf32, #tpu.memory_space<vmem>> -> memref<1x64xf32, #tpu.memory_space<vmem>>
        %get3A_1385 = tpu.memref_squeeze %get3A_1384 : memref<1x64xf32, #tpu.memory_space<vmem>> -> memref<64xf32, #tpu.memory_space<vmem>>
        %get3A_1386 = arith.constant 16 : index
        %get3A_1387 = tpu.vector_load %get3A_1385[%get3A_1386] {strides = array<i32>} : memref<64xf32, #tpu.memory_space<vmem>>, vector<16xf32>,
        %get3A_1388 = arith.constant 0 : i32
        %get3A_1389 = arith.constant 0 : i32
        %get3A_1390 = tpu.memref_slice %arg7[%scan3A_1073, %get3A_1388, %get3A_1389] : memref<4x128x64xf32, #tpu.memory_space<vmem>> -> memref<1x128x64xf32, #tpu.memory_space<vmem>>
        %get3A_1391 = tpu.memref_squeeze %get3A_1390 : memref<1x128x64xf32, #tpu.memory_space<vmem>> -> memref<128x64xf32, #tpu.memory_space<vmem>>
        %get3A_1392 = arith.constant 0 : i32
        %get3A_1393 = tpu.memref_slice %get3A_1391[%add3A_1369, %get3A_1392] : memref<128x64xf32, #tpu.memory_space<vmem>> -> memref<1x64xf32, #tpu.memory_space<vmem>>
        %get3A_1394 = tpu.memref_squeeze %get3A_1393 : memref<1x64xf32, #tpu.memory_space<vmem>> -> memref<64xf32, #tpu.memory_space<vmem>>
        %get3A_1395 = arith.constant 32 : index
        %get3A_1396 = tpu.vector_load %get3A_1394[%get3A_1395] {strides = array<i32>} : memref<64xf32, #tpu.memory_space<vmem>>, vector<16xf32>,
        %get3A_1397 = arith.constant 0 : i32
        %get3A_1398 = arith.constant 0 : i32
        %get3A_1399 = tpu.memref_slice %arg7[%scan3A_1073, %get3A_1397, %get3A_1398] : memref<4x128x64xf32, #tpu.memory_space<vmem>> -> memref<1x128x64xf32, #tpu.memory_space<vmem>>
        %get3A_1400 = tpu.memref_squeeze %get3A_1399 : memref<1x128x64xf32, #tpu.memory_space<vmem>> -> memref<128x64xf32, #tpu.memory_space<vmem>>
        %get3A_1401 = arith.constant 0 : i32
        %get3A_1402 = tpu.memref_slice %get3A_1400[%add3A_1369, %get3A_1401] : memref<128x64xf32, #tpu.memory_space<vmem>> -> memref<1x64xf32, #tpu.memory_space<vmem>>
        %get3A_1403 = tpu.memref_squeeze %get3A_1402 : memref<1x64xf32, #tpu.memory_space<vmem>> -> memref<64xf32, #tpu.memory_space<vmem>>
        %get3A_1404 = arith.constant 48 : index
        %get3A_1405 = tpu.vector_load %get3A_1403[%get3A_1404] {strides = array<i32>} : memref<64xf32, #tpu.memory_space<vmem>>, vector<16xf32>,
        %add3A_1406 = arith.constant 3 : i32
        %add3A_1407 = vector.broadcast %add3A_1406 : i32 to vector<16xi32>
        %add3A_1408 = arith.addi %scan3A_1146, %add3A_1407 : vector<16xi32>
        %scatter3A_1409 = arith.constant 0 : i32
        %scatter3A_1410 = arith.constant 0 : i32
        %scatter3A_1411 = arith.constant 0 : i32
        %scatter3A_1412 = tpu.memref_slice %arg8[%scan3A_1074, %scatter3A_1409, %scatter3A_1410, %scatter3A_1411] : memref<4x8x8x133xf32, #tpu.memory_space<vmem>> -> memref<1x8x8x133xf32, #tpu.memory_space<vmem>>
        %scatter3A_1413 = tpu.memref_squeeze %scatter3A_1412 : memref<1x8x8x133xf32, #tpu.memory_space<vmem>> -> memref<8x8x133xf32, #tpu.memory_space<vmem>>
        tpu.vector_store_idx %scatter3A_1413[%select_n3A, %select_n3A_151, %add3A_1408], %get3A_1317 : memref<8x8x133xf32, #tpu.memory_space<vmem>>[vector<16xi32>, vector<16xi32>, vector<16xi32>], vector<16xf32>,
        %scatter3A_1414 = arith.constant 0 : i32
        %scatter3A_1415 = arith.constant 0 : i32
        %scatter3A_1416 = arith.constant 0 : i32
        %scatter3A_1417 = tpu.memref_slice %arg8[%scan3A_1074, %scatter3A_1414, %scatter3A_1415, %scatter3A_1416] : memref<4x8x8x133xf32, #tpu.memory_space<vmem>> -> memref<1x8x8x133xf32, #tpu.memory_space<vmem>>
        %scatter3A_1418 = tpu.memref_squeeze %scatter3A_1417 : memref<1x8x8x133xf32, #tpu.memory_space<vmem>> -> memref<8x8x133xf32, #tpu.memory_space<vmem>>
        tpu.vector_store_idx %scatter3A_1418[%select_n3A_60, %select_n3A_176, %add3A_1408], %get3A_1326 : memref<8x8x133xf32, #tpu.memory_space<vmem>>[vector<16xi32>, vector<16xi32>, vector<16xi32>], vector<16xf32>,
        %scatter3A_1419 = arith.constant 0 : i32
        %scatter3A_1420 = arith.constant 0 : i32
        %scatter3A_1421 = arith.constant 0 : i32
        %scatter3A_1422 = tpu.memref_slice %arg8[%scan3A_1074, %scatter3A_1419, %scatter3A_1420, %scatter3A_1421] : memref<4x8x8x133xf32, #tpu.memory_space<vmem>> -> memref<1x8x8x133xf32, #tpu.memory_space<vmem>>
        %scatter3A_1423 = tpu.memref_squeeze %scatter3A_1422 : memref<1x8x8x133xf32, #tpu.memory_space<vmem>> -> memref<8x8x133xf32, #tpu.memory_space<vmem>>
        tpu.vector_store_idx %scatter3A_1423[%select_n3A_94, %select_n3A_201, %add3A_1408], %get3A_1335 : memref<8x8x133xf32, #tpu.memory_space<vmem>>[vector<16xi32>, vector<16xi32>, vector<16xi32>], vector<16xf32>,
        %scatter3A_1424 = arith.constant 0 : i32
        %scatter3A_1425 = arith.constant 0 : i32
        %scatter3A_1426 = arith.constant 0 : i32
        %scatter3A_1427 = tpu.memref_slice %arg8[%scan3A_1074, %scatter3A_1424, %scatter3A_1425, %scatter3A_1426] : memref<4x8x8x133xf32, #tpu.memory_space<vmem>> -> memref<1x8x8x133xf32, #tpu.memory_space<vmem>>
        %scatter3A_1428 = tpu.memref_squeeze %scatter3A_1427 : memref<1x8x8x133xf32, #tpu.memory_space<vmem>> -> memref<8x8x133xf32, #tpu.memory_space<vmem>>
        tpu.vector_store_idx %scatter3A_1428[%select_n3A_128, %select_n3A_226, %add3A_1408], %get3A_1344 : memref<8x8x133xf32, #tpu.memory_space<vmem>>[vector<16xi32>, vector<16xi32>, vector<16xi32>], vector<16xf32>,
        %add3A_1429 = arith.constant 5 : i32
        %add3A_1430 = arith.addi %add3A_1150, %add3A_1429 : i32
        %get3A_1431 = arith.constant 0 : i32
        %get3A_1432 = arith.constant 0 : i32
        %get3A_1433 = tpu.memref_slice %arg7[%scan3A_1073, %get3A_1431, %get3A_1432] : memref<4x128x64xf32, #tpu.memory_space<vmem>> -> memref<1x128x64xf32, #tpu.memory_space<vmem>>
        %get3A_1434 = tpu.memref_squeeze %get3A_1433 : memref<1x128x64xf32, #tpu.memory_space<vmem>> -> memref<128x64xf32, #tpu.memory_space<vmem>>
        %get3A_1435 = arith.constant 0 : i32
        %get3A_1436 = tpu.memref_slice %get3A_1434[%add3A_1430, %get3A_1435] : memref<128x64xf32, #tpu.memory_space<vmem>> -> memref<1x64xf32, #tpu.memory_space<vmem>>
        %get3A_1437 = tpu.memref_squeeze %get3A_1436 : memref<1x64xf32, #tpu.memory_space<vmem>> -> memref<64xf32, #tpu.memory_space<vmem>>
        %get3A_1438 = arith.constant 0 : index
        %get3A_1439 = tpu.vector_load %get3A_1437[%get3A_1438] {strides = array<i32>} : memref<64xf32, #tpu.memory_space<vmem>>, vector<16xf32>,
        %get3A_1440 = arith.constant 0 : i32
        %get3A_1441 = arith.constant 0 : i32
        %get3A_1442 = tpu.memref_slice %arg7[%scan3A_1073, %get3A_1440, %get3A_1441] : memref<4x128x64xf32, #tpu.memory_space<vmem>> -> memref<1x128x64xf32, #tpu.memory_space<vmem>>
        %get3A_1443 = tpu.memref_squeeze %get3A_1442 : memref<1x128x64xf32, #tpu.memory_space<vmem>> -> memref<128x64xf32, #tpu.memory_space<vmem>>
        %get3A_1444 = arith.constant 0 : i32
        %get3A_1445 = tpu.memref_slice %get3A_1443[%add3A_1430, %get3A_1444] : memref<128x64xf32, #tpu.memory_space<vmem>> -> memref<1x64xf32, #tpu.memory_space<vmem>>
        %get3A_1446 = tpu.memref_squeeze %get3A_1445 : memref<1x64xf32, #tpu.memory_space<vmem>> -> memref<64xf32, #tpu.memory_space<vmem>>
        %get3A_1447 = arith.constant 16 : index
        %get3A_1448 = tpu.vector_load %get3A_1446[%get3A_1447] {strides = array<i32>} : memref<64xf32, #tpu.memory_space<vmem>>, vector<16xf32>,
        %get3A_1449 = arith.constant 0 : i32
        %get3A_1450 = arith.constant 0 : i32
        %get3A_1451 = tpu.memref_slice %arg7[%scan3A_1073, %get3A_1449, %get3A_1450] : memref<4x128x64xf32, #tpu.memory_space<vmem>> -> memref<1x128x64xf32, #tpu.memory_space<vmem>>
        %get3A_1452 = tpu.memref_squeeze %get3A_1451 : memref<1x128x64xf32, #tpu.memory_space<vmem>> -> memref<128x64xf32, #tpu.memory_space<vmem>>
        %get3A_1453 = arith.constant 0 : i32
        %get3A_1454 = tpu.memref_slice %get3A_1452[%add3A_1430, %get3A_1453] : memref<128x64xf32, #tpu.memory_space<vmem>> -> memref<1x64xf32, #tpu.memory_space<vmem>>
        %get3A_1455 = tpu.memref_squeeze %get3A_1454 : memref<1x64xf32, #tpu.memory_space<vmem>> -> memref<64xf32, #tpu.memory_space<vmem>>
        %get3A_1456 = arith.constant 32 : index
        %get3A_1457 = tpu.vector_load %get3A_1455[%get3A_1456] {strides = array<i32>} : memref<64xf32, #tpu.memory_space<vmem>>, vector<16xf32>,
        %get3A_1458 = arith.constant 0 : i32
        %get3A_1459 = arith.constant 0 : i32
        %get3A_1460 = tpu.memref_slice %arg7[%scan3A_1073, %get3A_1458, %get3A_1459] : memref<4x128x64xf32, #tpu.memory_space<vmem>> -> memref<1x128x64xf32, #tpu.memory_space<vmem>>
        %get3A_1461 = tpu.memref_squeeze %get3A_1460 : memref<1x128x64xf32, #tpu.memory_space<vmem>> -> memref<128x64xf32, #tpu.memory_space<vmem>>
        %get3A_1462 = arith.constant 0 : i32
        %get3A_1463 = tpu.memref_slice %get3A_1461[%add3A_1430, %get3A_1462] : memref<128x64xf32, #tpu.memory_space<vmem>> -> memref<1x64xf32, #tpu.memory_space<vmem>>
        %get3A_1464 = tpu.memref_squeeze %get3A_1463 : memref<1x64xf32, #tpu.memory_space<vmem>> -> memref<64xf32, #tpu.memory_space<vmem>>
        %get3A_1465 = arith.constant 48 : index
        %get3A_1466 = tpu.vector_load %get3A_1464[%get3A_1465] {strides = array<i32>} : memref<64xf32, #tpu.memory_space<vmem>>, vector<16xf32>,
        %add3A_1467 = arith.constant 4 : i32
        %add3A_1468 = vector.broadcast %add3A_1467 : i32 to vector<16xi32>
        %add3A_1469 = arith.addi %scan3A_1146, %add3A_1468 : vector<16xi32>
        %scatter3A_1470 = arith.constant 0 : i32
        %scatter3A_1471 = arith.constant 0 : i32
        %scatter3A_1472 = arith.constant 0 : i32
        %scatter3A_1473 = tpu.memref_slice %arg8[%scan3A_1074, %scatter3A_1470, %scatter3A_1471, %scatter3A_1472] : memref<4x8x8x133xf32, #tpu.memory_space<vmem>> -> memref<1x8x8x133xf32, #tpu.memory_space<vmem>>
        %scatter3A_1474 = tpu.memref_squeeze %scatter3A_1473 : memref<1x8x8x133xf32, #tpu.memory_space<vmem>> -> memref<8x8x133xf32, #tpu.memory_space<vmem>>
        tpu.vector_store_idx %scatter3A_1474[%select_n3A, %select_n3A_151, %add3A_1469], %get3A_1378 : memref<8x8x133xf32, #tpu.memory_space<vmem>>[vector<16xi32>, vector<16xi32>, vector<16xi32>], vector<16xf32>,
        %scatter3A_1475 = arith.constant 0 : i32
        %scatter3A_1476 = arith.constant 0 : i32
        %scatter3A_1477 = arith.constant 0 : i32
        %scatter3A_1478 = tpu.memref_slice %arg8[%scan3A_1074, %scatter3A_1475, %scatter3A_1476, %scatter3A_1477] : memref<4x8x8x133xf32, #tpu.memory_space<vmem>> -> memref<1x8x8x133xf32, #tpu.memory_space<vmem>>
        %scatter3A_1479 = tpu.memref_squeeze %scatter3A_1478 : memref<1x8x8x133xf32, #tpu.memory_space<vmem>> -> memref<8x8x133xf32, #tpu.memory_space<vmem>>
        tpu.vector_store_idx %scatter3A_1479[%select_n3A_60, %select_n3A_176, %add3A_1469], %get3A_1387 : memref<8x8x133xf32, #tpu.memory_space<vmem>>[vector<16xi32>, vector<16xi32>, vector<16xi32>], vector<16xf32>,
        %scatter3A_1480 = arith.constant 0 : i32
        %scatter3A_1481 = arith.constant 0 : i32
        %scatter3A_1482 = arith.constant 0 : i32
        %scatter3A_1483 = tpu.memref_slice %arg8[%scan3A_1074, %scatter3A_1480, %scatter3A_1481, %scatter3A_1482] : memref<4x8x8x133xf32, #tpu.memory_space<vmem>> -> memref<1x8x8x133xf32, #tpu.memory_space<vmem>>
        %scatter3A_1484 = tpu.memref_squeeze %scatter3A_1483 : memref<1x8x8x133xf32, #tpu.memory_space<vmem>> -> memref<8x8x133xf32, #tpu.memory_space<vmem>>
        tpu.vector_store_idx %scatter3A_1484[%select_n3A_94, %select_n3A_201, %add3A_1469], %get3A_1396 : memref<8x8x133xf32, #tpu.memory_space<vmem>>[vector<16xi32>, vector<16xi32>, vector<16xi32>], vector<16xf32>,
        %scatter3A_1485 = arith.constant 0 : i32
        %scatter3A_1486 = arith.constant 0 : i32
        %scatter3A_1487 = arith.constant 0 : i32
        %scatter3A_1488 = tpu.memref_slice %arg8[%scan3A_1074, %scatter3A_1485, %scatter3A_1486, %scatter3A_1487] : memref<4x8x8x133xf32, #tpu.memory_space<vmem>> -> memref<1x8x8x133xf32, #tpu.memory_space<vmem>>
        %scatter3A_1489 = tpu.memref_squeeze %scatter3A_1488 : memref<1x8x8x133xf32, #tpu.memory_space<vmem>> -> memref<8x8x133xf32, #tpu.memory_space<vmem>>
        tpu.vector_store_idx %scatter3A_1489[%select_n3A_128, %select_n3A_226, %add3A_1469], %get3A_1405 : memref<8x8x133xf32, #tpu.memory_space<vmem>>[vector<16xi32>, vector<16xi32>, vector<16xi32>], vector<16xf32>,
        %add3A_1490 = arith.constant 6 : i32
        %add3A_1491 = arith.addi %add3A_1150, %add3A_1490 : i32
        %get3A_1492 = arith.constant 0 : i32
        %get3A_1493 = arith.constant 0 : i32
        %get3A_1494 = tpu.memref_slice %arg7[%scan3A_1073, %get3A_1492, %get3A_1493] : memref<4x128x64xf32, #tpu.memory_space<vmem>> -> memref<1x128x64xf32, #tpu.memory_space<vmem>>
        %get3A_1495 = tpu.memref_squeeze %get3A_1494 : memref<1x128x64xf32, #tpu.memory_space<vmem>> -> memref<128x64xf32, #tpu.memory_space<vmem>>
        %get3A_1496 = arith.constant 0 : i32
        %get3A_1497 = tpu.memref_slice %get3A_1495[%add3A_1491, %get3A_1496] : memref<128x64xf32, #tpu.memory_space<vmem>> -> memref<1x64xf32, #tpu.memory_space<vmem>>
        %get3A_1498 = tpu.memref_squeeze %get3A_1497 : memref<1x64xf32, #tpu.memory_space<vmem>> -> memref<64xf32, #tpu.memory_space<vmem>>
        %get3A_1499 = arith.constant 0 : index
        %get3A_1500 = tpu.vector_load %get3A_1498[%get3A_1499] {strides = array<i32>} : memref<64xf32, #tpu.memory_space<vmem>>, vector<16xf32>,
        %get3A_1501 = arith.constant 0 : i32
        %get3A_1502 = arith.constant 0 : i32
        %get3A_1503 = tpu.memref_slice %arg7[%scan3A_1073, %get3A_1501, %get3A_1502] : memref<4x128x64xf32, #tpu.memory_space<vmem>> -> memref<1x128x64xf32, #tpu.memory_space<vmem>>
        %get3A_1504 = tpu.memref_squeeze %get3A_1503 : memref<1x128x64xf32, #tpu.memory_space<vmem>> -> memref<128x64xf32, #tpu.memory_space<vmem>>
        %get3A_1505 = arith.constant 0 : i32
        %get3A_1506 = tpu.memref_slice %get3A_1504[%add3A_1491, %get3A_1505] : memref<128x64xf32, #tpu.memory_space<vmem>> -> memref<1x64xf32, #tpu.memory_space<vmem>>
        %get3A_1507 = tpu.memref_squeeze %get3A_1506 : memref<1x64xf32, #tpu.memory_space<vmem>> -> memref<64xf32, #tpu.memory_space<vmem>>
        %get3A_1508 = arith.constant 16 : index
        %get3A_1509 = tpu.vector_load %get3A_1507[%get3A_1508] {strides = array<i32>} : memref<64xf32, #tpu.memory_space<vmem>>, vector<16xf32>,
        %get3A_1510 = arith.constant 0 : i32
        %get3A_1511 = arith.constant 0 : i32
        %get3A_1512 = tpu.memref_slice %arg7[%scan3A_1073, %get3A_1510, %get3A_1511] : memref<4x128x64xf32, #tpu.memory_space<vmem>> -> memref<1x128x64xf32, #tpu.memory_space<vmem>>
        %get3A_1513 = tpu.memref_squeeze %get3A_1512 : memref<1x128x64xf32, #tpu.memory_space<vmem>> -> memref<128x64xf32, #tpu.memory_space<vmem>>
        %get3A_1514 = arith.constant 0 : i32
        %get3A_1515 = tpu.memref_slice %get3A_1513[%add3A_1491, %get3A_1514] : memref<128x64xf32, #tpu.memory_space<vmem>> -> memref<1x64xf32, #tpu.memory_space<vmem>>
        %get3A_1516 = tpu.memref_squeeze %get3A_1515 : memref<1x64xf32, #tpu.memory_space<vmem>> -> memref<64xf32, #tpu.memory_space<vmem>>
        %get3A_1517 = arith.constant 32 : index
        %get3A_1518 = tpu.vector_load %get3A_1516[%get3A_1517] {strides = array<i32>} : memref<64xf32, #tpu.memory_space<vmem>>, vector<16xf32>,
        %get3A_1519 = arith.constant 0 : i32
        %get3A_1520 = arith.constant 0 : i32
        %get3A_1521 = tpu.memref_slice %arg7[%scan3A_1073, %get3A_1519, %get3A_1520] : memref<4x128x64xf32, #tpu.memory_space<vmem>> -> memref<1x128x64xf32, #tpu.memory_space<vmem>>
        %get3A_1522 = tpu.memref_squeeze %get3A_1521 : memref<1x128x64xf32, #tpu.memory_space<vmem>> -> memref<128x64xf32, #tpu.memory_space<vmem>>
        %get3A_1523 = arith.constant 0 : i32
        %get3A_1524 = tpu.memref_slice %get3A_1522[%add3A_1491, %get3A_1523] : memref<128x64xf32, #tpu.memory_space<vmem>> -> memref<1x64xf32, #tpu.memory_space<vmem>>
        %get3A_1525 = tpu.memref_squeeze %get3A_1524 : memref<1x64xf32, #tpu.memory_space<vmem>> -> memref<64xf32, #tpu.memory_space<vmem>>
        %get3A_1526 = arith.constant 48 : index
        %get3A_1527 = tpu.vector_load %get3A_1525[%get3A_1526] {strides = array<i32>} : memref<64xf32, #tpu.memory_space<vmem>>, vector<16xf32>,
        %add3A_1528 = arith.constant 5 : i32
        %add3A_1529 = vector.broadcast %add3A_1528 : i32 to vector<16xi32>
        %add3A_1530 = arith.addi %scan3A_1146, %add3A_1529 : vector<16xi32>
        %scatter3A_1531 = arith.constant 0 : i32
        %scatter3A_1532 = arith.constant 0 : i32
        %scatter3A_1533 = arith.constant 0 : i32
        %scatter3A_1534 = tpu.memref_slice %arg8[%scan3A_1074, %scatter3A_1531, %scatter3A_1532, %scatter3A_1533] : memref<4x8x8x133xf32, #tpu.memory_space<vmem>> -> memref<1x8x8x133xf32, #tpu.memory_space<vmem>>
        %scatter3A_1535 = tpu.memref_squeeze %scatter3A_1534 : memref<1x8x8x133xf32, #tpu.memory_space<vmem>> -> memref<8x8x133xf32, #tpu.memory_space<vmem>>
        tpu.vector_store_idx %scatter3A_1535[%select_n3A, %select_n3A_151, %add3A_1530], %get3A_1439 : memref<8x8x133xf32, #tpu.memory_space<vmem>>[vector<16xi32>, vector<16xi32>, vector<16xi32>], vector<16xf32>,
        %scatter3A_1536 = arith.constant 0 : i32
        %scatter3A_1537 = arith.constant 0 : i32
        %scatter3A_1538 = arith.constant 0 : i32
        %scatter3A_1539 = tpu.memref_slice %arg8[%scan3A_1074, %scatter3A_1536, %scatter3A_1537, %scatter3A_1538] : memref<4x8x8x133xf32, #tpu.memory_space<vmem>> -> memref<1x8x8x133xf32, #tpu.memory_space<vmem>>
        %scatter3A_1540 = tpu.memref_squeeze %scatter3A_1539 : memref<1x8x8x133xf32, #tpu.memory_space<vmem>> -> memref<8x8x133xf32, #tpu.memory_space<vmem>>
        tpu.vector_store_idx %scatter3A_1540[%select_n3A_60, %select_n3A_176, %add3A_1530], %get3A_1448 : memref<8x8x133xf32, #tpu.memory_space<vmem>>[vector<16xi32>, vector<16xi32>, vector<16xi32>], vector<16xf32>,
        %scatter3A_1541 = arith.constant 0 : i32
        %scatter3A_1542 = arith.constant 0 : i32
        %scatter3A_1543 = arith.constant 0 : i32
        %scatter3A_1544 = tpu.memref_slice %arg8[%scan3A_1074, %scatter3A_1541, %scatter3A_1542, %scatter3A_1543] : memref<4x8x8x133xf32, #tpu.memory_space<vmem>> -> memref<1x8x8x133xf32, #tpu.memory_space<vmem>>
        %scatter3A_1545 = tpu.memref_squeeze %scatter3A_1544 : memref<1x8x8x133xf32, #tpu.memory_space<vmem>> -> memref<8x8x133xf32, #tpu.memory_space<vmem>>
        tpu.vector_store_idx %scatter3A_1545[%select_n3A_94, %select_n3A_201, %add3A_1530], %get3A_1457 : memref<8x8x133xf32, #tpu.memory_space<vmem>>[vector<16xi32>, vector<16xi32>, vector<16xi32>], vector<16xf32>,
        %scatter3A_1546 = arith.constant 0 : i32
        %scatter3A_1547 = arith.constant 0 : i32
        %scatter3A_1548 = arith.constant 0 : i32
        %scatter3A_1549 = tpu.memref_slice %arg8[%scan3A_1074, %scatter3A_1546, %scatter3A_1547, %scatter3A_1548] : memref<4x8x8x133xf32, #tpu.memory_space<vmem>> -> memref<1x8x8x133xf32, #tpu.memory_space<vmem>>
        %scatter3A_1550 = tpu.memref_squeeze %scatter3A_1549 : memref<1x8x8x133xf32, #tpu.memory_space<vmem>> -> memref<8x8x133xf32, #tpu.memory_space<vmem>>
        tpu.vector_store_idx %scatter3A_1550[%select_n3A_128, %select_n3A_226, %add3A_1530], %get3A_1466 : memref<8x8x133xf32, #tpu.memory_space<vmem>>[vector<16xi32>, vector<16xi32>, vector<16xi32>], vector<16xf32>,
        %add3A_1551 = arith.constant 7 : i32
        %add3A_1552 = arith.addi %add3A_1150, %add3A_1551 : i32
        %get3A_1553 = arith.constant 0 : i32
        %get3A_1554 = arith.constant 0 : i32
        %get3A_1555 = tpu.memref_slice %arg7[%scan3A_1073, %get3A_1553, %get3A_1554] : memref<4x128x64xf32, #tpu.memory_space<vmem>> -> memref<1x128x64xf32, #tpu.memory_space<vmem>>
        %get3A_1556 = tpu.memref_squeeze %get3A_1555 : memref<1x128x64xf32, #tpu.memory_space<vmem>> -> memref<128x64xf32, #tpu.memory_space<vmem>>
        %get3A_1557 = arith.constant 0 : i32
        %get3A_1558 = tpu.memref_slice %get3A_1556[%add3A_1552, %get3A_1557] : memref<128x64xf32, #tpu.memory_space<vmem>> -> memref<1x64xf32, #tpu.memory_space<vmem>>
        %get3A_1559 = tpu.memref_squeeze %get3A_1558 : memref<1x64xf32, #tpu.memory_space<vmem>> -> memref<64xf32, #tpu.memory_space<vmem>>
        %get3A_1560 = arith.constant 0 : index
        %get3A_1561 = tpu.vector_load %get3A_1559[%get3A_1560] {strides = array<i32>} : memref<64xf32, #tpu.memory_space<vmem>>, vector<16xf32>,
        %get3A_1562 = arith.constant 0 : i32
        %get3A_1563 = arith.constant 0 : i32
        %get3A_1564 = tpu.memref_slice %arg7[%scan3A_1073, %get3A_1562, %get3A_1563] : memref<4x128x64xf32, #tpu.memory_space<vmem>> -> memref<1x128x64xf32, #tpu.memory_space<vmem>>
        %get3A_1565 = tpu.memref_squeeze %get3A_1564 : memref<1x128x64xf32, #tpu.memory_space<vmem>> -> memref<128x64xf32, #tpu.memory_space<vmem>>
        %get3A_1566 = arith.constant 0 : i32
        %get3A_1567 = tpu.memref_slice %get3A_1565[%add3A_1552, %get3A_1566] : memref<128x64xf32, #tpu.memory_space<vmem>> -> memref<1x64xf32, #tpu.memory_space<vmem>>
        %get3A_1568 = tpu.memref_squeeze %get3A_1567 : memref<1x64xf32, #tpu.memory_space<vmem>> -> memref<64xf32, #tpu.memory_space<vmem>>
        %get3A_1569 = arith.constant 16 : index
        %get3A_1570 = tpu.vector_load %get3A_1568[%get3A_1569] {strides = array<i32>} : memref<64xf32, #tpu.memory_space<vmem>>, vector<16xf32>,
        %get3A_1571 = arith.constant 0 : i32
        %get3A_1572 = arith.constant 0 : i32
        %get3A_1573 = tpu.memref_slice %arg7[%scan3A_1073, %get3A_1571, %get3A_1572] : memref<4x128x64xf32, #tpu.memory_space<vmem>> -> memref<1x128x64xf32, #tpu.memory_space<vmem>>
        %get3A_1574 = tpu.memref_squeeze %get3A_1573 : memref<1x128x64xf32, #tpu.memory_space<vmem>> -> memref<128x64xf32, #tpu.memory_space<vmem>>
        %get3A_1575 = arith.constant 0 : i32
        %get3A_1576 = tpu.memref_slice %get3A_1574[%add3A_1552, %get3A_1575] : memref<128x64xf32, #tpu.memory_space<vmem>> -> memref<1x64xf32, #tpu.memory_space<vmem>>
        %get3A_1577 = tpu.memref_squeeze %get3A_1576 : memref<1x64xf32, #tpu.memory_space<vmem>> -> memref<64xf32, #tpu.memory_space<vmem>>
        %get3A_1578 = arith.constant 32 : index
        %get3A_1579 = tpu.vector_load %get3A_1577[%get3A_1578] {strides = array<i32>} : memref<64xf32, #tpu.memory_space<vmem>>, vector<16xf32>,
        %get3A_1580 = arith.constant 0 : i32
        %get3A_1581 = arith.constant 0 : i32
        %get3A_1582 = tpu.memref_slice %arg7[%scan3A_1073, %get3A_1580, %get3A_1581] : memref<4x128x64xf32, #tpu.memory_space<vmem>> -> memref<1x128x64xf32, #tpu.memory_space<vmem>>
        %get3A_1583 = tpu.memref_squeeze %get3A_1582 : memref<1x128x64xf32, #tpu.memory_space<vmem>> -> memref<128x64xf32, #tpu.memory_space<vmem>>
        %get3A_1584 = arith.constant 0 : i32
        %get3A_1585 = tpu.memref_slice %get3A_1583[%add3A_1552, %get3A_1584] : memref<128x64xf32, #tpu.memory_space<vmem>> -> memref<1x64xf32, #tpu.memory_space<vmem>>
        %get3A_1586 = tpu.memref_squeeze %get3A_1585 : memref<1x64xf32, #tpu.memory_space<vmem>> -> memref<64xf32, #tpu.memory_space<vmem>>
        %get3A_1587 = arith.constant 48 : index
        %get3A_1588 = tpu.vector_load %get3A_1586[%get3A_1587] {strides = array<i32>} : memref<64xf32, #tpu.memory_space<vmem>>, vector<16xf32>,
        %add3A_1589 = arith.constant 6 : i32
        %add3A_1590 = vector.broadcast %add3A_1589 : i32 to vector<16xi32>
        %add3A_1591 = arith.addi %scan3A_1146, %add3A_1590 : vector<16xi32>
        %scatter3A_1592 = arith.constant 0 : i32
        %scatter3A_1593 = arith.constant 0 : i32
        %scatter3A_1594 = arith.constant 0 : i32
        %scatter3A_1595 = tpu.memref_slice %arg8[%scan3A_1074, %scatter3A_1592, %scatter3A_1593, %scatter3A_1594] : memref<4x8x8x133xf32, #tpu.memory_space<vmem>> -> memref<1x8x8x133xf32, #tpu.memory_space<vmem>>
        %scatter3A_1596 = tpu.memref_squeeze %scatter3A_1595 : memref<1x8x8x133xf32, #tpu.memory_space<vmem>> -> memref<8x8x133xf32, #tpu.memory_space<vmem>>
        tpu.vector_store_idx %scatter3A_1596[%select_n3A, %select_n3A_151, %add3A_1591], %get3A_1500 : memref<8x8x133xf32, #tpu.memory_space<vmem>>[vector<16xi32>, vector<16xi32>, vector<16xi32>], vector<16xf32>,
        %scatter3A_1597 = arith.constant 0 : i32
        %scatter3A_1598 = arith.constant 0 : i32
        %scatter3A_1599 = arith.constant 0 : i32
        %scatter3A_1600 = tpu.memref_slice %arg8[%scan3A_1074, %scatter3A_1597, %scatter3A_1598, %scatter3A_1599] : memref<4x8x8x133xf32, #tpu.memory_space<vmem>> -> memref<1x8x8x133xf32, #tpu.memory_space<vmem>>
        %scatter3A_1601 = tpu.memref_squeeze %scatter3A_1600 : memref<1x8x8x133xf32, #tpu.memory_space<vmem>> -> memref<8x8x133xf32, #tpu.memory_space<vmem>>
        tpu.vector_store_idx %scatter3A_1601[%select_n3A_60, %select_n3A_176, %add3A_1591], %get3A_1509 : memref<8x8x133xf32, #tpu.memory_space<vmem>>[vector<16xi32>, vector<16xi32>, vector<16xi32>], vector<16xf32>,
        %scatter3A_1602 = arith.constant 0 : i32
        %scatter3A_1603 = arith.constant 0 : i32
        %scatter3A_1604 = arith.constant 0 : i32
        %scatter3A_1605 = tpu.memref_slice %arg8[%scan3A_1074, %scatter3A_1602, %scatter3A_1603, %scatter3A_1604] : memref<4x8x8x133xf32, #tpu.memory_space<vmem>> -> memref<1x8x8x133xf32, #tpu.memory_space<vmem>>
        %scatter3A_1606 = tpu.memref_squeeze %scatter3A_1605 : memref<1x8x8x133xf32, #tpu.memory_space<vmem>> -> memref<8x8x133xf32, #tpu.memory_space<vmem>>
        tpu.vector_store_idx %scatter3A_1606[%select_n3A_94, %select_n3A_201, %add3A_1591], %get3A_1518 : memref<8x8x133xf32, #tpu.memory_space<vmem>>[vector<16xi32>, vector<16xi32>, vector<16xi32>], vector<16xf32>,
        %scatter3A_1607 = arith.constant 0 : i32
        %scatter3A_1608 = arith.constant 0 : i32
        %scatter3A_1609 = arith.constant 0 : i32
        %scatter3A_1610 = tpu.memref_slice %arg8[%scan3A_1074, %scatter3A_1607, %scatter3A_1608, %scatter3A_1609] : memref<4x8x8x133xf32, #tpu.memory_space<vmem>> -> memref<1x8x8x133xf32, #tpu.memory_space<vmem>>
        %scatter3A_1611 = tpu.memref_squeeze %scatter3A_1610 : memref<1x8x8x133xf32, #tpu.memory_space<vmem>> -> memref<8x8x133xf32, #tpu.memory_space<vmem>>
        tpu.vector_store_idx %scatter3A_1611[%select_n3A_128, %select_n3A_226, %add3A_1591], %get3A_1527 : memref<8x8x133xf32, #tpu.memory_space<vmem>>[vector<16xi32>, vector<16xi32>, vector<16xi32>], vector<16xf32>,
        %add3A_1612 = arith.constant 7 : i32
        %add3A_1613 = vector.broadcast %add3A_1612 : i32 to vector<16xi32>
        %add3A_1614 = arith.addi %scan3A_1146, %add3A_1613 : vector<16xi32>
        %scatter3A_1615 = arith.constant 0 : i32
        %scatter3A_1616 = arith.constant 0 : i32
        %scatter3A_1617 = arith.constant 0 : i32
        %scatter3A_1618 = tpu.memref_slice %arg8[%scan3A_1074, %scatter3A_1615, %scatter3A_1616, %scatter3A_1617] : memref<4x8x8x133xf32, #tpu.memory_space<vmem>> -> memref<1x8x8x133xf32, #tpu.memory_space<vmem>>
        %scatter3A_1619 = tpu.memref_squeeze %scatter3A_1618 : memref<1x8x8x133xf32, #tpu.memory_space<vmem>> -> memref<8x8x133xf32, #tpu.memory_space<vmem>>
        tpu.vector_store_idx %scatter3A_1619[%select_n3A, %select_n3A_151, %add3A_1614], %get3A_1561 : memref<8x8x133xf32, #tpu.memory_space<vmem>>[vector<16xi32>, vector<16xi32>, vector<16xi32>], vector<16xf32>,
        %scatter3A_1620 = arith.constant 0 : i32
        %scatter3A_1621 = arith.constant 0 : i32
        %scatter3A_1622 = arith.constant 0 : i32
        %scatter3A_1623 = tpu.memref_slice %arg8[%scan3A_1074, %scatter3A_1620, %scatter3A_1621, %scatter3A_1622] : memref<4x8x8x133xf32, #tpu.memory_space<vmem>> -> memref<1x8x8x133xf32, #tpu.memory_space<vmem>>
        %scatter3A_1624 = tpu.memref_squeeze %scatter3A_1623 : memref<1x8x8x133xf32, #tpu.memory_space<vmem>> -> memref<8x8x133xf32, #tpu.memory_space<vmem>>
        tpu.vector_store_idx %scatter3A_1624[%select_n3A_60, %select_n3A_176, %add3A_1614], %get3A_1570 : memref<8x8x133xf32, #tpu.memory_space<vmem>>[vector<16xi32>, vector<16xi32>, vector<16xi32>], vector<16xf32>,
        %scatter3A_1625 = arith.constant 0 : i32
        %scatter3A_1626 = arith.constant 0 : i32
        %scatter3A_1627 = arith.constant 0 : i32
        %scatter3A_1628 = tpu.memref_slice %arg8[%scan3A_1074, %scatter3A_1625, %scatter3A_1626, %scatter3A_1627] : memref<4x8x8x133xf32, #tpu.memory_space<vmem>> -> memref<1x8x8x133xf32, #tpu.memory_space<vmem>>
        %scatter3A_1629 = tpu.memref_squeeze %scatter3A_1628 : memref<1x8x8x133xf32, #tpu.memory_space<vmem>> -> memref<8x8x133xf32, #tpu.memory_space<vmem>>
        tpu.vector_store_idx %scatter3A_1629[%select_n3A_94, %select_n3A_201, %add3A_1614], %get3A_1579 : memref<8x8x133xf32, #tpu.memory_space<vmem>>[vector<16xi32>, vector<16xi32>, vector<16xi32>], vector<16xf32>,
        %scatter3A_1630 = arith.constant 0 : i32
        %scatter3A_1631 = arith.constant 0 : i32
        %scatter3A_1632 = arith.constant 0 : i32
        %scatter3A_1633 = tpu.memref_slice %arg8[%scan3A_1074, %scatter3A_1630, %scatter3A_1631, %scatter3A_1632] : memref<4x8x8x133xf32, #tpu.memory_space<vmem>> -> memref<1x8x8x133xf32, #tpu.memory_space<vmem>>
        %scatter3A_1634 = tpu.memref_squeeze %scatter3A_1633 : memref<1x8x8x133xf32, #tpu.memory_space<vmem>> -> memref<8x8x133xf32, #tpu.memory_space<vmem>>
        tpu.vector_store_idx %scatter3A_1634[%select_n3A_128, %select_n3A_226, %add3A_1614], %get3A_1588 : memref<8x8x133xf32, #tpu.memory_space<vmem>>[vector<16xi32>, vector<16xi32>, vector<16xi32>], vector<16xf32>,
        %add3A_1635 = arith.constant 8 : i32
        %add3A_1636 = vector.broadcast %add3A_1635 : i32 to vector<16xi32>
        %add3A_1637 = arith.addi %scan3A_1146, %add3A_1636 : vector<16xi32>
        scf.yield %add3A_1637 : vector<16xi32>
      }
      %scan3A_1080 = arith.constant 16 : i32
      %jit3A_1081 = arith.constant 50 : i32
      %div3A_1082 = arith.divsi %add3A_1045, %jit3A_1081 : i32
      %sign3A_1083 = arith.constant 0 : i32
      %sign3A_1084 = arith.cmpi sgt, %add3A_1045, %sign3A_1083 : i32
      %sign3A_1085 = arith.extui %sign3A_1084 : i1 to i32
      %sign3A_1086 = arith.constant 0 : i32
      %sign3A_1087 = arith.cmpi slt, %add3A_1045, %sign3A_1086 : i32
      %sign3A_1088 = arith.extui %sign3A_1087 : i1 to i32
      %sign3A_1089 = arith.subi %sign3A_1085, %sign3A_1088 : i32
      %sign3A_1090 = arith.constant 0 : i32
      %sign3A_1091 = arith.cmpi sgt, %jit3A_1081, %sign3A_1090 : i32
      %sign3A_1092 = arith.extui %sign3A_1091 : i1 to i32
      %sign3A_1093 = arith.constant 0 : i32
      %sign3A_1094 = arith.cmpi slt, %jit3A_1081, %sign3A_1093 : i32
      %sign3A_1095 = arith.extui %sign3A_1094 : i1 to i32
      %sign3A_1096 = arith.subi %sign3A_1092, %sign3A_1095 : i32
      %ne3A_1097 = arith.cmpi ne, %sign3A_1089, %sign3A_1096 : i32
      %rem3A_1098 = arith.remsi %add3A_1045, %jit3A_1081 : i32
      %ne3A_1099 = arith.constant 0 : i32
      %ne3A_1100 = arith.cmpi ne, %rem3A_1098, %ne3A_1099 : i32
      %and3A_1101 = arith.andi %ne3A_1097, %ne3A_1100 : i1
      %sub3A_1102 = arith.constant 1 : i32
      %sub3A_1103 = arith.subi %div3A_1082, %sub3A_1102 : i32
      %select_n3A_1104 = arith.select %and3A_1101, %sub3A_1103, %div3A_1082 : i32
      %jit3A_1105 = arith.constant 50 : i32
      %eq3A_1106 = arith.constant 0 : i32
      %eq3A_1107 = arith.cmpi eq, %jit3A_1105, %eq3A_1106 : i32
      %jit3A_1108 = arith.constant 1 : i32
      %select_n3A_1109 = arith.select %eq3A_1107, %jit3A_1108, %jit3A_1105 : i32
      %rem3A_1110 = arith.remsi %add3A_1045, %select_n3A_1109 : i32
      %ne3A_1111 = arith.constant 0 : i32
      %ne3A_1112 = arith.cmpi ne, %rem3A_1110, %ne3A_1111 : i32
      %lt3A_1113 = arith.constant 0 : i32
      %lt3A_1114 = arith.cmpi slt, %rem3A_1110, %lt3A_1113 : i32
      %lt3A_1115 = arith.constant 0 : i32
      %lt3A_1116 = arith.cmpi slt, %select_n3A_1109, %lt3A_1115 : i32
      %ne3A_1117 = arith.xori %lt3A_1114, %lt3A_1116 : i1
      %and3A_1118 = arith.andi %ne3A_1117, %ne3A_1112 : i1
      %add3A_1119 = arith.addi %rem3A_1110, %select_n3A_1109 : i32
      %select_n3A_1120 = arith.select %and3A_1118, %add3A_1119, %rem3A_1110 : i32
      %mul3A_1121 = arith.constant 4 : i32
      %mul3A_1122 = arith.muli %add3A, %mul3A_1121 : i32
      %add3A_1123 = arith.addi %mul3A_1122, %select_n3A_1104 : i32
      %dma_start3A_1124 = arith.constant 3 : i32
      %dma_start3A_1125 = arith.constant 0 : i32
      %dma_start3A_1126 = arith.constant 0 : i32
      %dma_start3A_1127 = arith.constant 0 : i32
      %dma_start3A_1128 = tpu.memref_slice %arg8[%dma_start3A_1124, %dma_start3A_1125, %dma_start3A_1126, %dma_start3A_1127] : memref<4x8x8x133xf32, #tpu.memory_space<vmem>> -> memref<1x8x8x128xf32, #tpu.memory_space<vmem>>
      %dma_start3A_1129 = tpu.memref_squeeze %dma_start3A_1128 : memref<1x8x8x128xf32, #tpu.memory_space<vmem>> -> memref<8x8x128xf32, #tpu.memory_space<vmem>>
      %dma_start3A_1130 = arith.constant 0 : i32
      %dma_start3A_1131 = arith.constant 0 : i32
      %dma_start3A_1132 = arith.constant 0 : i32
      %dma_start3A_1133 = tpu.memref_slice %arg4[%select_n3A_1120, %dma_start3A_1130, %add3A_1123, %dma_start3A_1131, %dma_start3A_1132] : memref<50x8x128x8x128xf32, #tpu.memory_space<hbm>> -> memref<1x8x1x8x128xf32, #tpu.memory_space<hbm>>
      %dma_start3A_1134 = tpu.memref_squeeze %dma_start3A_1133 : memref<1x8x1x8x128xf32, #tpu.memory_space<hbm>> -> memref<8x8x128xf32, #tpu.memory_space<hbm>>
      %dma_start3A_1135 = arith.constant 0 : i32
      %dma_start3A_1136 = arith.constant 0 : i32
      %dma_start3A_1137 = arith.constant 0 : i32
      %dma_start3A_1138 = tpu.memref_slice %arg4[%select_n3A_1120, %dma_start3A_1135, %add3A_1123, %dma_start3A_1136, %dma_start3A_1137] : memref<50x8x128x8x128xf32, #tpu.memory_space<hbm>> -> memref<1x8x1x8x128xf32, #tpu.memory_space<hbm>>
      %dma_start3A_1139 = tpu.memref_squeeze %dma_start3A_1138 : memref<1x8x1x8x128xf32, #tpu.memory_space<hbm>> -> memref<8x8x128xf32, #tpu.memory_space<hbm>>
      %dma_start3A_1140 = arith.constant 0 : i32
      %dma_start3A_1141 = arith.constant 0 : i32
      %dma_start3A_1142 = arith.constant 0 : i32
      %dma_start3A_1143 = tpu.memref_slice %arg8[%dma_start3A_1124, %dma_start3A_1140, %dma_start3A_1141, %dma_start3A_1142] : memref<4x8x8x133xf32, #tpu.memory_space<vmem>> -> memref<1x8x8x128xf32, #tpu.memory_space<vmem>>
      %dma_start3A_1144 = tpu.memref_squeeze %dma_start3A_1143 : memref<1x8x8x128xf32, #tpu.memory_space<vmem>> -> memref<8x8x128xf32, #tpu.memory_space<vmem>>
      tpu.enqueue_dma source(%dma_start3A_1144 : memref<8x8x128xf32, #tpu.memory_space<vmem>>) target(%dma_start3A_1139 : memref<8x8x128xf32, #tpu.memory_space<hbm>>) target_semaphore(%arg16 : memref<!tpu.dma_semaphore, #tpu.memory_space<semaphore_mem>>)
    }
    %scan3A_647 = arith.constant 50 : i32
    %dma_wait3A = arith.constant 0 : i32
    %dma_wait3A_648 = arith.constant 0 : i32
    %dma_wait3A_649 = arith.constant 0 : i32
    %dma_wait3A_650 = arith.constant 0 : i32
    %dma_wait3A_651 = arith.constant 0 : i32
    %dma_wait3A_652 = arith.constant 0 : i32
    %dma_wait3A_653 = tpu.memref_slice %arg8[%dma_wait3A, %dma_wait3A_650, %dma_wait3A_651, %dma_wait3A_652] : memref<4x8x8x133xf32, #tpu.memory_space<vmem>> -> memref<1x8x8x128xf32, #tpu.memory_space<vmem>>
    %dma_wait3A_654 = tpu.memref_squeeze %dma_wait3A_653 : memref<1x8x8x128xf32, #tpu.memory_space<vmem>> -> memref<8x8x128xf32, #tpu.memory_space<vmem>>
    %dma_wait3A_655 = arith.constant 0 : i32
    %dma_wait3A_656 = arith.constant 0 : i32
    %dma_wait3A_657 = arith.constant 0 : i32
    %dma_wait3A_658 = tpu.memref_slice %arg4[%dma_wait3A_648, %dma_wait3A_655, %dma_wait3A_649, %dma_wait3A_656, %dma_wait3A_657] : memref<50x8x128x8x128xf32, #tpu.memory_space<hbm>> -> memref<1x8x1x8x128xf32, #tpu.memory_space<hbm>>
    %dma_wait3A_659 = tpu.memref_squeeze %dma_wait3A_658 : memref<1x8x1x8x128xf32, #tpu.memory_space<hbm>> -> memref<8x8x128xf32, #tpu.memory_space<hbm>>
    %dma_wait3A_660 = arith.constant 0 : i32
    %dma_wait3A_661 = arith.constant 0 : i32
    %dma_wait3A_662 = arith.constant 0 : i32
    %dma_wait3A_663 = tpu.memref_slice %arg4[%dma_wait3A_648, %dma_wait3A_660, %dma_wait3A_649, %dma_wait3A_661, %dma_wait3A_662] : memref<50x8x128x8x128xf32, #tpu.memory_space<hbm>> -> memref<1x8x1x8x128xf32, #tpu.memory_space<hbm>>
    %dma_wait3A_664 = tpu.memref_squeeze %dma_wait3A_663 : memref<1x8x1x8x128xf32, #tpu.memory_space<hbm>> -> memref<8x8x128xf32, #tpu.memory_space<hbm>>
    %dma_wait3A_665 = arith.constant 0 : i32
    %dma_wait3A_666 = arith.constant 0 : i32
    %dma_wait3A_667 = arith.constant 0 : i32
    %dma_wait3A_668 = tpu.memref_slice %arg8[%dma_wait3A, %dma_wait3A_665, %dma_wait3A_666, %dma_wait3A_667] : memref<4x8x8x133xf32, #tpu.memory_space<vmem>> -> memref<1x8x8x128xf32, #tpu.memory_space<vmem>>
    %dma_wait3A_669 = tpu.memref_squeeze %dma_wait3A_668 : memref<1x8x8x128xf32, #tpu.memory_space<vmem>> -> memref<8x8x128xf32, #tpu.memory_space<vmem>>
    tpu.wait_dma2 semaphore(%arg13 : memref<!tpu.dma_semaphore, #tpu.memory_space<semaphore_mem>>) src(%dma_wait3A_669 : memref<8x8x128xf32, #tpu.memory_space<vmem>>) dst(%dma_wait3A_664 : memref<8x8x128xf32, #tpu.memory_space<hbm>>)
    %dma_wait3A_670 = arith.constant 1 : i32
    %dma_wait3A_671 = arith.constant 0 : i32
    %dma_wait3A_672 = arith.constant 0 : i32
    %dma_wait3A_673 = arith.constant 0 : i32
    %dma_wait3A_674 = arith.constant 0 : i32
    %dma_wait3A_675 = arith.constant 0 : i32
    %dma_wait3A_676 = tpu.memref_slice %arg8[%dma_wait3A_670, %dma_wait3A_673, %dma_wait3A_674, %dma_wait3A_675] : memref<4x8x8x133xf32, #tpu.memory_space<vmem>> -> memref<1x8x8x128xf32, #tpu.memory_space<vmem>>
    %dma_wait3A_677 = tpu.memref_squeeze %dma_wait3A_676 : memref<1x8x8x128xf32, #tpu.memory_space<vmem>> -> memref<8x8x128xf32, #tpu.memory_space<vmem>>
    %dma_wait3A_678 = arith.constant 0 : i32
    %dma_wait3A_679 = arith.constant 0 : i32
    %dma_wait3A_680 = arith.constant 0 : i32
    %dma_wait3A_681 = tpu.memref_slice %arg4[%dma_wait3A_671, %dma_wait3A_678, %dma_wait3A_672, %dma_wait3A_679, %dma_wait3A_680] : memref<50x8x128x8x128xf32, #tpu.memory_space<hbm>> -> memref<1x8x1x8x128xf32, #tpu.memory_space<hbm>>
    %dma_wait3A_682 = tpu.memref_squeeze %dma_wait3A_681 : memref<1x8x1x8x128xf32, #tpu.memory_space<hbm>> -> memref<8x8x128xf32, #tpu.memory_space<hbm>>
    %dma_wait3A_683 = arith.constant 0 : i32
    %dma_wait3A_684 = arith.constant 0 : i32
    %dma_wait3A_685 = arith.constant 0 : i32
    %dma_wait3A_686 = tpu.memref_slice %arg4[%dma_wait3A_671, %dma_wait3A_683, %dma_wait3A_672, %dma_wait3A_684, %dma_wait3A_685] : memref<50x8x128x8x128xf32, #tpu.memory_space<hbm>> -> memref<1x8x1x8x128xf32, #tpu.memory_space<hbm>>
    %dma_wait3A_687 = tpu.memref_squeeze %dma_wait3A_686 : memref<1x8x1x8x128xf32, #tpu.memory_space<hbm>> -> memref<8x8x128xf32, #tpu.memory_space<hbm>>
    %dma_wait3A_688 = arith.constant 0 : i32
    %dma_wait3A_689 = arith.constant 0 : i32
    %dma_wait3A_690 = arith.constant 0 : i32
    %dma_wait3A_691 = tpu.memref_slice %arg8[%dma_wait3A_670, %dma_wait3A_688, %dma_wait3A_689, %dma_wait3A_690] : memref<4x8x8x133xf32, #tpu.memory_space<vmem>> -> memref<1x8x8x128xf32, #tpu.memory_space<vmem>>
    %dma_wait3A_692 = tpu.memref_squeeze %dma_wait3A_691 : memref<1x8x8x128xf32, #tpu.memory_space<vmem>> -> memref<8x8x128xf32, #tpu.memory_space<vmem>>
    tpu.wait_dma2 semaphore(%arg14 : memref<!tpu.dma_semaphore, #tpu.memory_space<semaphore_mem>>) src(%dma_wait3A_692 : memref<8x8x128xf32, #tpu.memory_space<vmem>>) dst(%dma_wait3A_687 : memref<8x8x128xf32, #tpu.memory_space<hbm>>)
    %dma_wait3A_693 = arith.constant 2 : i32
    %dma_wait3A_694 = arith.constant 0 : i32
    %dma_wait3A_695 = arith.constant 0 : i32
    %dma_wait3A_696 = arith.constant 0 : i32
    %dma_wait3A_697 = arith.constant 0 : i32
    %dma_wait3A_698 = arith.constant 0 : i32
    %dma_wait3A_699 = tpu.memref_slice %arg8[%dma_wait3A_693, %dma_wait3A_696, %dma_wait3A_697, %dma_wait3A_698] : memref<4x8x8x133xf32, #tpu.memory_space<vmem>> -> memref<1x8x8x128xf32, #tpu.memory_space<vmem>>
    %dma_wait3A_700 = tpu.memref_squeeze %dma_wait3A_699 : memref<1x8x8x128xf32, #tpu.memory_space<vmem>> -> memref<8x8x128xf32, #tpu.memory_space<vmem>>
    %dma_wait3A_701 = arith.constant 0 : i32
    %dma_wait3A_702 = arith.constant 0 : i32
    %dma_wait3A_703 = arith.constant 0 : i32
    %dma_wait3A_704 = tpu.memref_slice %arg4[%dma_wait3A_694, %dma_wait3A_701, %dma_wait3A_695, %dma_wait3A_702, %dma_wait3A_703] : memref<50x8x128x8x128xf32, #tpu.memory_space<hbm>> -> memref<1x8x1x8x128xf32, #tpu.memory_space<hbm>>
    %dma_wait3A_705 = tpu.memref_squeeze %dma_wait3A_704 : memref<1x8x1x8x128xf32, #tpu.memory_space<hbm>> -> memref<8x8x128xf32, #tpu.memory_space<hbm>>
    %dma_wait3A_706 = arith.constant 0 : i32
    %dma_wait3A_707 = arith.constant 0 : i32
    %dma_wait3A_708 = arith.constant 0 : i32
    %dma_wait3A_709 = tpu.memref_slice %arg4[%dma_wait3A_694, %dma_wait3A_706, %dma_wait3A_695, %dma_wait3A_707, %dma_wait3A_708] : memref<50x8x128x8x128xf32, #tpu.memory_space<hbm>> -> memref<1x8x1x8x128xf32, #tpu.memory_space<hbm>>
    %dma_wait3A_710 = tpu.memref_squeeze %dma_wait3A_709 : memref<1x8x1x8x128xf32, #tpu.memory_space<hbm>> -> memref<8x8x128xf32, #tpu.memory_space<hbm>>
    %dma_wait3A_711 = arith.constant 0 : i32
    %dma_wait3A_712 = arith.constant 0 : i32
    %dma_wait3A_713 = arith.constant 0 : i32
    %dma_wait3A_714 = tpu.memref_slice %arg8[%dma_wait3A_693, %dma_wait3A_711, %dma_wait3A_712, %dma_wait3A_713] : memref<4x8x8x133xf32, #tpu.memory_space<vmem>> -> memref<1x8x8x128xf32, #tpu.memory_space<vmem>>
    %dma_wait3A_715 = tpu.memref_squeeze %dma_wait3A_714 : memref<1x8x8x128xf32, #tpu.memory_space<vmem>> -> memref<8x8x128xf32, #tpu.memory_space<vmem>>
    tpu.wait_dma2 semaphore(%arg15 : memref<!tpu.dma_semaphore, #tpu.memory_space<semaphore_mem>>) src(%dma_wait3A_715 : memref<8x8x128xf32, #tpu.memory_space<vmem>>) dst(%dma_wait3A_710 : memref<8x8x128xf32, #tpu.memory_space<hbm>>)
    %dma_wait3A_716 = arith.constant 3 : i32
    %dma_wait3A_717 = arith.constant 0 : i32
    %dma_wait3A_718 = arith.constant 0 : i32
    %dma_wait3A_719 = arith.constant 0 : i32
    %dma_wait3A_720 = arith.constant 0 : i32
    %dma_wait3A_721 = arith.constant 0 : i32
    %dma_wait3A_722 = tpu.memref_slice %arg8[%dma_wait3A_716, %dma_wait3A_719, %dma_wait3A_720, %dma_wait3A_721] : memref<4x8x8x133xf32, #tpu.memory_space<vmem>> -> memref<1x8x8x128xf32, #tpu.memory_space<vmem>>
    %dma_wait3A_723 = tpu.memref_squeeze %dma_wait3A_722 : memref<1x8x8x128xf32, #tpu.memory_space<vmem>> -> memref<8x8x128xf32, #tpu.memory_space<vmem>>
    %dma_wait3A_724 = arith.constant 0 : i32
    %dma_wait3A_725 = arith.constant 0 : i32
    %dma_wait3A_726 = arith.constant 0 : i32
    %dma_wait3A_727 = tpu.memref_slice %arg4[%dma_wait3A_717, %dma_wait3A_724, %dma_wait3A_718, %dma_wait3A_725, %dma_wait3A_726] : memref<50x8x128x8x128xf32, #tpu.memory_space<hbm>> -> memref<1x8x1x8x128xf32, #tpu.memory_space<hbm>>
    %dma_wait3A_728 = tpu.memref_squeeze %dma_wait3A_727 : memref<1x8x1x8x128xf32, #tpu.memory_space<hbm>> -> memref<8x8x128xf32, #tpu.memory_space<hbm>>
    %dma_wait3A_729 = arith.constant 0 : i32
    %dma_wait3A_730 = arith.constant 0 : i32
    %dma_wait3A_731 = arith.constant 0 : i32
    %dma_wait3A_732 = tpu.memref_slice %arg4[%dma_wait3A_717, %dma_wait3A_729, %dma_wait3A_718, %dma_wait3A_730, %dma_wait3A_731] : memref<50x8x128x8x128xf32, #tpu.memory_space<hbm>> -> memref<1x8x1x8x128xf32, #tpu.memory_space<hbm>>
    %dma_wait3A_733 = tpu.memref_squeeze %dma_wait3A_732 : memref<1x8x1x8x128xf32, #tpu.memory_space<hbm>> -> memref<8x8x128xf32, #tpu.memory_space<hbm>>
    %dma_wait3A_734 = arith.constant 0 : i32
    %dma_wait3A_735 = arith.constant 0 : i32
    %dma_wait3A_736 = arith.constant 0 : i32
    %dma_wait3A_737 = tpu.memref_slice %arg8[%dma_wait3A_716, %dma_wait3A_734, %dma_wait3A_735, %dma_wait3A_736] : memref<4x8x8x133xf32, #tpu.memory_space<vmem>> -> memref<1x8x8x128xf32, #tpu.memory_space<vmem>>
    %dma_wait3A_738 = tpu.memref_squeeze %dma_wait3A_737 : memref<1x8x8x128xf32, #tpu.memory_space<vmem>> -> memref<8x8x128xf32, #tpu.memory_space<vmem>>
    tpu.wait_dma2 semaphore(%arg16 : memref<!tpu.dma_semaphore, #tpu.memory_space<semaphore_mem>>) src(%dma_wait3A_738 : memref<8x8x128xf32, #tpu.memory_space<vmem>>) dst(%dma_wait3A_733 : memref<8x8x128xf32, #tpu.memory_space<hbm>>)
    return
  }
}

</mosaic_0001>

<sc_bundles>
// kernel: _lookup.3.cloned.1.call-start
scs
__scs_entry_jumppad:
0x0: {  	(pc) =	sbr.rel $0x88, $3  }
0x1: {  	(tag) =	ssettag $0x0;
	lr =	simm.s32 $0x1  }
0x2: {  	[smem:$0x3F9F] =	sst lr;
	_ =	strace $0xD0000000  }
0x3: {  	_ = 	snop  }
0x4: {  	_ = 	snop  }
0x5: {  	_ = 	snop  }
0x6: {  	_ = 	snop  }
0x7: {  	_ = 	snop  }
__scs_overlays_trampoline_lowered:
0x8: {  	[smem:$0x3FAE] =	sst s0  }
0x9: {  	[smem:$0x3FAF] =	sst s1  }
0xa: {  	[smem:$0x3FB0] =	sst s2  }
0xb: {  	[smem:$0x3FB1] =	sst s3  }
0xc: {  	[smem:$0x3FB2] =	sst s4  }
0xd: {  	[smem:$0x3FB3] =	sst s5  }
0xe: {  	[smem:$0x3FB4] =	sst s6  }
0xf: {  	[smem:$0x3FB5] =	sst s7  }
0x10: {  	[smem:$0x3FB6] =	sst s8  }
0x11: {  	[smem:$0x3FB7] =	sst s9;
	s0 =	simm.s32 @!p0 $0x0  }
0x12: {  	s1 =	sld [smem:$0x3F9D];
	s0 =	simm.s32 @p0 $0x1  }
0x13: {  	[smem:$0x3FB8] =	sst s0;
	s0 =	simm.s32 @!p1 $0x0  }
0x14: {  	s2 =	sld [smem:$0x3F9C];
	s0 =	simm.s32 @p1 $0x1  }
0x15: {  	[smem:$0x3FB9] =	sst s0;
	s0 =	simm.s32 @!p2 $0x0  }
0x16: {  	s3 =	sld [smem:$0x3FDB];
	s0 =	simm.s32 @p2 $0x1  }
0x17: {  	s4 =	simm.s32 $0x1BF5;
	[smem:$0x3FBB] =	sst s0  }
0x18: {  	s0 =	sld [smem:$0x3F9E];
	_ =	swait.ge [sflag:s4], $0x0  }
0x19: {  	s7 =	sld [smem:$0x3F9F]  }
0x1a: {  	s8 =	sadd.s32 $0xFFFFE003, lr  }
0x1b: {  	s9 =	sadd.s32 $0xFFFFFEF7, lr;
	s5 =	simm.s32 $0xFFFFFFFF;
	p2 =	slt.u32 s8, $0xFFFFF086  }
0x1c: {  	p1 =	slt.u32 s9, $0xF7A;
	s5 =	simm.s32 @!p2 $0x0  }
0x1d: {  	s5 =	simm.s32 @p1 $0x1;
	p0 =	seq.s32 s7, s2  }
0x1e: {  	s7 =	smul.u32 @!p0 $0xF7A, s2;
	p2 =	seq.s32 @!p0 s5, $0x0  }
0x1f: {  	s9 =	smul.u32 $0xF7A, s1;
	s8 =	simm.s32 @!p0 $0x1BF5;
	p2 =	por !p2, p0  }
0x20: {  	[sflag:s8] =	ssyncset.s32 @!p0 $0xFFFFF086;
	s6 =	sadd.s32 @!p0 s3, s7;
	s7 =	simm.s32 @!p0 $0x108  }
0x21: {  	s3 =	sadd.s32 s3, s9;
	s6 =	sadd.s32 @!p0 $0x88, s6;
	s7 =	simm.s32 @p2 $0x1082  }
0x22: {  	[simem:s7], [sflag:s8] =	dma.local @!p0 [hbm:s6], $0xF7A  }
0x23: {  	s9 =	sor.u32 $0xD0000000, s2;
	s6 =	simm.s32 $0x108;
	_ =	swait.ge @!p0 [sflag:s8], $0x0  }
0x24: {  	s3 =	sadd.s32 $0x88, s3;
	s6 =	simm.s32 @!p1 $0x1082;
	[sflag:s4] =	ssyncset.s32 $0xFFFFF086  }
0x25: {  	[simem:s6], [sflag:s4] =	dma.local [hbm:s3], $0xF7A  }
0x26: {  	[smem:$0x3F9F] =	sst s1;
	(tag) =	ssettag s2;
	_ =	strace s9  }
0x27: {  	s1 =	sld [smem:$0x3FAF]  }
0x28: {  	s2 =	sld [smem:$0x3FB0]  }
0x29: {  	s4 =	sld [smem:$0x3FB2]  }
0x2a: {  	p0 =	seq.s32 s5, $0x0;
	s5 =	sld [smem:$0x3FB3]  }
0x2b: {  	s6 =	sld [smem:$0x3FB4]  }
0x2c: {  	s7 =	sld [smem:$0x3FB5]  }
0x2d: {  	s3 =	simm.s32 $0x108;
	s8 =	sld [smem:$0x3FB6]  }
0x2e: {  	s3 =	simm.s32 @!p0 $0x1082;
	s9 =	sld [smem:$0x3FB7]  }
0x2f: {  	lr =	sadd.s32 s0, s3;
	s0 =	sld [smem:$0x3FAE]  }
0x30: {  	s3 =	sld [smem:$0x3FB1]  }
0x31: {  	[smem:$0x3FBA] =	sst s10  }
0x32: {  	s10 =	sld [smem:$0x3FB8];
	_ =	sdelay $0x3  }
0x33: {  	p0 =	seq.s32 s10, $0x1;
	s10 =	sld [smem:$0x3FBA];
	_ =	sdelay $0x3  }
0x34: {  	[smem:$0x3FBA] =	sst s10  }
0x35: {  	s10 =	sld [smem:$0x3FB9];
	_ =	sdelay $0x3  }
0x36: {  	p1 =	seq.s32 s10, $0x1;
	s10 =	sld [smem:$0x3FBA];
	_ =	sdelay $0x3  }
0x37: {  	[smem:$0x3FBA] =	sst s10  }
0x38: {  	s10 =	sld [smem:$0x3FBB]  }
0x39: {  	_ = 	snop;
	(pc) =	sbr.ind lr, $3  }
0x3a: {  	_ = 	snop  }
0x3b: {  	_ = 	snop  }
0x3c: {  	p2 =	seq.s32 s10, $0x1;
	s10 =	sld [smem:$0x3FBA]  }
0x3d: {  	_ =	shalt  }
0x3e: {  	_ =	shalt  }
0x3f: {  	_ =	shalt  }
0x40: {  	_ =	shalt  }
0x41: {  	_ =	shalt  }
0x42: {  	_ =	shalt  }
0x43: {  	_ =	shalt  }
0x44: {  	_ =	shalt  }
0x45: {  	_ =	shalt  }
0x46: {  	_ =	shalt  }
0x47: {  	_ =	shalt  }
0x48: {  	_ =	shalt  }
0x49: {  	_ =	shalt  }
0x4a: {  	_ =	shalt  }
0x4b: {  	_ =	shalt  }
0x4c: {  	_ =	shalt  }
0x4d: {  	_ =	shalt  }
0x4e: {  	_ =	shalt  }
0x4f: {  	_ =	shalt  }
0x50: {  	_ =	shalt  }
0x51: {  	_ =	shalt  }
0x52: {  	_ =	shalt  }
0x53: {  	_ =	shalt  }
0x54: {  	_ =	shalt  }
0x55: {  	_ =	shalt  }
0x56: {  	_ =	shalt  }
0x57: {  	_ =	shalt  }
0x58: {  	_ =	shalt  }
0x59: {  	_ =	shalt  }
0x5a: {  	_ =	shalt  }
0x5b: {  	_ =	shalt  }
0x5c: {  	_ =	shalt  }
0x5d: {  	_ =	shalt  }
0x5e: {  	_ =	shalt  }
0x5f: {  	_ =	shalt  }
0x60: {  	_ =	shalt  }
0x61: {  	_ =	shalt  }
0x62: {  	_ =	shalt  }
0x63: {  	_ =	shalt  }
0x64: {  	_ =	shalt  }
0x65: {  	_ =	shalt  }
0x66: {  	_ =	shalt  }
0x67: {  	_ =	shalt  }
0x68: {  	_ =	shalt  }
0x69: {  	_ =	shalt  }
0x6a: {  	_ =	shalt  }
0x6b: {  	_ =	shalt  }
0x6c: {  	_ =	shalt  }
0x6d: {  	_ =	shalt  }
0x6e: {  	_ =	shalt  }
0x6f: {  	_ =	shalt  }
0x70: {  	_ =	shalt  }
0x71: {  	_ =	shalt  }
0x72: {  	_ =	shalt  }
0x73: {  	_ =	shalt  }
0x74: {  	_ =	shalt  }
0x75: {  	_ =	shalt  }
0x76: {  	_ =	shalt  }
0x77: {  	_ =	shalt  }
0x78: {  	_ =	shalt  }
0x79: {  	_ =	shalt  }
0x7a: {  	_ =	shalt  }
0x7b: {  	_ =	shalt  }
0x7c: {  	_ =	shalt  }
0x7d: {  	_ =	shalt  }
0x7e: {  	_ =	shalt  }
0x7f: {  	_ =	shalt  }
0x80: {  	_ =	shalt  }
0x81: {  	_ =	shalt  }
0x82: {  	_ =	shalt  }
0x83: {  	_ =	shalt  }
0x84: {  	_ =	shalt  }
0x85: {  	_ =	shalt  }
0x86: {  	_ =	shalt  }
0x87: {  	_ =	shalt  }
.Lfunc_end0:
.L_simem_size_0:
called_computation_lowered:
.L_overlay_start_0:
0x88: {  	s2 =	sld [smem:$0x3FD9]  }
0x89: {  	s3 =	sld [smem:$0x3FFE];
	_ =	sdelay $0x1  }
0x8a: {  	s1 =	srdreg.scid  }
0x8b: {  	s0 =	sand.u32 $0x1, s1  }
0x8c: {  	s17 =	sshll.u32 s0, $0xA;
	s2 =	sadd.s32 s3, s2  }
0x8d: {  	s2 =	sadd.s32 s2, s17  }
0x8e: {  	[smem:$0x3FC6] =	sst s2  }
0x8f: {  	_ = 	snop  }
0x90: {  	s2 =	sld [smem:$0x3FD0];
	(tm) =	ssettm $0x1  }
0x91: {  	s18 =	sld [smem:$0x3FFB];
	_ =	sdelay $0x3  }
0x92: {  	_ =	strace s18  }
0x93: {  	s3 =	sld [smem:$0x3FFC];
	_ =	sdelay $0x3  }
0x94: {  	_ =	strace s3  }
0x95: {  	s3 =	sld [smem:$0x3FFD];
	_ =	sdelay $0x3  }
0x96: {  	_ =	strace s3  }
0x97: {  	_ =	strace $0x8FFFFFFF  }
0x98: {  	s19 =	sld [smem:$0x3FDB];
	_ =	sdelay $0x1  }
0x99: {  	s4 =	simm.s32 $_scs_section_size  }
0x9a: {  	s5 =	simm.s32 $_size__tile_overlayer_lowered;
	s6 =	simm.s32 $_tile_overlayer_lowered  }
0x9b: {  	s22 =	simm.s32 $0x1BFF;
	s21 =	sshll.u32 s6, $0x1;
	s3 =	sadd.s32 s4, s19  }
0x9c: {  	s7 =	simm.s32 $0x0;
	s20 =	sshll.u32 s5, $0x1;
	s5 =	sadd.s32 s21, s3  }
0x9d: {  	[timem:s7], [sflag:s22] =	dma.local [hbm:s5], s20  }
0x9e: {  	_ =	swait.ge [sflag:s22], s20  }
0x9f: {  	s4 =	ssub.s32 $0x0, s20;
	[sflag:s22] =	ssyncset.done $0x0  }
0xa0: {  	[sflag:s22] =	ssyncadd.s32 s4;
	_ =	sdelay $0x1  }
0xa1: {  	s23 =	simm.s32 $0x1B8B  }
0xa2: {  	_ =	swait.ge [sflag:s23], $0x1  }
0xa3: {  	[sflag:s23] =	ssyncset.done $0x0  }
0xa4: {  	s25 =	simm.s32 $0x1B8E;
	s24 =	sld [smem:$0x3FFE];
	[sflag:s23] =	ssyncadd.s32 $0xFFFFFFFF  }
0xa5: {  	s26 =	simm.s32 $execute0_lowered;
	[smem:$0x3FD2] =	sst s25  }
0xa6: {  	s5 =	sshll.u32 s26, $0x1;
	_ =	strace $0x80000046;
	[dreg:$0x1] =	wrdreg $0xFFFFFFFF  }
0xa7: {  	s28 =	simm.s32 $_size_execute0_lowered;
	s3 =	sadd.s32 s3, s5;
	[dreg:$0x0] =	wrdreg $0x0  }
0xa8: {  	s5 =	sshll.u32 s28, $0x1;
	[dreg:$0x2] =	wrdreg s3  }
0xa9: {  	[dreg:$0x3] =	wrdreg s5  }
0xaa: {  	[dreg:$0x4] =	wrdreg $0xC0  }
0xab: {  	_ =	task [dreg:s7], $0x5FFFF  }
0xac: {  	[dreg:$0x1] =	wrdreg $0xFFFFFFFF  }
0xad: {  	[dreg:$0x0] =	wrdreg $0x60  }
0xae: {  	[dreg:$0x2] =	wrdreg s24  }
0xaf: {  	[dreg:$0x3] =	wrdreg s2  }
0xb0: {  	[dreg:$0x4] =	wrdreg $0x9  }
0xb1: {  	_ =	task.clear_ibuf [dreg:s7], $0x5FFFF;
	_ =	strace $0x90000046  }
0xb2: {  	s29 =	simm.s32 $0x9;
	_ =	strace $0x80000048  }
0xb3: {  	_ =	swait.ge [sflag:s29], $0x1  }
0xb4: {  	[sflag:s29] =	ssyncadd.s32 $0xFFFFFFFF  }
0xb5: {  	_ =	strace $0x90000048  }
0xb6: {  	_ =	sfence  }
0xb7: {  	s30 =	sld [smem:$0x0];
	_ =	sdelay $0x2  }
0xb8: {  	s31 =	sshll.u32 s1, $0xD;
	s1 =	sshrl.u32 s1, $0x2  }
0xb9: {  	s3 =	sand.u32 $0x4000, s31;
	s1 =	sadd.s32 s1, s30  }
0xba: {  	s0 =	sor.u32 s3, s0;
	s1 =	sshll.u32 s1, $0x11  }
0xbb: {  	s0 =	sor.u32 s1, s0  }
0xbc: {  	s0 =	sadd.s32 $0x8F2B, s0  }
0xbd: {  	[sflag:s0] =	ssyncadd.remote.s32 $0x1  }
0xbe: {  	_ =	sfence.sel $0xFFFF  }
0xbf: {  	[dreg:$0x0] =	wrdreg $0xFFFFFFFF;
	(pc) =	sbr.abs _section_cstart, $3  }
0xc0: {  	[dreg:$0x1] =	wrdreg $0xFFFFFFFF  }
0xc1: {  	_ =	task.clear_ibuf [dreg:s7], $0x2FFFF;
	_ =	strace $0x9FFFFFFF  }
0xc2: {  	(tm) =	ssettm $0x7FFFFFFF  }
0xc3: {  	_ =	shalt  }
tec
execute0_lowered:
.L_overlay_start_1:
0x0: {  	(tag) =	ssettag $0x1  }
0x1: {  	v19 =	vlaneseq.u32  }
0x2: {  	v0 =	vmul.u32 $0x32, v19  }
0x3: {  	v19 =	vmul.u32 $0x88, v19  }
0x4: {  	v1 =	vadd.s32 $0x320, v0;
	v2 =	vadd.s32 $0x640, v0;
	v3 =	vadd.s32 $0x960, v0  }
0x5: {  	v4 =	vadd.s32 $0xC80, v0;
	v5 =	vadd.s32 $0xFA0, v0;
	v6 =	vadd.s32 $0x12C0, v0  }
0x6: {  	v7 =	vadd.s32 $0x15E0, v0;
	v8 =	vor.u32 $0x1, v0;
	v14 =	vadd.s32 $0x12C1, v0  }
0x7: {  	v15 =	vadd.s32 $0x15E1, v0;
	v16 =	vadd.s32 $0x2, v0;
	v17 =	vadd.s32 $0x322, v0  }
0x8: {  	v18 =	vadd.s32 $0x642, v0;
	v20 =	vadd.s32 $0x962, v0;
	v21 =	vadd.s32 $0xC82, v0  }
0x9: {  	s0 =	rddreg [dreg:$0x0];
	s1 =	srdreg.scid;
	v22 =	vadd.s32 $0xFA2, v0;
	v23 =	vadd.s32 $0x12C2, v0;
	v24 =	vadd.s32 $0x15E2, v0  }
0xa: {  	s3 =	stileid.u32;
	s2 =	rddreg [dreg:$0x1];
	v25 =	vadd.s32 $0x880, v19;
	v26 =	vadd.s32 $0x1100, v19;
	v27 =	vadd.s32 $0x1980, v19  }
0xb: {  	s9 =	simm.s32 $0x80;
	s16 =	simm.s32 $0x6580;
	s17 =	simm.s32 $0xC600;
	v28 =	vor.u32 $0x1, v19;
	v29 =	vadd.s32 $0x881, v19;
	v30 =	vadd.s32 $0x1101, v19  }
0xc: {  	s18 =	simm.s32 $0x1;
	s19 =	simm.s32 $0xE600;
	s20 =	simm.s32 $0x2;
	v31 =	vadd.s32 $0x1981, v19;
	v32 =	vor.u32 $0x2, v19;
	v33 =	vadd.s32 $0x882, v19  }
0xd: {  	s21 =	simm.s32 $0x10800;
	s22 =	simm.s32 $0x3;
	s23 =	simm.s32 $0x12A00;
	v34 =	vadd.s32 $0x1102, v19;
	v35 =	vadd.s32 $0x1982, v19;
	v36 =	vor.u32 $0x3, v19  }
0xe: {  	s24 =	simm.s32 $0x4;
	s1 =	sand.u32 $0x1, s1;
	s4 =	sshll.u32 s3, $0x1;
	v37 =	vadd.s32 $0x883, v19;
	v38 =	vadd.s32 $0x1103, v19;
	[tilespmem:$0x1FFA0] =	vst v8;
	v8 =	vadd.s32 $0x321, v0  }
0xf: {  	s28 =	simm.s32 $0x6;
	s29 =	simm.s32 $0x7;
	s5 =	sor.u32 s1, s4;
	v39 =	vadd.s32 $0x1983, v19;
	v40 =	vor.u32 $0x4, v19;
	[tilespmem:$0x1FFB0] =	vst v8;
	v8 =	vadd.s32 $0x641, v0  }
0x10: {  	s30 =	simm.s32 $0x8;
	s3 =	simm.s32 $0x0;
	s4 =	smul.u32 $0xC80, s5;
	v41 =	vadd.s32 $0x884, v19;
	v42 =	vadd.s32 $0x1104, v19;
	[tilespmem:$0x1FFC0] =	vst v8;
	v8 =	vadd.s32 $0x961, v0  }
0x11: {  	s31 =	simm.s32 $0x0;
	[smem:$0x7FF] =	sst s3;
	s1 =	ssub.s32 $0x2, s1;
	v43 =	vadd.s32 $0x1984, v19;
	v44 =	vor.u32 $0x5, v19;
	[tilespmem:$0x1FFD0] =	vst v8;
	v8 =	vadd.s32 $0xC81, v0  }
0x12: {  	s25 =	sshrl.u32 s1, $0x1;
	v45 =	vadd.s32 $0x885, v19;
	v46 =	vadd.s32 $0x1105, v19;
	s6 =	sadd.s32 s4, s0;
	s4 =	sadd.s32 $0xF42A00, s0;
	[tilespmem:$0x1FFE0] =	vst v8;
	v8 =	vadd.s32 $0xFA1, v0  }
0x13: {  	v47 =	vadd.s32 $0x1985, v19;
	v48 =	vor.u32 $0x6, v19;
	v49 =	vadd.s32 $0x886, v19;
	s0 =	ssub.s32 s1, s25;
	s25 =	simm.s32 $0x14C00;
	s26 =	sadd.s32 $0x600, s6;
	[tilespmem:$0x1FFF0] =	vst v8  }
0x14: {  	v50 =	vadd.s32 $0x1106, v19;
	v51 =	vadd.s32 $0x1986, v19;
	v52 =	vor.u32 $0x7, v19;
	s0 =	smax.u32 s0, $0x1;
	_ =	strace $0x80000047;
	[dreg:$0x3] =	wrdreg s26  }
0x15: {  	v53 =	vadd.s32 $0x887, v19;
	v54 =	vadd.s32 $0x1107, v19;
	v55 =	vadd.s32 $0x1987, v19;
	s6 =	sshll.u32 s5, $0x2;
	[dreg:$0x4] =	wrdreg s0;
	s26 =	simm.s32 $0x5  }
.LBB2_1:
0x16: {  	s0 =	rddreg [dreg:$0x3];
	s10 =	simm.s32 $0x9  }
0x17: {  	[tilespmem:s3], [sflag:$0x9] =	stream.linear.gather [hbm4b:s0+s3], $0x6400, $0x38;
	[tilespmem:$0x16E00] =	vst v63  }
0x18: {  	_ =	swait.ge [sflag:s10], $0x6400  }
0x19: {  	[sflag:s10] =	ssyncset.done $0x0  }
0x1a: {  	[sflag:s10] =	ssyncadd.s32 $0xFFFF9C00  }
0x1b: {  	v56 =	vld.idx.msk [tilespmem:v0+s3+$0x0], $0xffff;
	_ =	sdelay $0x4  }
0x1c: {  	[tilespmem:$0x6400] =	vst v56  }
0x1d: {  	v56 =	vld.idx.msk [tilespmem:v1+s3+$0x0], $0xffff;
	_ =	sdelay $0x4  }
0x1e: {  	[tilespmem:$0x6410] =	vst v56  }
0x1f: {  	v56 =	vld.idx.msk [tilespmem:v2+s3+$0x0], $0xffff;
	_ =	sdelay $0x4  }
0x20: {  	[tilespmem:$0x6420] =	vst v56  }
0x21: {  	v56 =	vld.idx.msk [tilespmem:v3+s3+$0x0], $0xffff;
	_ =	sdelay $0x4  }
0x22: {  	[tilespmem:$0x6430] =	vst v56  }
0x23: {  	v56 =	vld.idx.msk [tilespmem:v4+s3+$0x0], $0xffff;
	_ =	sdelay $0x4  }
0x24: {  	[tilespmem:$0x6440] =	vst v56  }
0x25: {  	v56 =	vld.idx.msk [tilespmem:v5+s3+$0x0], $0xffff;
	_ =	sdelay $0x4  }
0x26: {  	[tilespmem:$0x6450] =	vst v56  }
0x27: {  	v56 =	vld.idx.msk [tilespmem:v6+s3+$0x0], $0xffff;
	_ =	sdelay $0x4  }
0x28: {  	v8 =	vld [tilespmem:$0x1FFA0];
	[tilespmem:$0x6460] =	vst v56  }
0x29: {  	v56 =	vld.idx.msk [tilespmem:v7+s3+$0x0], $0xffff;
	_ =	sdelay $0x4  }
0x2a: {  	s11 =	simm.s32 $0x6400;
	s1 =	simm.s32 $0x6600;
	[tilespmem:$0x6470] =	vst v56  }
0x2b: {  	[tilespmem:s1], [sflag:$0x1] =	stream.indirect.gather [hbm4b:s4+s9], $0x40, s11, s9, $0xb8;
	[tilespmem:$0x16E00] =	vst v63  }
0x2c: {  	v56 =	vld.idx.msk [tilespmem:v8+s3+$0x0], $0xffff  }
0x2d: {  	v8 =	vld [tilespmem:$0x1FFB0];
	_ =	sdelay $0x6  }
0x2e: {  	[tilespmem:$0x6480] =	vst v56  }
0x2f: {  	v56 =	vld.idx.msk [tilespmem:v8+s3+$0x0], $0xffff  }
0x30: {  	v8 =	vld [tilespmem:$0x1FFC0];
	_ =	sdelay $0x6  }
0x31: {  	[tilespmem:$0x6490] =	vst v56  }
0x32: {  	v56 =	vld.idx.msk [tilespmem:v8+s3+$0x0], $0xffff  }
0x33: {  	v8 =	vld [tilespmem:$0x1FFD0];
	_ =	sdelay $0x6  }
0x34: {  	[tilespmem:$0x64A0] =	vst v56  }
0x35: {  	v56 =	vld.idx.msk [tilespmem:v8+s3+$0x0], $0xffff  }
0x36: {  	v8 =	vld [tilespmem:$0x1FFE0];
	_ =	sdelay $0x6  }
0x37: {  	[tilespmem:$0x64B0] =	vst v56  }
0x38: {  	v56 =	vld.idx.msk [tilespmem:v8+s3+$0x0], $0xffff  }
0x39: {  	v8 =	vld [tilespmem:$0x1FFF0];
	_ =	sdelay $0x6  }
0x3a: {  	[tilespmem:$0x64C0] =	vst v56  }
0x3b: {  	v56 =	vld.idx.msk [tilespmem:v8+s3+$0x0], $0xffff;
	_ =	sdelay $0x4  }
0x3c: {  	[tilespmem:$0x64D0] =	vst v56  }
0x3d: {  	v56 =	vld.idx.msk [tilespmem:v14+s3+$0x0], $0xffff;
	_ =	sdelay $0x4  }
0x3e: {  	[tilespmem:$0x64E0] =	vst v56  }
0x3f: {  	v56 =	vld.idx.msk [tilespmem:v15+s3+$0x0], $0xffff;
	_ =	sdelay $0x4  }
0x40: {  	s12 =	simm.s32 $0x6480;
	s13 =	simm.s32 $0x8600;
	[tilespmem:$0x64F0] =	vst v56  }
0x41: {  	[tilespmem:s13], [sflag:$0x2] =	stream.indirect.gather [hbm4b:s4+s9], $0x40, s12, s9, $0xb8;
	[tilespmem:$0x16E00] =	vst v63  }
0x42: {  	v56 =	vld.idx.msk [tilespmem:v16+s3+$0x0], $0xffff;
	_ =	sdelay $0x4  }
0x43: {  	[tilespmem:$0x6500] =	vst v56  }
0x44: {  	v56 =	vld.idx.msk [tilespmem:v17+s3+$0x0], $0xffff;
	_ =	sdelay $0x4  }
0x45: {  	[tilespmem:$0x6510] =	vst v56  }
0x46: {  	v56 =	vld.idx.msk [tilespmem:v18+s3+$0x0], $0xffff;
	_ =	sdelay $0x4  }
0x47: {  	[tilespmem:$0x6520] =	vst v56  }
0x48: {  	v56 =	vld.idx.msk [tilespmem:v20+s3+$0x0], $0xffff;
	_ =	sdelay $0x4  }
0x49: {  	[tilespmem:$0x6530] =	vst v56  }
0x4a: {  	v56 =	vld.idx.msk [tilespmem:v21+s3+$0x0], $0xffff;
	_ =	sdelay $0x4  }
0x4b: {  	[tilespmem:$0x6540] =	vst v56  }
0x4c: {  	v56 =	vld.idx.msk [tilespmem:v22+s3+$0x0], $0xffff;
	_ =	sdelay $0x4  }
0x4d: {  	[tilespmem:$0x6550] =	vst v56  }
0x4e: {  	v56 =	vld.idx.msk [tilespmem:v23+s3+$0x0], $0xffff;
	_ =	sdelay $0x4  }
0x4f: {  	[tilespmem:$0x6560] =	vst v56  }
0x50: {  	v56 =	vld.idx.msk [tilespmem:v24+s3+$0x0], $0xffff;
	_ =	sdelay $0x4  }
0x51: {  	s14 =	simm.s32 $0x6500;
	s15 =	simm.s32 $0xA600;
	s1 =	simm.s32 $0x0;
	[tilespmem:$0x6570] =	vst v56  }
0x52: {  	[tilespmem:s15], [sflag:$0x3] =	stream.indirect.gather [hbm4b:s4+s9], $0x40, s14, s9, $0xb8;
	[tilespmem:$0x16E00] =	vst v63  }
.LBB2_2:
0x53: {  	s5 =	sshllo.u32 s1, $0x2  }
0x54: {  	s0 =	sand.u32 $0xFF, s5  }
0x55: {  	s0 =	smul.u32 $0x29, s0;
	_ =	sdelay $0x1  }
0x56: {  	s0 =	sshrl.u32 s0, $0xB  }
0x57: {  	s7 =	smul.u32 $0x32, s0;
	_ =	sdelay $0x1  }
0x58: {  	s15 =	smul.u32 $0x1900, s0;
	s5 =	ssub.s32 s5, s7  }
0x59: {  	s10 =	sand.u32 $0xFF, s5  }
0x5a: {  	s5 =	sor.u32 s10, s15  }
0x5b: {  	v56 =	vadd.s32 s5, v0;
	_ =	sdelay $0x4  }
0x5c: {  	v56 =	vld.idx.msk [tilespmem:v56+s3+$0x0], $0xffff  }
0x5d: {  	v57 =	vadd.s32 s5, v1;
	_ =	sdelay $0x3  }
0x5e: {  	[tilespmem:$0x6580] =	vst v56  }
0x5f: {  	v56 =	vld.idx.msk [tilespmem:v57+s3+$0x0], $0xffff  }
0x60: {  	v10 =	vadd.s32 s5, v2;
	_ =	sdelay $0x3  }
0x61: {  	[tilespmem:$0x6590] =	vst v56  }
0x62: {  	v56 =	vld.idx.msk [tilespmem:v10+s3+$0x0], $0xffff  }
0x63: {  	v11 =	vadd.s32 s5, v3;
	_ =	sdelay $0x3  }
0x64: {  	[tilespmem:$0x65A0] =	vst v56  }
0x65: {  	v56 =	vld.idx.msk [tilespmem:v11+s3+$0x0], $0xffff  }
0x66: {  	v60 =	vadd.s32 s5, v4;
	_ =	sdelay $0x3  }
0x67: {  	[tilespmem:$0x65B0] =	vst v56  }
0x68: {  	v56 =	vld.idx.msk [tilespmem:v60+s3+$0x0], $0xffff  }
0x69: {  	v61 =	vadd.s32 s5, v5;
	_ =	sdelay $0x3  }
0x6a: {  	[tilespmem:$0x65C0] =	vst v56  }
0x6b: {  	v56 =	vld.idx.msk [tilespmem:v61+s3+$0x0], $0xffff  }
0x6c: {  	v62 =	vadd.s32 s5, v6;
	_ =	sdelay $0x3  }
0x6d: {  	[tilespmem:$0x65D0] =	vst v56  }
0x6e: {  	v56 =	vld.idx.msk [tilespmem:v62+s3+$0x0], $0xffff  }
0x6f: {  	v63 =	vadd.s32 s5, v7;
	_ =	sdelay $0x3  }
0x70: {  	[tilespmem:$0x65E0] =	vst v56  }
0x71: {  	v56 =	vld.idx.msk [tilespmem:v63+s3+$0x0], $0xffff;
	_ =	sdelay $0x3  }
0x72: {  	p0 =	seq.s32 s1, $0x0  }
0x73: {  	s5 =	simm.s32 @!p0 $0x5;
	[tilespmem:$0x65F0] =	vst v56  }
0x74: {  	[tilespmem:s17], [sflag:$0x4] =	stream.indirect.gather [hbm4b:s4+s9], $0x40, s16, s9, $0xb8;
	[tilespmem:$0x16E00] =	vst v63  }
0x75: {  	_ =	swait.ge @!p0 [sflag:s5], $0x2000  }
0x76: {  	[sflag:s5] =	ssyncset.done @!p0 $0x0  }
0x77: {  	[sflag:s5] =	ssyncadd.s32 @!p0 $0xFFFFE000  }
0x78: {  	_ =	swait.ge [sflag:s18], $0x2000  }
0x79: {  	[sflag:s18] =	ssyncset.done $0x0  }
0x7a: {  	s11 =	sshll.u32 s1, $0x2;
	s12 =	simm.s32 $0x0;
	v56 =	vimm.s32 $0x0;
	[sflag:s18] =	ssyncadd.s32 $0xFFFFE000  }
.LBB2_3:
0x7b: {  	s13 =	sshra.s32 s12, $0x2  }
0x7c: {  	v57 =	vld [tilespmem:s13+$0x6600]  }
0x7d: {  	v58 =	vld [tilespmem:s13+$0x6610]  }
0x7e: {  	v61 =	vadd.s32 v19, v56;
	v59 =	vld [tilespmem:s13+$0x6620]  }
0x7f: {  	v63 =	vadd.s32 v25, v56;
	v60 =	vld [tilespmem:s13+$0x6630]  }
0x80: {  	v9 =	vadd.s32 v26, v56;
	v62 =	vld [tilespmem:s13+$0x6640]  }
0x81: {  	v11 =	vadd.s32 v27, v56;
	v8 =	vld [tilespmem:s13+$0x6650]  }
0x82: {  	v10 =	vld [tilespmem:s13+$0x6660]  }
0x83: {  	v12 =	vld [tilespmem:s13+$0x6670];
	[tilespmem:v61+s19+$0x0] =	vst.idx.msk $0xffff, v57  }
0x84: {  	[tilespmem:v63+s19+$0x0] =	vst.idx.msk $0xffff, v58  }
0x85: {  	[tilespmem:v9+s19+$0x0] =	vst.idx.msk $0xffff, v59;
	v9 =	vadd.s32 v28, v56  }
0x86: {  	v57 =	vadd.s32 v29, v56;
	[tilespmem:v11+s19+$0x0] =	vst.idx.msk $0xffff, v60  }
0x87: {  	v59 =	vadd.s32 v30, v56;
	v11 =	vld [tilespmem:s13+$0x6680]  }
0x88: {  	v61 =	vadd.s32 v31, v56;
	v58 =	vld [tilespmem:s13+$0x6690]  }
0x89: {  	v60 =	vld [tilespmem:s13+$0x66A0]  }
0x8a: {  	v63 =	vld [tilespmem:s13+$0x66B0];
	[tilespmem:v9+s19+$0x0] =	vst.idx.msk $0xffff, v62  }
0x8b: {  	[tilespmem:v57+s19+$0x0] =	vst.idx.msk $0xffff, v8  }
0x8c: {  	v8 =	vadd.s32 v32, v56;
	[tilespmem:v59+s19+$0x0] =	vst.idx.msk $0xffff, v10  }
0x8d: {  	v10 =	vadd.s32 v33, v56;
	[tilespmem:v61+s19+$0x0] =	vst.idx.msk $0xffff, v12  }
0x8e: {  	v57 =	vadd.s32 v34, v56;
	v9 =	vld [tilespmem:s13+$0x66C0]  }
0x8f: {  	v61 =	vadd.s32 v35, v56;
	v12 =	vld [tilespmem:s13+$0x66D0]  }
0x90: {  	v59 =	vld [tilespmem:s13+$0x66E0]  }
0x91: {  	v62 =	vld [tilespmem:s13+$0x66F0];
	[tilespmem:v8+s19+$0x0] =	vst.idx.msk $0xffff, v11  }
0x92: {  	[tilespmem:v10+s19+$0x0] =	vst.idx.msk $0xffff, v58  }
0x93: {  	v8 =	vadd.s32 v36, v56;
	[tilespmem:v57+s19+$0x0] =	vst.idx.msk $0xffff, v60  }
0x94: {  	v11 =	vadd.s32 v37, v56;
	[tilespmem:v61+s19+$0x0] =	vst.idx.msk $0xffff, v63  }
0x95: {  	v58 =	vadd.s32 v38, v56;
	v10 =	vld [tilespmem:s13+$0x6700]  }
0x96: {  	v61 =	vadd.s32 v39, v56;
	v57 =	vld [tilespmem:s13+$0x6710]  }
0x97: {  	v60 =	vld [tilespmem:s13+$0x6720]  }
0x98: {  	v63 =	vld [tilespmem:s13+$0x6730];
	[tilespmem:v8+s19+$0x0] =	vst.idx.msk $0xffff, v9  }
0x99: {  	[tilespmem:v11+s19+$0x0] =	vst.idx.msk $0xffff, v12  }
0x9a: {  	v8 =	vadd.s32 v40, v56;
	[tilespmem:v58+s19+$0x0] =	vst.idx.msk $0xffff, v59  }
0x9b: {  	v11 =	vadd.s32 v41, v56;
	[tilespmem:v61+s19+$0x0] =	vst.idx.msk $0xffff, v62  }
0x9c: {  	v58 =	vadd.s32 v42, v56;
	v9 =	vld [tilespmem:s13+$0x6740]  }
0x9d: {  	v61 =	vadd.s32 v43, v56;
	v12 =	vld [tilespmem:s13+$0x6750]  }
0x9e: {  	v59 =	vld [tilespmem:s13+$0x6760]  }
0x9f: {  	v62 =	vld [tilespmem:s13+$0x6770];
	[tilespmem:v8+s19+$0x0] =	vst.idx.msk $0xffff, v10  }
0xa0: {  	[tilespmem:v11+s19+$0x0] =	vst.idx.msk $0xffff, v57  }
0xa1: {  	v8 =	vadd.s32 v44, v56;
	[tilespmem:v58+s19+$0x0] =	vst.idx.msk $0xffff, v60  }
0xa2: {  	v11 =	vadd.s32 v45, v56;
	[tilespmem:v61+s19+$0x0] =	vst.idx.msk $0xffff, v63  }
0xa3: {  	v58 =	vadd.s32 v46, v56;
	v10 =	vld [tilespmem:s13+$0x6780]  }
0xa4: {  	v61 =	vadd.s32 v47, v56;
	v57 =	vld [tilespmem:s13+$0x6790]  }
0xa5: {  	v60 =	vld [tilespmem:s13+$0x67A0]  }
0xa6: {  	v63 =	vld [tilespmem:s13+$0x67B0];
	[tilespmem:v8+s19+$0x0] =	vst.idx.msk $0xffff, v9  }
0xa7: {  	[tilespmem:v11+s19+$0x0] =	vst.idx.msk $0xffff, v12  }
0xa8: {  	v8 =	vadd.s32 v48, v56;
	[tilespmem:v58+s19+$0x0] =	vst.idx.msk $0xffff, v59  }
0xa9: {  	v11 =	vadd.s32 v49, v56;
	[tilespmem:v61+s19+$0x0] =	vst.idx.msk $0xffff, v62  }
0xaa: {  	v58 =	vadd.s32 v50, v56;
	v9 =	vld [tilespmem:s13+$0x67C0]  }
0xab: {  	v61 =	vadd.s32 v51, v56;
	v12 =	vld [tilespmem:s13+$0x67D0]  }
0xac: {  	v13 =	vadd.s32 v52, v56;
	v59 =	vld [tilespmem:s13+$0x67E0]  }
0xad: {  	v62 =	vld [tilespmem:s13+$0x67F0];
	[tilespmem:v8+s19+$0x0] =	vst.idx.msk $0xffff, v10;
	v8 =	vadd.s32 v53, v56  }
0xae: {  	[tilespmem:v11+s19+$0x0] =	vst.idx.msk $0xffff, v57;
	v57 =	vadd.s32 v54, v56  }
0xaf: {  	p0 =	sne.s32 s12, $0x7800;
	[tilespmem:v58+s19+$0x0] =	vst.idx.msk $0xffff, v60;
	v60 =	vadd.s32 v55, v56  }
.Ltmp0:
0xb0: {  	[tilespmem:v61+s19+$0x0] =	vst.idx.msk $0xffff, v63;
	(pc) =	sbr.rel @p0 .LBB2_3-.Ltmp0, $4  }
0xb1: {  	[tilespmem:v13+s19+$0x0] =	vst.idx.msk $0xffff, v9  }
0xb2: {  	[tilespmem:v8+s19+$0x0] =	vst.idx.msk $0xffff, v12  }
0xb3: {  	[tilespmem:v57+s19+$0x0] =	vst.idx.msk $0xffff, v59  }
0xb4: {  	s12 =	sadd.s32 $0x800, s12;
	v56 =	vadd.s32 $0x8, v56;
	[tilespmem:v60+s19+$0x0] =	vst.idx.msk $0xffff, v62  }
0xb5: {  	s5 =	smulhi.u32 $0x51EB851F, s11;
	_ =	sdelay $0x1  }
0xb6: {  	s5 =	sshrl.u32 s5, $0x4  }
0xb7: {  	s7 =	smul.u32 $0x32, s5;
	_ =	sdelay $0x1  }
0xb8: {  	s7 =	ssub.s32 s11, s7  }
0xb9: {  	s5 =	sadd.s32 s6, s5;
	s7 =	sshll.u32 s7, $0x11  }
0xba: {  	s12 =	sshll.u32 s5, $0x7;
	s14 =	sadd.s32 s2, s7  }
0xbb: {  	s15 =	simm.s32 $0xE600;
	s14 =	sadd.s32 s12, s14  }
0xbc: {  	[hbm4b:s14+s3] =	stream.linear.scatter [tilespmem:s15], [sflag:$0x5], $0x80, $0x38;
	[tilespmem:$0x16E00] =	vst v63  }
0xbd: {  	s7 =	simm.s32 $0xE688;
	s8 =	sadd.s32 $0x10, s14  }
0xbe: {  	[hbm4b:s8+s3] =	stream.linear.scatter [tilespmem:s7], [sflag:$0x5], $0x80, $0x38;
	[tilespmem:$0x16E00] =	vst v63  }
0xbf: {  	s13 =	simm.s32 $0xE710;
	s15 =	sadd.s32 $0x20, s14  }
0xc0: {  	[hbm4b:s15+s3] =	stream.linear.scatter [tilespmem:s13], [sflag:$0x5], $0x80, $0x38;
	[tilespmem:$0x16E00] =	vst v63  }
0xc1: {  	s7 =	simm.s32 $0xE798;
	s8 =	sadd.s32 $0x30, s14  }
0xc2: {  	[hbm4b:s8+s3] =	stream.linear.scatter [tilespmem:s7], [sflag:$0x5], $0x80, $0x38;
	[tilespmem:$0x16E00] =	vst v63  }
0xc3: {  	s13 =	simm.s32 $0xE820;
	s15 =	sadd.s32 $0x40, s14  }
0xc4: {  	[hbm4b:s15+s3] =	stream.linear.scatter [tilespmem:s13], [sflag:$0x5], $0x80, $0x38;
	[tilespmem:$0x16E00] =	vst v63  }
0xc5: {  	s5 =	simm.s32 $0xE9B8;
	s7 =	simm.s32 $0xE8A8;
	s8 =	sadd.s32 $0x50, s14  }
0xc6: {  	[hbm4b:s8+s3] =	stream.linear.scatter [tilespmem:s7], [sflag:$0x5], $0x80, $0x38;
	[tilespmem:$0x16E00] =	vst v63  }
0xc7: {  	s13 =	simm.s32 $0xE930;
	s15 =	sadd.s32 $0x60, s14;
	s7 =	sadd.s32 $0x70, s14  }
0xc8: {  	[hbm4b:s15+s3] =	stream.linear.scatter [tilespmem:s13], [sflag:$0x5], $0x80, $0x38;
	[tilespmem:$0x16E00] =	vst v63  }
0xc9: {  	s14 =	sadd.s32 $0x4000, s14;
	s13 =	simm.s32 $0x440;
	s15 =	simm.s32 $0x2200  }
.LBB2_5:
0xca: {  	[hbm4b:s7+s3] =	stream.linear.scatter [tilespmem:s5], [sflag:$0x5], $0x80, $0x38;
	[tilespmem:$0x16E00] =	vst v63  }
0xcb: {  	s5 =	smov.u32 s13;
	s7 =	smov.u32 s15  }
0xcc: {  	s8 =	sadd.s32 $0x1100, s15;
	s13 =	sshra.s32 s7, $0x2;
	s7 =	sadd.s32 $0xE600, s5  }
0xcd: {  	[hbm4b:s14+s3] =	stream.linear.scatter [tilespmem:s7], [sflag:$0x5], $0x80, $0x38;
	[tilespmem:$0x16E00] =	vst v63  }
0xce: {  	p0 =	sne.s32 s15, $0x7700;
	s15 =	sadd.s32 $0x10, s14;
	s7 =	sadd.s32 $0xE688, s5  }
0xcf: {  	[hbm4b:s15+s3] =	stream.linear.scatter [tilespmem:s7], [sflag:$0x5], $0x80, $0x38;
	[tilespmem:$0x16E00] =	vst v63  }
0xd0: {  	s7 =	sadd.s32 $0xE710, s5;
	s15 =	sadd.s32 $0x20, s14  }
0xd1: {  	[hbm4b:s15+s3] =	stream.linear.scatter [tilespmem:s7], [sflag:$0x5], $0x80, $0x38;
	[tilespmem:$0x16E00] =	vst v63  }
0xd2: {  	s7 =	sadd.s32 $0xE798, s5;
	s15 =	sadd.s32 $0x30, s14  }
0xd3: {  	[hbm4b:s15+s3] =	stream.linear.scatter [tilespmem:s7], [sflag:$0x5], $0x80, $0x38;
	[tilespmem:$0x16E00] =	vst v63  }
0xd4: {  	s7 =	sadd.s32 $0xE820, s5;
	s15 =	sadd.s32 $0x40, s14  }
0xd5: {  	[hbm4b:s15+s3] =	stream.linear.scatter [tilespmem:s7], [sflag:$0x5], $0x80, $0x38;
	[tilespmem:$0x16E00] =	vst v63  }
.Ltmp1:
0xd6: {  	s7 =	sadd.s32 $0xE8A8, s5;
	s15 =	sadd.s32 $0x50, s14;
	(pc) =	sbr.rel @p0 .LBB2_5-.Ltmp1, $4  }
0xd7: {  	[hbm4b:s15+s3] =	stream.linear.scatter [tilespmem:s7], [sflag:$0x5], $0x80, $0x38;
	[tilespmem:$0x16E00] =	vst v63  }
0xd8: {  	s7 =	sadd.s32 $0xE930, s5;
	s15 =	sadd.s32 $0x60, s14;
	s5 =	sadd.s32 $0xE9B8, s5  }
0xd9: {  	[hbm4b:s15+s3] =	stream.linear.scatter [tilespmem:s7], [sflag:$0x5], $0x80, $0x38;
	[tilespmem:$0x16E00] =	vst v63  }
0xda: {  	s7 =	sadd.s32 $0x70, s14;
	s14 =	sadd.s32 $0x4000, s14;
	s15 =	smov.u32 s8  }
0xdb: {  	[hbm4b:s7+s3] =	stream.linear.scatter [tilespmem:s5], [sflag:$0x5], $0x80, $0x38;
	[tilespmem:$0x16E00] =	vst v63  }
0xdc: {  	s7 =	sadd.s32 $0xE600, s13  }
0xdd: {  	[hbm4b:s14+s3] =	stream.linear.scatter [tilespmem:s7], [sflag:$0x5], $0x80, $0x38;
	[tilespmem:$0x16E00] =	vst v63  }
0xde: {  	s8 =	sadd.s32 $0xE688, s13;
	s15 =	sadd.s32 $0x10, s14  }
0xdf: {  	[hbm4b:s15+s3] =	stream.linear.scatter [tilespmem:s8], [sflag:$0x5], $0x80, $0x38;
	[tilespmem:$0x16E00] =	vst v63  }
0xe0: {  	s8 =	sadd.s32 $0xE710, s13;
	s15 =	sadd.s32 $0x20, s14  }
0xe1: {  	[hbm4b:s15+s3] =	stream.linear.scatter [tilespmem:s8], [sflag:$0x5], $0x80, $0x38;
	[tilespmem:$0x16E00] =	vst v63  }
0xe2: {  	p0 =	seq.s32 s1, $0x31;
	s8 =	sadd.s32 $0xE798, s13;
	s15 =	sadd.s32 $0x30, s14  }
0xe3: {  	[hbm4b:s15+s3] =	stream.linear.scatter [tilespmem:s8], [sflag:$0x5], $0x80, $0x38;
	[tilespmem:$0x16E00] =	vst v63  }
0xe4: {  	s5 =	sadd.s32 @!p0 $0x4, s11;
	s8 =	sadd.s32 $0xE820, s13;
	s15 =	sadd.s32 $0x40, s14  }
0xe5: {  	[hbm4b:s15+s3] =	stream.linear.scatter [tilespmem:s8], [sflag:$0x5], $0x80, $0x38;
	[tilespmem:$0x16E00] =	vst v63  }
0xe6: {  	s7 =	sadd.s32 $0xE8A8, s13;
	s8 =	sadd.s32 $0x50, s14;
	s15 =	smulhi.u32 @!p0 $0x51EB851F, s5  }
0xe7: {  	[hbm4b:s8+s3] =	stream.linear.scatter [tilespmem:s7], [sflag:$0x5], $0x80, $0x38;
	[tilespmem:$0x16E00] =	vst v63  }
0xe8: {  	s7 =	sshrl.u32 @!p0 s15, $0x4  }
0xe9: {  	s8 =	smul.u32 @!p0 $0x32, s7  }
0xea: {  	v8 =	vlaneseq.u32 @!p0;
	s7 =	smul.u32 @!p0 $0x1900, s7  }
0xeb: {  	v8 =	vmul.u32 @!p0 $0x32, v8;
	s5 =	ssub.s32 @!p0 s5, s8  }
0xec: {  	s5 =	sor.u32 @!p0 s5, s7  }
0xed: {  	v9 =	vadd.s32 @!p0 s5, v8  }
0xee: {  	s15 =	sadd.s32 $0x60, s14;
	s8 =	sadd.s32 $0xE930, s13  }
0xef: {  	[hbm4b:s15+s3] =	stream.linear.scatter [tilespmem:s8], [sflag:$0x5], $0x80, $0x38;
	[tilespmem:$0x16E00] =	vst v63  }
0xf0: {  	s13 =	sadd.s32 $0xE9B8, s13;
	s15 =	sadd.s32 $0x70, s14;
	s7 =	simm.s32 @!p0 $0x0  }
0xf1: {  	[hbm4b:s15+s3] =	stream.linear.scatter [tilespmem:s13], [sflag:$0x5], $0x80, $0x38;
	[tilespmem:$0x16E00] =	vst v63  }
0xf2: {  	v10 =	vadd.s32 @!p0 $0x320, v8;
	v9 =	vld.idx.msk @!p0 [tilespmem:v9+s7+$0x0], $0xffff  }
0xf3: {  	v10 =	vadd.s32 @!p0 s5, v10;
	_ =	sdelay $0x3  }
0xf4: {  	[tilespmem:$0x6400] =	vst @!p0 v9  }
0xf5: {  	v9 =	vld.idx.msk @!p0 [tilespmem:v10+s7+$0x0], $0xffff;
	v10 =	vadd.s32 @!p0 $0x640, v8  }
0xf6: {  	v10 =	vadd.s32 @!p0 s5, v10;
	_ =	sdelay $0x3  }
0xf7: {  	[tilespmem:$0x6410] =	vst @!p0 v9  }
0xf8: {  	v9 =	vld.idx.msk @!p0 [tilespmem:v10+s7+$0x0], $0xffff;
	v10 =	vadd.s32 @!p0 $0x960, v8  }
0xf9: {  	v10 =	vadd.s32 @!p0 s5, v10;
	_ =	sdelay $0x3  }
0xfa: {  	[tilespmem:$0x6420] =	vst @!p0 v9  }
0xfb: {  	v9 =	vld.idx.msk @!p0 [tilespmem:v10+s7+$0x0], $0xffff;
	v10 =	vadd.s32 @!p0 $0xC80, v8  }
0xfc: {  	v10 =	vadd.s32 @!p0 s5, v10;
	_ =	sdelay $0x3  }
0xfd: {  	[tilespmem:$0x6430] =	vst @!p0 v9  }
0xfe: {  	v9 =	vld.idx.msk @!p0 [tilespmem:v10+s7+$0x0], $0xffff;
	v10 =	vadd.s32 @!p0 $0xFA0, v8  }
0xff: {  	v10 =	vadd.s32 @!p0 s5, v10;
	_ =	sdelay $0x3  }
0x100: {  	[tilespmem:$0x6440] =	vst @!p0 v9  }
0x101: {  	v9 =	vld.idx.msk @!p0 [tilespmem:v10+s7+$0x0], $0xffff;
	v10 =	vadd.s32 @!p0 $0x12C0, v8  }
0x102: {  	v10 =	vadd.s32 @!p0 s5, v10;
	_ =	sdelay $0x3  }
0x103: {  	[tilespmem:$0x6450] =	vst @!p0 v9  }
0x104: {  	v8 =	vadd.s32 @!p0 $0x15E0, v8;
	v9 =	vld.idx.msk @!p0 [tilespmem:v10+s7+$0x0], $0xffff  }
0x105: {  	v8 =	vadd.s32 @!p0 s5, v8;
	_ =	sdelay $0x3  }
0x106: {  	[tilespmem:$0x6460] =	vst @!p0 v9  }
0x107: {  	v8 =	vld.idx.msk @!p0 [tilespmem:v8+s7+$0x0], $0xffff;
	_ =	sdelay $0x2  }
0x108: {  	p1 =	seq.s32 @!p0 s1, $0x0  }
0x109: {  	p1 =	por p0, !p1  }
0x10a: {  	s8 =	simm.s32 @!p0 $0x6600;
	s5 =	simm.s32 @!p0 $0x80;
	s7 =	simm.s32 @!p0 $0x6400;
	[tilespmem:$0x6470] =	vst @!p0 v8  }
0x10b: {  	[tilespmem:s8], [sflag:$0x1] =	stream.indirect.gather @!p0 [hbm4b:s4+s5], $0x40, s7, s5, $0xb8;
	[tilespmem:$0x16E00] =	vst v63  }
0x10c: {  	_ =	swait.ge @p1 [sflag:s28], $0x2000  }
0x10d: {  	[sflag:s28] =	ssyncset.done @p1 $0x0  }
0x10e: {  	[sflag:s28] =	ssyncadd.s32 @p1 $0xFFFFE000  }
0x10f: {  	_ =	swait.ge [sflag:s20], $0x2000  }
0x110: {  	[sflag:s20] =	ssyncset.done $0x0  }
0x111: {  	v56 =	vimm.s32 $0x0;
	s14 =	simm.s32 $0x0;
	s13 =	sor.u32 $0x1, s11;
	[sflag:s20] =	ssyncadd.s32 $0xFFFFE000  }
.LBB2_7:
0x112: {  	s15 =	sshra.s32 s14, $0x2  }
0x113: {  	v8 =	vld [tilespmem:s15+$0x8600]  }
0x114: {  	v9 =	vld [tilespmem:s15+$0x8610]  }
0x115: {  	v12 =	vadd.s32 v19, v56;
	v10 =	vld [tilespmem:s15+$0x8620]  }
0x116: {  	v57 =	vadd.s32 v25, v56;
	v11 =	vld [tilespmem:s15+$0x8630]  }
0x117: {  	v59 =	vadd.s32 v26, v56;
	v13 =	vld [tilespmem:s15+$0x8640]  }
0x118: {  	v61 =	vadd.s32 v27, v56;
	v58 =	vld [tilespmem:s15+$0x8650]  }
0x119: {  	v60 =	vld [tilespmem:s15+$0x8660]  }
0x11a: {  	v62 =	vld [tilespmem:s15+$0x8670];
	[tilespmem:v12+s21+$0x0] =	vst.idx.msk $0xffff, v8  }
0x11b: {  	[tilespmem:v57+s21+$0x0] =	vst.idx.msk $0xffff, v9  }
0x11c: {  	v8 =	vadd.s32 v28, v56;
	[tilespmem:v59+s21+$0x0] =	vst.idx.msk $0xffff, v10  }
0x11d: {  	v10 =	vadd.s32 v29, v56;
	[tilespmem:v61+s21+$0x0] =	vst.idx.msk $0xffff, v11  }
0x11e: {  	v12 =	vadd.s32 v30, v56;
	v9 =	vld [tilespmem:s15+$0x8680]  }
0x11f: {  	v59 =	vadd.s32 v31, v56;
	v11 =	vld [tilespmem:s15+$0x8690]  }
0x120: {  	v57 =	vld [tilespmem:s15+$0x86A0]  }
0x121: {  	v61 =	vld [tilespmem:s15+$0x86B0];
	[tilespmem:v8+s21+$0x0] =	vst.idx.msk $0xffff, v13  }
0x122: {  	[tilespmem:v10+s21+$0x0] =	vst.idx.msk $0xffff, v58  }
0x123: {  	v8 =	vadd.s32 v32, v56;
	[tilespmem:v12+s21+$0x0] =	vst.idx.msk $0xffff, v60  }
0x124: {  	v12 =	vadd.s32 v33, v56;
	[tilespmem:v59+s21+$0x0] =	vst.idx.msk $0xffff, v62  }
0x125: {  	v58 =	vadd.s32 v34, v56;
	v10 =	vld [tilespmem:s15+$0x86C0]  }
0x126: {  	v60 =	vadd.s32 v35, v56;
	v13 =	vld [tilespmem:s15+$0x86D0]  }
0x127: {  	v59 =	vld [tilespmem:s15+$0x86E0]  }
0x128: {  	v62 =	vld [tilespmem:s15+$0x86F0];
	[tilespmem:v8+s21+$0x0] =	vst.idx.msk $0xffff, v9  }
0x129: {  	[tilespmem:v12+s21+$0x0] =	vst.idx.msk $0xffff, v11  }
0x12a: {  	v8 =	vadd.s32 v36, v56;
	[tilespmem:v58+s21+$0x0] =	vst.idx.msk $0xffff, v57  }
0x12b: {  	v11 =	vadd.s32 v37, v56;
	[tilespmem:v60+s21+$0x0] =	vst.idx.msk $0xffff, v61  }
0x12c: {  	v57 =	vadd.s32 v38, v56;
	v9 =	vld [tilespmem:s15+$0x8700]  }
0x12d: {  	v60 =	vadd.s32 v39, v56;
	v12 =	vld [tilespmem:s15+$0x8710]  }
0x12e: {  	v58 =	vld [tilespmem:s15+$0x8720]  }
0x12f: {  	v61 =	vld [tilespmem:s15+$0x8730];
	[tilespmem:v8+s21+$0x0] =	vst.idx.msk $0xffff, v10  }
0x130: {  	[tilespmem:v11+s21+$0x0] =	vst.idx.msk $0xffff, v13  }
0x131: {  	v8 =	vadd.s32 v40, v56;
	[tilespmem:v57+s21+$0x0] =	vst.idx.msk $0xffff, v59  }
0x132: {  	v11 =	vadd.s32 v41, v56;
	[tilespmem:v60+s21+$0x0] =	vst.idx.msk $0xffff, v62  }
0x133: {  	v57 =	vadd.s32 v42, v56;
	v10 =	vld [tilespmem:s15+$0x8740]  }
0x134: {  	v60 =	vadd.s32 v43, v56;
	v13 =	vld [tilespmem:s15+$0x8750]  }
0x135: {  	v59 =	vld [tilespmem:s15+$0x8760]  }
0x136: {  	v62 =	vld [tilespmem:s15+$0x8770];
	[tilespmem:v8+s21+$0x0] =	vst.idx.msk $0xffff, v9  }
0x137: {  	[tilespmem:v11+s21+$0x0] =	vst.idx.msk $0xffff, v12  }
0x138: {  	v8 =	vadd.s32 v44, v56;
	[tilespmem:v57+s21+$0x0] =	vst.idx.msk $0xffff, v58  }
0x139: {  	v11 =	vadd.s32 v45, v56;
	[tilespmem:v60+s21+$0x0] =	vst.idx.msk $0xffff, v61  }
0x13a: {  	v57 =	vadd.s32 v46, v56;
	v9 =	vld [tilespmem:s15+$0x8780]  }
0x13b: {  	v60 =	vadd.s32 v47, v56;
	v12 =	vld [tilespmem:s15+$0x8790]  }
0x13c: {  	v58 =	vld [tilespmem:s15+$0x87A0]  }
0x13d: {  	v61 =	vld [tilespmem:s15+$0x87B0];
	[tilespmem:v8+s21+$0x0] =	vst.idx.msk $0xffff, v10  }
0x13e: {  	[tilespmem:v11+s21+$0x0] =	vst.idx.msk $0xffff, v13  }
0x13f: {  	v8 =	vadd.s32 v48, v56;
	[tilespmem:v57+s21+$0x0] =	vst.idx.msk $0xffff, v59  }
0x140: {  	v11 =	vadd.s32 v49, v56;
	[tilespmem:v60+s21+$0x0] =	vst.idx.msk $0xffff, v62  }
0x141: {  	v57 =	vadd.s32 v50, v56;
	v10 =	vld [tilespmem:s15+$0x87C0]  }
0x142: {  	v60 =	vadd.s32 v51, v56;
	v13 =	vld [tilespmem:s15+$0x87D0]  }
0x143: {  	v63 =	vadd.s32 v52, v56;
	v59 =	vld [tilespmem:s15+$0x87E0]  }
0x144: {  	v62 =	vld [tilespmem:s15+$0x87F0];
	[tilespmem:v8+s21+$0x0] =	vst.idx.msk $0xffff, v9;
	v8 =	vadd.s32 v53, v56  }
0x145: {  	v9 =	vadd.s32 v54, v56;
	[tilespmem:v11+s21+$0x0] =	vst.idx.msk $0xffff, v12  }
0x146: {  	p2 =	sne.s32 s14, $0x7800;
	[tilespmem:v57+s21+$0x0] =	vst.idx.msk $0xffff, v58;
	v58 =	vadd.s32 v55, v56  }
.Ltmp2:
0x147: {  	[tilespmem:v60+s21+$0x0] =	vst.idx.msk $0xffff, v61;
	(pc) =	sbr.rel @p2 .LBB2_7-.Ltmp2, $4  }
0x148: {  	[tilespmem:v63+s21+$0x0] =	vst.idx.msk $0xffff, v10  }
0x149: {  	[tilespmem:v8+s21+$0x0] =	vst.idx.msk $0xffff, v13  }
0x14a: {  	[tilespmem:v9+s21+$0x0] =	vst.idx.msk $0xffff, v59  }
0x14b: {  	s14 =	sadd.s32 $0x800, s14;
	v56 =	vadd.s32 $0x8, v56;
	[tilespmem:v58+s21+$0x0] =	vst.idx.msk $0xffff, v62  }
0x14c: {  	s5 =	smulhi.u32 $0x51EB851F, s13;
	_ =	sdelay $0x1  }
0x14d: {  	s5 =	sshrl.u32 s5, $0x4  }
0x14e: {  	s5 =	smul.u32 $0x32, s5;
	_ =	sdelay $0x1  }
0x14f: {  	s5 =	ssub.s32 s13, s5  }
0x150: {  	s7 =	sadd.s32 s2, s12;
	s5 =	sshll.u32 s5, $0x11  }
0x151: {  	s12 =	simm.s32 $0x10800;
	s8 =	sadd.s32 s5, s7  }
0x152: {  	[hbm4b:s8+s3] =	stream.linear.scatter [tilespmem:s12], [sflag:$0x6], $0x80, $0x38;
	[tilespmem:$0x16E00] =	vst v63  }
0x153: {  	s13 =	simm.s32 $0x10888;
	s7 =	sadd.s32 $0x10, s8  }
0x154: {  	[hbm4b:s7+s3] =	stream.linear.scatter [tilespmem:s13], [sflag:$0x6], $0x80, $0x38;
	[tilespmem:$0x16E00] =	vst v63  }
0x155: {  	s14 =	simm.s32 $0x10910;
	s15 =	sadd.s32 $0x20, s8  }
0x156: {  	[hbm4b:s15+s3] =	stream.linear.scatter [tilespmem:s14], [sflag:$0x6], $0x80, $0x38;
	[tilespmem:$0x16E00] =	vst v63  }
0x157: {  	s12 =	simm.s32 $0x10998;
	s13 =	sadd.s32 $0x30, s8  }
0x158: {  	[hbm4b:s13+s3] =	stream.linear.scatter [tilespmem:s12], [sflag:$0x6], $0x80, $0x38;
	[tilespmem:$0x16E00] =	vst v63  }
0x159: {  	s14 =	simm.s32 $0x10A20;
	s15 =	sadd.s32 $0x40, s8  }
0x15a: {  	[hbm4b:s15+s3] =	stream.linear.scatter [tilespmem:s14], [sflag:$0x6], $0x80, $0x38;
	[tilespmem:$0x16E00] =	vst v63  }
0x15b: {  	s5 =	simm.s32 $0x10BB8;
	s12 =	simm.s32 $0x10AA8;
	s13 =	sadd.s32 $0x50, s8  }
0x15c: {  	[hbm4b:s13+s3] =	stream.linear.scatter [tilespmem:s12], [sflag:$0x6], $0x80, $0x38;
	[tilespmem:$0x16E00] =	vst v63  }
0x15d: {  	s7 =	sadd.s32 $0x70, s8;
	s14 =	simm.s32 $0x10B30;
	s15 =	sadd.s32 $0x60, s8  }
0x15e: {  	[hbm4b:s15+s3] =	stream.linear.scatter [tilespmem:s14], [sflag:$0x6], $0x80, $0x38;
	[tilespmem:$0x16E00] =	vst v63  }
0x15f: {  	s12 =	simm.s32 $0x440;
	s13 =	sadd.s32 $0x4000, s8;
	s14 =	simm.s32 $0x2200  }
.LBB2_9:
0x160: {  	[hbm4b:s7+s3] =	stream.linear.scatter [tilespmem:s5], [sflag:$0x6], $0x80, $0x38;
	[tilespmem:$0x16E00] =	vst v63  }
0x161: {  	s5 =	smov.u32 s12;
	s7 =	smov.u32 s14  }
0x162: {  	s8 =	sadd.s32 $0x1100, s14;
	s12 =	sshra.s32 s7, $0x2;
	s7 =	sadd.s32 $0x10800, s5  }
0x163: {  	[hbm4b:s13+s3] =	stream.linear.scatter [tilespmem:s7], [sflag:$0x6], $0x80, $0x38;
	[tilespmem:$0x16E00] =	vst v63  }
0x164: {  	p2 =	sne.s32 s14, $0x7700;
	s14 =	sadd.s32 $0x10, s13;
	s7 =	sadd.s32 $0x10888, s5  }
0x165: {  	[hbm4b:s14+s3] =	stream.linear.scatter [tilespmem:s7], [sflag:$0x6], $0x80, $0x38;
	[tilespmem:$0x16E00] =	vst v63  }
0x166: {  	s7 =	sadd.s32 $0x10910, s5;
	s14 =	sadd.s32 $0x20, s13  }
0x167: {  	[hbm4b:s14+s3] =	stream.linear.scatter [tilespmem:s7], [sflag:$0x6], $0x80, $0x38;
	[tilespmem:$0x16E00] =	vst v63  }
0x168: {  	s7 =	sadd.s32 $0x10998, s5;
	s14 =	sadd.s32 $0x30, s13  }
0x169: {  	[hbm4b:s14+s3] =	stream.linear.scatter [tilespmem:s7], [sflag:$0x6], $0x80, $0x38;
	[tilespmem:$0x16E00] =	vst v63  }
0x16a: {  	s7 =	sadd.s32 $0x10A20, s5;
	s14 =	sadd.s32 $0x40, s13  }
0x16b: {  	[hbm4b:s14+s3] =	stream.linear.scatter [tilespmem:s7], [sflag:$0x6], $0x80, $0x38;
	[tilespmem:$0x16E00] =	vst v63  }
.Ltmp3:
0x16c: {  	s7 =	sadd.s32 $0x10AA8, s5;
	s14 =	sadd.s32 $0x50, s13;
	(pc) =	sbr.rel @p2 .LBB2_9-.Ltmp3, $4  }
0x16d: {  	[hbm4b:s14+s3] =	stream.linear.scatter [tilespmem:s7], [sflag:$0x6], $0x80, $0x38;
	[tilespmem:$0x16E00] =	vst v63  }
0x16e: {  	s7 =	sadd.s32 $0x10B30, s5;
	s14 =	sadd.s32 $0x60, s13;
	s5 =	sadd.s32 $0x10BB8, s5  }
0x16f: {  	[hbm4b:s14+s3] =	stream.linear.scatter [tilespmem:s7], [sflag:$0x6], $0x80, $0x38;
	[tilespmem:$0x16E00] =	vst v63  }
0x170: {  	s7 =	sadd.s32 $0x70, s13;
	s13 =	sadd.s32 $0x4000, s13;
	s14 =	smov.u32 s8  }
0x171: {  	[hbm4b:s7+s3] =	stream.linear.scatter [tilespmem:s5], [sflag:$0x6], $0x80, $0x38;
	[tilespmem:$0x16E00] =	vst v63  }
0x172: {  	s8 =	sadd.s32 $0x10800, s12  }
0x173: {  	[hbm4b:s13+s3] =	stream.linear.scatter [tilespmem:s8], [sflag:$0x6], $0x80, $0x38;
	[tilespmem:$0x16E00] =	vst v63  }
0x174: {  	s14 =	sadd.s32 $0x10888, s12;
	s15 =	sadd.s32 $0x10, s13  }
0x175: {  	[hbm4b:s15+s3] =	stream.linear.scatter [tilespmem:s14], [sflag:$0x6], $0x80, $0x38;
	[tilespmem:$0x16E00] =	vst v63  }
0x176: {  	s7 =	sadd.s32 $0x10910, s12;
	s8 =	sadd.s32 $0x20, s13  }
0x177: {  	[hbm4b:s8+s3] =	stream.linear.scatter [tilespmem:s7], [sflag:$0x6], $0x80, $0x38;
	[tilespmem:$0x16E00] =	vst v63  }
0x178: {  	s14 =	sadd.s32 $0x10998, s12;
	s15 =	sadd.s32 $0x30, s13  }
0x179: {  	[hbm4b:s15+s3] =	stream.linear.scatter [tilespmem:s14], [sflag:$0x6], $0x80, $0x38;
	[tilespmem:$0x16E00] =	vst v63  }
0x17a: {  	s5 =	sadd.s32 @!p0 $0x5, s11;
	s8 =	sadd.s32 $0x10A20, s12;
	s14 =	sadd.s32 $0x40, s13  }
0x17b: {  	[hbm4b:s14+s3] =	stream.linear.scatter [tilespmem:s8], [sflag:$0x6], $0x80, $0x38;
	[tilespmem:$0x16E00] =	vst v63  }
0x17c: {  	s15 =	sadd.s32 $0x10AA8, s12;
	s8 =	sadd.s32 $0x50, s13;
	s14 =	smulhi.u32 @!p0 $0x51EB851F, s5  }
0x17d: {  	[hbm4b:s8+s3] =	stream.linear.scatter [tilespmem:s15], [sflag:$0x6], $0x80, $0x38;
	[tilespmem:$0x16E00] =	vst v63  }
0x17e: {  	s7 =	sshrl.u32 @!p0 s14, $0x4  }
0x17f: {  	s8 =	smul.u32 @!p0 $0x32, s7  }
0x180: {  	v8 =	vlaneseq.u32 @!p0;
	s7 =	smul.u32 @!p0 $0x1900, s7  }
0x181: {  	v8 =	vmul.u32 @!p0 $0x32, v8;
	s5 =	ssub.s32 @!p0 s5, s8  }
0x182: {  	s5 =	sor.u32 @!p0 s5, s7  }
0x183: {  	s14 =	sadd.s32 $0x10B30, s12;
	s15 =	sadd.s32 $0x60, s13;
	v9 =	vadd.s32 @!p0 s5, v8  }
0x184: {  	[hbm4b:s15+s3] =	stream.linear.scatter [tilespmem:s14], [sflag:$0x6], $0x80, $0x38;
	[tilespmem:$0x16E00] =	vst v63  }
0x185: {  	s14 =	sadd.s32 $0x10BB8, s12;
	s15 =	sadd.s32 $0x70, s13  }
0x186: {  	[hbm4b:s15+s3] =	stream.linear.scatter [tilespmem:s14], [sflag:$0x6], $0x80, $0x38;
	[tilespmem:$0x16E00] =	vst v63  }
0x187: {  	s7 =	simm.s32 @!p0 $0x0  }
0x188: {  	v10 =	vadd.s32 @!p0 $0x320, v8;
	v9 =	vld.idx.msk @!p0 [tilespmem:v9+s7+$0x0], $0xffff  }
0x189: {  	v10 =	vadd.s32 @!p0 s5, v10;
	_ =	sdelay $0x3  }
0x18a: {  	[tilespmem:$0x6480] =	vst @!p0 v9  }
0x18b: {  	v9 =	vld.idx.msk @!p0 [tilespmem:v10+s7+$0x0], $0xffff;
	v10 =	vadd.s32 @!p0 $0x640, v8  }
0x18c: {  	v10 =	vadd.s32 @!p0 s5, v10;
	_ =	sdelay $0x3  }
0x18d: {  	[tilespmem:$0x6490] =	vst @!p0 v9  }
0x18e: {  	v9 =	vld.idx.msk @!p0 [tilespmem:v10+s7+$0x0], $0xffff;
	v10 =	vadd.s32 @!p0 $0x960, v8  }
0x18f: {  	v10 =	vadd.s32 @!p0 s5, v10;
	_ =	sdelay $0x3  }
0x190: {  	[tilespmem:$0x64A0] =	vst @!p0 v9  }
0x191: {  	v9 =	vld.idx.msk @!p0 [tilespmem:v10+s7+$0x0], $0xffff;
	v10 =	vadd.s32 @!p0 $0xC80, v8  }
0x192: {  	v10 =	vadd.s32 @!p0 s5, v10;
	_ =	sdelay $0x3  }
0x193: {  	[tilespmem:$0x64B0] =	vst @!p0 v9  }
0x194: {  	v9 =	vld.idx.msk @!p0 [tilespmem:v10+s7+$0x0], $0xffff;
	v10 =	vadd.s32 @!p0 $0xFA0, v8  }
0x195: {  	v10 =	vadd.s32 @!p0 s5, v10;
	_ =	sdelay $0x3  }
0x196: {  	[tilespmem:$0x64C0] =	vst @!p0 v9  }
0x197: {  	v9 =	vld.idx.msk @!p0 [tilespmem:v10+s7+$0x0], $0xffff;
	v10 =	vadd.s32 @!p0 $0x12C0, v8  }
0x198: {  	v10 =	vadd.s32 @!p0 s5, v10;
	_ =	sdelay $0x3  }
0x199: {  	[tilespmem:$0x64D0] =	vst @!p0 v9  }
0x19a: {  	v8 =	vadd.s32 @!p0 $0x15E0, v8;
	v9 =	vld.idx.msk @!p0 [tilespmem:v10+s7+$0x0], $0xffff  }
0x19b: {  	v8 =	vadd.s32 @!p0 s5, v8;
	_ =	sdelay $0x3  }
0x19c: {  	[tilespmem:$0x64E0] =	vst @!p0 v9  }
0x19d: {  	v8 =	vld.idx.msk @!p0 [tilespmem:v8+s7+$0x0], $0xffff;
	_ =	sdelay $0x4  }
0x19e: {  	s8 =	simm.s32 @!p0 $0x8600;
	s5 =	simm.s32 @!p0 $0x80;
	s7 =	simm.s32 @!p0 $0x6480;
	[tilespmem:$0x64F0] =	vst @!p0 v8  }
0x19f: {  	[tilespmem:s8], [sflag:$0x2] =	stream.indirect.gather @!p0 [hbm4b:s4+s5], $0x40, s7, s5, $0xb8;
	[tilespmem:$0x16E00] =	vst v63  }
0x1a0: {  	_ =	swait.ge @p1 [sflag:s29], $0x2000  }
0x1a1: {  	[sflag:s29] =	ssyncset.done @p1 $0x0  }
0x1a2: {  	[sflag:s29] =	ssyncadd.s32 @p1 $0xFFFFE000  }
0x1a3: {  	_ =	swait.ge [sflag:s22], $0x2000  }
0x1a4: {  	[sflag:s22] =	ssyncset.done $0x0  }
0x1a5: {  	v56 =	vimm.s32 $0x0;
	s12 =	sor.u32 $0x2, s11;
	s13 =	simm.s32 $0x0;
	[sflag:s22] =	ssyncadd.s32 $0xFFFFE000  }
.LBB2_11:
0x1a6: {  	s14 =	sshra.s32 s13, $0x2  }
0x1a7: {  	v8 =	vld [tilespmem:s14+$0xA600]  }
0x1a8: {  	v9 =	vld [tilespmem:s14+$0xA610]  }
0x1a9: {  	v12 =	vadd.s32 v19, v56;
	v10 =	vld [tilespmem:s14+$0xA620]  }
0x1aa: {  	v57 =	vadd.s32 v25, v56;
	v11 =	vld [tilespmem:s14+$0xA630]  }
0x1ab: {  	v59 =	vadd.s32 v26, v56;
	v13 =	vld [tilespmem:s14+$0xA640]  }
0x1ac: {  	v61 =	vadd.s32 v27, v56;
	v58 =	vld [tilespmem:s14+$0xA650]  }
0x1ad: {  	v60 =	vld [tilespmem:s14+$0xA660]  }
0x1ae: {  	v62 =	vld [tilespmem:s14+$0xA670];
	[tilespmem:v12+s23+$0x0] =	vst.idx.msk $0xffff, v8  }
0x1af: {  	[tilespmem:v57+s23+$0x0] =	vst.idx.msk $0xffff, v9  }
0x1b0: {  	v8 =	vadd.s32 v28, v56;
	[tilespmem:v59+s23+$0x0] =	vst.idx.msk $0xffff, v10  }
0x1b1: {  	v10 =	vadd.s32 v29, v56;
	[tilespmem:v61+s23+$0x0] =	vst.idx.msk $0xffff, v11  }
0x1b2: {  	v12 =	vadd.s32 v30, v56;
	v9 =	vld [tilespmem:s14+$0xA680]  }
0x1b3: {  	v59 =	vadd.s32 v31, v56;
	v11 =	vld [tilespmem:s14+$0xA690]  }
0x1b4: {  	v57 =	vld [tilespmem:s14+$0xA6A0]  }
0x1b5: {  	v61 =	vld [tilespmem:s14+$0xA6B0];
	[tilespmem:v8+s23+$0x0] =	vst.idx.msk $0xffff, v13  }
0x1b6: {  	[tilespmem:v10+s23+$0x0] =	vst.idx.msk $0xffff, v58  }
0x1b7: {  	v8 =	vadd.s32 v32, v56;
	[tilespmem:v12+s23+$0x0] =	vst.idx.msk $0xffff, v60  }
0x1b8: {  	v12 =	vadd.s32 v33, v56;
	[tilespmem:v59+s23+$0x0] =	vst.idx.msk $0xffff, v62  }
0x1b9: {  	v58 =	vadd.s32 v34, v56;
	v10 =	vld [tilespmem:s14+$0xA6C0]  }
0x1ba: {  	v60 =	vadd.s32 v35, v56;
	v13 =	vld [tilespmem:s14+$0xA6D0]  }
0x1bb: {  	v59 =	vld [tilespmem:s14+$0xA6E0]  }
0x1bc: {  	v62 =	vld [tilespmem:s14+$0xA6F0];
	[tilespmem:v8+s23+$0x0] =	vst.idx.msk $0xffff, v9  }
0x1bd: {  	[tilespmem:v12+s23+$0x0] =	vst.idx.msk $0xffff, v11  }
0x1be: {  	v8 =	vadd.s32 v36, v56;
	[tilespmem:v58+s23+$0x0] =	vst.idx.msk $0xffff, v57  }
0x1bf: {  	v11 =	vadd.s32 v37, v56;
	[tilespmem:v60+s23+$0x0] =	vst.idx.msk $0xffff, v61  }
0x1c0: {  	v57 =	vadd.s32 v38, v56;
	v9 =	vld [tilespmem:s14+$0xA700]  }
0x1c1: {  	v60 =	vadd.s32 v39, v56;
	v12 =	vld [tilespmem:s14+$0xA710]  }
0x1c2: {  	v58 =	vld [tilespmem:s14+$0xA720]  }
0x1c3: {  	v61 =	vld [tilespmem:s14+$0xA730];
	[tilespmem:v8+s23+$0x0] =	vst.idx.msk $0xffff, v10  }
0x1c4: {  	[tilespmem:v11+s23+$0x0] =	vst.idx.msk $0xffff, v13  }
0x1c5: {  	v8 =	vadd.s32 v40, v56;
	[tilespmem:v57+s23+$0x0] =	vst.idx.msk $0xffff, v59  }
0x1c6: {  	v11 =	vadd.s32 v41, v56;
	[tilespmem:v60+s23+$0x0] =	vst.idx.msk $0xffff, v62  }
0x1c7: {  	v57 =	vadd.s32 v42, v56;
	v10 =	vld [tilespmem:s14+$0xA740]  }
0x1c8: {  	v60 =	vadd.s32 v43, v56;
	v13 =	vld [tilespmem:s14+$0xA750]  }
0x1c9: {  	v59 =	vld [tilespmem:s14+$0xA760]  }
0x1ca: {  	v62 =	vld [tilespmem:s14+$0xA770];
	[tilespmem:v8+s23+$0x0] =	vst.idx.msk $0xffff, v9  }
0x1cb: {  	[tilespmem:v11+s23+$0x0] =	vst.idx.msk $0xffff, v12  }
0x1cc: {  	v8 =	vadd.s32 v44, v56;
	[tilespmem:v57+s23+$0x0] =	vst.idx.msk $0xffff, v58  }
0x1cd: {  	v11 =	vadd.s32 v45, v56;
	[tilespmem:v60+s23+$0x0] =	vst.idx.msk $0xffff, v61  }
0x1ce: {  	v57 =	vadd.s32 v46, v56;
	v9 =	vld [tilespmem:s14+$0xA780]  }
0x1cf: {  	v60 =	vadd.s32 v47, v56;
	v12 =	vld [tilespmem:s14+$0xA790]  }
0x1d0: {  	v58 =	vld [tilespmem:s14+$0xA7A0]  }
0x1d1: {  	v61 =	vld [tilespmem:s14+$0xA7B0];
	[tilespmem:v8+s23+$0x0] =	vst.idx.msk $0xffff, v10  }
0x1d2: {  	[tilespmem:v11+s23+$0x0] =	vst.idx.msk $0xffff, v13  }
0x1d3: {  	v8 =	vadd.s32 v48, v56;
	[tilespmem:v57+s23+$0x0] =	vst.idx.msk $0xffff, v59  }
0x1d4: {  	v11 =	vadd.s32 v49, v56;
	[tilespmem:v60+s23+$0x0] =	vst.idx.msk $0xffff, v62  }
0x1d5: {  	v57 =	vadd.s32 v50, v56;
	v10 =	vld [tilespmem:s14+$0xA7C0]  }
0x1d6: {  	v60 =	vadd.s32 v51, v56;
	v13 =	vld [tilespmem:s14+$0xA7D0]  }
0x1d7: {  	v63 =	vadd.s32 v52, v56;
	v59 =	vld [tilespmem:s14+$0xA7E0]  }
0x1d8: {  	v62 =	vld [tilespmem:s14+$0xA7F0];
	[tilespmem:v8+s23+$0x0] =	vst.idx.msk $0xffff, v9;
	v8 =	vadd.s32 v53, v56  }
0x1d9: {  	v9 =	vadd.s32 v54, v56;
	[tilespmem:v11+s23+$0x0] =	vst.idx.msk $0xffff, v12  }
0x1da: {  	p2 =	sne.s32 s13, $0x7800;
	[tilespmem:v57+s23+$0x0] =	vst.idx.msk $0xffff, v58;
	v58 =	vadd.s32 v55, v56  }
.Ltmp4:
0x1db: {  	[tilespmem:v60+s23+$0x0] =	vst.idx.msk $0xffff, v61;
	(pc) =	sbr.rel @p2 .LBB2_11-.Ltmp4, $4  }
0x1dc: {  	[tilespmem:v63+s23+$0x0] =	vst.idx.msk $0xffff, v10  }
0x1dd: {  	[tilespmem:v8+s23+$0x0] =	vst.idx.msk $0xffff, v13  }
0x1de: {  	[tilespmem:v9+s23+$0x0] =	vst.idx.msk $0xffff, v59  }
0x1df: {  	s13 =	sadd.s32 $0x800, s13;
	v56 =	vadd.s32 $0x8, v56;
	[tilespmem:v58+s23+$0x0] =	vst.idx.msk $0xffff, v62  }
0x1e0: {  	s5 =	smulhi.u32 $0x51EB851F, s12;
	_ =	sdelay $0x1  }
0x1e1: {  	s5 =	sshrl.u32 s5, $0x4  }
0x1e2: {  	s7 =	smul.u32 $0x32, s5;
	_ =	sdelay $0x1  }
0x1e3: {  	s7 =	ssub.s32 s12, s7  }
0x1e4: {  	s5 =	sadd.s32 s6, s5;
	s7 =	sshll.u32 s7, $0x11  }
0x1e5: {  	s5 =	sshll.u32 s5, $0x7;
	s7 =	sadd.s32 s2, s7  }
0x1e6: {  	s12 =	simm.s32 $0x12A00;
	s8 =	sadd.s32 s5, s7  }
0x1e7: {  	[hbm4b:s8+s3] =	stream.linear.scatter [tilespmem:s12], [sflag:$0x7], $0x80, $0x38;
	[tilespmem:$0x16E00] =	vst v63  }
0x1e8: {  	s13 =	simm.s32 $0x12A88;
	s7 =	sadd.s32 $0x10, s8  }
0x1e9: {  	[hbm4b:s7+s3] =	stream.linear.scatter [tilespmem:s13], [sflag:$0x7], $0x80, $0x38;
	[tilespmem:$0x16E00] =	vst v63  }
0x1ea: {  	s14 =	simm.s32 $0x12B10;
	s15 =	sadd.s32 $0x20, s8  }
0x1eb: {  	[hbm4b:s15+s3] =	stream.linear.scatter [tilespmem:s14], [sflag:$0x7], $0x80, $0x38;
	[tilespmem:$0x16E00] =	vst v63  }
0x1ec: {  	s12 =	simm.s32 $0x12B98;
	s13 =	sadd.s32 $0x30, s8  }
0x1ed: {  	[hbm4b:s13+s3] =	stream.linear.scatter [tilespmem:s12], [sflag:$0x7], $0x80, $0x38;
	[tilespmem:$0x16E00] =	vst v63  }
0x1ee: {  	s14 =	simm.s32 $0x12C20;
	s15 =	sadd.s32 $0x40, s8  }
0x1ef: {  	[hbm4b:s15+s3] =	stream.linear.scatter [tilespmem:s14], [sflag:$0x7], $0x80, $0x38;
	[tilespmem:$0x16E00] =	vst v63  }
0x1f0: {  	s5 =	simm.s32 $0x12DB8;
	s12 =	simm.s32 $0x12CA8;
	s13 =	sadd.s32 $0x50, s8  }
0x1f1: {  	[hbm4b:s13+s3] =	stream.linear.scatter [tilespmem:s12], [sflag:$0x7], $0x80, $0x38;
	[tilespmem:$0x16E00] =	vst v63  }
0x1f2: {  	s7 =	sadd.s32 $0x70, s8;
	s14 =	simm.s32 $0x12D30;
	s15 =	sadd.s32 $0x60, s8  }
0x1f3: {  	[hbm4b:s15+s3] =	stream.linear.scatter [tilespmem:s14], [sflag:$0x7], $0x80, $0x38;
	[tilespmem:$0x16E00] =	vst v63  }
0x1f4: {  	s12 =	simm.s32 $0x440;
	s13 =	sadd.s32 $0x4000, s8;
	s14 =	simm.s32 $0x2200  }
.LBB2_13:
0x1f5: {  	[hbm4b:s7+s3] =	stream.linear.scatter [tilespmem:s5], [sflag:$0x7], $0x80, $0x38;
	[tilespmem:$0x16E00] =	vst v63  }
0x1f6: {  	s5 =	smov.u32 s12;
	s7 =	smov.u32 s14  }
0x1f7: {  	s8 =	sadd.s32 $0x1100, s14;
	s12 =	sshra.s32 s7, $0x2;
	s7 =	sadd.s32 $0x12A00, s5  }
0x1f8: {  	[hbm4b:s13+s3] =	stream.linear.scatter [tilespmem:s7], [sflag:$0x7], $0x80, $0x38;
	[tilespmem:$0x16E00] =	vst v63  }
0x1f9: {  	p2 =	sne.s32 s14, $0x7700;
	s14 =	sadd.s32 $0x10, s13;
	s7 =	sadd.s32 $0x12A88, s5  }
0x1fa: {  	[hbm4b:s14+s3] =	stream.linear.scatter [tilespmem:s7], [sflag:$0x7], $0x80, $0x38;
	[tilespmem:$0x16E00] =	vst v63  }
0x1fb: {  	s7 =	sadd.s32 $0x12B10, s5;
	s14 =	sadd.s32 $0x20, s13  }
0x1fc: {  	[hbm4b:s14+s3] =	stream.linear.scatter [tilespmem:s7], [sflag:$0x7], $0x80, $0x38;
	[tilespmem:$0x16E00] =	vst v63  }
0x1fd: {  	s7 =	sadd.s32 $0x12B98, s5;
	s14 =	sadd.s32 $0x30, s13  }
0x1fe: {  	[hbm4b:s14+s3] =	stream.linear.scatter [tilespmem:s7], [sflag:$0x7], $0x80, $0x38;
	[tilespmem:$0x16E00] =	vst v63  }
0x1ff: {  	s7 =	sadd.s32 $0x12C20, s5;
	s14 =	sadd.s32 $0x40, s13  }
0x200: {  	[hbm4b:s14+s3] =	stream.linear.scatter [tilespmem:s7], [sflag:$0x7], $0x80, $0x38;
	[tilespmem:$0x16E00] =	vst v63  }
.Ltmp5:
0x201: {  	s7 =	sadd.s32 $0x12CA8, s5;
	s14 =	sadd.s32 $0x50, s13;
	(pc) =	sbr.rel @p2 .LBB2_13-.Ltmp5, $4  }
0x202: {  	[hbm4b:s14+s3] =	stream.linear.scatter [tilespmem:s7], [sflag:$0x7], $0x80, $0x38;
	[tilespmem:$0x16E00] =	vst v63  }
0x203: {  	s7 =	sadd.s32 $0x12D30, s5;
	s14 =	sadd.s32 $0x60, s13;
	s5 =	sadd.s32 $0x12DB8, s5  }
0x204: {  	[hbm4b:s14+s3] =	stream.linear.scatter [tilespmem:s7], [sflag:$0x7], $0x80, $0x38;
	[tilespmem:$0x16E00] =	vst v63  }
0x205: {  	s7 =	sadd.s32 $0x70, s13;
	s13 =	sadd.s32 $0x4000, s13;
	s14 =	smov.u32 s8  }
0x206: {  	[hbm4b:s7+s3] =	stream.linear.scatter [tilespmem:s5], [sflag:$0x7], $0x80, $0x38;
	[tilespmem:$0x16E00] =	vst v63  }
0x207: {  	s8 =	sadd.s32 $0x12A00, s12  }
0x208: {  	[hbm4b:s13+s3] =	stream.linear.scatter [tilespmem:s8], [sflag:$0x7], $0x80, $0x38;
	[tilespmem:$0x16E00] =	vst v63  }
0x209: {  	s14 =	sadd.s32 $0x12A88, s12;
	s15 =	sadd.s32 $0x10, s13  }
0x20a: {  	[hbm4b:s15+s3] =	stream.linear.scatter [tilespmem:s14], [sflag:$0x7], $0x80, $0x38;
	[tilespmem:$0x16E00] =	vst v63  }
0x20b: {  	s7 =	sadd.s32 $0x12B10, s12;
	s8 =	sadd.s32 $0x20, s13  }
0x20c: {  	[hbm4b:s8+s3] =	stream.linear.scatter [tilespmem:s7], [sflag:$0x7], $0x80, $0x38;
	[tilespmem:$0x16E00] =	vst v63  }
0x20d: {  	s5 =	sadd.s32 @!p0 $0x6, s11;
	s14 =	sadd.s32 $0x12B98, s12;
	s15 =	sadd.s32 $0x30, s13  }
0x20e: {  	[hbm4b:s15+s3] =	stream.linear.scatter [tilespmem:s14], [sflag:$0x7], $0x80, $0x38;
	[tilespmem:$0x16E00] =	vst v63  }
0x20f: {  	s11 =	smulhi.u32 @!p0 $0x51EB851F, s5;
	s8 =	sadd.s32 $0x12C20, s12;
	s14 =	sadd.s32 $0x40, s13  }
0x210: {  	[hbm4b:s14+s3] =	stream.linear.scatter [tilespmem:s8], [sflag:$0x7], $0x80, $0x38;
	[tilespmem:$0x16E00] =	vst v63  }
0x211: {  	s7 =	sshrl.u32 @!p0 s11, $0x4;
	s15 =	sadd.s32 $0x12CA8, s12;
	s8 =	sadd.s32 $0x50, s13  }
0x212: {  	[hbm4b:s8+s3] =	stream.linear.scatter [tilespmem:s15], [sflag:$0x7], $0x80, $0x38;
	[tilespmem:$0x16E00] =	vst v63  }
0x213: {  	s8 =	smul.u32 @!p0 $0x32, s7  }
0x214: {  	v8 =	vlaneseq.u32 @!p0;
	s7 =	smul.u32 @!p0 $0x1900, s7  }
0x215: {  	v8 =	vmul.u32 @!p0 $0x32, v8;
	s5 =	ssub.s32 @!p0 s5, s8  }
0x216: {  	s5 =	sor.u32 @!p0 s5, s7  }
0x217: {  	v9 =	vadd.s32 @!p0 s5, v8  }
0x218: {  	s11 =	sadd.s32 $0x60, s13;
	s8 =	sadd.s32 $0x12D30, s12  }
0x219: {  	[hbm4b:s11+s3] =	stream.linear.scatter [tilespmem:s8], [sflag:$0x7], $0x80, $0x38;
	[tilespmem:$0x16E00] =	vst v63  }
0x21a: {  	s14 =	sadd.s32 $0x12DB8, s12;
	s15 =	sadd.s32 $0x70, s13;
	s7 =	simm.s32 @!p0 $0x0  }
0x21b: {  	[hbm4b:s15+s3] =	stream.linear.scatter [tilespmem:s14], [sflag:$0x7], $0x80, $0x38;
	[tilespmem:$0x16E00] =	vst v63  }
0x21c: {  	v10 =	vadd.s32 @!p0 $0x320, v8;
	v9 =	vld.idx.msk @!p0 [tilespmem:v9+s7+$0x0], $0xffff  }
0x21d: {  	v10 =	vadd.s32 @!p0 s5, v10;
	_ =	sdelay $0x3  }
0x21e: {  	[tilespmem:$0x6500] =	vst @!p0 v9  }
0x21f: {  	v9 =	vld.idx.msk @!p0 [tilespmem:v10+s7+$0x0], $0xffff;
	v10 =	vadd.s32 @!p0 $0x640, v8  }
0x220: {  	v10 =	vadd.s32 @!p0 s5, v10;
	_ =	sdelay $0x3  }
0x221: {  	[tilespmem:$0x6510] =	vst @!p0 v9  }
0x222: {  	v9 =	vld.idx.msk @!p0 [tilespmem:v10+s7+$0x0], $0xffff;
	v10 =	vadd.s32 @!p0 $0x960, v8  }
0x223: {  	v10 =	vadd.s32 @!p0 s5, v10;
	_ =	sdelay $0x3  }
0x224: {  	[tilespmem:$0x6520] =	vst @!p0 v9  }
0x225: {  	v9 =	vld.idx.msk @!p0 [tilespmem:v10+s7+$0x0], $0xffff;
	v10 =	vadd.s32 @!p0 $0xC80, v8  }
0x226: {  	v10 =	vadd.s32 @!p0 s5, v10;
	_ =	sdelay $0x3  }
0x227: {  	[tilespmem:$0x6530] =	vst @!p0 v9  }
0x228: {  	v9 =	vld.idx.msk @!p0 [tilespmem:v10+s7+$0x0], $0xffff;
	v10 =	vadd.s32 @!p0 $0xFA0, v8  }
0x229: {  	v10 =	vadd.s32 @!p0 s5, v10;
	_ =	sdelay $0x3  }
0x22a: {  	[tilespmem:$0x6540] =	vst @!p0 v9  }
0x22b: {  	v9 =	vld.idx.msk @!p0 [tilespmem:v10+s7+$0x0], $0xffff;
	v10 =	vadd.s32 @!p0 $0x12C0, v8  }
0x22c: {  	v10 =	vadd.s32 @!p0 s5, v10;
	_ =	sdelay $0x3  }
0x22d: {  	[tilespmem:$0x6550] =	vst @!p0 v9  }
0x22e: {  	v8 =	vadd.s32 @!p0 $0x15E0, v8;
	v9 =	vld.idx.msk @!p0 [tilespmem:v10+s7+$0x0], $0xffff  }
0x22f: {  	v8 =	vadd.s32 @!p0 s5, v8;
	_ =	sdelay $0x3  }
0x230: {  	[tilespmem:$0x6560] =	vst @!p0 v9  }
0x231: {  	v8 =	vld.idx.msk @!p0 [tilespmem:v8+s7+$0x0], $0xffff;
	_ =	sdelay $0x4  }
0x232: {  	s8 =	simm.s32 @!p0 $0xA600;
	s5 =	simm.s32 @!p0 $0x80;
	s7 =	simm.s32 @!p0 $0x6500;
	[tilespmem:$0x6570] =	vst @!p0 v8  }
0x233: {  	[tilespmem:s8], [sflag:$0x3] =	stream.indirect.gather @!p0 [hbm4b:s4+s5], $0x40, s7, s5, $0xb8;
	[tilespmem:$0x16E00] =	vst v63  }
0x234: {  	_ =	swait.ge @p1 [sflag:s30], $0x2000  }
0x235: {  	[sflag:s30] =	ssyncset.done @p1 $0x0  }
0x236: {  	[sflag:s30] =	ssyncadd.s32 @p1 $0xFFFFE000  }
0x237: {  	_ =	swait.ge [sflag:s24], $0x2000  }
0x238: {  	[sflag:s24] =	ssyncset.done $0x0  }
0x239: {  	v56 =	vimm.s32 $0x0;
	s11 =	simm.s32 $0x0;
	[sflag:s24] =	ssyncadd.s32 $0xFFFFE000  }
.LBB2_15:
0x23a: {  	s12 =	sshra.s32 s11, $0x2  }
0x23b: {  	v8 =	vld [tilespmem:s12+$0xC600]  }
0x23c: {  	v9 =	vld [tilespmem:s12+$0xC610]  }
0x23d: {  	v12 =	vadd.s32 v19, v56;
	v10 =	vld [tilespmem:s12+$0xC620]  }
0x23e: {  	v57 =	vadd.s32 v25, v56;
	v11 =	vld [tilespmem:s12+$0xC630]  }
0x23f: {  	v59 =	vadd.s32 v26, v56;
	v13 =	vld [tilespmem:s12+$0xC640]  }
0x240: {  	v61 =	vadd.s32 v27, v56;
	v58 =	vld [tilespmem:s12+$0xC650]  }
0x241: {  	v60 =	vld [tilespmem:s12+$0xC660]  }
0x242: {  	v62 =	vld [tilespmem:s12+$0xC670];
	[tilespmem:v12+s25+$0x0] =	vst.idx.msk $0xffff, v8  }
0x243: {  	[tilespmem:v57+s25+$0x0] =	vst.idx.msk $0xffff, v9  }
0x244: {  	v8 =	vadd.s32 v28, v56;
	[tilespmem:v59+s25+$0x0] =	vst.idx.msk $0xffff, v10  }
0x245: {  	v10 =	vadd.s32 v29, v56;
	[tilespmem:v61+s25+$0x0] =	vst.idx.msk $0xffff, v11  }
0x246: {  	v12 =	vadd.s32 v30, v56;
	v9 =	vld [tilespmem:s12+$0xC680]  }
0x247: {  	v59 =	vadd.s32 v31, v56;
	v11 =	vld [tilespmem:s12+$0xC690]  }
0x248: {  	v57 =	vld [tilespmem:s12+$0xC6A0]  }
0x249: {  	v61 =	vld [tilespmem:s12+$0xC6B0];
	[tilespmem:v8+s25+$0x0] =	vst.idx.msk $0xffff, v13  }
0x24a: {  	[tilespmem:v10+s25+$0x0] =	vst.idx.msk $0xffff, v58  }
0x24b: {  	v8 =	vadd.s32 v32, v56;
	[tilespmem:v12+s25+$0x0] =	vst.idx.msk $0xffff, v60  }
0x24c: {  	v12 =	vadd.s32 v33, v56;
	[tilespmem:v59+s25+$0x0] =	vst.idx.msk $0xffff, v62  }
0x24d: {  	v58 =	vadd.s32 v34, v56;
	v10 =	vld [tilespmem:s12+$0xC6C0]  }
0x24e: {  	v60 =	vadd.s32 v35, v56;
	v13 =	vld [tilespmem:s12+$0xC6D0]  }
0x24f: {  	v59 =	vld [tilespmem:s12+$0xC6E0]  }
0x250: {  	v62 =	vld [tilespmem:s12+$0xC6F0];
	[tilespmem:v8+s25+$0x0] =	vst.idx.msk $0xffff, v9  }
0x251: {  	[tilespmem:v12+s25+$0x0] =	vst.idx.msk $0xffff, v11  }
0x252: {  	v8 =	vadd.s32 v36, v56;
	[tilespmem:v58+s25+$0x0] =	vst.idx.msk $0xffff, v57  }
0x253: {  	v11 =	vadd.s32 v37, v56;
	[tilespmem:v60+s25+$0x0] =	vst.idx.msk $0xffff, v61  }
0x254: {  	v57 =	vadd.s32 v38, v56;
	v9 =	vld [tilespmem:s12+$0xC700]  }
0x255: {  	v60 =	vadd.s32 v39, v56;
	v12 =	vld [tilespmem:s12+$0xC710]  }
0x256: {  	v58 =	vld [tilespmem:s12+$0xC720]  }
0x257: {  	v61 =	vld [tilespmem:s12+$0xC730];
	[tilespmem:v8+s25+$0x0] =	vst.idx.msk $0xffff, v10  }
0x258: {  	[tilespmem:v11+s25+$0x0] =	vst.idx.msk $0xffff, v13  }
0x259: {  	v8 =	vadd.s32 v40, v56;
	[tilespmem:v57+s25+$0x0] =	vst.idx.msk $0xffff, v59  }
0x25a: {  	v11 =	vadd.s32 v41, v56;
	[tilespmem:v60+s25+$0x0] =	vst.idx.msk $0xffff, v62  }
0x25b: {  	v57 =	vadd.s32 v42, v56;
	v10 =	vld [tilespmem:s12+$0xC740]  }
0x25c: {  	v60 =	vadd.s32 v43, v56;
	v13 =	vld [tilespmem:s12+$0xC750]  }
0x25d: {  	v59 =	vld [tilespmem:s12+$0xC760]  }
0x25e: {  	v62 =	vld [tilespmem:s12+$0xC770];
	[tilespmem:v8+s25+$0x0] =	vst.idx.msk $0xffff, v9  }
0x25f: {  	[tilespmem:v11+s25+$0x0] =	vst.idx.msk $0xffff, v12  }
0x260: {  	v8 =	vadd.s32 v44, v56;
	[tilespmem:v57+s25+$0x0] =	vst.idx.msk $0xffff, v58  }
0x261: {  	v11 =	vadd.s32 v45, v56;
	[tilespmem:v60+s25+$0x0] =	vst.idx.msk $0xffff, v61  }
0x262: {  	v57 =	vadd.s32 v46, v56;
	v9 =	vld [tilespmem:s12+$0xC780]  }
0x263: {  	v60 =	vadd.s32 v47, v56;
	v12 =	vld [tilespmem:s12+$0xC790]  }
0x264: {  	v58 =	vld [tilespmem:s12+$0xC7A0]  }
0x265: {  	v61 =	vld [tilespmem:s12+$0xC7B0];
	[tilespmem:v8+s25+$0x0] =	vst.idx.msk $0xffff, v10  }
0x266: {  	[tilespmem:v11+s25+$0x0] =	vst.idx.msk $0xffff, v13  }
0x267: {  	v8 =	vadd.s32 v48, v56;
	[tilespmem:v57+s25+$0x0] =	vst.idx.msk $0xffff, v59  }
0x268: {  	v11 =	vadd.s32 v49, v56;
	[tilespmem:v60+s25+$0x0] =	vst.idx.msk $0xffff, v62  }
0x269: {  	v57 =	vadd.s32 v50, v56;
	v10 =	vld [tilespmem:s12+$0xC7C0]  }
0x26a: {  	v60 =	vadd.s32 v51, v56;
	v13 =	vld [tilespmem:s12+$0xC7D0]  }
0x26b: {  	v63 =	vadd.s32 v52, v56;
	v59 =	vld [tilespmem:s12+$0xC7E0]  }
0x26c: {  	v62 =	vld [tilespmem:s12+$0xC7F0];
	[tilespmem:v8+s25+$0x0] =	vst.idx.msk $0xffff, v9;
	v8 =	vadd.s32 v53, v56  }
0x26d: {  	v9 =	vadd.s32 v54, v56;
	[tilespmem:v11+s25+$0x0] =	vst.idx.msk $0xffff, v12  }
0x26e: {  	p0 =	sne.s32 s11, $0x7800;
	[tilespmem:v57+s25+$0x0] =	vst.idx.msk $0xffff, v58;
	v58 =	vadd.s32 v55, v56  }
.Ltmp6:
0x26f: {  	[tilespmem:v60+s25+$0x0] =	vst.idx.msk $0xffff, v61;
	(pc) =	sbr.rel @p0 .LBB2_15-.Ltmp6, $4  }
0x270: {  	[tilespmem:v63+s25+$0x0] =	vst.idx.msk $0xffff, v10  }
0x271: {  	[tilespmem:v8+s25+$0x0] =	vst.idx.msk $0xffff, v13  }
0x272: {  	[tilespmem:v9+s25+$0x0] =	vst.idx.msk $0xffff, v59  }
0x273: {  	s11 =	sadd.s32 $0x800, s11;
	v56 =	vadd.s32 $0x8, v56;
	[tilespmem:v58+s25+$0x0] =	vst.idx.msk $0xffff, v62  }
0x274: {  	s5 =	sshll.u32 s10, $0x11;
	s0 =	sadd.s32 s0, s6  }
0x275: {  	s0 =	sshll.u32 s0, $0x7;
	s5 =	sadd.s32 s2, s5  }
0x276: {  	s12 =	simm.s32 $0x14C00;
	s8 =	sadd.s32 s0, s5  }
0x277: {  	[hbm4b:s8+s3] =	stream.linear.scatter [tilespmem:s12], [sflag:$0x8], $0x80, $0x38;
	[tilespmem:$0x16E00] =	vst v63  }
0x278: {  	s13 =	simm.s32 $0x14C88;
	s5 =	sadd.s32 $0x10, s8  }
0x279: {  	[hbm4b:s5+s3] =	stream.linear.scatter [tilespmem:s13], [sflag:$0x8], $0x80, $0x38;
	[tilespmem:$0x16E00] =	vst v63  }
0x27a: {  	s14 =	simm.s32 $0x14D10;
	s10 =	simm.s32 $0x14E20;
	s15 =	sadd.s32 $0x20, s8  }
0x27b: {  	[hbm4b:s15+s3] =	stream.linear.scatter [tilespmem:s14], [sflag:$0x8], $0x80, $0x38;
	[tilespmem:$0x16E00] =	vst v63  }
0x27c: {  	s0 =	simm.s32 $0x440;
	s7 =	sadd.s32 $0x30, s8;
	s5 =	simm.s32 $0x14D98  }
0x27d: {  	[hbm4b:s7+s3] =	stream.linear.scatter [tilespmem:s5], [sflag:$0x8], $0x80, $0x38;
	[tilespmem:$0x16E00] =	vst v63  }
0x27e: {  	s11 =	sadd.s32 $0x40, s8;
	s12 =	simm.s32 $0x14EA8;
	s13 =	sadd.s32 $0x50, s8  }
0x27f: {  	[hbm4b:s11+s3] =	stream.linear.scatter [tilespmem:s10], [sflag:$0x8], $0x80, $0x38;
	[tilespmem:$0x16E00] =	vst v63  }
0x280: {  	s14 =	simm.s32 $0x14F30;
	s15 =	sadd.s32 $0x60, s8;
	s5 =	simm.s32 $0x14FB8  }
0x281: {  	[hbm4b:s13+s3] =	stream.linear.scatter [tilespmem:s12], [sflag:$0x8], $0x80, $0x38;
	[tilespmem:$0x16E00] =	vst v63  }
0x282: {  	s7 =	sadd.s32 $0x70, s8;
	s11 =	simm.s32 $0x2200;
	s10 =	sadd.s32 $0x4000, s8  }
0x283: {  	[hbm4b:s15+s3] =	stream.linear.scatter [tilespmem:s14], [sflag:$0x8], $0x80, $0x38;
	[tilespmem:$0x16E00] =	vst v63  }
.LBB2_17:
0x284: {  	[hbm4b:s7+s3] =	stream.linear.scatter [tilespmem:s5], [sflag:$0x8], $0x80, $0x38;
	[tilespmem:$0x16E00] =	vst v63  }
0x285: {  	s5 =	smov.u32 s0;
	s0 =	smov.u32 s11  }
0x286: {  	s8 =	sadd.s32 $0x1100, s11;
	s0 =	sshra.s32 s0, $0x2;
	s7 =	sadd.s32 $0x14C00, s5  }
0x287: {  	[hbm4b:s10+s3] =	stream.linear.scatter [tilespmem:s7], [sflag:$0x8], $0x80, $0x38;
	[tilespmem:$0x16E00] =	vst v63  }
0x288: {  	p0 =	sne.s32 s11, $0x7700;
	s11 =	sadd.s32 $0x10, s10;
	s7 =	sadd.s32 $0x14C88, s5  }
0x289: {  	[hbm4b:s11+s3] =	stream.linear.scatter [tilespmem:s7], [sflag:$0x8], $0x80, $0x38;
	[tilespmem:$0x16E00] =	vst v63  }
0x28a: {  	s7 =	sadd.s32 $0x14D10, s5;
	s11 =	sadd.s32 $0x20, s10  }
0x28b: {  	[hbm4b:s11+s3] =	stream.linear.scatter [tilespmem:s7], [sflag:$0x8], $0x80, $0x38;
	[tilespmem:$0x16E00] =	vst v63  }
0x28c: {  	s7 =	sadd.s32 $0x14D98, s5;
	s11 =	sadd.s32 $0x30, s10  }
0x28d: {  	[hbm4b:s11+s3] =	stream.linear.scatter [tilespmem:s7], [sflag:$0x8], $0x80, $0x38;
	[tilespmem:$0x16E00] =	vst v63  }
0x28e: {  	s7 =	sadd.s32 $0x14E20, s5;
	s11 =	sadd.s32 $0x40, s10  }
0x28f: {  	[hbm4b:s11+s3] =	stream.linear.scatter [tilespmem:s7], [sflag:$0x8], $0x80, $0x38;
	[tilespmem:$0x16E00] =	vst v63  }
.Ltmp7:
0x290: {  	s7 =	sadd.s32 $0x14EA8, s5;
	s11 =	sadd.s32 $0x50, s10;
	(pc) =	sbr.rel @p0 .LBB2_17-.Ltmp7, $4  }
0x291: {  	[hbm4b:s11+s3] =	stream.linear.scatter [tilespmem:s7], [sflag:$0x8], $0x80, $0x38;
	[tilespmem:$0x16E00] =	vst v63  }
0x292: {  	s7 =	sadd.s32 $0x14F30, s5;
	s11 =	sadd.s32 $0x60, s10;
	s5 =	sadd.s32 $0x14FB8, s5  }
0x293: {  	[hbm4b:s11+s3] =	stream.linear.scatter [tilespmem:s7], [sflag:$0x8], $0x80, $0x38;
	[tilespmem:$0x16E00] =	vst v63  }
0x294: {  	s7 =	sadd.s32 $0x70, s10;
	s10 =	sadd.s32 $0x4000, s10;
	s11 =	smov.u32 s8  }
0x295: {  	[hbm4b:s7+s3] =	stream.linear.scatter [tilespmem:s5], [sflag:$0x8], $0x80, $0x38;
	[tilespmem:$0x16E00] =	vst v63  }
0x296: {  	s13 =	sadd.s32 $0x14C00, s0  }
0x297: {  	[hbm4b:s10+s3] =	stream.linear.scatter [tilespmem:s13], [sflag:$0x8], $0x80, $0x38;
	[tilespmem:$0x16E00] =	vst v63  }
0x298: {  	s14 =	sadd.s32 $0x14C88, s0;
	s15 =	sadd.s32 $0x10, s10  }
0x299: {  	[hbm4b:s15+s3] =	stream.linear.scatter [tilespmem:s14], [sflag:$0x8], $0x80, $0x38;
	[tilespmem:$0x16E00] =	vst v63  }
0x29a: {  	s8 =	sadd.s32 $0x14D10, s0;
	s11 =	sadd.s32 $0x20, s10  }
0x29b: {  	[hbm4b:s11+s3] =	stream.linear.scatter [tilespmem:s8], [sflag:$0x8], $0x80, $0x38;
	[tilespmem:$0x16E00] =	vst v63  }
0x29c: {  	s12 =	sadd.s32 $0x14D98, s0;
	s13 =	sadd.s32 $0x30, s10  }
0x29d: {  	[hbm4b:s13+s3] =	stream.linear.scatter [tilespmem:s12], [sflag:$0x8], $0x80, $0x38;
	[tilespmem:$0x16E00] =	vst v63  }
0x29e: {  	s1 =	sadd.s32 $0x1, s1;
	s14 =	sadd.s32 $0x14E20, s0;
	s15 =	sadd.s32 $0x40, s10  }
0x29f: {  	[hbm4b:s15+s3] =	stream.linear.scatter [tilespmem:s14], [sflag:$0x8], $0x80, $0x38;
	[tilespmem:$0x16E00] =	vst v63  }
0x2a0: {  	p0 =	sne.s32 s1, $0x32;
	s8 =	sadd.s32 $0x14EA8, s0;
	s11 =	sadd.s32 $0x50, s10  }
0x2a1: {  	[hbm4b:s11+s3] =	stream.linear.scatter [tilespmem:s8], [sflag:$0x8], $0x80, $0x38;
	[tilespmem:$0x16E00] =	vst v63  }
.Ltmp8:
0x2a2: {  	_ = 	snop;
	(pc) =	sbr.rel @p0 .LBB2_2-.Ltmp8, $4  }
0x2a3: {  	s12 =	sadd.s32 $0x14F30, s0;
	s13 =	sadd.s32 $0x60, s10  }
0x2a4: {  	[hbm4b:s13+s3] =	stream.linear.scatter [tilespmem:s12], [sflag:$0x8], $0x80, $0x38;
	[tilespmem:$0x16E00] =	vst v63  }
0x2a5: {  	s14 =	sadd.s32 $0x14FB8, s0;
	s15 =	sadd.s32 $0x70, s10  }
0x2a6: {  	[hbm4b:s15+s3] =	stream.linear.scatter [tilespmem:s14], [sflag:$0x8], $0x80, $0x38;
	[tilespmem:$0x16E00] =	vst v63  }
0x2a7: {  	_ =	swait.ge [sflag:s26], $0x2000  }
0x2a8: {  	[sflag:s26] =	ssyncset.done $0x0  }
0x2a9: {  	[sflag:s26] =	ssyncadd.s32 $0xFFFFE000  }
0x2aa: {  	_ =	swait.ge [sflag:s28], $0x2000  }
0x2ab: {  	[sflag:s28] =	ssyncset.done $0x0  }
0x2ac: {  	[sflag:s28] =	ssyncadd.s32 $0xFFFFE000  }
0x2ad: {  	_ =	swait.ge [sflag:s29], $0x2000  }
0x2ae: {  	[sflag:s29] =	ssyncset.done $0x0  }
0x2af: {  	[sflag:s29] =	ssyncadd.s32 $0xFFFFE000  }
0x2b0: {  	_ =	swait.ge [sflag:s30], $0x2000  }
0x2b1: {  	s31 =	sadd.s32 $0x1, s31;
	s0 =	rddreg [dreg:$0x4]  }
0x2b2: {  	p0 =	sne.s32 s31, s0  }
.Ltmp9:
0x2b3: {  	_ = 	snop;
	(pc) =	sbr.rel @p0 .LBB2_1-.Ltmp9, $3  }
0x2b4: {  	_ =	sdelay $0x1  }
0x2b5: {  	[sflag:s30] =	ssyncset.done $0x0  }
0x2b6: {  	[sflag:s30] =	ssyncadd.s32 $0xFFFFE000  }
0x2b7: {  	_ =	sfence.sel $0x180000  }
0x2b8: {  	[bflag:$0x0] =	sbarrier.arrive $0xFFFF  }
0x2b9: {  	_ =	strace $0x90000047  }
0x2ba: {  	s0 =	stileid.u32;
	[bflag:$0x2] =	sbarrier.arrive $0xFFFF  }
0x2bb: {  	p0 =	sne.s32 s0, $0x0;
	s0 =	rddreg [dreg:$0x2]  }
0x2bc: {  	s0 =	sadd.s32 @!p0 $0x100000, s0  }
0x2bd: {  	[sflag:s0] =	ssyncadd.tile.s32 @!p0 $0x1;
	_ =	shalt  }
.Lfunc_end2:
_tile_overlayer_lowered:
.L_overlay_start_2:
0x2be: {  	(tag) =	ssettag $0x2  }
0x2bf: {  	s0 =	rddreg [dreg:$0x0];
	s2 =	stileid.u32  }
0x2c0: {  	s1 =	rddreg [dreg:$0x1];
	p0 =	sne.s32 s2, $0x0  }
0x2c1: {  	s3 =	rddreg [dreg:$0x2];
	[bflag:$0x3] =	sbarrier.arrive $0xFFFF;
	s2 =	simm.s32 @!p0 $0x1C09  }
0x2c2: {  	[timem:s3], [sflag:s2] =	dma.local @!p0 [hbm:s0], s1  }
0x2c3: {  	s0 =	simm.s32 @!p0 $0x9  }
0x2c4: {  	_ =	swait.ge @!p0 [sflag:s0], s1  }
0x2c5: {  	s1 =	ssub.s32 @!p0 $0x0, s1;
	[sflag:s0] =	ssyncset.done @!p0 $0x0  }
0x2c6: {  	[sflag:s0] =	ssyncadd.s32 @!p0 s1  }
0x2c7: {  	[bflag:$0x3] =	sbarrier.arrive $0xFFFF  }
0x2c8: {  	_ =	shalt  }

</sc_bundles>
